<compile_context>
chip_gen: v7x
topology: tpu7x:2x2x1
jax: 0.10.2.dev20260603
libtpu: 0.0.44.dev20260713+nightly
codegen_flags: <defaults>
</compile_context>

<pallas_src>
import functools

import jax
import jax.numpy as jnp
from jax import lax
from jax.experimental import pallas as pl
from jax.experimental.pallas import tpu as pltpu
from jax.experimental.pallas import tpu_sc as plsc

_VOCAB = 1000000
_DIM = 32
_BATCH = 4096
_HIST = 50

_NC = 2
_NS = 16
_NW = _NC * _NS
_NBT = _BATCH // 128
_UNITS = _HIST * _NBT
_UPW = _UNITS // _NW

_NJ = _VOCAB // 128
_JPW = _NJ // _NW
_NJR = _NJ - _JPW * _NW
_WPW = _JPW // 2
_VPAD = 1000064

_mesh = plsc.VectorSubcoreMesh(core_axis_name="c", subcore_axis_name="s")


@functools.partial(
    pl.kernel,
    out_type=jax.ShapeDtypeStruct((_VPAD * 2 * _DIM,), jnp.float32),
    mesh=_mesh,
    scratch_types=[
        pltpu.VMEM((_DIM, 256), jnp.float32),
        pltpu.VMEM((_DIM, 256), jnp.float32),
        pltpu.VMEM((_DIM, 256), jnp.float32),
        pltpu.VMEM((_DIM, 256), jnp.float32),
        pltpu.VMEM((256 * 2 * _DIM,), jnp.float32),
        pltpu.VMEM((256 * 2 * _DIM,), jnp.float32),
        pltpu.SemaphoreType.DMA,
        pltpu.SemaphoreType.DMA,
    ],
    compiler_params=pltpu.CompilerParams(
        use_tc_tiling_on_sc=True, needs_layout_passes=False),
)
def _format(tr_hbm, ti_hbm, ct_hbm,
            br0, bi0, br1, bi1, cb0, cb1, sem_in, sem_out):
    wid = lax.axis_index("s") * _NC + lax.axis_index("c")
    iota16 = lax.iota(jnp.int32, 16)
    cvs = [iota16 + 16 * k for k in range(16)]
    cv64 = [(iota16 + 16 * k) * (2 * _DIM) for k in range(16)]
    br = (br0, br1)
    bi = (bi0, bi1)
    cb = (cb0, cb1)

    def win_v0(t):
        return pl.multiple_of((wid * _JPW + t * 2) * 128, 128)

    def fire_in(t, slot):
        v0 = win_v0(t)
        pltpu.async_copy(tr_hbm.at[:, pl.ds(v0, 256)], br[slot], sem_in)
        pltpu.async_copy(ti_hbm.at[:, pl.ds(v0, 256)], bi[slot], sem_in)

    def shuffle(bufr, bufi, ctb, ncols):
        nk = ncols // 16

        def dd(d, tc):
            for k in range(nk):
                sk_r = ((cvs[k] + d) & 63) + cv64[k]
                sk_i = sk_r ^ _DIM
                vr = bufr[d, pl.ds(16 * k, 16)]
                vi = bufi[d, pl.ds(16 * k, 16)]
                plsc.store_scatter(ctb, [sk_r], vr)
                plsc.store_scatter(ctb, [sk_i], vi)
            return tc

        lax.fori_loop(0, _DIM, dd, 0)

    fire_in(0, 0)

    def phase(t, slot):
        @pl.when(t + 1 < _WPW)
        def _():
            fire_in(t + 1, 1 - slot)

        pltpu.make_async_copy(
            tr_hbm.at[:, pl.ds(0, 256)], br[slot], sem_in).wait()
        pltpu.make_async_copy(
            tr_hbm.at[:, pl.ds(0, 256)], bi[slot], sem_in).wait()

        @pl.when(t >= 2)
        def _():
            pltpu.make_async_copy(
                cb[slot], ct_hbm.at[pl.ds(0, 256 * 2 * _DIM)],
                sem_out).wait()

        shuffle(br[slot], bi[slot], cb[slot], 256)
        pltpu.async_copy(
            cb[slot],
            ct_hbm.at[pl.ds(win_v0(t) * 2 * _DIM, 256 * 2 * _DIM)], sem_out)

    def pair(p, carry):
        phase(2 * p, 0)
        phase(2 * p + 1, 1)
        return carry

    lax.fori_loop(0, _WPW // 2, pair, 0)
    pltpu.make_async_copy(
        cb0, ct_hbm.at[pl.ds(0, 256 * 2 * _DIM)], sem_out).wait()
    pltpu.make_async_copy(
        cb1, ct_hbm.at[pl.ds(0, 256 * 2 * _DIM)], sem_out).wait()

    @pl.when(wid < _NJR + 1)
    def _():
        j = _JPW * _NW + wid
        partial = j >= _NJ
        v0 = pl.multiple_of(jnp.minimum(j, _NJ) * 128, 128)
        pltpu.sync_copy(tr_hbm.at[:, pl.ds(v0, 128)],
                        br0.at[:, pl.ds(0, 128)])
        pltpu.sync_copy(ti_hbm.at[:, pl.ds(v0, 128)],
                        bi0.at[:, pl.ds(0, 128)])
        shuffle(br0, bi0, cb0, 128)

        half = 64 * 2 * _DIM

        @pl.when(partial)
        def _():
            pltpu.sync_copy(cb0.at[pl.ds(0, half)],
                            ct_hbm.at[pl.ds(v0 * 2 * _DIM, half)])

        @pl.when(jnp.logical_not(partial))
        def _():
            pltpu.sync_copy(cb0.at[pl.ds(0, 2 * half)],
                            ct_hbm.at[pl.ds(v0 * 2 * _DIM, 2 * half)])


@functools.partial(
    pl.kernel,
    out_type=(
        jax.ShapeDtypeStruct((_HIST, _DIM // 8, _NBT, 8, 128), jnp.float32),
        jax.ShapeDtypeStruct((_HIST, _DIM // 8, _NBT, 8, 128), jnp.float32),
    ),
    mesh=_mesh,
    scratch_types=[
        pltpu.VMEM((128,), jnp.int32),
        pltpu.VMEM((128,), jnp.int32),
        pltpu.VMEM((128, 2 * _DIM), jnp.float32),
        pltpu.VMEM((128, 2 * _DIM), jnp.float32),
        pltpu.VMEM((_DIM, 128), jnp.float32),
        pltpu.VMEM((_DIM, 128), jnp.float32),
        pltpu.VMEM((_DIM, 128), jnp.float32),
        pltpu.VMEM((_DIM, 128), jnp.float32),
        pltpu.SemaphoreType.DMA,
        pltpu.SemaphoreType.DMA,
    ],
    compiler_params=pltpu.CompilerParams(
        use_tc_tiling_on_sc=False, needs_layout_passes=False),
)
def _gather(ids_hbm, ct_hbm, out_r_hbm, out_i_hbm,
            idx0, idx1, rows0, rows1, otr0, oti0, otr1, oti1,
            sem_g, sem_o):
    wid = lax.axis_index("s") * _NC + lax.axis_index("c")
    ubase = wid * _UPW
    iota16 = lax.iota(jnp.int32, 16)
    cvs = [iota16 + 16 * k for k in range(8)]
    idx = (idx0, idx1)
    rows = (rows0, rows1)
    otr = (otr0, otr1)
    oti = (oti0, oti1)

    def hb(t):
        u = ubase + t
        return u // _NBT, u % _NBT

    def fire_unit(t, slot):
        h, bt = hb(t)
        pltpu.sync_copy(ids_hbm.at[h, pl.ds(bt * 128, 128)], idx[slot])
        pltpu.async_copy(ct_hbm.at[idx[slot]], rows[slot], sem_g)

    fire_unit(0, 0)

    def phase(t, slot):
        @pl.when(t + 1 < _UPW)
        def _():
            fire_unit(t + 1, 1 - slot)

        pltpu.make_async_copy(ct_hbm.at[idx[slot]], rows[slot], sem_g).wait()

        @pl.when(t >= 2)
        def _():
            for dt in range(_DIM // 8):
                pltpu.make_async_copy(
                    otr[slot].at[pl.ds(dt * 8, 8)],
                    out_r_hbm.at[0, 0, 0], sem_o).wait()
                pltpu.make_async_copy(
                    oti[slot].at[pl.ds(dt * 8, 8)],
                    out_i_hbm.at[0, 0, 0], sem_o).wait()

        rr = rows[slot]
        tr = otr[slot]
        ti = oti[slot]
        vv = [idx[slot][pl.ds(16 * k, 16)] & 63 for k in range(8)]

        def dd(d, tc):
            for k in range(8):
                sk_r = (vv[k] + d) & 63
                sk_i = sk_r ^ _DIM
                vr = plsc.load_gather(rr, [cvs[k], sk_r])
                vi = plsc.load_gather(rr, [cvs[k], sk_i])
                tr[d, pl.ds(16 * k, 16)] = vr
                ti[d, pl.ds(16 * k, 16)] = vi
            return tc

        lax.fori_loop(0, _DIM, dd, 0)
        h, bt = hb(t)
        for dt in range(_DIM // 8):
            pltpu.async_copy(tr.at[pl.ds(dt * 8, 8)],
                             out_r_hbm.at[h, dt, bt], sem_o)
            pltpu.async_copy(ti.at[pl.ds(dt * 8, 8)],
                             out_i_hbm.at[h, dt, bt], sem_o)

    def pair(p, carry):
        phase(2 * p, 0)
        phase(2 * p + 1, 1)
        return carry

    lax.fori_loop(0, _UPW // 2, pair, 0)
    for slot in (0, 1):
        for dt in range(_DIM // 8):
            pltpu.make_async_copy(
                otr[slot].at[pl.ds(dt * 8, 8)],
                out_r_hbm.at[0, 0, 0], sem_o).wait()
            pltpu.make_async_copy(
                oti[slot].at[pl.ds(dt * 8, 8)],
                out_i_hbm.at[0, 0, 0], sem_o).wait()


def kernel(input_ids, emb_real, emb_imag):
    ids_t = input_ids.T.astype(jnp.int32)
    ct_flat = _format(emb_real.T, emb_imag.T)
    ct = ct_flat.reshape(_VPAD, 2 * _DIM)
    o_r, o_i = _gather(ids_t, ct)
    p_r = o_r.transpose(0, 1, 3, 2, 4).reshape(_HIST, _DIM, _BATCH)
    p_i = o_i.transpose(0, 1, 3, 2, 4).reshape(_HIST, _DIM, _BATCH)
    out_t = lax.complex(p_r, p_i)
    return out_t.transpose(2, 0, 1)

# --- scband reference (transcript-rebuilt; emitter-appended) ---
"""Pipeline reference for scband-complex-embedding-5523327943175 (READ-ONLY COPY).

The authoritative reference and input builder live on the scoring server;
editing this copy changes nothing except your own understanding.
"""

import jax, jax.numpy as jnp
import numpy as np

VOCAB = 1000000
DIM = 32
INIT_SCALE = 0.02
BATCH = 4096
HIST = 50


def setup_inputs(seed: int = 0) -> dict:
    key = jax.random.key(seed)
    k_idx, k_r, k_i = jax.random.split(key, 3)
    input_ids = jax.random.randint(k_idx, (BATCH, HIST), 0, VOCAB, dtype=jnp.int64 if jax.config.jax_enable_x64 else jnp.int32)
    emb_real = jax.random.normal(k_r, (VOCAB, DIM), dtype=jnp.float32) * INIT_SCALE
    emb_imag = jax.random.normal(k_i, (VOCAB, DIM), dtype=jnp.float32) * INIT_SCALE
    return {"input_ids": input_ids, "emb_real": emb_real, "emb_imag": emb_imag}


def reference(input_ids, emb_real, emb_imag):
    # embedding lookups (gather rows)
    real = jnp.take(emb_real, input_ids, axis=0)
    imag = jnp.take(emb_imag, input_ids, axis=0)
    # combine into a complex tensor, same as torch.complex(real, imag)
    return jax.lax.complex(real, imag)

if __name__ == "__main__":
    import jax
    _d = setup_inputs()
    print(jax.jit(kernel)(*tuple(_d.values())))

</pallas_src>

<mosaic_0001>
#map = affine_map<(d0, d1) -> (0, 0)>
#map1 = affine_map<(d0, d1) -> (0, 0, 0, 0, 0)>
module attributes {stable_mosaic.version = 14 : i64} {
  func.func @_gather(%arg0: i32, %arg1: i32, %arg2: memref<50x4096xi32, #tpu.memory_space<hbm>>, %arg3: memref<1000064x64xf32, #tpu.memory_space<hbm>>, %arg4: memref<50x4x32x8x128xf32, #tpu.memory_space<hbm>>, %arg5: memref<50x4x32x8x128xf32, #tpu.memory_space<hbm>>, %arg6: memref<128xi32, #tpu.memory_space<vmem>>, %arg7: memref<128xi32, #tpu.memory_space<vmem>>, %arg8: memref<128x64xf32, #tpu.memory_space<vmem>>, %arg9: memref<128x64xf32, #tpu.memory_space<vmem>>, %arg10: memref<32x128xf32, #tpu.memory_space<vmem>>, %arg11: memref<32x128xf32, #tpu.memory_space<vmem>>, %arg12: memref<32x128xf32, #tpu.memory_space<vmem>>, %arg13: memref<32x128xf32, #tpu.memory_space<vmem>>, %arg14: memref<!tpu.dma_semaphore, #tpu.memory_space<semaphore_mem>>, %arg15: memref<!tpu.dma_semaphore, #tpu.memory_space<semaphore_mem>>) attributes {dimension_semantics = [#tpu.dimension_semantics<core_parallel>, #tpu.dimension_semantics<subcore_parallel>], iteration_bounds = array<i64: 2, 16>, scalar_prefetch = 0 : i64, scratch_operands = 10 : i64, tpu.core_type = #tpu.core_type<sc_vector_subcore>, window_params = [{transform_indices = #map}, {transform_indices = #map}, {transform_indices = #map1}, {transform_indices = #map1}]} {
    %mul3A = arith.constant 2 : i32
    %mul3A_0 = arith.muli %arg1, %mul3A : i32
    %add3A = arith.addi %mul3A_0, %arg0 : i32
    %mul3A_1 = arith.constant 50 : i32
    %mul3A_2 = arith.muli %add3A, %mul3A_1 : i32
    %iota3A = tpu.iota {dimensions = array<i32: 0>} : vector<16xi32>
    %add3A_3 = arith.constant 0 : i32
    %add3A_4 = vector.broadcast %add3A_3 : i32 to vector<16xi32>
    %add3A_5 = arith.addi %iota3A, %add3A_4 : vector<16xi32>
    %add3A_6 = arith.constant 16 : i32
    %add3A_7 = vector.broadcast %add3A_6 : i32 to vector<16xi32>
    %add3A_8 = arith.addi %iota3A, %add3A_7 : vector<16xi32>
    %add3A_9 = arith.constant 32 : i32
    %add3A_10 = vector.broadcast %add3A_9 : i32 to vector<16xi32>
    %add3A_11 = arith.addi %iota3A, %add3A_10 : vector<16xi32>
    %add3A_12 = arith.constant 48 : i32
    %add3A_13 = vector.broadcast %add3A_12 : i32 to vector<16xi32>
    %add3A_14 = arith.addi %iota3A, %add3A_13 : vector<16xi32>
    %add3A_15 = arith.constant 64 : i32
    %add3A_16 = vector.broadcast %add3A_15 : i32 to vector<16xi32>
    %add3A_17 = arith.addi %iota3A, %add3A_16 : vector<16xi32>
    %add3A_18 = arith.constant 80 : i32
    %add3A_19 = vector.broadcast %add3A_18 : i32 to vector<16xi32>
    %add3A_20 = arith.addi %iota3A, %add3A_19 : vector<16xi32>
    %add3A_21 = arith.constant 96 : i32
    %add3A_22 = vector.broadcast %add3A_21 : i32 to vector<16xi32>
    %add3A_23 = arith.addi %iota3A, %add3A_22 : vector<16xi32>
    %add3A_24 = arith.constant 112 : i32
    %add3A_25 = vector.broadcast %add3A_24 : i32 to vector<16xi32>
    %add3A_26 = arith.addi %iota3A, %add3A_25 : vector<16xi32>
    %add3A_27 = arith.constant 0 : i32
    %add3A_28 = arith.addi %mul3A_2, %add3A_27 : i32
    %jit3A = arith.constant 32 : i32
    %div3A = arith.divsi %add3A_28, %jit3A : i32
    %sign3A = arith.constant 0 : i32
    %sign3A_29 = arith.cmpi sgt, %add3A_28, %sign3A : i32
    %sign3A_30 = arith.extui %sign3A_29 : i1 to i32
    %sign3A_31 = arith.constant 0 : i32
    %sign3A_32 = arith.cmpi slt, %add3A_28, %sign3A_31 : i32
    %sign3A_33 = arith.extui %sign3A_32 : i1 to i32
    %sign3A_34 = arith.subi %sign3A_30, %sign3A_33 : i32
    %sign3A_35 = arith.constant 0 : i32
    %sign3A_36 = arith.cmpi sgt, %jit3A, %sign3A_35 : i32
    %sign3A_37 = arith.extui %sign3A_36 : i1 to i32
    %sign3A_38 = arith.constant 0 : i32
    %sign3A_39 = arith.cmpi slt, %jit3A, %sign3A_38 : i32
    %sign3A_40 = arith.extui %sign3A_39 : i1 to i32
    %sign3A_41 = arith.subi %sign3A_37, %sign3A_40 : i32
    %ne3A = arith.cmpi ne, %sign3A_34, %sign3A_41 : i32
    %rem3A = arith.remsi %add3A_28, %jit3A : i32
    %ne3A_42 = arith.constant 0 : i32
    %ne3A_43 = arith.cmpi ne, %rem3A, %ne3A_42 : i32
    %and3A = arith.andi %ne3A, %ne3A_43 : i1
    %sub3A = arith.constant 1 : i32
    %sub3A_44 = arith.subi %div3A, %sub3A : i32
    %select_n3A = arith.select %and3A, %sub3A_44, %div3A : i32
    %jit3A_45 = arith.constant 32 : i32
    %eq3A = arith.constant 0 : i32
    %eq3A_46 = arith.cmpi eq, %jit3A_45, %eq3A : i32
    %jit3A_47 = arith.constant 1 : i32
    %select_n3A_48 = arith.select %eq3A_46, %jit3A_47, %jit3A_45 : i32
    %rem3A_49 = arith.remsi %add3A_28, %select_n3A_48 : i32
    %ne3A_50 = arith.constant 0 : i32
    %ne3A_51 = arith.cmpi ne, %rem3A_49, %ne3A_50 : i32
    %lt3A = arith.constant 0 : i32
    %lt3A_52 = arith.cmpi slt, %rem3A_49, %lt3A : i32
    %lt3A_53 = arith.constant 0 : i32
    %lt3A_54 = arith.cmpi slt, %select_n3A_48, %lt3A_53 : i32
    %ne3A_55 = arith.xori %lt3A_52, %lt3A_54 : i1
    %and3A_56 = arith.andi %ne3A_55, %ne3A_51 : i1
    %add3A_57 = arith.addi %rem3A_49, %select_n3A_48 : i32
    %select_n3A_58 = arith.select %and3A_56, %add3A_57, %rem3A_49 : i32
    %mul3A_59 = arith.constant 128 : i32
    %mul3A_60 = arith.muli %select_n3A_58, %mul3A_59 : i32
    "tpu.region"() ({
      %run_scoped3A = tpu.sem_alloc : memref<!tpu.dma_semaphore, #tpu.memory_space<semaphore_mem>>
      %dma_start3A_339 = tpu.memref_slice %arg2[%select_n3A, %mul3A_60] : memref<50x4096xi32, #tpu.memory_space<hbm>> -> memref<1x128xi32, #tpu.memory_space<hbm>>
      %dma_start3A_340 = tpu.memref_squeeze %dma_start3A_339 : memref<1x128xi32, #tpu.memory_space<hbm>> -> memref<128xi32, #tpu.memory_space<hbm>>
      %dma_start3A_341 = tpu.memref_slice %arg2[%select_n3A, %mul3A_60] : memref<50x4096xi32, #tpu.memory_space<hbm>> -> memref<1x128xi32, #tpu.memory_space<hbm>>
      %dma_start3A_342 = tpu.memref_squeeze %dma_start3A_341 : memref<1x128xi32, #tpu.memory_space<hbm>> -> memref<128xi32, #tpu.memory_space<hbm>>
      tpu.enqueue_dma source(%dma_start3A_342 : memref<128xi32, #tpu.memory_space<hbm>>) target(%arg6 : memref<128xi32, #tpu.memory_space<vmem>>) target_semaphore(%run_scoped3A : memref<!tpu.dma_semaphore, #tpu.memory_space<semaphore_mem>>)
      %dma_wait3A_343 = tpu.memref_slice %arg2[%select_n3A, %mul3A_60] : memref<50x4096xi32, #tpu.memory_space<hbm>> -> memref<1x128xi32, #tpu.memory_space<hbm>>
      %dma_wait3A_344 = tpu.memref_squeeze %dma_wait3A_343 : memref<1x128xi32, #tpu.memory_space<hbm>> -> memref<128xi32, #tpu.memory_space<hbm>>
      %dma_wait3A_345 = tpu.memref_slice %arg2[%select_n3A, %mul3A_60] : memref<50x4096xi32, #tpu.memory_space<hbm>> -> memref<1x128xi32, #tpu.memory_space<hbm>>
      %dma_wait3A_346 = tpu.memref_squeeze %dma_wait3A_345 : memref<1x128xi32, #tpu.memory_space<hbm>> -> memref<128xi32, #tpu.memory_space<hbm>>
      tpu.wait_dma2 semaphore(%run_scoped3A : memref<!tpu.dma_semaphore, #tpu.memory_space<semaphore_mem>>) src(%dma_wait3A_346 : memref<128xi32, #tpu.memory_space<hbm>>) dst(%arg6 : memref<128xi32, #tpu.memory_space<vmem>>)
      tpu.yield
    }) : () -> ()
    %dma_start3A = arith.constant 0 : i32
    %dma_start3A_61 = arith.constant 0 : i32
    %dma_start3A_62 = tpu.memref_slice %arg3[%dma_start3A, %dma_start3A_61] : memref<1000064x64xf32, #tpu.memory_space<hbm>> -> memref<1000064x64xf32, #tpu.memory_space<hbm>>
    tpu.enqueue_indirect_dma source(%dma_start3A_62 : memref<1000064x64xf32, #tpu.memory_space<hbm>>) target(%arg8 : memref<128x64xf32, #tpu.memory_space<vmem>>) offsets(%arg6 : memref<128xi32, #tpu.memory_space<vmem>>) semaphore(%arg14 : memref<!tpu.dma_semaphore, #tpu.memory_space<semaphore_mem>>)
    %scan3A = arith.constant 0 : i32
    %scan3A_63 = arith.constant 0 : i32
    %scan3A_64 = arith.constant 25 : i32
    %scan3A_65 = arith.addi %scan3A_63, %scan3A_64 : i32
    %scan3A_66 = arith.constant 1 : i32
    scf.for %scan3A_339 = %scan3A_63 to %scan3A_65 step %scan3A_66  : i32 {
      %mul3A_340 = arith.constant 2 : i32
      %mul3A_341 = arith.muli %mul3A_340, %scan3A_339 : i32
      %add3A_342 = arith.constant 1 : i32
      %add3A_343 = arith.addi %mul3A_341, %add3A_342 : i32
      %lt3A_344 = arith.constant 50 : i32
      %lt3A_345 = arith.cmpi slt, %add3A_343, %lt3A_344 : i32
      %convert_element_type3A = arith.extui %lt3A_345 : i1 to i32
      %cond3A = arith.constant 0 : i32
      %cond3A_346 = arith.cmpi ne, %convert_element_type3A, %cond3A : i32
      scf.if %cond3A_346 {
        %add3A_786 = arith.constant 1 : i32
        %add3A_787 = arith.addi %mul3A_341, %add3A_786 : i32
        %add3A_788 = arith.addi %mul3A_2, %add3A_787 : i32
        %jit3A_789 = arith.constant 32 : i32
        %div3A_790 = arith.divsi %add3A_788, %jit3A_789 : i32
        %sign3A_791 = arith.constant 0 : i32
        %sign3A_792 = arith.cmpi sgt, %add3A_788, %sign3A_791 : i32
        %sign3A_793 = arith.extui %sign3A_792 : i1 to i32
        %sign3A_794 = arith.constant 0 : i32
        %sign3A_795 = arith.cmpi slt, %add3A_788, %sign3A_794 : i32
        %sign3A_796 = arith.extui %sign3A_795 : i1 to i32
        %sign3A_797 = arith.subi %sign3A_793, %sign3A_796 : i32
        %sign3A_798 = arith.constant 0 : i32
        %sign3A_799 = arith.cmpi sgt, %jit3A_789, %sign3A_798 : i32
        %sign3A_800 = arith.extui %sign3A_799 : i1 to i32
        %sign3A_801 = arith.constant 0 : i32
        %sign3A_802 = arith.cmpi slt, %jit3A_789, %sign3A_801 : i32
        %sign3A_803 = arith.extui %sign3A_802 : i1 to i32
        %sign3A_804 = arith.subi %sign3A_800, %sign3A_803 : i32
        %ne3A_805 = arith.cmpi ne, %sign3A_797, %sign3A_804 : i32
        %rem3A_806 = arith.remsi %add3A_788, %jit3A_789 : i32
        %ne3A_807 = arith.constant 0 : i32
        %ne3A_808 = arith.cmpi ne, %rem3A_806, %ne3A_807 : i32
        %and3A_809 = arith.andi %ne3A_805, %ne3A_808 : i1
        %sub3A_810 = arith.constant 1 : i32
        %sub3A_811 = arith.subi %div3A_790, %sub3A_810 : i32
        %select_n3A_812 = arith.select %and3A_809, %sub3A_811, %div3A_790 : i32
        %jit3A_813 = arith.constant 32 : i32
        %eq3A_814 = arith.constant 0 : i32
        %eq3A_815 = arith.cmpi eq, %jit3A_813, %eq3A_814 : i32
        %jit3A_816 = arith.constant 1 : i32
        %select_n3A_817 = arith.select %eq3A_815, %jit3A_816, %jit3A_813 : i32
        %rem3A_818 = arith.remsi %add3A_788, %select_n3A_817 : i32
        %ne3A_819 = arith.constant 0 : i32
        %ne3A_820 = arith.cmpi ne, %rem3A_818, %ne3A_819 : i32
        %lt3A_821 = arith.constant 0 : i32
        %lt3A_822 = arith.cmpi slt, %rem3A_818, %lt3A_821 : i32
        %lt3A_823 = arith.constant 0 : i32
        %lt3A_824 = arith.cmpi slt, %select_n3A_817, %lt3A_823 : i32
        %ne3A_825 = arith.xori %lt3A_822, %lt3A_824 : i1
        %and3A_826 = arith.andi %ne3A_825, %ne3A_820 : i1
        %add3A_827 = arith.addi %rem3A_818, %select_n3A_817 : i32
        %select_n3A_828 = arith.select %and3A_826, %add3A_827, %rem3A_818 : i32
        %mul3A_829 = arith.constant 128 : i32
        %mul3A_830 = arith.muli %select_n3A_828, %mul3A_829 : i32
        "tpu.region"() ({
          %run_scoped3A = tpu.sem_alloc : memref<!tpu.dma_semaphore, #tpu.memory_space<semaphore_mem>>
          %dma_start3A_834 = tpu.memref_slice %arg2[%select_n3A_812, %mul3A_830] : memref<50x4096xi32, #tpu.memory_space<hbm>> -> memref<1x128xi32, #tpu.memory_space<hbm>>
          %dma_start3A_835 = tpu.memref_squeeze %dma_start3A_834 : memref<1x128xi32, #tpu.memory_space<hbm>> -> memref<128xi32, #tpu.memory_space<hbm>>
          %dma_start3A_836 = tpu.memref_slice %arg2[%select_n3A_812, %mul3A_830] : memref<50x4096xi32, #tpu.memory_space<hbm>> -> memref<1x128xi32, #tpu.memory_space<hbm>>
          %dma_start3A_837 = tpu.memref_squeeze %dma_start3A_836 : memref<1x128xi32, #tpu.memory_space<hbm>> -> memref<128xi32, #tpu.memory_space<hbm>>
          tpu.enqueue_dma source(%dma_start3A_837 : memref<128xi32, #tpu.memory_space<hbm>>) target(%arg7 : memref<128xi32, #tpu.memory_space<vmem>>) target_semaphore(%run_scoped3A : memref<!tpu.dma_semaphore, #tpu.memory_space<semaphore_mem>>)
          %dma_wait3A_838 = tpu.memref_slice %arg2[%select_n3A_812, %mul3A_830] : memref<50x4096xi32, #tpu.memory_space<hbm>> -> memref<1x128xi32, #tpu.memory_space<hbm>>
          %dma_wait3A_839 = tpu.memref_squeeze %dma_wait3A_838 : memref<1x128xi32, #tpu.memory_space<hbm>> -> memref<128xi32, #tpu.memory_space<hbm>>
          %dma_wait3A_840 = tpu.memref_slice %arg2[%select_n3A_812, %mul3A_830] : memref<50x4096xi32, #tpu.memory_space<hbm>> -> memref<1x128xi32, #tpu.memory_space<hbm>>
          %dma_wait3A_841 = tpu.memref_squeeze %dma_wait3A_840 : memref<1x128xi32, #tpu.memory_space<hbm>> -> memref<128xi32, #tpu.memory_space<hbm>>
          tpu.wait_dma2 semaphore(%run_scoped3A : memref<!tpu.dma_semaphore, #tpu.memory_space<semaphore_mem>>) src(%dma_wait3A_841 : memref<128xi32, #tpu.memory_space<hbm>>) dst(%arg7 : memref<128xi32, #tpu.memory_space<vmem>>)
          tpu.yield
        }) : () -> ()
        %dma_start3A_831 = arith.constant 0 : i32
        %dma_start3A_832 = arith.constant 0 : i32
        %dma_start3A_833 = tpu.memref_slice %arg3[%dma_start3A_831, %dma_start3A_832] : memref<1000064x64xf32, #tpu.memory_space<hbm>> -> memref<1000064x64xf32, #tpu.memory_space<hbm>>
        tpu.enqueue_indirect_dma source(%dma_start3A_833 : memref<1000064x64xf32, #tpu.memory_space<hbm>>) target(%arg9 : memref<128x64xf32, #tpu.memory_space<vmem>>) offsets(%arg7 : memref<128xi32, #tpu.memory_space<vmem>>) semaphore(%arg14 : memref<!tpu.dma_semaphore, #tpu.memory_space<semaphore_mem>>)
      } else {
      }
      %dma_wait3A_347 = arith.constant 0 : i32
      %dma_wait3A_348 = arith.constant 0 : i32
      %dma_wait3A_349 = tpu.memref_slice %arg3[%dma_wait3A_347, %dma_wait3A_348] : memref<1000064x64xf32, #tpu.memory_space<hbm>> -> memref<1000064x64xf32, #tpu.memory_space<hbm>>
      tpu.wait_indirect_dma semaphore(%arg14 : memref<!tpu.dma_semaphore, #tpu.memory_space<semaphore_mem>>) src(%dma_wait3A_349 : memref<1000064x64xf32, #tpu.memory_space<hbm>>) dst(%arg8 : memref<128x64xf32, #tpu.memory_space<vmem>>)
      %ge3A = arith.constant 2 : i32
      %ge3A_350 = arith.cmpi sge, %mul3A_341, %ge3A : i32
      %convert_element_type3A_351 = arith.extui %ge3A_350 : i1 to i32
      %cond3A_352 = arith.constant 0 : i32
      %cond3A_353 = arith.cmpi ne, %convert_element_type3A_351, %cond3A_352 : i32
      scf.if %cond3A_353 {
        %dma_wait3A_786 = arith.constant 0 : i32
        %dma_wait3A_787 = arith.constant 0 : i32
        %dma_wait3A_788 = arith.constant 0 : i32
        %dma_wait3A_789 = arith.constant 0 : i32
        %dma_wait3A_790 = arith.constant 0 : i32
        %dma_wait3A_791 = tpu.memref_slice %arg10[%dma_wait3A_789, %dma_wait3A_790] : memref<32x128xf32, #tpu.memory_space<vmem>> -> memref<8x128xf32, #tpu.memory_space<vmem>>
        %dma_wait3A_792 = arith.constant 0 : i32
        %dma_wait3A_793 = arith.constant 0 : i32
        %dma_wait3A_794 = tpu.memref_slice %arg4[%dma_wait3A_786, %dma_wait3A_787, %dma_wait3A_788, %dma_wait3A_792, %dma_wait3A_793] : memref<50x4x32x8x128xf32, #tpu.memory_space<hbm>> -> memref<1x1x1x8x128xf32, #tpu.memory_space<hbm>>
        %dma_wait3A_795 = tpu.memref_squeeze %dma_wait3A_794 : memref<1x1x1x8x128xf32, #tpu.memory_space<hbm>> -> memref<8x128xf32, #tpu.memory_space<hbm>>
        %dma_wait3A_796 = arith.constant 0 : i32
        %dma_wait3A_797 = arith.constant 0 : i32
        %dma_wait3A_798 = tpu.memref_slice %arg4[%dma_wait3A_786, %dma_wait3A_787, %dma_wait3A_788, %dma_wait3A_796, %dma_wait3A_797] : memref<50x4x32x8x128xf32, #tpu.memory_space<hbm>> -> memref<1x1x1x8x128xf32, #tpu.memory_space<hbm>>
        %dma_wait3A_799 = tpu.memref_squeeze %dma_wait3A_798 : memref<1x1x1x8x128xf32, #tpu.memory_space<hbm>> -> memref<8x128xf32, #tpu.memory_space<hbm>>
        %dma_wait3A_800 = arith.constant 0 : i32
        %dma_wait3A_801 = arith.constant 0 : i32
        %dma_wait3A_802 = tpu.memref_slice %arg10[%dma_wait3A_800, %dma_wait3A_801] : memref<32x128xf32, #tpu.memory_space<vmem>> -> memref<8x128xf32, #tpu.memory_space<vmem>>
        tpu.wait_dma2 semaphore(%arg15 : memref<!tpu.dma_semaphore, #tpu.memory_space<semaphore_mem>>) src(%dma_wait3A_802 : memref<8x128xf32, #tpu.memory_space<vmem>>) dst(%dma_wait3A_799 : memref<8x128xf32, #tpu.memory_space<hbm>>)
        %dma_wait3A_803 = arith.constant 0 : i32
        %dma_wait3A_804 = arith.constant 0 : i32
        %dma_wait3A_805 = arith.constant 0 : i32
        %dma_wait3A_806 = arith.constant 0 : i32
        %dma_wait3A_807 = arith.constant 0 : i32
        %dma_wait3A_808 = tpu.memref_slice %arg11[%dma_wait3A_806, %dma_wait3A_807] : memref<32x128xf32, #tpu.memory_space<vmem>> -> memref<8x128xf32, #tpu.memory_space<vmem>>
        %dma_wait3A_809 = arith.constant 0 : i32
        %dma_wait3A_810 = arith.constant 0 : i32
        %dma_wait3A_811 = tpu.memref_slice %arg5[%dma_wait3A_803, %dma_wait3A_804, %dma_wait3A_805, %dma_wait3A_809, %dma_wait3A_810] : memref<50x4x32x8x128xf32, #tpu.memory_space<hbm>> -> memref<1x1x1x8x128xf32, #tpu.memory_space<hbm>>
        %dma_wait3A_812 = tpu.memref_squeeze %dma_wait3A_811 : memref<1x1x1x8x128xf32, #tpu.memory_space<hbm>> -> memref<8x128xf32, #tpu.memory_space<hbm>>
        %dma_wait3A_813 = arith.constant 0 : i32
        %dma_wait3A_814 = arith.constant 0 : i32
        %dma_wait3A_815 = tpu.memref_slice %arg5[%dma_wait3A_803, %dma_wait3A_804, %dma_wait3A_805, %dma_wait3A_813, %dma_wait3A_814] : memref<50x4x32x8x128xf32, #tpu.memory_space<hbm>> -> memref<1x1x1x8x128xf32, #tpu.memory_space<hbm>>
        %dma_wait3A_816 = tpu.memref_squeeze %dma_wait3A_815 : memref<1x1x1x8x128xf32, #tpu.memory_space<hbm>> -> memref<8x128xf32, #tpu.memory_space<hbm>>
        %dma_wait3A_817 = arith.constant 0 : i32
        %dma_wait3A_818 = arith.constant 0 : i32
        %dma_wait3A_819 = tpu.memref_slice %arg11[%dma_wait3A_817, %dma_wait3A_818] : memref<32x128xf32, #tpu.memory_space<vmem>> -> memref<8x128xf32, #tpu.memory_space<vmem>>
        tpu.wait_dma2 semaphore(%arg15 : memref<!tpu.dma_semaphore, #tpu.memory_space<semaphore_mem>>) src(%dma_wait3A_819 : memref<8x128xf32, #tpu.memory_space<vmem>>) dst(%dma_wait3A_816 : memref<8x128xf32, #tpu.memory_space<hbm>>)
        %dma_wait3A_820 = arith.constant 0 : i32
        %dma_wait3A_821 = arith.constant 0 : i32
        %dma_wait3A_822 = arith.constant 0 : i32
        %dma_wait3A_823 = arith.constant 8 : i32
        %dma_wait3A_824 = arith.constant 0 : i32
        %dma_wait3A_825 = tpu.memref_slice %arg10[%dma_wait3A_823, %dma_wait3A_824] : memref<32x128xf32, #tpu.memory_space<vmem>> -> memref<8x128xf32, #tpu.memory_space<vmem>>
        %dma_wait3A_826 = arith.constant 0 : i32
        %dma_wait3A_827 = arith.constant 0 : i32
        %dma_wait3A_828 = tpu.memref_slice %arg4[%dma_wait3A_820, %dma_wait3A_821, %dma_wait3A_822, %dma_wait3A_826, %dma_wait3A_827] : memref<50x4x32x8x128xf32, #tpu.memory_space<hbm>> -> memref<1x1x1x8x128xf32, #tpu.memory_space<hbm>>
        %dma_wait3A_829 = tpu.memref_squeeze %dma_wait3A_828 : memref<1x1x1x8x128xf32, #tpu.memory_space<hbm>> -> memref<8x128xf32, #tpu.memory_space<hbm>>
        %dma_wait3A_830 = arith.constant 0 : i32
        %dma_wait3A_831 = arith.constant 0 : i32
        %dma_wait3A_832 = tpu.memref_slice %arg4[%dma_wait3A_820, %dma_wait3A_821, %dma_wait3A_822, %dma_wait3A_830, %dma_wait3A_831] : memref<50x4x32x8x128xf32, #tpu.memory_space<hbm>> -> memref<1x1x1x8x128xf32, #tpu.memory_space<hbm>>
        %dma_wait3A_833 = tpu.memref_squeeze %dma_wait3A_832 : memref<1x1x1x8x128xf32, #tpu.memory_space<hbm>> -> memref<8x128xf32, #tpu.memory_space<hbm>>
        %dma_wait3A_834 = arith.constant 8 : i32
        %dma_wait3A_835 = arith.constant 0 : i32
        %dma_wait3A_836 = tpu.memref_slice %arg10[%dma_wait3A_834, %dma_wait3A_835] : memref<32x128xf32, #tpu.memory_space<vmem>> -> memref<8x128xf32, #tpu.memory_space<vmem>>
        tpu.wait_dma2 semaphore(%arg15 : memref<!tpu.dma_semaphore, #tpu.memory_space<semaphore_mem>>) src(%dma_wait3A_836 : memref<8x128xf32, #tpu.memory_space<vmem>>) dst(%dma_wait3A_833 : memref<8x128xf32, #tpu.memory_space<hbm>>)
        %dma_wait3A_837 = arith.constant 0 : i32
        %dma_wait3A_838 = arith.constant 0 : i32
        %dma_wait3A_839 = arith.constant 0 : i32
        %dma_wait3A_840 = arith.constant 8 : i32
        %dma_wait3A_841 = arith.constant 0 : i32
        %dma_wait3A_842 = tpu.memref_slice %arg11[%dma_wait3A_840, %dma_wait3A_841] : memref<32x128xf32, #tpu.memory_space<vmem>> -> memref<8x128xf32, #tpu.memory_space<vmem>>
        %dma_wait3A_843 = arith.constant 0 : i32
        %dma_wait3A_844 = arith.constant 0 : i32
        %dma_wait3A_845 = tpu.memref_slice %arg5[%dma_wait3A_837, %dma_wait3A_838, %dma_wait3A_839, %dma_wait3A_843, %dma_wait3A_844] : memref<50x4x32x8x128xf32, #tpu.memory_space<hbm>> -> memref<1x1x1x8x128xf32, #tpu.memory_space<hbm>>
        %dma_wait3A_846 = tpu.memref_squeeze %dma_wait3A_845 : memref<1x1x1x8x128xf32, #tpu.memory_space<hbm>> -> memref<8x128xf32, #tpu.memory_space<hbm>>
        %dma_wait3A_847 = arith.constant 0 : i32
        %dma_wait3A_848 = arith.constant 0 : i32
        %dma_wait3A_849 = tpu.memref_slice %arg5[%dma_wait3A_837, %dma_wait3A_838, %dma_wait3A_839, %dma_wait3A_847, %dma_wait3A_848] : memref<50x4x32x8x128xf32, #tpu.memory_space<hbm>> -> memref<1x1x1x8x128xf32, #tpu.memory_space<hbm>>
        %dma_wait3A_850 = tpu.memref_squeeze %dma_wait3A_849 : memref<1x1x1x8x128xf32, #tpu.memory_space<hbm>> -> memref<8x128xf32, #tpu.memory_space<hbm>>
        %dma_wait3A_851 = arith.constant 8 : i32
        %dma_wait3A_852 = arith.constant 0 : i32
        %dma_wait3A_853 = tpu.memref_slice %arg11[%dma_wait3A_851, %dma_wait3A_852] : memref<32x128xf32, #tpu.memory_space<vmem>> -> memref<8x128xf32, #tpu.memory_space<vmem>>
        tpu.wait_dma2 semaphore(%arg15 : memref<!tpu.dma_semaphore, #tpu.memory_space<semaphore_mem>>) src(%dma_wait3A_853 : memref<8x128xf32, #tpu.memory_space<vmem>>) dst(%dma_wait3A_850 : memref<8x128xf32, #tpu.memory_space<hbm>>)
        %dma_wait3A_854 = arith.constant 0 : i32
        %dma_wait3A_855 = arith.constant 0 : i32
        %dma_wait3A_856 = arith.constant 0 : i32
        %dma_wait3A_857 = arith.constant 16 : i32
        %dma_wait3A_858 = arith.constant 0 : i32
        %dma_wait3A_859 = tpu.memref_slice %arg10[%dma_wait3A_857, %dma_wait3A_858] : memref<32x128xf32, #tpu.memory_space<vmem>> -> memref<8x128xf32, #tpu.memory_space<vmem>>
        %dma_wait3A_860 = arith.constant 0 : i32
        %dma_wait3A_861 = arith.constant 0 : i32
        %dma_wait3A_862 = tpu.memref_slice %arg4[%dma_wait3A_854, %dma_wait3A_855, %dma_wait3A_856, %dma_wait3A_860, %dma_wait3A_861] : memref<50x4x32x8x128xf32, #tpu.memory_space<hbm>> -> memref<1x1x1x8x128xf32, #tpu.memory_space<hbm>>
        %dma_wait3A_863 = tpu.memref_squeeze %dma_wait3A_862 : memref<1x1x1x8x128xf32, #tpu.memory_space<hbm>> -> memref<8x128xf32, #tpu.memory_space<hbm>>
        %dma_wait3A_864 = arith.constant 0 : i32
        %dma_wait3A_865 = arith.constant 0 : i32
        %dma_wait3A_866 = tpu.memref_slice %arg4[%dma_wait3A_854, %dma_wait3A_855, %dma_wait3A_856, %dma_wait3A_864, %dma_wait3A_865] : memref<50x4x32x8x128xf32, #tpu.memory_space<hbm>> -> memref<1x1x1x8x128xf32, #tpu.memory_space<hbm>>
        %dma_wait3A_867 = tpu.memref_squeeze %dma_wait3A_866 : memref<1x1x1x8x128xf32, #tpu.memory_space<hbm>> -> memref<8x128xf32, #tpu.memory_space<hbm>>
        %dma_wait3A_868 = arith.constant 16 : i32
        %dma_wait3A_869 = arith.constant 0 : i32
        %dma_wait3A_870 = tpu.memref_slice %arg10[%dma_wait3A_868, %dma_wait3A_869] : memref<32x128xf32, #tpu.memory_space<vmem>> -> memref<8x128xf32, #tpu.memory_space<vmem>>
        tpu.wait_dma2 semaphore(%arg15 : memref<!tpu.dma_semaphore, #tpu.memory_space<semaphore_mem>>) src(%dma_wait3A_870 : memref<8x128xf32, #tpu.memory_space<vmem>>) dst(%dma_wait3A_867 : memref<8x128xf32, #tpu.memory_space<hbm>>)
        %dma_wait3A_871 = arith.constant 0 : i32
        %dma_wait3A_872 = arith.constant 0 : i32
        %dma_wait3A_873 = arith.constant 0 : i32
        %dma_wait3A_874 = arith.constant 16 : i32
        %dma_wait3A_875 = arith.constant 0 : i32
        %dma_wait3A_876 = tpu.memref_slice %arg11[%dma_wait3A_874, %dma_wait3A_875] : memref<32x128xf32, #tpu.memory_space<vmem>> -> memref<8x128xf32, #tpu.memory_space<vmem>>
        %dma_wait3A_877 = arith.constant 0 : i32
        %dma_wait3A_878 = arith.constant 0 : i32
        %dma_wait3A_879 = tpu.memref_slice %arg5[%dma_wait3A_871, %dma_wait3A_872, %dma_wait3A_873, %dma_wait3A_877, %dma_wait3A_878] : memref<50x4x32x8x128xf32, #tpu.memory_space<hbm>> -> memref<1x1x1x8x128xf32, #tpu.memory_space<hbm>>
        %dma_wait3A_880 = tpu.memref_squeeze %dma_wait3A_879 : memref<1x1x1x8x128xf32, #tpu.memory_space<hbm>> -> memref<8x128xf32, #tpu.memory_space<hbm>>
        %dma_wait3A_881 = arith.constant 0 : i32
        %dma_wait3A_882 = arith.constant 0 : i32
        %dma_wait3A_883 = tpu.memref_slice %arg5[%dma_wait3A_871, %dma_wait3A_872, %dma_wait3A_873, %dma_wait3A_881, %dma_wait3A_882] : memref<50x4x32x8x128xf32, #tpu.memory_space<hbm>> -> memref<1x1x1x8x128xf32, #tpu.memory_space<hbm>>
        %dma_wait3A_884 = tpu.memref_squeeze %dma_wait3A_883 : memref<1x1x1x8x128xf32, #tpu.memory_space<hbm>> -> memref<8x128xf32, #tpu.memory_space<hbm>>
        %dma_wait3A_885 = arith.constant 16 : i32
        %dma_wait3A_886 = arith.constant 0 : i32
        %dma_wait3A_887 = tpu.memref_slice %arg11[%dma_wait3A_885, %dma_wait3A_886] : memref<32x128xf32, #tpu.memory_space<vmem>> -> memref<8x128xf32, #tpu.memory_space<vmem>>
        tpu.wait_dma2 semaphore(%arg15 : memref<!tpu.dma_semaphore, #tpu.memory_space<semaphore_mem>>) src(%dma_wait3A_887 : memref<8x128xf32, #tpu.memory_space<vmem>>) dst(%dma_wait3A_884 : memref<8x128xf32, #tpu.memory_space<hbm>>)
        %dma_wait3A_888 = arith.constant 0 : i32
        %dma_wait3A_889 = arith.constant 0 : i32
        %dma_wait3A_890 = arith.constant 0 : i32
        %dma_wait3A_891 = arith.constant 24 : i32
        %dma_wait3A_892 = arith.constant 0 : i32
        %dma_wait3A_893 = tpu.memref_slice %arg10[%dma_wait3A_891, %dma_wait3A_892] : memref<32x128xf32, #tpu.memory_space<vmem>> -> memref<8x128xf32, #tpu.memory_space<vmem>>
        %dma_wait3A_894 = arith.constant 0 : i32
        %dma_wait3A_895 = arith.constant 0 : i32
        %dma_wait3A_896 = tpu.memref_slice %arg4[%dma_wait3A_888, %dma_wait3A_889, %dma_wait3A_890, %dma_wait3A_894, %dma_wait3A_895] : memref<50x4x32x8x128xf32, #tpu.memory_space<hbm>> -> memref<1x1x1x8x128xf32, #tpu.memory_space<hbm>>
        %dma_wait3A_897 = tpu.memref_squeeze %dma_wait3A_896 : memref<1x1x1x8x128xf32, #tpu.memory_space<hbm>> -> memref<8x128xf32, #tpu.memory_space<hbm>>
        %dma_wait3A_898 = arith.constant 0 : i32
        %dma_wait3A_899 = arith.constant 0 : i32
        %dma_wait3A_900 = tpu.memref_slice %arg4[%dma_wait3A_888, %dma_wait3A_889, %dma_wait3A_890, %dma_wait3A_898, %dma_wait3A_899] : memref<50x4x32x8x128xf32, #tpu.memory_space<hbm>> -> memref<1x1x1x8x128xf32, #tpu.memory_space<hbm>>
        %dma_wait3A_901 = tpu.memref_squeeze %dma_wait3A_900 : memref<1x1x1x8x128xf32, #tpu.memory_space<hbm>> -> memref<8x128xf32, #tpu.memory_space<hbm>>
        %dma_wait3A_902 = arith.constant 24 : i32
        %dma_wait3A_903 = arith.constant 0 : i32
        %dma_wait3A_904 = tpu.memref_slice %arg10[%dma_wait3A_902, %dma_wait3A_903] : memref<32x128xf32, #tpu.memory_space<vmem>> -> memref<8x128xf32, #tpu.memory_space<vmem>>
        tpu.wait_dma2 semaphore(%arg15 : memref<!tpu.dma_semaphore, #tpu.memory_space<semaphore_mem>>) src(%dma_wait3A_904 : memref<8x128xf32, #tpu.memory_space<vmem>>) dst(%dma_wait3A_901 : memref<8x128xf32, #tpu.memory_space<hbm>>)
        %dma_wait3A_905 = arith.constant 0 : i32
        %dma_wait3A_906 = arith.constant 0 : i32
        %dma_wait3A_907 = arith.constant 0 : i32
        %dma_wait3A_908 = arith.constant 24 : i32
        %dma_wait3A_909 = arith.constant 0 : i32
        %dma_wait3A_910 = tpu.memref_slice %arg11[%dma_wait3A_908, %dma_wait3A_909] : memref<32x128xf32, #tpu.memory_space<vmem>> -> memref<8x128xf32, #tpu.memory_space<vmem>>
        %dma_wait3A_911 = arith.constant 0 : i32
        %dma_wait3A_912 = arith.constant 0 : i32
        %dma_wait3A_913 = tpu.memref_slice %arg5[%dma_wait3A_905, %dma_wait3A_906, %dma_wait3A_907, %dma_wait3A_911, %dma_wait3A_912] : memref<50x4x32x8x128xf32, #tpu.memory_space<hbm>> -> memref<1x1x1x8x128xf32, #tpu.memory_space<hbm>>
        %dma_wait3A_914 = tpu.memref_squeeze %dma_wait3A_913 : memref<1x1x1x8x128xf32, #tpu.memory_space<hbm>> -> memref<8x128xf32, #tpu.memory_space<hbm>>
        %dma_wait3A_915 = arith.constant 0 : i32
        %dma_wait3A_916 = arith.constant 0 : i32
        %dma_wait3A_917 = tpu.memref_slice %arg5[%dma_wait3A_905, %dma_wait3A_906, %dma_wait3A_907, %dma_wait3A_915, %dma_wait3A_916] : memref<50x4x32x8x128xf32, #tpu.memory_space<hbm>> -> memref<1x1x1x8x128xf32, #tpu.memory_space<hbm>>
        %dma_wait3A_918 = tpu.memref_squeeze %dma_wait3A_917 : memref<1x1x1x8x128xf32, #tpu.memory_space<hbm>> -> memref<8x128xf32, #tpu.memory_space<hbm>>
        %dma_wait3A_919 = arith.constant 24 : i32
        %dma_wait3A_920 = arith.constant 0 : i32
        %dma_wait3A_921 = tpu.memref_slice %arg11[%dma_wait3A_919, %dma_wait3A_920] : memref<32x128xf32, #tpu.memory_space<vmem>> -> memref<8x128xf32, #tpu.memory_space<vmem>>
        tpu.wait_dma2 semaphore(%arg15 : memref<!tpu.dma_semaphore, #tpu.memory_space<semaphore_mem>>) src(%dma_wait3A_921 : memref<8x128xf32, #tpu.memory_space<vmem>>) dst(%dma_wait3A_918 : memref<8x128xf32, #tpu.memory_space<hbm>>)
      } else {
      }
      %get3A = arith.constant 0 : index
      %get3A_354 = tpu.vector_load %arg6[%get3A] {strides = array<i32>} : memref<128xi32, #tpu.memory_space<vmem>>, vector<16xi32>,
      %and3A_355 = arith.constant 63 : i32
      %and3A_356 = vector.broadcast %and3A_355 : i32 to vector<16xi32>
      %and3A_357 = arith.andi %get3A_354, %and3A_356 : vector<16xi32>
      %get3A_358 = arith.constant 16 : index
      %get3A_359 = tpu.vector_load %arg6[%get3A_358] {strides = array<i32>} : memref<128xi32, #tpu.memory_space<vmem>>, vector<16xi32>,
      %and3A_360 = arith.constant 63 : i32
      %and3A_361 = vector.broadcast %and3A_360 : i32 to vector<16xi32>
      %and3A_362 = arith.andi %get3A_359, %and3A_361 : vector<16xi32>
      %get3A_363 = arith.constant 32 : index
      %get3A_364 = tpu.vector_load %arg6[%get3A_363] {strides = array<i32>} : memref<128xi32, #tpu.memory_space<vmem>>, vector<16xi32>,
      %and3A_365 = arith.constant 63 : i32
      %and3A_366 = vector.broadcast %and3A_365 : i32 to vector<16xi32>
      %and3A_367 = arith.andi %get3A_364, %and3A_366 : vector<16xi32>
      %get3A_368 = arith.constant 48 : index
      %get3A_369 = tpu.vector_load %arg6[%get3A_368] {strides = array<i32>} : memref<128xi32, #tpu.memory_space<vmem>>, vector<16xi32>,
      %and3A_370 = arith.constant 63 : i32
      %and3A_371 = vector.broadcast %and3A_370 : i32 to vector<16xi32>
      %and3A_372 = arith.andi %get3A_369, %and3A_371 : vector<16xi32>
      %get3A_373 = arith.constant 64 : index
      %get3A_374 = tpu.vector_load %arg6[%get3A_373] {strides = array<i32>} : memref<128xi32, #tpu.memory_space<vmem>>, vector<16xi32>,
      %and3A_375 = arith.constant 63 : i32
      %and3A_376 = vector.broadcast %and3A_375 : i32 to vector<16xi32>
      %and3A_377 = arith.andi %get3A_374, %and3A_376 : vector<16xi32>
      %get3A_378 = arith.constant 80 : index
      %get3A_379 = tpu.vector_load %arg6[%get3A_378] {strides = array<i32>} : memref<128xi32, #tpu.memory_space<vmem>>, vector<16xi32>,
      %and3A_380 = arith.constant 63 : i32
      %and3A_381 = vector.broadcast %and3A_380 : i32 to vector<16xi32>
      %and3A_382 = arith.andi %get3A_379, %and3A_381 : vector<16xi32>
      %get3A_383 = arith.constant 96 : index
      %get3A_384 = tpu.vector_load %arg6[%get3A_383] {strides = array<i32>} : memref<128xi32, #tpu.memory_space<vmem>>, vector<16xi32>,
      %and3A_385 = arith.constant 63 : i32
      %and3A_386 = vector.broadcast %and3A_385 : i32 to vector<16xi32>
      %and3A_387 = arith.andi %get3A_384, %and3A_386 : vector<16xi32>
      %get3A_388 = arith.constant 112 : index
      %get3A_389 = tpu.vector_load %arg6[%get3A_388] {strides = array<i32>} : memref<128xi32, #tpu.memory_space<vmem>>, vector<16xi32>,
      %and3A_390 = arith.constant 63 : i32
      %and3A_391 = vector.broadcast %and3A_390 : i32 to vector<16xi32>
      %and3A_392 = arith.andi %get3A_389, %and3A_391 : vector<16xi32>
      %scan3A_393 = arith.constant 0 : i32
      %scan3A_394 = arith.constant 0 : i32
      %scan3A_395 = arith.constant 32 : i32
      %scan3A_396 = arith.addi %scan3A_394, %scan3A_395 : i32
      %scan3A_397 = arith.constant 1 : i32
      scf.for %scan3A_786 = %scan3A_394 to %scan3A_396 step %scan3A_397  : i32 {
        %add3A_787 = vector.broadcast %scan3A_786 : i32 to vector<16xi32>
        %add3A_788 = arith.addi %and3A_357, %add3A_787 : vector<16xi32>
        %and3A_789 = arith.constant 63 : i32
        %and3A_790 = vector.broadcast %and3A_789 : i32 to vector<16xi32>
        %and3A_791 = arith.andi %add3A_788, %and3A_790 : vector<16xi32>
        %xor3A = arith.constant 32 : i32
        %xor3A_792 = vector.broadcast %xor3A : i32 to vector<16xi32>
        %xor3A_793 = arith.xori %and3A_791, %xor3A_792 : vector<16xi32>
        %gather3A = tpu.vector_load_idx %arg8[%add3A_5, %and3A_791] : memref<128x64xf32, #tpu.memory_space<vmem>>[vector<16xi32>, vector<16xi32>], vector<16xf32>,
        %gather3A_794 = tpu.vector_load_idx %arg8[%add3A_5, %xor3A_793] : memref<128x64xf32, #tpu.memory_space<vmem>>[vector<16xi32>, vector<16xi32>], vector<16xf32>,
        %swap3A = arith.index_cast %scan3A_786 : i32 to index
        %swap3A_795 = arith.constant 0 : index
        %swap3A_796 = tpu.vector_load %arg10[%swap3A, %swap3A_795] {strides = array<i32>} : memref<32x128xf32, #tpu.memory_space<vmem>>, vector<16xf32>,
        tpu.vector_store %arg10[%swap3A, %swap3A_795], %gather3A {strides = array<i32>} : memref<32x128xf32, #tpu.memory_space<vmem>>, vector<16xf32>,
        %swap3A_797 = arith.index_cast %scan3A_786 : i32 to index
        %swap3A_798 = arith.constant 0 : index
        %swap3A_799 = tpu.vector_load %arg11[%swap3A_797, %swap3A_798] {strides = array<i32>} : memref<32x128xf32, #tpu.memory_space<vmem>>, vector<16xf32>,
        tpu.vector_store %arg11[%swap3A_797, %swap3A_798], %gather3A_794 {strides = array<i32>} : memref<32x128xf32, #tpu.memory_space<vmem>>, vector<16xf32>,
        %add3A_800 = vector.broadcast %scan3A_786 : i32 to vector<16xi32>
        %add3A_801 = arith.addi %and3A_362, %add3A_800 : vector<16xi32>
        %and3A_802 = arith.constant 63 : i32
        %and3A_803 = vector.broadcast %and3A_802 : i32 to vector<16xi32>
        %and3A_804 = arith.andi %add3A_801, %and3A_803 : vector<16xi32>
        %xor3A_805 = arith.constant 32 : i32
        %xor3A_806 = vector.broadcast %xor3A_805 : i32 to vector<16xi32>
        %xor3A_807 = arith.xori %and3A_804, %xor3A_806 : vector<16xi32>
        %gather3A_808 = tpu.vector_load_idx %arg8[%add3A_8, %and3A_804] : memref<128x64xf32, #tpu.memory_space<vmem>>[vector<16xi32>, vector<16xi32>], vector<16xf32>,
        %gather3A_809 = tpu.vector_load_idx %arg8[%add3A_8, %xor3A_807] : memref<128x64xf32, #tpu.memory_space<vmem>>[vector<16xi32>, vector<16xi32>], vector<16xf32>,
        %swap3A_810 = arith.index_cast %scan3A_786 : i32 to index
        %swap3A_811 = arith.constant 16 : index
        %swap3A_812 = tpu.vector_load %arg10[%swap3A_810, %swap3A_811] {strides = array<i32>} : memref<32x128xf32, #tpu.memory_space<vmem>>, vector<16xf32>,
        tpu.vector_store %arg10[%swap3A_810, %swap3A_811], %gather3A_808 {strides = array<i32>} : memref<32x128xf32, #tpu.memory_space<vmem>>, vector<16xf32>,
        %swap3A_813 = arith.index_cast %scan3A_786 : i32 to index
        %swap3A_814 = arith.constant 16 : index
        %swap3A_815 = tpu.vector_load %arg11[%swap3A_813, %swap3A_814] {strides = array<i32>} : memref<32x128xf32, #tpu.memory_space<vmem>>, vector<16xf32>,
        tpu.vector_store %arg11[%swap3A_813, %swap3A_814], %gather3A_809 {strides = array<i32>} : memref<32x128xf32, #tpu.memory_space<vmem>>, vector<16xf32>,
        %add3A_816 = vector.broadcast %scan3A_786 : i32 to vector<16xi32>
        %add3A_817 = arith.addi %and3A_367, %add3A_816 : vector<16xi32>
        %and3A_818 = arith.constant 63 : i32
        %and3A_819 = vector.broadcast %and3A_818 : i32 to vector<16xi32>
        %and3A_820 = arith.andi %add3A_817, %and3A_819 : vector<16xi32>
        %xor3A_821 = arith.constant 32 : i32
        %xor3A_822 = vector.broadcast %xor3A_821 : i32 to vector<16xi32>
        %xor3A_823 = arith.xori %and3A_820, %xor3A_822 : vector<16xi32>
        %gather3A_824 = tpu.vector_load_idx %arg8[%add3A_11, %and3A_820] : memref<128x64xf32, #tpu.memory_space<vmem>>[vector<16xi32>, vector<16xi32>], vector<16xf32>,
        %gather3A_825 = tpu.vector_load_idx %arg8[%add3A_11, %xor3A_823] : memref<128x64xf32, #tpu.memory_space<vmem>>[vector<16xi32>, vector<16xi32>], vector<16xf32>,
        %swap3A_826 = arith.index_cast %scan3A_786 : i32 to index
        %swap3A_827 = arith.constant 32 : index
        %swap3A_828 = tpu.vector_load %arg10[%swap3A_826, %swap3A_827] {strides = array<i32>} : memref<32x128xf32, #tpu.memory_space<vmem>>, vector<16xf32>,
        tpu.vector_store %arg10[%swap3A_826, %swap3A_827], %gather3A_824 {strides = array<i32>} : memref<32x128xf32, #tpu.memory_space<vmem>>, vector<16xf32>,
        %swap3A_829 = arith.index_cast %scan3A_786 : i32 to index
        %swap3A_830 = arith.constant 32 : index
        %swap3A_831 = tpu.vector_load %arg11[%swap3A_829, %swap3A_830] {strides = array<i32>} : memref<32x128xf32, #tpu.memory_space<vmem>>, vector<16xf32>,
        tpu.vector_store %arg11[%swap3A_829, %swap3A_830], %gather3A_825 {strides = array<i32>} : memref<32x128xf32, #tpu.memory_space<vmem>>, vector<16xf32>,
        %add3A_832 = vector.broadcast %scan3A_786 : i32 to vector<16xi32>
        %add3A_833 = arith.addi %and3A_372, %add3A_832 : vector<16xi32>
        %and3A_834 = arith.constant 63 : i32
        %and3A_835 = vector.broadcast %and3A_834 : i32 to vector<16xi32>
        %and3A_836 = arith.andi %add3A_833, %and3A_835 : vector<16xi32>
        %xor3A_837 = arith.constant 32 : i32
        %xor3A_838 = vector.broadcast %xor3A_837 : i32 to vector<16xi32>
        %xor3A_839 = arith.xori %and3A_836, %xor3A_838 : vector<16xi32>
        %gather3A_840 = tpu.vector_load_idx %arg8[%add3A_14, %and3A_836] : memref<128x64xf32, #tpu.memory_space<vmem>>[vector<16xi32>, vector<16xi32>], vector<16xf32>,
        %gather3A_841 = tpu.vector_load_idx %arg8[%add3A_14, %xor3A_839] : memref<128x64xf32, #tpu.memory_space<vmem>>[vector<16xi32>, vector<16xi32>], vector<16xf32>,
        %swap3A_842 = arith.index_cast %scan3A_786 : i32 to index
        %swap3A_843 = arith.constant 48 : index
        %swap3A_844 = tpu.vector_load %arg10[%swap3A_842, %swap3A_843] {strides = array<i32>} : memref<32x128xf32, #tpu.memory_space<vmem>>, vector<16xf32>,
        tpu.vector_store %arg10[%swap3A_842, %swap3A_843], %gather3A_840 {strides = array<i32>} : memref<32x128xf32, #tpu.memory_space<vmem>>, vector<16xf32>,
        %swap3A_845 = arith.index_cast %scan3A_786 : i32 to index
        %swap3A_846 = arith.constant 48 : index
        %swap3A_847 = tpu.vector_load %arg11[%swap3A_845, %swap3A_846] {strides = array<i32>} : memref<32x128xf32, #tpu.memory_space<vmem>>, vector<16xf32>,
        tpu.vector_store %arg11[%swap3A_845, %swap3A_846], %gather3A_841 {strides = array<i32>} : memref<32x128xf32, #tpu.memory_space<vmem>>, vector<16xf32>,
        %add3A_848 = vector.broadcast %scan3A_786 : i32 to vector<16xi32>
        %add3A_849 = arith.addi %and3A_377, %add3A_848 : vector<16xi32>
        %and3A_850 = arith.constant 63 : i32
        %and3A_851 = vector.broadcast %and3A_850 : i32 to vector<16xi32>
        %and3A_852 = arith.andi %add3A_849, %and3A_851 : vector<16xi32>
        %xor3A_853 = arith.constant 32 : i32
        %xor3A_854 = vector.broadcast %xor3A_853 : i32 to vector<16xi32>
        %xor3A_855 = arith.xori %and3A_852, %xor3A_854 : vector<16xi32>
        %gather3A_856 = tpu.vector_load_idx %arg8[%add3A_17, %and3A_852] : memref<128x64xf32, #tpu.memory_space<vmem>>[vector<16xi32>, vector<16xi32>], vector<16xf32>,
        %gather3A_857 = tpu.vector_load_idx %arg8[%add3A_17, %xor3A_855] : memref<128x64xf32, #tpu.memory_space<vmem>>[vector<16xi32>, vector<16xi32>], vector<16xf32>,
        %swap3A_858 = arith.index_cast %scan3A_786 : i32 to index
        %swap3A_859 = arith.constant 64 : index
        %swap3A_860 = tpu.vector_load %arg10[%swap3A_858, %swap3A_859] {strides = array<i32>} : memref<32x128xf32, #tpu.memory_space<vmem>>, vector<16xf32>,
        tpu.vector_store %arg10[%swap3A_858, %swap3A_859], %gather3A_856 {strides = array<i32>} : memref<32x128xf32, #tpu.memory_space<vmem>>, vector<16xf32>,
        %swap3A_861 = arith.index_cast %scan3A_786 : i32 to index
        %swap3A_862 = arith.constant 64 : index
        %swap3A_863 = tpu.vector_load %arg11[%swap3A_861, %swap3A_862] {strides = array<i32>} : memref<32x128xf32, #tpu.memory_space<vmem>>, vector<16xf32>,
        tpu.vector_store %arg11[%swap3A_861, %swap3A_862], %gather3A_857 {strides = array<i32>} : memref<32x128xf32, #tpu.memory_space<vmem>>, vector<16xf32>,
        %add3A_864 = vector.broadcast %scan3A_786 : i32 to vector<16xi32>
        %add3A_865 = arith.addi %and3A_382, %add3A_864 : vector<16xi32>
        %and3A_866 = arith.constant 63 : i32
        %and3A_867 = vector.broadcast %and3A_866 : i32 to vector<16xi32>
        %and3A_868 = arith.andi %add3A_865, %and3A_867 : vector<16xi32>
        %xor3A_869 = arith.constant 32 : i32
        %xor3A_870 = vector.broadcast %xor3A_869 : i32 to vector<16xi32>
        %xor3A_871 = arith.xori %and3A_868, %xor3A_870 : vector<16xi32>
        %gather3A_872 = tpu.vector_load_idx %arg8[%add3A_20, %and3A_868] : memref<128x64xf32, #tpu.memory_space<vmem>>[vector<16xi32>, vector<16xi32>], vector<16xf32>,
        %gather3A_873 = tpu.vector_load_idx %arg8[%add3A_20, %xor3A_871] : memref<128x64xf32, #tpu.memory_space<vmem>>[vector<16xi32>, vector<16xi32>], vector<16xf32>,
        %swap3A_874 = arith.index_cast %scan3A_786 : i32 to index
        %swap3A_875 = arith.constant 80 : index
        %swap3A_876 = tpu.vector_load %arg10[%swap3A_874, %swap3A_875] {strides = array<i32>} : memref<32x128xf32, #tpu.memory_space<vmem>>, vector<16xf32>,
        tpu.vector_store %arg10[%swap3A_874, %swap3A_875], %gather3A_872 {strides = array<i32>} : memref<32x128xf32, #tpu.memory_space<vmem>>, vector<16xf32>,
        %swap3A_877 = arith.index_cast %scan3A_786 : i32 to index
        %swap3A_878 = arith.constant 80 : index
        %swap3A_879 = tpu.vector_load %arg11[%swap3A_877, %swap3A_878] {strides = array<i32>} : memref<32x128xf32, #tpu.memory_space<vmem>>, vector<16xf32>,
        tpu.vector_store %arg11[%swap3A_877, %swap3A_878], %gather3A_873 {strides = array<i32>} : memref<32x128xf32, #tpu.memory_space<vmem>>, vector<16xf32>,
        %add3A_880 = vector.broadcast %scan3A_786 : i32 to vector<16xi32>
        %add3A_881 = arith.addi %and3A_387, %add3A_880 : vector<16xi32>
        %and3A_882 = arith.constant 63 : i32
        %and3A_883 = vector.broadcast %and3A_882 : i32 to vector<16xi32>
        %and3A_884 = arith.andi %add3A_881, %and3A_883 : vector<16xi32>
        %xor3A_885 = arith.constant 32 : i32
        %xor3A_886 = vector.broadcast %xor3A_885 : i32 to vector<16xi32>
        %xor3A_887 = arith.xori %and3A_884, %xor3A_886 : vector<16xi32>
        %gather3A_888 = tpu.vector_load_idx %arg8[%add3A_23, %and3A_884] : memref<128x64xf32, #tpu.memory_space<vmem>>[vector<16xi32>, vector<16xi32>], vector<16xf32>,
        %gather3A_889 = tpu.vector_load_idx %arg8[%add3A_23, %xor3A_887] : memref<128x64xf32, #tpu.memory_space<vmem>>[vector<16xi32>, vector<16xi32>], vector<16xf32>,
        %swap3A_890 = arith.index_cast %scan3A_786 : i32 to index
        %swap3A_891 = arith.constant 96 : index
        %swap3A_892 = tpu.vector_load %arg10[%swap3A_890, %swap3A_891] {strides = array<i32>} : memref<32x128xf32, #tpu.memory_space<vmem>>, vector<16xf32>,
        tpu.vector_store %arg10[%swap3A_890, %swap3A_891], %gather3A_888 {strides = array<i32>} : memref<32x128xf32, #tpu.memory_space<vmem>>, vector<16xf32>,
        %swap3A_893 = arith.index_cast %scan3A_786 : i32 to index
        %swap3A_894 = arith.constant 96 : index
        %swap3A_895 = tpu.vector_load %arg11[%swap3A_893, %swap3A_894] {strides = array<i32>} : memref<32x128xf32, #tpu.memory_space<vmem>>, vector<16xf32>,
        tpu.vector_store %arg11[%swap3A_893, %swap3A_894], %gather3A_889 {strides = array<i32>} : memref<32x128xf32, #tpu.memory_space<vmem>>, vector<16xf32>,
        %add3A_896 = vector.broadcast %scan3A_786 : i32 to vector<16xi32>
        %add3A_897 = arith.addi %and3A_392, %add3A_896 : vector<16xi32>
        %and3A_898 = arith.constant 63 : i32
        %and3A_899 = vector.broadcast %and3A_898 : i32 to vector<16xi32>
        %and3A_900 = arith.andi %add3A_897, %and3A_899 : vector<16xi32>
        %xor3A_901 = arith.constant 32 : i32
        %xor3A_902 = vector.broadcast %xor3A_901 : i32 to vector<16xi32>
        %xor3A_903 = arith.xori %and3A_900, %xor3A_902 : vector<16xi32>
        %gather3A_904 = tpu.vector_load_idx %arg8[%add3A_26, %and3A_900] : memref<128x64xf32, #tpu.memory_space<vmem>>[vector<16xi32>, vector<16xi32>], vector<16xf32>,
        %gather3A_905 = tpu.vector_load_idx %arg8[%add3A_26, %xor3A_903] : memref<128x64xf32, #tpu.memory_space<vmem>>[vector<16xi32>, vector<16xi32>], vector<16xf32>,
        %swap3A_906 = arith.index_cast %scan3A_786 : i32 to index
        %swap3A_907 = arith.constant 112 : index
        %swap3A_908 = tpu.vector_load %arg10[%swap3A_906, %swap3A_907] {strides = array<i32>} : memref<32x128xf32, #tpu.memory_space<vmem>>, vector<16xf32>,
        tpu.vector_store %arg10[%swap3A_906, %swap3A_907], %gather3A_904 {strides = array<i32>} : memref<32x128xf32, #tpu.memory_space<vmem>>, vector<16xf32>,
        %swap3A_909 = arith.index_cast %scan3A_786 : i32 to index
        %swap3A_910 = arith.constant 112 : index
        %swap3A_911 = tpu.vector_load %arg11[%swap3A_909, %swap3A_910] {strides = array<i32>} : memref<32x128xf32, #tpu.memory_space<vmem>>, vector<16xf32>,
        tpu.vector_store %arg11[%swap3A_909, %swap3A_910], %gather3A_905 {strides = array<i32>} : memref<32x128xf32, #tpu.memory_space<vmem>>, vector<16xf32>,
      }
      %scan3A_398 = arith.constant 32 : i32
      %add3A_399 = arith.addi %mul3A_2, %mul3A_341 : i32
      %jit3A_400 = arith.constant 32 : i32
      %div3A_401 = arith.divsi %add3A_399, %jit3A_400 : i32
      %sign3A_402 = arith.constant 0 : i32
      %sign3A_403 = arith.cmpi sgt, %add3A_399, %sign3A_402 : i32
      %sign3A_404 = arith.extui %sign3A_403 : i1 to i32
      %sign3A_405 = arith.constant 0 : i32
      %sign3A_406 = arith.cmpi slt, %add3A_399, %sign3A_405 : i32
      %sign3A_407 = arith.extui %sign3A_406 : i1 to i32
      %sign3A_408 = arith.subi %sign3A_404, %sign3A_407 : i32
      %sign3A_409 = arith.constant 0 : i32
      %sign3A_410 = arith.cmpi sgt, %jit3A_400, %sign3A_409 : i32
      %sign3A_411 = arith.extui %sign3A_410 : i1 to i32
      %sign3A_412 = arith.constant 0 : i32
      %sign3A_413 = arith.cmpi slt, %jit3A_400, %sign3A_412 : i32
      %sign3A_414 = arith.extui %sign3A_413 : i1 to i32
      %sign3A_415 = arith.subi %sign3A_411, %sign3A_414 : i32
      %ne3A_416 = arith.cmpi ne, %sign3A_408, %sign3A_415 : i32
      %rem3A_417 = arith.remsi %add3A_399, %jit3A_400 : i32
      %ne3A_418 = arith.constant 0 : i32
      %ne3A_419 = arith.cmpi ne, %rem3A_417, %ne3A_418 : i32
      %and3A_420 = arith.andi %ne3A_416, %ne3A_419 : i1
      %sub3A_421 = arith.constant 1 : i32
      %sub3A_422 = arith.subi %div3A_401, %sub3A_421 : i32
      %select_n3A_423 = arith.select %and3A_420, %sub3A_422, %div3A_401 : i32
      %jit3A_424 = arith.constant 32 : i32
      %eq3A_425 = arith.constant 0 : i32
      %eq3A_426 = arith.cmpi eq, %jit3A_424, %eq3A_425 : i32
      %jit3A_427 = arith.constant 1 : i32
      %select_n3A_428 = arith.select %eq3A_426, %jit3A_427, %jit3A_424 : i32
      %rem3A_429 = arith.remsi %add3A_399, %select_n3A_428 : i32
      %ne3A_430 = arith.constant 0 : i32
      %ne3A_431 = arith.cmpi ne, %rem3A_429, %ne3A_430 : i32
      %lt3A_432 = arith.constant 0 : i32
      %lt3A_433 = arith.cmpi slt, %rem3A_429, %lt3A_432 : i32
      %lt3A_434 = arith.constant 0 : i32
      %lt3A_435 = arith.cmpi slt, %select_n3A_428, %lt3A_434 : i32
      %ne3A_436 = arith.xori %lt3A_433, %lt3A_435 : i1
      %and3A_437 = arith.andi %ne3A_436, %ne3A_431 : i1
      %add3A_438 = arith.addi %rem3A_429, %select_n3A_428 : i32
      %select_n3A_439 = arith.select %and3A_437, %add3A_438, %rem3A_429 : i32
      %dma_start3A_440 = arith.constant 0 : i32
      %dma_start3A_441 = arith.constant 0 : i32
      %dma_start3A_442 = arith.constant 0 : i32
      %dma_start3A_443 = tpu.memref_slice %arg10[%dma_start3A_441, %dma_start3A_442] : memref<32x128xf32, #tpu.memory_space<vmem>> -> memref<8x128xf32, #tpu.memory_space<vmem>>
      %dma_start3A_444 = arith.constant 0 : i32
      %dma_start3A_445 = arith.constant 0 : i32
      %dma_start3A_446 = tpu.memref_slice %arg4[%select_n3A_423, %dma_start3A_440, %select_n3A_439, %dma_start3A_444, %dma_start3A_445] : memref<50x4x32x8x128xf32, #tpu.memory_space<hbm>> -> memref<1x1x1x8x128xf32, #tpu.memory_space<hbm>>
      %dma_start3A_447 = tpu.memref_squeeze %dma_start3A_446 : memref<1x1x1x8x128xf32, #tpu.memory_space<hbm>> -> memref<8x128xf32, #tpu.memory_space<hbm>>
      %dma_start3A_448 = arith.constant 0 : i32
      %dma_start3A_449 = arith.constant 0 : i32
      %dma_start3A_450 = tpu.memref_slice %arg4[%select_n3A_423, %dma_start3A_440, %select_n3A_439, %dma_start3A_448, %dma_start3A_449] : memref<50x4x32x8x128xf32, #tpu.memory_space<hbm>> -> memref<1x1x1x8x128xf32, #tpu.memory_space<hbm>>
      %dma_start3A_451 = tpu.memref_squeeze %dma_start3A_450 : memref<1x1x1x8x128xf32, #tpu.memory_space<hbm>> -> memref<8x128xf32, #tpu.memory_space<hbm>>
      %dma_start3A_452 = arith.constant 0 : i32
      %dma_start3A_453 = arith.constant 0 : i32
      %dma_start3A_454 = tpu.memref_slice %arg10[%dma_start3A_452, %dma_start3A_453] : memref<32x128xf32, #tpu.memory_space<vmem>> -> memref<8x128xf32, #tpu.memory_space<vmem>>
      tpu.enqueue_dma source(%dma_start3A_454 : memref<8x128xf32, #tpu.memory_space<vmem>>) target(%dma_start3A_451 : memref<8x128xf32, #tpu.memory_space<hbm>>) target_semaphore(%arg15 : memref<!tpu.dma_semaphore, #tpu.memory_space<semaphore_mem>>)
      %dma_start3A_455 = arith.constant 0 : i32
      %dma_start3A_456 = arith.constant 0 : i32
      %dma_start3A_457 = arith.constant 0 : i32
      %dma_start3A_458 = tpu.memref_slice %arg11[%dma_start3A_456, %dma_start3A_457] : memref<32x128xf32, #tpu.memory_space<vmem>> -> memref<8x128xf32, #tpu.memory_space<vmem>>
      %dma_start3A_459 = arith.constant 0 : i32
      %dma_start3A_460 = arith.constant 0 : i32
      %dma_start3A_461 = tpu.memref_slice %arg5[%select_n3A_423, %dma_start3A_455, %select_n3A_439, %dma_start3A_459, %dma_start3A_460] : memref<50x4x32x8x128xf32, #tpu.memory_space<hbm>> -> memref<1x1x1x8x128xf32, #tpu.memory_space<hbm>>
      %dma_start3A_462 = tpu.memref_squeeze %dma_start3A_461 : memref<1x1x1x8x128xf32, #tpu.memory_space<hbm>> -> memref<8x128xf32, #tpu.memory_space<hbm>>
      %dma_start3A_463 = arith.constant 0 : i32
      %dma_start3A_464 = arith.constant 0 : i32
      %dma_start3A_465 = tpu.memref_slice %arg5[%select_n3A_423, %dma_start3A_455, %select_n3A_439, %dma_start3A_463, %dma_start3A_464] : memref<50x4x32x8x128xf32, #tpu.memory_space<hbm>> -> memref<1x1x1x8x128xf32, #tpu.memory_space<hbm>>
      %dma_start3A_466 = tpu.memref_squeeze %dma_start3A_465 : memref<1x1x1x8x128xf32, #tpu.memory_space<hbm>> -> memref<8x128xf32, #tpu.memory_space<hbm>>
      %dma_start3A_467 = arith.constant 0 : i32
      %dma_start3A_468 = arith.constant 0 : i32
      %dma_start3A_469 = tpu.memref_slice %arg11[%dma_start3A_467, %dma_start3A_468] : memref<32x128xf32, #tpu.memory_space<vmem>> -> memref<8x128xf32, #tpu.memory_space<vmem>>
      tpu.enqueue_dma source(%dma_start3A_469 : memref<8x128xf32, #tpu.memory_space<vmem>>) target(%dma_start3A_466 : memref<8x128xf32, #tpu.memory_space<hbm>>) target_semaphore(%arg15 : memref<!tpu.dma_semaphore, #tpu.memory_space<semaphore_mem>>)
      %dma_start3A_470 = arith.constant 1 : i32
      %dma_start3A_471 = arith.constant 8 : i32
      %dma_start3A_472 = arith.constant 0 : i32
      %dma_start3A_473 = tpu.memref_slice %arg10[%dma_start3A_471, %dma_start3A_472] : memref<32x128xf32, #tpu.memory_space<vmem>> -> memref<8x128xf32, #tpu.memory_space<vmem>>
      %dma_start3A_474 = arith.constant 0 : i32
      %dma_start3A_475 = arith.constant 0 : i32
      %dma_start3A_476 = tpu.memref_slice %arg4[%select_n3A_423, %dma_start3A_470, %select_n3A_439, %dma_start3A_474, %dma_start3A_475] : memref<50x4x32x8x128xf32, #tpu.memory_space<hbm>> -> memref<1x1x1x8x128xf32, #tpu.memory_space<hbm>>
      %dma_start3A_477 = tpu.memref_squeeze %dma_start3A_476 : memref<1x1x1x8x128xf32, #tpu.memory_space<hbm>> -> memref<8x128xf32, #tpu.memory_space<hbm>>
      %dma_start3A_478 = arith.constant 0 : i32
      %dma_start3A_479 = arith.constant 0 : i32
      %dma_start3A_480 = tpu.memref_slice %arg4[%select_n3A_423, %dma_start3A_470, %select_n3A_439, %dma_start3A_478, %dma_start3A_479] : memref<50x4x32x8x128xf32, #tpu.memory_space<hbm>> -> memref<1x1x1x8x128xf32, #tpu.memory_space<hbm>>
      %dma_start3A_481 = tpu.memref_squeeze %dma_start3A_480 : memref<1x1x1x8x128xf32, #tpu.memory_space<hbm>> -> memref<8x128xf32, #tpu.memory_space<hbm>>
      %dma_start3A_482 = arith.constant 8 : i32
      %dma_start3A_483 = arith.constant 0 : i32
      %dma_start3A_484 = tpu.memref_slice %arg10[%dma_start3A_482, %dma_start3A_483] : memref<32x128xf32, #tpu.memory_space<vmem>> -> memref<8x128xf32, #tpu.memory_space<vmem>>
      tpu.enqueue_dma source(%dma_start3A_484 : memref<8x128xf32, #tpu.memory_space<vmem>>) target(%dma_start3A_481 : memref<8x128xf32, #tpu.memory_space<hbm>>) target_semaphore(%arg15 : memref<!tpu.dma_semaphore, #tpu.memory_space<semaphore_mem>>)
      %dma_start3A_485 = arith.constant 1 : i32
      %dma_start3A_486 = arith.constant 8 : i32
      %dma_start3A_487 = arith.constant 0 : i32
      %dma_start3A_488 = tpu.memref_slice %arg11[%dma_start3A_486, %dma_start3A_487] : memref<32x128xf32, #tpu.memory_space<vmem>> -> memref<8x128xf32, #tpu.memory_space<vmem>>
      %dma_start3A_489 = arith.constant 0 : i32
      %dma_start3A_490 = arith.constant 0 : i32
      %dma_start3A_491 = tpu.memref_slice %arg5[%select_n3A_423, %dma_start3A_485, %select_n3A_439, %dma_start3A_489, %dma_start3A_490] : memref<50x4x32x8x128xf32, #tpu.memory_space<hbm>> -> memref<1x1x1x8x128xf32, #tpu.memory_space<hbm>>
      %dma_start3A_492 = tpu.memref_squeeze %dma_start3A_491 : memref<1x1x1x8x128xf32, #tpu.memory_space<hbm>> -> memref<8x128xf32, #tpu.memory_space<hbm>>
      %dma_start3A_493 = arith.constant 0 : i32
      %dma_start3A_494 = arith.constant 0 : i32
      %dma_start3A_495 = tpu.memref_slice %arg5[%select_n3A_423, %dma_start3A_485, %select_n3A_439, %dma_start3A_493, %dma_start3A_494] : memref<50x4x32x8x128xf32, #tpu.memory_space<hbm>> -> memref<1x1x1x8x128xf32, #tpu.memory_space<hbm>>
      %dma_start3A_496 = tpu.memref_squeeze %dma_start3A_495 : memref<1x1x1x8x128xf32, #tpu.memory_space<hbm>> -> memref<8x128xf32, #tpu.memory_space<hbm>>
      %dma_start3A_497 = arith.constant 8 : i32
      %dma_start3A_498 = arith.constant 0 : i32
      %dma_start3A_499 = tpu.memref_slice %arg11[%dma_start3A_497, %dma_start3A_498] : memref<32x128xf32, #tpu.memory_space<vmem>> -> memref<8x128xf32, #tpu.memory_space<vmem>>
      tpu.enqueue_dma source(%dma_start3A_499 : memref<8x128xf32, #tpu.memory_space<vmem>>) target(%dma_start3A_496 : memref<8x128xf32, #tpu.memory_space<hbm>>) target_semaphore(%arg15 : memref<!tpu.dma_semaphore, #tpu.memory_space<semaphore_mem>>)
      %dma_start3A_500 = arith.constant 2 : i32
      %dma_start3A_501 = arith.constant 16 : i32
      %dma_start3A_502 = arith.constant 0 : i32
      %dma_start3A_503 = tpu.memref_slice %arg10[%dma_start3A_501, %dma_start3A_502] : memref<32x128xf32, #tpu.memory_space<vmem>> -> memref<8x128xf32, #tpu.memory_space<vmem>>
      %dma_start3A_504 = arith.constant 0 : i32
      %dma_start3A_505 = arith.constant 0 : i32
      %dma_start3A_506 = tpu.memref_slice %arg4[%select_n3A_423, %dma_start3A_500, %select_n3A_439, %dma_start3A_504, %dma_start3A_505] : memref<50x4x32x8x128xf32, #tpu.memory_space<hbm>> -> memref<1x1x1x8x128xf32, #tpu.memory_space<hbm>>
      %dma_start3A_507 = tpu.memref_squeeze %dma_start3A_506 : memref<1x1x1x8x128xf32, #tpu.memory_space<hbm>> -> memref<8x128xf32, #tpu.memory_space<hbm>>
      %dma_start3A_508 = arith.constant 0 : i32
      %dma_start3A_509 = arith.constant 0 : i32
      %dma_start3A_510 = tpu.memref_slice %arg4[%select_n3A_423, %dma_start3A_500, %select_n3A_439, %dma_start3A_508, %dma_start3A_509] : memref<50x4x32x8x128xf32, #tpu.memory_space<hbm>> -> memref<1x1x1x8x128xf32, #tpu.memory_space<hbm>>
      %dma_start3A_511 = tpu.memref_squeeze %dma_start3A_510 : memref<1x1x1x8x128xf32, #tpu.memory_space<hbm>> -> memref<8x128xf32, #tpu.memory_space<hbm>>
      %dma_start3A_512 = arith.constant 16 : i32
      %dma_start3A_513 = arith.constant 0 : i32
      %dma_start3A_514 = tpu.memref_slice %arg10[%dma_start3A_512, %dma_start3A_513] : memref<32x128xf32, #tpu.memory_space<vmem>> -> memref<8x128xf32, #tpu.memory_space<vmem>>
      tpu.enqueue_dma source(%dma_start3A_514 : memref<8x128xf32, #tpu.memory_space<vmem>>) target(%dma_start3A_511 : memref<8x128xf32, #tpu.memory_space<hbm>>) target_semaphore(%arg15 : memref<!tpu.dma_semaphore, #tpu.memory_space<semaphore_mem>>)
      %dma_start3A_515 = arith.constant 2 : i32
      %dma_start3A_516 = arith.constant 16 : i32
      %dma_start3A_517 = arith.constant 0 : i32
      %dma_start3A_518 = tpu.memref_slice %arg11[%dma_start3A_516, %dma_start3A_517] : memref<32x128xf32, #tpu.memory_space<vmem>> -> memref<8x128xf32, #tpu.memory_space<vmem>>
      %dma_start3A_519 = arith.constant 0 : i32
      %dma_start3A_520 = arith.constant 0 : i32
      %dma_start3A_521 = tpu.memref_slice %arg5[%select_n3A_423, %dma_start3A_515, %select_n3A_439, %dma_start3A_519, %dma_start3A_520] : memref<50x4x32x8x128xf32, #tpu.memory_space<hbm>> -> memref<1x1x1x8x128xf32, #tpu.memory_space<hbm>>
      %dma_start3A_522 = tpu.memref_squeeze %dma_start3A_521 : memref<1x1x1x8x128xf32, #tpu.memory_space<hbm>> -> memref<8x128xf32, #tpu.memory_space<hbm>>
      %dma_start3A_523 = arith.constant 0 : i32
      %dma_start3A_524 = arith.constant 0 : i32
      %dma_start3A_525 = tpu.memref_slice %arg5[%select_n3A_423, %dma_start3A_515, %select_n3A_439, %dma_start3A_523, %dma_start3A_524] : memref<50x4x32x8x128xf32, #tpu.memory_space<hbm>> -> memref<1x1x1x8x128xf32, #tpu.memory_space<hbm>>
      %dma_start3A_526 = tpu.memref_squeeze %dma_start3A_525 : memref<1x1x1x8x128xf32, #tpu.memory_space<hbm>> -> memref<8x128xf32, #tpu.memory_space<hbm>>
      %dma_start3A_527 = arith.constant 16 : i32
      %dma_start3A_528 = arith.constant 0 : i32
      %dma_start3A_529 = tpu.memref_slice %arg11[%dma_start3A_527, %dma_start3A_528] : memref<32x128xf32, #tpu.memory_space<vmem>> -> memref<8x128xf32, #tpu.memory_space<vmem>>
      tpu.enqueue_dma source(%dma_start3A_529 : memref<8x128xf32, #tpu.memory_space<vmem>>) target(%dma_start3A_526 : memref<8x128xf32, #tpu.memory_space<hbm>>) target_semaphore(%arg15 : memref<!tpu.dma_semaphore, #tpu.memory_space<semaphore_mem>>)
      %dma_start3A_530 = arith.constant 3 : i32
      %dma_start3A_531 = arith.constant 24 : i32
      %dma_start3A_532 = arith.constant 0 : i32
      %dma_start3A_533 = tpu.memref_slice %arg10[%dma_start3A_531, %dma_start3A_532] : memref<32x128xf32, #tpu.memory_space<vmem>> -> memref<8x128xf32, #tpu.memory_space<vmem>>
      %dma_start3A_534 = arith.constant 0 : i32
      %dma_start3A_535 = arith.constant 0 : i32
      %dma_start3A_536 = tpu.memref_slice %arg4[%select_n3A_423, %dma_start3A_530, %select_n3A_439, %dma_start3A_534, %dma_start3A_535] : memref<50x4x32x8x128xf32, #tpu.memory_space<hbm>> -> memref<1x1x1x8x128xf32, #tpu.memory_space<hbm>>
      %dma_start3A_537 = tpu.memref_squeeze %dma_start3A_536 : memref<1x1x1x8x128xf32, #tpu.memory_space<hbm>> -> memref<8x128xf32, #tpu.memory_space<hbm>>
      %dma_start3A_538 = arith.constant 0 : i32
      %dma_start3A_539 = arith.constant 0 : i32
      %dma_start3A_540 = tpu.memref_slice %arg4[%select_n3A_423, %dma_start3A_530, %select_n3A_439, %dma_start3A_538, %dma_start3A_539] : memref<50x4x32x8x128xf32, #tpu.memory_space<hbm>> -> memref<1x1x1x8x128xf32, #tpu.memory_space<hbm>>
      %dma_start3A_541 = tpu.memref_squeeze %dma_start3A_540 : memref<1x1x1x8x128xf32, #tpu.memory_space<hbm>> -> memref<8x128xf32, #tpu.memory_space<hbm>>
      %dma_start3A_542 = arith.constant 24 : i32
      %dma_start3A_543 = arith.constant 0 : i32
      %dma_start3A_544 = tpu.memref_slice %arg10[%dma_start3A_542, %dma_start3A_543] : memref<32x128xf32, #tpu.memory_space<vmem>> -> memref<8x128xf32, #tpu.memory_space<vmem>>
      tpu.enqueue_dma source(%dma_start3A_544 : memref<8x128xf32, #tpu.memory_space<vmem>>) target(%dma_start3A_541 : memref<8x128xf32, #tpu.memory_space<hbm>>) target_semaphore(%arg15 : memref<!tpu.dma_semaphore, #tpu.memory_space<semaphore_mem>>)
      %dma_start3A_545 = arith.constant 3 : i32
      %dma_start3A_546 = arith.constant 24 : i32
      %dma_start3A_547 = arith.constant 0 : i32
      %dma_start3A_548 = tpu.memref_slice %arg11[%dma_start3A_546, %dma_start3A_547] : memref<32x128xf32, #tpu.memory_space<vmem>> -> memref<8x128xf32, #tpu.memory_space<vmem>>
      %dma_start3A_549 = arith.constant 0 : i32
      %dma_start3A_550 = arith.constant 0 : i32
      %dma_start3A_551 = tpu.memref_slice %arg5[%select_n3A_423, %dma_start3A_545, %select_n3A_439, %dma_start3A_549, %dma_start3A_550] : memref<50x4x32x8x128xf32, #tpu.memory_space<hbm>> -> memref<1x1x1x8x128xf32, #tpu.memory_space<hbm>>
      %dma_start3A_552 = tpu.memref_squeeze %dma_start3A_551 : memref<1x1x1x8x128xf32, #tpu.memory_space<hbm>> -> memref<8x128xf32, #tpu.memory_space<hbm>>
      %dma_start3A_553 = arith.constant 0 : i32
      %dma_start3A_554 = arith.constant 0 : i32
      %dma_start3A_555 = tpu.memref_slice %arg5[%select_n3A_423, %dma_start3A_545, %select_n3A_439, %dma_start3A_553, %dma_start3A_554] : memref<50x4x32x8x128xf32, #tpu.memory_space<hbm>> -> memref<1x1x1x8x128xf32, #tpu.memory_space<hbm>>
      %dma_start3A_556 = tpu.memref_squeeze %dma_start3A_555 : memref<1x1x1x8x128xf32, #tpu.memory_space<hbm>> -> memref<8x128xf32, #tpu.memory_space<hbm>>
      %dma_start3A_557 = arith.constant 24 : i32
      %dma_start3A_558 = arith.constant 0 : i32
      %dma_start3A_559 = tpu.memref_slice %arg11[%dma_start3A_557, %dma_start3A_558] : memref<32x128xf32, #tpu.memory_space<vmem>> -> memref<8x128xf32, #tpu.memory_space<vmem>>
      tpu.enqueue_dma source(%dma_start3A_559 : memref<8x128xf32, #tpu.memory_space<vmem>>) target(%dma_start3A_556 : memref<8x128xf32, #tpu.memory_space<hbm>>) target_semaphore(%arg15 : memref<!tpu.dma_semaphore, #tpu.memory_space<semaphore_mem>>)
      %mul3A_560 = arith.constant 2 : i32
      %mul3A_561 = arith.muli %mul3A_560, %scan3A_339 : i32
      %add3A_562 = arith.constant 1 : i32
      %add3A_563 = arith.addi %mul3A_561, %add3A_562 : i32
      %add3A_564 = arith.constant 1 : i32
      %add3A_565 = arith.addi %add3A_563, %add3A_564 : i32
      %lt3A_566 = arith.constant 50 : i32
      %lt3A_567 = arith.cmpi slt, %add3A_565, %lt3A_566 : i32
      %convert_element_type3A_568 = arith.extui %lt3A_567 : i1 to i32
      %cond3A_569 = arith.constant 0 : i32
      %cond3A_570 = arith.cmpi ne, %convert_element_type3A_568, %cond3A_569 : i32
      scf.if %cond3A_570 {
        %add3A_786 = arith.constant 1 : i32
        %add3A_787 = arith.addi %add3A_563, %add3A_786 : i32
        %add3A_788 = arith.addi %mul3A_2, %add3A_787 : i32
        %jit3A_789 = arith.constant 32 : i32
        %div3A_790 = arith.divsi %add3A_788, %jit3A_789 : i32
        %sign3A_791 = arith.constant 0 : i32
        %sign3A_792 = arith.cmpi sgt, %add3A_788, %sign3A_791 : i32
        %sign3A_793 = arith.extui %sign3A_792 : i1 to i32
        %sign3A_794 = arith.constant 0 : i32
        %sign3A_795 = arith.cmpi slt, %add3A_788, %sign3A_794 : i32
        %sign3A_796 = arith.extui %sign3A_795 : i1 to i32
        %sign3A_797 = arith.subi %sign3A_793, %sign3A_796 : i32
        %sign3A_798 = arith.constant 0 : i32
        %sign3A_799 = arith.cmpi sgt, %jit3A_789, %sign3A_798 : i32
        %sign3A_800 = arith.extui %sign3A_799 : i1 to i32
        %sign3A_801 = arith.constant 0 : i32
        %sign3A_802 = arith.cmpi slt, %jit3A_789, %sign3A_801 : i32
        %sign3A_803 = arith.extui %sign3A_802 : i1 to i32
        %sign3A_804 = arith.subi %sign3A_800, %sign3A_803 : i32
        %ne3A_805 = arith.cmpi ne, %sign3A_797, %sign3A_804 : i32
        %rem3A_806 = arith.remsi %add3A_788, %jit3A_789 : i32
        %ne3A_807 = arith.constant 0 : i32
        %ne3A_808 = arith.cmpi ne, %rem3A_806, %ne3A_807 : i32
        %and3A_809 = arith.andi %ne3A_805, %ne3A_808 : i1
        %sub3A_810 = arith.constant 1 : i32
        %sub3A_811 = arith.subi %div3A_790, %sub3A_810 : i32
        %select_n3A_812 = arith.select %and3A_809, %sub3A_811, %div3A_790 : i32
        %jit3A_813 = arith.constant 32 : i32
        %eq3A_814 = arith.constant 0 : i32
        %eq3A_815 = arith.cmpi eq, %jit3A_813, %eq3A_814 : i32
        %jit3A_816 = arith.constant 1 : i32
        %select_n3A_817 = arith.select %eq3A_815, %jit3A_816, %jit3A_813 : i32
        %rem3A_818 = arith.remsi %add3A_788, %select_n3A_817 : i32
        %ne3A_819 = arith.constant 0 : i32
        %ne3A_820 = arith.cmpi ne, %rem3A_818, %ne3A_819 : i32
        %lt3A_821 = arith.constant 0 : i32
        %lt3A_822 = arith.cmpi slt, %rem3A_818, %lt3A_821 : i32
        %lt3A_823 = arith.constant 0 : i32
        %lt3A_824 = arith.cmpi slt, %select_n3A_817, %lt3A_823 : i32
        %ne3A_825 = arith.xori %lt3A_822, %lt3A_824 : i1
        %and3A_826 = arith.andi %ne3A_825, %ne3A_820 : i1
        %add3A_827 = arith.addi %rem3A_818, %select_n3A_817 : i32
        %select_n3A_828 = arith.select %and3A_826, %add3A_827, %rem3A_818 : i32
        %mul3A_829 = arith.constant 128 : i32
        %mul3A_830 = arith.muli %select_n3A_828, %mul3A_829 : i32
        "tpu.region"() ({
          %run_scoped3A = tpu.sem_alloc : memref<!tpu.dma_semaphore, #tpu.memory_space<semaphore_mem>>
          %dma_start3A_834 = tpu.memref_slice %arg2[%select_n3A_812, %mul3A_830] : memref<50x4096xi32, #tpu.memory_space<hbm>> -> memref<1x128xi32, #tpu.memory_space<hbm>>
          %dma_start3A_835 = tpu.memref_squeeze %dma_start3A_834 : memref<1x128xi32, #tpu.memory_space<hbm>> -> memref<128xi32, #tpu.memory_space<hbm>>
          %dma_start3A_836 = tpu.memref_slice %arg2[%select_n3A_812, %mul3A_830] : memref<50x4096xi32, #tpu.memory_space<hbm>> -> memref<1x128xi32, #tpu.memory_space<hbm>>
          %dma_start3A_837 = tpu.memref_squeeze %dma_start3A_836 : memref<1x128xi32, #tpu.memory_space<hbm>> -> memref<128xi32, #tpu.memory_space<hbm>>
          tpu.enqueue_dma source(%dma_start3A_837 : memref<128xi32, #tpu.memory_space<hbm>>) target(%arg6 : memref<128xi32, #tpu.memory_space<vmem>>) target_semaphore(%run_scoped3A : memref<!tpu.dma_semaphore, #tpu.memory_space<semaphore_mem>>)
          %dma_wait3A_838 = tpu.memref_slice %arg2[%select_n3A_812, %mul3A_830] : memref<50x4096xi32, #tpu.memory_space<hbm>> -> memref<1x128xi32, #tpu.memory_space<hbm>>
          %dma_wait3A_839 = tpu.memref_squeeze %dma_wait3A_838 : memref<1x128xi32, #tpu.memory_space<hbm>> -> memref<128xi32, #tpu.memory_space<hbm>>
          %dma_wait3A_840 = tpu.memref_slice %arg2[%select_n3A_812, %mul3A_830] : memref<50x4096xi32, #tpu.memory_space<hbm>> -> memref<1x128xi32, #tpu.memory_space<hbm>>
          %dma_wait3A_841 = tpu.memref_squeeze %dma_wait3A_840 : memref<1x128xi32, #tpu.memory_space<hbm>> -> memref<128xi32, #tpu.memory_space<hbm>>
          tpu.wait_dma2 semaphore(%run_scoped3A : memref<!tpu.dma_semaphore, #tpu.memory_space<semaphore_mem>>) src(%dma_wait3A_841 : memref<128xi32, #tpu.memory_space<hbm>>) dst(%arg6 : memref<128xi32, #tpu.memory_space<vmem>>)
          tpu.yield
        }) : () -> ()
        %dma_start3A_831 = arith.constant 0 : i32
        %dma_start3A_832 = arith.constant 0 : i32
        %dma_start3A_833 = tpu.memref_slice %arg3[%dma_start3A_831, %dma_start3A_832] : memref<1000064x64xf32, #tpu.memory_space<hbm>> -> memref<1000064x64xf32, #tpu.memory_space<hbm>>
        tpu.enqueue_indirect_dma source(%dma_start3A_833 : memref<1000064x64xf32, #tpu.memory_space<hbm>>) target(%arg8 : memref<128x64xf32, #tpu.memory_space<vmem>>) offsets(%arg6 : memref<128xi32, #tpu.memory_space<vmem>>) semaphore(%arg14 : memref<!tpu.dma_semaphore, #tpu.memory_space<semaphore_mem>>)
      } else {
      }
      %dma_wait3A_571 = arith.constant 0 : i32
      %dma_wait3A_572 = arith.constant 0 : i32
      %dma_wait3A_573 = tpu.memref_slice %arg3[%dma_wait3A_571, %dma_wait3A_572] : memref<1000064x64xf32, #tpu.memory_space<hbm>> -> memref<1000064x64xf32, #tpu.memory_space<hbm>>
      tpu.wait_indirect_dma semaphore(%arg14 : memref<!tpu.dma_semaphore, #tpu.memory_space<semaphore_mem>>) src(%dma_wait3A_573 : memref<1000064x64xf32, #tpu.memory_space<hbm>>) dst(%arg9 : memref<128x64xf32, #tpu.memory_space<vmem>>)
      %ge3A_574 = arith.constant 2 : i32
      %ge3A_575 = arith.cmpi sge, %add3A_563, %ge3A_574 : i32
      %convert_element_type3A_576 = arith.extui %ge3A_575 : i1 to i32
      %cond3A_577 = arith.constant 0 : i32
      %cond3A_578 = arith.cmpi ne, %convert_element_type3A_576, %cond3A_577 : i32
      scf.if %cond3A_578 {
        %dma_wait3A_786 = arith.constant 0 : i32
        %dma_wait3A_787 = arith.constant 0 : i32
        %dma_wait3A_788 = arith.constant 0 : i32
        %dma_wait3A_789 = arith.constant 0 : i32
        %dma_wait3A_790 = arith.constant 0 : i32
        %dma_wait3A_791 = tpu.memref_slice %arg12[%dma_wait3A_789, %dma_wait3A_790] : memref<32x128xf32, #tpu.memory_space<vmem>> -> memref<8x128xf32, #tpu.memory_space<vmem>>
        %dma_wait3A_792 = arith.constant 0 : i32
        %dma_wait3A_793 = arith.constant 0 : i32
        %dma_wait3A_794 = tpu.memref_slice %arg4[%dma_wait3A_786, %dma_wait3A_787, %dma_wait3A_788, %dma_wait3A_792, %dma_wait3A_793] : memref<50x4x32x8x128xf32, #tpu.memory_space<hbm>> -> memref<1x1x1x8x128xf32, #tpu.memory_space<hbm>>
        %dma_wait3A_795 = tpu.memref_squeeze %dma_wait3A_794 : memref<1x1x1x8x128xf32, #tpu.memory_space<hbm>> -> memref<8x128xf32, #tpu.memory_space<hbm>>
        %dma_wait3A_796 = arith.constant 0 : i32
        %dma_wait3A_797 = arith.constant 0 : i32
        %dma_wait3A_798 = tpu.memref_slice %arg4[%dma_wait3A_786, %dma_wait3A_787, %dma_wait3A_788, %dma_wait3A_796, %dma_wait3A_797] : memref<50x4x32x8x128xf32, #tpu.memory_space<hbm>> -> memref<1x1x1x8x128xf32, #tpu.memory_space<hbm>>
        %dma_wait3A_799 = tpu.memref_squeeze %dma_wait3A_798 : memref<1x1x1x8x128xf32, #tpu.memory_space<hbm>> -> memref<8x128xf32, #tpu.memory_space<hbm>>
        %dma_wait3A_800 = arith.constant 0 : i32
        %dma_wait3A_801 = arith.constant 0 : i32
        %dma_wait3A_802 = tpu.memref_slice %arg12[%dma_wait3A_800, %dma_wait3A_801] : memref<32x128xf32, #tpu.memory_space<vmem>> -> memref<8x128xf32, #tpu.memory_space<vmem>>
        tpu.wait_dma2 semaphore(%arg15 : memref<!tpu.dma_semaphore, #tpu.memory_space<semaphore_mem>>) src(%dma_wait3A_802 : memref<8x128xf32, #tpu.memory_space<vmem>>) dst(%dma_wait3A_799 : memref<8x128xf32, #tpu.memory_space<hbm>>)
        %dma_wait3A_803 = arith.constant 0 : i32
        %dma_wait3A_804 = arith.constant 0 : i32
        %dma_wait3A_805 = arith.constant 0 : i32
        %dma_wait3A_806 = arith.constant 0 : i32
        %dma_wait3A_807 = arith.constant 0 : i32
        %dma_wait3A_808 = tpu.memref_slice %arg13[%dma_wait3A_806, %dma_wait3A_807] : memref<32x128xf32, #tpu.memory_space<vmem>> -> memref<8x128xf32, #tpu.memory_space<vmem>>
        %dma_wait3A_809 = arith.constant 0 : i32
        %dma_wait3A_810 = arith.constant 0 : i32
        %dma_wait3A_811 = tpu.memref_slice %arg5[%dma_wait3A_803, %dma_wait3A_804, %dma_wait3A_805, %dma_wait3A_809, %dma_wait3A_810] : memref<50x4x32x8x128xf32, #tpu.memory_space<hbm>> -> memref<1x1x1x8x128xf32, #tpu.memory_space<hbm>>
        %dma_wait3A_812 = tpu.memref_squeeze %dma_wait3A_811 : memref<1x1x1x8x128xf32, #tpu.memory_space<hbm>> -> memref<8x128xf32, #tpu.memory_space<hbm>>
        %dma_wait3A_813 = arith.constant 0 : i32
        %dma_wait3A_814 = arith.constant 0 : i32
        %dma_wait3A_815 = tpu.memref_slice %arg5[%dma_wait3A_803, %dma_wait3A_804, %dma_wait3A_805, %dma_wait3A_813, %dma_wait3A_814] : memref<50x4x32x8x128xf32, #tpu.memory_space<hbm>> -> memref<1x1x1x8x128xf32, #tpu.memory_space<hbm>>
        %dma_wait3A_816 = tpu.memref_squeeze %dma_wait3A_815 : memref<1x1x1x8x128xf32, #tpu.memory_space<hbm>> -> memref<8x128xf32, #tpu.memory_space<hbm>>
        %dma_wait3A_817 = arith.constant 0 : i32
        %dma_wait3A_818 = arith.constant 0 : i32
        %dma_wait3A_819 = tpu.memref_slice %arg13[%dma_wait3A_817, %dma_wait3A_818] : memref<32x128xf32, #tpu.memory_space<vmem>> -> memref<8x128xf32, #tpu.memory_space<vmem>>
        tpu.wait_dma2 semaphore(%arg15 : memref<!tpu.dma_semaphore, #tpu.memory_space<semaphore_mem>>) src(%dma_wait3A_819 : memref<8x128xf32, #tpu.memory_space<vmem>>) dst(%dma_wait3A_816 : memref<8x128xf32, #tpu.memory_space<hbm>>)
        %dma_wait3A_820 = arith.constant 0 : i32
        %dma_wait3A_821 = arith.constant 0 : i32
        %dma_wait3A_822 = arith.constant 0 : i32
        %dma_wait3A_823 = arith.constant 8 : i32
        %dma_wait3A_824 = arith.constant 0 : i32
        %dma_wait3A_825 = tpu.memref_slice %arg12[%dma_wait3A_823, %dma_wait3A_824] : memref<32x128xf32, #tpu.memory_space<vmem>> -> memref<8x128xf32, #tpu.memory_space<vmem>>
        %dma_wait3A_826 = arith.constant 0 : i32
        %dma_wait3A_827 = arith.constant 0 : i32
        %dma_wait3A_828 = tpu.memref_slice %arg4[%dma_wait3A_820, %dma_wait3A_821, %dma_wait3A_822, %dma_wait3A_826, %dma_wait3A_827] : memref<50x4x32x8x128xf32, #tpu.memory_space<hbm>> -> memref<1x1x1x8x128xf32, #tpu.memory_space<hbm>>
        %dma_wait3A_829 = tpu.memref_squeeze %dma_wait3A_828 : memref<1x1x1x8x128xf32, #tpu.memory_space<hbm>> -> memref<8x128xf32, #tpu.memory_space<hbm>>
        %dma_wait3A_830 = arith.constant 0 : i32
        %dma_wait3A_831 = arith.constant 0 : i32
        %dma_wait3A_832 = tpu.memref_slice %arg4[%dma_wait3A_820, %dma_wait3A_821, %dma_wait3A_822, %dma_wait3A_830, %dma_wait3A_831] : memref<50x4x32x8x128xf32, #tpu.memory_space<hbm>> -> memref<1x1x1x8x128xf32, #tpu.memory_space<hbm>>
        %dma_wait3A_833 = tpu.memref_squeeze %dma_wait3A_832 : memref<1x1x1x8x128xf32, #tpu.memory_space<hbm>> -> memref<8x128xf32, #tpu.memory_space<hbm>>
        %dma_wait3A_834 = arith.constant 8 : i32
        %dma_wait3A_835 = arith.constant 0 : i32
        %dma_wait3A_836 = tpu.memref_slice %arg12[%dma_wait3A_834, %dma_wait3A_835] : memref<32x128xf32, #tpu.memory_space<vmem>> -> memref<8x128xf32, #tpu.memory_space<vmem>>
        tpu.wait_dma2 semaphore(%arg15 : memref<!tpu.dma_semaphore, #tpu.memory_space<semaphore_mem>>) src(%dma_wait3A_836 : memref<8x128xf32, #tpu.memory_space<vmem>>) dst(%dma_wait3A_833 : memref<8x128xf32, #tpu.memory_space<hbm>>)
        %dma_wait3A_837 = arith.constant 0 : i32
        %dma_wait3A_838 = arith.constant 0 : i32
        %dma_wait3A_839 = arith.constant 0 : i32
        %dma_wait3A_840 = arith.constant 8 : i32
        %dma_wait3A_841 = arith.constant 0 : i32
        %dma_wait3A_842 = tpu.memref_slice %arg13[%dma_wait3A_840, %dma_wait3A_841] : memref<32x128xf32, #tpu.memory_space<vmem>> -> memref<8x128xf32, #tpu.memory_space<vmem>>
        %dma_wait3A_843 = arith.constant 0 : i32
        %dma_wait3A_844 = arith.constant 0 : i32
        %dma_wait3A_845 = tpu.memref_slice %arg5[%dma_wait3A_837, %dma_wait3A_838, %dma_wait3A_839, %dma_wait3A_843, %dma_wait3A_844] : memref<50x4x32x8x128xf32, #tpu.memory_space<hbm>> -> memref<1x1x1x8x128xf32, #tpu.memory_space<hbm>>
        %dma_wait3A_846 = tpu.memref_squeeze %dma_wait3A_845 : memref<1x1x1x8x128xf32, #tpu.memory_space<hbm>> -> memref<8x128xf32, #tpu.memory_space<hbm>>
        %dma_wait3A_847 = arith.constant 0 : i32
        %dma_wait3A_848 = arith.constant 0 : i32
        %dma_wait3A_849 = tpu.memref_slice %arg5[%dma_wait3A_837, %dma_wait3A_838, %dma_wait3A_839, %dma_wait3A_847, %dma_wait3A_848] : memref<50x4x32x8x128xf32, #tpu.memory_space<hbm>> -> memref<1x1x1x8x128xf32, #tpu.memory_space<hbm>>
        %dma_wait3A_850 = tpu.memref_squeeze %dma_wait3A_849 : memref<1x1x1x8x128xf32, #tpu.memory_space<hbm>> -> memref<8x128xf32, #tpu.memory_space<hbm>>
        %dma_wait3A_851 = arith.constant 8 : i32
        %dma_wait3A_852 = arith.constant 0 : i32
        %dma_wait3A_853 = tpu.memref_slice %arg13[%dma_wait3A_851, %dma_wait3A_852] : memref<32x128xf32, #tpu.memory_space<vmem>> -> memref<8x128xf32, #tpu.memory_space<vmem>>
        tpu.wait_dma2 semaphore(%arg15 : memref<!tpu.dma_semaphore, #tpu.memory_space<semaphore_mem>>) src(%dma_wait3A_853 : memref<8x128xf32, #tpu.memory_space<vmem>>) dst(%dma_wait3A_850 : memref<8x128xf32, #tpu.memory_space<hbm>>)
        %dma_wait3A_854 = arith.constant 0 : i32
        %dma_wait3A_855 = arith.constant 0 : i32
        %dma_wait3A_856 = arith.constant 0 : i32
        %dma_wait3A_857 = arith.constant 16 : i32
        %dma_wait3A_858 = arith.constant 0 : i32
        %dma_wait3A_859 = tpu.memref_slice %arg12[%dma_wait3A_857, %dma_wait3A_858] : memref<32x128xf32, #tpu.memory_space<vmem>> -> memref<8x128xf32, #tpu.memory_space<vmem>>
        %dma_wait3A_860 = arith.constant 0 : i32
        %dma_wait3A_861 = arith.constant 0 : i32
        %dma_wait3A_862 = tpu.memref_slice %arg4[%dma_wait3A_854, %dma_wait3A_855, %dma_wait3A_856, %dma_wait3A_860, %dma_wait3A_861] : memref<50x4x32x8x128xf32, #tpu.memory_space<hbm>> -> memref<1x1x1x8x128xf32, #tpu.memory_space<hbm>>
        %dma_wait3A_863 = tpu.memref_squeeze %dma_wait3A_862 : memref<1x1x1x8x128xf32, #tpu.memory_space<hbm>> -> memref<8x128xf32, #tpu.memory_space<hbm>>
        %dma_wait3A_864 = arith.constant 0 : i32
        %dma_wait3A_865 = arith.constant 0 : i32
        %dma_wait3A_866 = tpu.memref_slice %arg4[%dma_wait3A_854, %dma_wait3A_855, %dma_wait3A_856, %dma_wait3A_864, %dma_wait3A_865] : memref<50x4x32x8x128xf32, #tpu.memory_space<hbm>> -> memref<1x1x1x8x128xf32, #tpu.memory_space<hbm>>
        %dma_wait3A_867 = tpu.memref_squeeze %dma_wait3A_866 : memref<1x1x1x8x128xf32, #tpu.memory_space<hbm>> -> memref<8x128xf32, #tpu.memory_space<hbm>>
        %dma_wait3A_868 = arith.constant 16 : i32
        %dma_wait3A_869 = arith.constant 0 : i32
        %dma_wait3A_870 = tpu.memref_slice %arg12[%dma_wait3A_868, %dma_wait3A_869] : memref<32x128xf32, #tpu.memory_space<vmem>> -> memref<8x128xf32, #tpu.memory_space<vmem>>
        tpu.wait_dma2 semaphore(%arg15 : memref<!tpu.dma_semaphore, #tpu.memory_space<semaphore_mem>>) src(%dma_wait3A_870 : memref<8x128xf32, #tpu.memory_space<vmem>>) dst(%dma_wait3A_867 : memref<8x128xf32, #tpu.memory_space<hbm>>)
        %dma_wait3A_871 = arith.constant 0 : i32
        %dma_wait3A_872 = arith.constant 0 : i32
        %dma_wait3A_873 = arith.constant 0 : i32
        %dma_wait3A_874 = arith.constant 16 : i32
        %dma_wait3A_875 = arith.constant 0 : i32
        %dma_wait3A_876 = tpu.memref_slice %arg13[%dma_wait3A_874, %dma_wait3A_875] : memref<32x128xf32, #tpu.memory_space<vmem>> -> memref<8x128xf32, #tpu.memory_space<vmem>>
        %dma_wait3A_877 = arith.constant 0 : i32
        %dma_wait3A_878 = arith.constant 0 : i32
        %dma_wait3A_879 = tpu.memref_slice %arg5[%dma_wait3A_871, %dma_wait3A_872, %dma_wait3A_873, %dma_wait3A_877, %dma_wait3A_878] : memref<50x4x32x8x128xf32, #tpu.memory_space<hbm>> -> memref<1x1x1x8x128xf32, #tpu.memory_space<hbm>>
        %dma_wait3A_880 = tpu.memref_squeeze %dma_wait3A_879 : memref<1x1x1x8x128xf32, #tpu.memory_space<hbm>> -> memref<8x128xf32, #tpu.memory_space<hbm>>
        %dma_wait3A_881 = arith.constant 0 : i32
        %dma_wait3A_882 = arith.constant 0 : i32
        %dma_wait3A_883 = tpu.memref_slice %arg5[%dma_wait3A_871, %dma_wait3A_872, %dma_wait3A_873, %dma_wait3A_881, %dma_wait3A_882] : memref<50x4x32x8x128xf32, #tpu.memory_space<hbm>> -> memref<1x1x1x8x128xf32, #tpu.memory_space<hbm>>
        %dma_wait3A_884 = tpu.memref_squeeze %dma_wait3A_883 : memref<1x1x1x8x128xf32, #tpu.memory_space<hbm>> -> memref<8x128xf32, #tpu.memory_space<hbm>>
        %dma_wait3A_885 = arith.constant 16 : i32
        %dma_wait3A_886 = arith.constant 0 : i32
        %dma_wait3A_887 = tpu.memref_slice %arg13[%dma_wait3A_885, %dma_wait3A_886] : memref<32x128xf32, #tpu.memory_space<vmem>> -> memref<8x128xf32, #tpu.memory_space<vmem>>
        tpu.wait_dma2 semaphore(%arg15 : memref<!tpu.dma_semaphore, #tpu.memory_space<semaphore_mem>>) src(%dma_wait3A_887 : memref<8x128xf32, #tpu.memory_space<vmem>>) dst(%dma_wait3A_884 : memref<8x128xf32, #tpu.memory_space<hbm>>)
        %dma_wait3A_888 = arith.constant 0 : i32
        %dma_wait3A_889 = arith.constant 0 : i32
        %dma_wait3A_890 = arith.constant 0 : i32
        %dma_wait3A_891 = arith.constant 24 : i32
        %dma_wait3A_892 = arith.constant 0 : i32
        %dma_wait3A_893 = tpu.memref_slice %arg12[%dma_wait3A_891, %dma_wait3A_892] : memref<32x128xf32, #tpu.memory_space<vmem>> -> memref<8x128xf32, #tpu.memory_space<vmem>>
        %dma_wait3A_894 = arith.constant 0 : i32
        %dma_wait3A_895 = arith.constant 0 : i32
        %dma_wait3A_896 = tpu.memref_slice %arg4[%dma_wait3A_888, %dma_wait3A_889, %dma_wait3A_890, %dma_wait3A_894, %dma_wait3A_895] : memref<50x4x32x8x128xf32, #tpu.memory_space<hbm>> -> memref<1x1x1x8x128xf32, #tpu.memory_space<hbm>>
        %dma_wait3A_897 = tpu.memref_squeeze %dma_wait3A_896 : memref<1x1x1x8x128xf32, #tpu.memory_space<hbm>> -> memref<8x128xf32, #tpu.memory_space<hbm>>
        %dma_wait3A_898 = arith.constant 0 : i32
        %dma_wait3A_899 = arith.constant 0 : i32
        %dma_wait3A_900 = tpu.memref_slice %arg4[%dma_wait3A_888, %dma_wait3A_889, %dma_wait3A_890, %dma_wait3A_898, %dma_wait3A_899] : memref<50x4x32x8x128xf32, #tpu.memory_space<hbm>> -> memref<1x1x1x8x128xf32, #tpu.memory_space<hbm>>
        %dma_wait3A_901 = tpu.memref_squeeze %dma_wait3A_900 : memref<1x1x1x8x128xf32, #tpu.memory_space<hbm>> -> memref<8x128xf32, #tpu.memory_space<hbm>>
        %dma_wait3A_902 = arith.constant 24 : i32
        %dma_wait3A_903 = arith.constant 0 : i32
        %dma_wait3A_904 = tpu.memref_slice %arg12[%dma_wait3A_902, %dma_wait3A_903] : memref<32x128xf32, #tpu.memory_space<vmem>> -> memref<8x128xf32, #tpu.memory_space<vmem>>
        tpu.wait_dma2 semaphore(%arg15 : memref<!tpu.dma_semaphore, #tpu.memory_space<semaphore_mem>>) src(%dma_wait3A_904 : memref<8x128xf32, #tpu.memory_space<vmem>>) dst(%dma_wait3A_901 : memref<8x128xf32, #tpu.memory_space<hbm>>)
        %dma_wait3A_905 = arith.constant 0 : i32
        %dma_wait3A_906 = arith.constant 0 : i32
        %dma_wait3A_907 = arith.constant 0 : i32
        %dma_wait3A_908 = arith.constant 24 : i32
        %dma_wait3A_909 = arith.constant 0 : i32
        %dma_wait3A_910 = tpu.memref_slice %arg13[%dma_wait3A_908, %dma_wait3A_909] : memref<32x128xf32, #tpu.memory_space<vmem>> -> memref<8x128xf32, #tpu.memory_space<vmem>>
        %dma_wait3A_911 = arith.constant 0 : i32
        %dma_wait3A_912 = arith.constant 0 : i32
        %dma_wait3A_913 = tpu.memref_slice %arg5[%dma_wait3A_905, %dma_wait3A_906, %dma_wait3A_907, %dma_wait3A_911, %dma_wait3A_912] : memref<50x4x32x8x128xf32, #tpu.memory_space<hbm>> -> memref<1x1x1x8x128xf32, #tpu.memory_space<hbm>>
        %dma_wait3A_914 = tpu.memref_squeeze %dma_wait3A_913 : memref<1x1x1x8x128xf32, #tpu.memory_space<hbm>> -> memref<8x128xf32, #tpu.memory_space<hbm>>
        %dma_wait3A_915 = arith.constant 0 : i32
        %dma_wait3A_916 = arith.constant 0 : i32
        %dma_wait3A_917 = tpu.memref_slice %arg5[%dma_wait3A_905, %dma_wait3A_906, %dma_wait3A_907, %dma_wait3A_915, %dma_wait3A_916] : memref<50x4x32x8x128xf32, #tpu.memory_space<hbm>> -> memref<1x1x1x8x128xf32, #tpu.memory_space<hbm>>
        %dma_wait3A_918 = tpu.memref_squeeze %dma_wait3A_917 : memref<1x1x1x8x128xf32, #tpu.memory_space<hbm>> -> memref<8x128xf32, #tpu.memory_space<hbm>>
        %dma_wait3A_919 = arith.constant 24 : i32
        %dma_wait3A_920 = arith.constant 0 : i32
        %dma_wait3A_921 = tpu.memref_slice %arg13[%dma_wait3A_919, %dma_wait3A_920] : memref<32x128xf32, #tpu.memory_space<vmem>> -> memref<8x128xf32, #tpu.memory_space<vmem>>
        tpu.wait_dma2 semaphore(%arg15 : memref<!tpu.dma_semaphore, #tpu.memory_space<semaphore_mem>>) src(%dma_wait3A_921 : memref<8x128xf32, #tpu.memory_space<vmem>>) dst(%dma_wait3A_918 : memref<8x128xf32, #tpu.memory_space<hbm>>)
      } else {
      }
      %get3A_579 = arith.constant 0 : index
      %get3A_580 = tpu.vector_load %arg7[%get3A_579] {strides = array<i32>} : memref<128xi32, #tpu.memory_space<vmem>>, vector<16xi32>,
      %and3A_581 = arith.constant 63 : i32
      %and3A_582 = vector.broadcast %and3A_581 : i32 to vector<16xi32>
      %and3A_583 = arith.andi %get3A_580, %and3A_582 : vector<16xi32>
      %get3A_584 = arith.constant 16 : index
      %get3A_585 = tpu.vector_load %arg7[%get3A_584] {strides = array<i32>} : memref<128xi32, #tpu.memory_space<vmem>>, vector<16xi32>,
      %and3A_586 = arith.constant 63 : i32
      %and3A_587 = vector.broadcast %and3A_586 : i32 to vector<16xi32>
      %and3A_588 = arith.andi %get3A_585, %and3A_587 : vector<16xi32>
      %get3A_589 = arith.constant 32 : index
      %get3A_590 = tpu.vector_load %arg7[%get3A_589] {strides = array<i32>} : memref<128xi32, #tpu.memory_space<vmem>>, vector<16xi32>,
      %and3A_591 = arith.constant 63 : i32
      %and3A_592 = vector.broadcast %and3A_591 : i32 to vector<16xi32>
      %and3A_593 = arith.andi %get3A_590, %and3A_592 : vector<16xi32>
      %get3A_594 = arith.constant 48 : index
      %get3A_595 = tpu.vector_load %arg7[%get3A_594] {strides = array<i32>} : memref<128xi32, #tpu.memory_space<vmem>>, vector<16xi32>,
      %and3A_596 = arith.constant 63 : i32
      %and3A_597 = vector.broadcast %and3A_596 : i32 to vector<16xi32>
      %and3A_598 = arith.andi %get3A_595, %and3A_597 : vector<16xi32>
      %get3A_599 = arith.constant 64 : index
      %get3A_600 = tpu.vector_load %arg7[%get3A_599] {strides = array<i32>} : memref<128xi32, #tpu.memory_space<vmem>>, vector<16xi32>,
      %and3A_601 = arith.constant 63 : i32
      %and3A_602 = vector.broadcast %and3A_601 : i32 to vector<16xi32>
      %and3A_603 = arith.andi %get3A_600, %and3A_602 : vector<16xi32>
      %get3A_604 = arith.constant 80 : index
      %get3A_605 = tpu.vector_load %arg7[%get3A_604] {strides = array<i32>} : memref<128xi32, #tpu.memory_space<vmem>>, vector<16xi32>,
      %and3A_606 = arith.constant 63 : i32
      %and3A_607 = vector.broadcast %and3A_606 : i32 to vector<16xi32>
      %and3A_608 = arith.andi %get3A_605, %and3A_607 : vector<16xi32>
      %get3A_609 = arith.constant 96 : index
      %get3A_610 = tpu.vector_load %arg7[%get3A_609] {strides = array<i32>} : memref<128xi32, #tpu.memory_space<vmem>>, vector<16xi32>,
      %and3A_611 = arith.constant 63 : i32
      %and3A_612 = vector.broadcast %and3A_611 : i32 to vector<16xi32>
      %and3A_613 = arith.andi %get3A_610, %and3A_612 : vector<16xi32>
      %get3A_614 = arith.constant 112 : index
      %get3A_615 = tpu.vector_load %arg7[%get3A_614] {strides = array<i32>} : memref<128xi32, #tpu.memory_space<vmem>>, vector<16xi32>,
      %and3A_616 = arith.constant 63 : i32
      %and3A_617 = vector.broadcast %and3A_616 : i32 to vector<16xi32>
      %and3A_618 = arith.andi %get3A_615, %and3A_617 : vector<16xi32>
      %scan3A_619 = arith.constant 0 : i32
      %scan3A_620 = arith.constant 0 : i32
      %scan3A_621 = arith.constant 32 : i32
      %scan3A_622 = arith.addi %scan3A_620, %scan3A_621 : i32
      %scan3A_623 = arith.constant 1 : i32
      scf.for %scan3A_786 = %scan3A_620 to %scan3A_622 step %scan3A_623  : i32 {
        %add3A_787 = vector.broadcast %scan3A_786 : i32 to vector<16xi32>
        %add3A_788 = arith.addi %and3A_583, %add3A_787 : vector<16xi32>
        %and3A_789 = arith.constant 63 : i32
        %and3A_790 = vector.broadcast %and3A_789 : i32 to vector<16xi32>
        %and3A_791 = arith.andi %add3A_788, %and3A_790 : vector<16xi32>
        %xor3A = arith.constant 32 : i32
        %xor3A_792 = vector.broadcast %xor3A : i32 to vector<16xi32>
        %xor3A_793 = arith.xori %and3A_791, %xor3A_792 : vector<16xi32>
        %gather3A = tpu.vector_load_idx %arg9[%add3A_5, %and3A_791] : memref<128x64xf32, #tpu.memory_space<vmem>>[vector<16xi32>, vector<16xi32>], vector<16xf32>,
        %gather3A_794 = tpu.vector_load_idx %arg9[%add3A_5, %xor3A_793] : memref<128x64xf32, #tpu.memory_space<vmem>>[vector<16xi32>, vector<16xi32>], vector<16xf32>,
        %swap3A = arith.index_cast %scan3A_786 : i32 to index
        %swap3A_795 = arith.constant 0 : index
        %swap3A_796 = tpu.vector_load %arg12[%swap3A, %swap3A_795] {strides = array<i32>} : memref<32x128xf32, #tpu.memory_space<vmem>>, vector<16xf32>,
        tpu.vector_store %arg12[%swap3A, %swap3A_795], %gather3A {strides = array<i32>} : memref<32x128xf32, #tpu.memory_space<vmem>>, vector<16xf32>,
        %swap3A_797 = arith.index_cast %scan3A_786 : i32 to index
        %swap3A_798 = arith.constant 0 : index
        %swap3A_799 = tpu.vector_load %arg13[%swap3A_797, %swap3A_798] {strides = array<i32>} : memref<32x128xf32, #tpu.memory_space<vmem>>, vector<16xf32>,
        tpu.vector_store %arg13[%swap3A_797, %swap3A_798], %gather3A_794 {strides = array<i32>} : memref<32x128xf32, #tpu.memory_space<vmem>>, vector<16xf32>,
        %add3A_800 = vector.broadcast %scan3A_786 : i32 to vector<16xi32>
        %add3A_801 = arith.addi %and3A_588, %add3A_800 : vector<16xi32>
        %and3A_802 = arith.constant 63 : i32
        %and3A_803 = vector.broadcast %and3A_802 : i32 to vector<16xi32>
        %and3A_804 = arith.andi %add3A_801, %and3A_803 : vector<16xi32>
        %xor3A_805 = arith.constant 32 : i32
        %xor3A_806 = vector.broadcast %xor3A_805 : i32 to vector<16xi32>
        %xor3A_807 = arith.xori %and3A_804, %xor3A_806 : vector<16xi32>
        %gather3A_808 = tpu.vector_load_idx %arg9[%add3A_8, %and3A_804] : memref<128x64xf32, #tpu.memory_space<vmem>>[vector<16xi32>, vector<16xi32>], vector<16xf32>,
        %gather3A_809 = tpu.vector_load_idx %arg9[%add3A_8, %xor3A_807] : memref<128x64xf32, #tpu.memory_space<vmem>>[vector<16xi32>, vector<16xi32>], vector<16xf32>,
        %swap3A_810 = arith.index_cast %scan3A_786 : i32 to index
        %swap3A_811 = arith.constant 16 : index
        %swap3A_812 = tpu.vector_load %arg12[%swap3A_810, %swap3A_811] {strides = array<i32>} : memref<32x128xf32, #tpu.memory_space<vmem>>, vector<16xf32>,
        tpu.vector_store %arg12[%swap3A_810, %swap3A_811], %gather3A_808 {strides = array<i32>} : memref<32x128xf32, #tpu.memory_space<vmem>>, vector<16xf32>,
        %swap3A_813 = arith.index_cast %scan3A_786 : i32 to index
        %swap3A_814 = arith.constant 16 : index
        %swap3A_815 = tpu.vector_load %arg13[%swap3A_813, %swap3A_814] {strides = array<i32>} : memref<32x128xf32, #tpu.memory_space<vmem>>, vector<16xf32>,
        tpu.vector_store %arg13[%swap3A_813, %swap3A_814], %gather3A_809 {strides = array<i32>} : memref<32x128xf32, #tpu.memory_space<vmem>>, vector<16xf32>,
        %add3A_816 = vector.broadcast %scan3A_786 : i32 to vector<16xi32>
        %add3A_817 = arith.addi %and3A_593, %add3A_816 : vector<16xi32>
        %and3A_818 = arith.constant 63 : i32
        %and3A_819 = vector.broadcast %and3A_818 : i32 to vector<16xi32>
        %and3A_820 = arith.andi %add3A_817, %and3A_819 : vector<16xi32>
        %xor3A_821 = arith.constant 32 : i32
        %xor3A_822 = vector.broadcast %xor3A_821 : i32 to vector<16xi32>
        %xor3A_823 = arith.xori %and3A_820, %xor3A_822 : vector<16xi32>
        %gather3A_824 = tpu.vector_load_idx %arg9[%add3A_11, %and3A_820] : memref<128x64xf32, #tpu.memory_space<vmem>>[vector<16xi32>, vector<16xi32>], vector<16xf32>,
        %gather3A_825 = tpu.vector_load_idx %arg9[%add3A_11, %xor3A_823] : memref<128x64xf32, #tpu.memory_space<vmem>>[vector<16xi32>, vector<16xi32>], vector<16xf32>,
        %swap3A_826 = arith.index_cast %scan3A_786 : i32 to index
        %swap3A_827 = arith.constant 32 : index
        %swap3A_828 = tpu.vector_load %arg12[%swap3A_826, %swap3A_827] {strides = array<i32>} : memref<32x128xf32, #tpu.memory_space<vmem>>, vector<16xf32>,
        tpu.vector_store %arg12[%swap3A_826, %swap3A_827], %gather3A_824 {strides = array<i32>} : memref<32x128xf32, #tpu.memory_space<vmem>>, vector<16xf32>,
        %swap3A_829 = arith.index_cast %scan3A_786 : i32 to index
        %swap3A_830 = arith.constant 32 : index
        %swap3A_831 = tpu.vector_load %arg13[%swap3A_829, %swap3A_830] {strides = array<i32>} : memref<32x128xf32, #tpu.memory_space<vmem>>, vector<16xf32>,
        tpu.vector_store %arg13[%swap3A_829, %swap3A_830], %gather3A_825 {strides = array<i32>} : memref<32x128xf32, #tpu.memory_space<vmem>>, vector<16xf32>,
        %add3A_832 = vector.broadcast %scan3A_786 : i32 to vector<16xi32>
        %add3A_833 = arith.addi %and3A_598, %add3A_832 : vector<16xi32>
        %and3A_834 = arith.constant 63 : i32
        %and3A_835 = vector.broadcast %and3A_834 : i32 to vector<16xi32>
        %and3A_836 = arith.andi %add3A_833, %and3A_835 : vector<16xi32>
        %xor3A_837 = arith.constant 32 : i32
        %xor3A_838 = vector.broadcast %xor3A_837 : i32 to vector<16xi32>
        %xor3A_839 = arith.xori %and3A_836, %xor3A_838 : vector<16xi32>
        %gather3A_840 = tpu.vector_load_idx %arg9[%add3A_14, %and3A_836] : memref<128x64xf32, #tpu.memory_space<vmem>>[vector<16xi32>, vector<16xi32>], vector<16xf32>,
        %gather3A_841 = tpu.vector_load_idx %arg9[%add3A_14, %xor3A_839] : memref<128x64xf32, #tpu.memory_space<vmem>>[vector<16xi32>, vector<16xi32>], vector<16xf32>,
        %swap3A_842 = arith.index_cast %scan3A_786 : i32 to index
        %swap3A_843 = arith.constant 48 : index
        %swap3A_844 = tpu.vector_load %arg12[%swap3A_842, %swap3A_843] {strides = array<i32>} : memref<32x128xf32, #tpu.memory_space<vmem>>, vector<16xf32>,
        tpu.vector_store %arg12[%swap3A_842, %swap3A_843], %gather3A_840 {strides = array<i32>} : memref<32x128xf32, #tpu.memory_space<vmem>>, vector<16xf32>,
        %swap3A_845 = arith.index_cast %scan3A_786 : i32 to index
        %swap3A_846 = arith.constant 48 : index
        %swap3A_847 = tpu.vector_load %arg13[%swap3A_845, %swap3A_846] {strides = array<i32>} : memref<32x128xf32, #tpu.memory_space<vmem>>, vector<16xf32>,
        tpu.vector_store %arg13[%swap3A_845, %swap3A_846], %gather3A_841 {strides = array<i32>} : memref<32x128xf32, #tpu.memory_space<vmem>>, vector<16xf32>,
        %add3A_848 = vector.broadcast %scan3A_786 : i32 to vector<16xi32>
        %add3A_849 = arith.addi %and3A_603, %add3A_848 : vector<16xi32>
        %and3A_850 = arith.constant 63 : i32
        %and3A_851 = vector.broadcast %and3A_850 : i32 to vector<16xi32>
        %and3A_852 = arith.andi %add3A_849, %and3A_851 : vector<16xi32>
        %xor3A_853 = arith.constant 32 : i32
        %xor3A_854 = vector.broadcast %xor3A_853 : i32 to vector<16xi32>
        %xor3A_855 = arith.xori %and3A_852, %xor3A_854 : vector<16xi32>
        %gather3A_856 = tpu.vector_load_idx %arg9[%add3A_17, %and3A_852] : memref<128x64xf32, #tpu.memory_space<vmem>>[vector<16xi32>, vector<16xi32>], vector<16xf32>,
        %gather3A_857 = tpu.vector_load_idx %arg9[%add3A_17, %xor3A_855] : memref<128x64xf32, #tpu.memory_space<vmem>>[vector<16xi32>, vector<16xi32>], vector<16xf32>,
        %swap3A_858 = arith.index_cast %scan3A_786 : i32 to index
        %swap3A_859 = arith.constant 64 : index
        %swap3A_860 = tpu.vector_load %arg12[%swap3A_858, %swap3A_859] {strides = array<i32>} : memref<32x128xf32, #tpu.memory_space<vmem>>, vector<16xf32>,
        tpu.vector_store %arg12[%swap3A_858, %swap3A_859], %gather3A_856 {strides = array<i32>} : memref<32x128xf32, #tpu.memory_space<vmem>>, vector<16xf32>,
        %swap3A_861 = arith.index_cast %scan3A_786 : i32 to index
        %swap3A_862 = arith.constant 64 : index
        %swap3A_863 = tpu.vector_load %arg13[%swap3A_861, %swap3A_862] {strides = array<i32>} : memref<32x128xf32, #tpu.memory_space<vmem>>, vector<16xf32>,
        tpu.vector_store %arg13[%swap3A_861, %swap3A_862], %gather3A_857 {strides = array<i32>} : memref<32x128xf32, #tpu.memory_space<vmem>>, vector<16xf32>,
        %add3A_864 = vector.broadcast %scan3A_786 : i32 to vector<16xi32>
        %add3A_865 = arith.addi %and3A_608, %add3A_864 : vector<16xi32>
        %and3A_866 = arith.constant 63 : i32
        %and3A_867 = vector.broadcast %and3A_866 : i32 to vector<16xi32>
        %and3A_868 = arith.andi %add3A_865, %and3A_867 : vector<16xi32>
        %xor3A_869 = arith.constant 32 : i32
        %xor3A_870 = vector.broadcast %xor3A_869 : i32 to vector<16xi32>
        %xor3A_871 = arith.xori %and3A_868, %xor3A_870 : vector<16xi32>
        %gather3A_872 = tpu.vector_load_idx %arg9[%add3A_20, %and3A_868] : memref<128x64xf32, #tpu.memory_space<vmem>>[vector<16xi32>, vector<16xi32>], vector<16xf32>,
        %gather3A_873 = tpu.vector_load_idx %arg9[%add3A_20, %xor3A_871] : memref<128x64xf32, #tpu.memory_space<vmem>>[vector<16xi32>, vector<16xi32>], vector<16xf32>,
        %swap3A_874 = arith.index_cast %scan3A_786 : i32 to index
        %swap3A_875 = arith.constant 80 : index
        %swap3A_876 = tpu.vector_load %arg12[%swap3A_874, %swap3A_875] {strides = array<i32>} : memref<32x128xf32, #tpu.memory_space<vmem>>, vector<16xf32>,
        tpu.vector_store %arg12[%swap3A_874, %swap3A_875], %gather3A_872 {strides = array<i32>} : memref<32x128xf32, #tpu.memory_space<vmem>>, vector<16xf32>,
        %swap3A_877 = arith.index_cast %scan3A_786 : i32 to index
        %swap3A_878 = arith.constant 80 : index
        %swap3A_879 = tpu.vector_load %arg13[%swap3A_877, %swap3A_878] {strides = array<i32>} : memref<32x128xf32, #tpu.memory_space<vmem>>, vector<16xf32>,
        tpu.vector_store %arg13[%swap3A_877, %swap3A_878], %gather3A_873 {strides = array<i32>} : memref<32x128xf32, #tpu.memory_space<vmem>>, vector<16xf32>,
        %add3A_880 = vector.broadcast %scan3A_786 : i32 to vector<16xi32>
        %add3A_881 = arith.addi %and3A_613, %add3A_880 : vector<16xi32>
        %and3A_882 = arith.constant 63 : i32
        %and3A_883 = vector.broadcast %and3A_882 : i32 to vector<16xi32>
        %and3A_884 = arith.andi %add3A_881, %and3A_883 : vector<16xi32>
        %xor3A_885 = arith.constant 32 : i32
        %xor3A_886 = vector.broadcast %xor3A_885 : i32 to vector<16xi32>
        %xor3A_887 = arith.xori %and3A_884, %xor3A_886 : vector<16xi32>
        %gather3A_888 = tpu.vector_load_idx %arg9[%add3A_23, %and3A_884] : memref<128x64xf32, #tpu.memory_space<vmem>>[vector<16xi32>, vector<16xi32>], vector<16xf32>,
        %gather3A_889 = tpu.vector_load_idx %arg9[%add3A_23, %xor3A_887] : memref<128x64xf32, #tpu.memory_space<vmem>>[vector<16xi32>, vector<16xi32>], vector<16xf32>,
        %swap3A_890 = arith.index_cast %scan3A_786 : i32 to index
        %swap3A_891 = arith.constant 96 : index
        %swap3A_892 = tpu.vector_load %arg12[%swap3A_890, %swap3A_891] {strides = array<i32>} : memref<32x128xf32, #tpu.memory_space<vmem>>, vector<16xf32>,
        tpu.vector_store %arg12[%swap3A_890, %swap3A_891], %gather3A_888 {strides = array<i32>} : memref<32x128xf32, #tpu.memory_space<vmem>>, vector<16xf32>,
        %swap3A_893 = arith.index_cast %scan3A_786 : i32 to index
        %swap3A_894 = arith.constant 96 : index
        %swap3A_895 = tpu.vector_load %arg13[%swap3A_893, %swap3A_894] {strides = array<i32>} : memref<32x128xf32, #tpu.memory_space<vmem>>, vector<16xf32>,
        tpu.vector_store %arg13[%swap3A_893, %swap3A_894], %gather3A_889 {strides = array<i32>} : memref<32x128xf32, #tpu.memory_space<vmem>>, vector<16xf32>,
        %add3A_896 = vector.broadcast %scan3A_786 : i32 to vector<16xi32>
        %add3A_897 = arith.addi %and3A_618, %add3A_896 : vector<16xi32>
        %and3A_898 = arith.constant 63 : i32
        %and3A_899 = vector.broadcast %and3A_898 : i32 to vector<16xi32>
        %and3A_900 = arith.andi %add3A_897, %and3A_899 : vector<16xi32>
        %xor3A_901 = arith.constant 32 : i32
        %xor3A_902 = vector.broadcast %xor3A_901 : i32 to vector<16xi32>
        %xor3A_903 = arith.xori %and3A_900, %xor3A_902 : vector<16xi32>
        %gather3A_904 = tpu.vector_load_idx %arg9[%add3A_26, %and3A_900] : memref<128x64xf32, #tpu.memory_space<vmem>>[vector<16xi32>, vector<16xi32>], vector<16xf32>,
        %gather3A_905 = tpu.vector_load_idx %arg9[%add3A_26, %xor3A_903] : memref<128x64xf32, #tpu.memory_space<vmem>>[vector<16xi32>, vector<16xi32>], vector<16xf32>,
        %swap3A_906 = arith.index_cast %scan3A_786 : i32 to index
        %swap3A_907 = arith.constant 112 : index
        %swap3A_908 = tpu.vector_load %arg12[%swap3A_906, %swap3A_907] {strides = array<i32>} : memref<32x128xf32, #tpu.memory_space<vmem>>, vector<16xf32>,
        tpu.vector_store %arg12[%swap3A_906, %swap3A_907], %gather3A_904 {strides = array<i32>} : memref<32x128xf32, #tpu.memory_space<vmem>>, vector<16xf32>,
        %swap3A_909 = arith.index_cast %scan3A_786 : i32 to index
        %swap3A_910 = arith.constant 112 : index
        %swap3A_911 = tpu.vector_load %arg13[%swap3A_909, %swap3A_910] {strides = array<i32>} : memref<32x128xf32, #tpu.memory_space<vmem>>, vector<16xf32>,
        tpu.vector_store %arg13[%swap3A_909, %swap3A_910], %gather3A_905 {strides = array<i32>} : memref<32x128xf32, #tpu.memory_space<vmem>>, vector<16xf32>,
      }
      %scan3A_624 = arith.constant 32 : i32
      %add3A_625 = arith.addi %mul3A_2, %add3A_563 : i32
      %jit3A_626 = arith.constant 32 : i32
      %div3A_627 = arith.divsi %add3A_625, %jit3A_626 : i32
      %sign3A_628 = arith.constant 0 : i32
      %sign3A_629 = arith.cmpi sgt, %add3A_625, %sign3A_628 : i32
      %sign3A_630 = arith.extui %sign3A_629 : i1 to i32
      %sign3A_631 = arith.constant 0 : i32
      %sign3A_632 = arith.cmpi slt, %add3A_625, %sign3A_631 : i32
      %sign3A_633 = arith.extui %sign3A_632 : i1 to i32
      %sign3A_634 = arith.subi %sign3A_630, %sign3A_633 : i32
      %sign3A_635 = arith.constant 0 : i32
      %sign3A_636 = arith.cmpi sgt, %jit3A_626, %sign3A_635 : i32
      %sign3A_637 = arith.extui %sign3A_636 : i1 to i32
      %sign3A_638 = arith.constant 0 : i32
      %sign3A_639 = arith.cmpi slt, %jit3A_626, %sign3A_638 : i32
      %sign3A_640 = arith.extui %sign3A_639 : i1 to i32
      %sign3A_641 = arith.subi %sign3A_637, %sign3A_640 : i32
      %ne3A_642 = arith.cmpi ne, %sign3A_634, %sign3A_641 : i32
      %rem3A_643 = arith.remsi %add3A_625, %jit3A_626 : i32
      %ne3A_644 = arith.constant 0 : i32
      %ne3A_645 = arith.cmpi ne, %rem3A_643, %ne3A_644 : i32
      %and3A_646 = arith.andi %ne3A_642, %ne3A_645 : i1
      %sub3A_647 = arith.constant 1 : i32
      %sub3A_648 = arith.subi %div3A_627, %sub3A_647 : i32
      %select_n3A_649 = arith.select %and3A_646, %sub3A_648, %div3A_627 : i32
      %jit3A_650 = arith.constant 32 : i32
      %eq3A_651 = arith.constant 0 : i32
      %eq3A_652 = arith.cmpi eq, %jit3A_650, %eq3A_651 : i32
      %jit3A_653 = arith.constant 1 : i32
      %select_n3A_654 = arith.select %eq3A_652, %jit3A_653, %jit3A_650 : i32
      %rem3A_655 = arith.remsi %add3A_625, %select_n3A_654 : i32
      %ne3A_656 = arith.constant 0 : i32
      %ne3A_657 = arith.cmpi ne, %rem3A_655, %ne3A_656 : i32
      %lt3A_658 = arith.constant 0 : i32
      %lt3A_659 = arith.cmpi slt, %rem3A_655, %lt3A_658 : i32
      %lt3A_660 = arith.constant 0 : i32
      %lt3A_661 = arith.cmpi slt, %select_n3A_654, %lt3A_660 : i32
      %ne3A_662 = arith.xori %lt3A_659, %lt3A_661 : i1
      %and3A_663 = arith.andi %ne3A_662, %ne3A_657 : i1
      %add3A_664 = arith.addi %rem3A_655, %select_n3A_654 : i32
      %select_n3A_665 = arith.select %and3A_663, %add3A_664, %rem3A_655 : i32
      %dma_start3A_666 = arith.constant 0 : i32
      %dma_start3A_667 = arith.constant 0 : i32
      %dma_start3A_668 = arith.constant 0 : i32
      %dma_start3A_669 = tpu.memref_slice %arg12[%dma_start3A_667, %dma_start3A_668] : memref<32x128xf32, #tpu.memory_space<vmem>> -> memref<8x128xf32, #tpu.memory_space<vmem>>
      %dma_start3A_670 = arith.constant 0 : i32
      %dma_start3A_671 = arith.constant 0 : i32
      %dma_start3A_672 = tpu.memref_slice %arg4[%select_n3A_649, %dma_start3A_666, %select_n3A_665, %dma_start3A_670, %dma_start3A_671] : memref<50x4x32x8x128xf32, #tpu.memory_space<hbm>> -> memref<1x1x1x8x128xf32, #tpu.memory_space<hbm>>
      %dma_start3A_673 = tpu.memref_squeeze %dma_start3A_672 : memref<1x1x1x8x128xf32, #tpu.memory_space<hbm>> -> memref<8x128xf32, #tpu.memory_space<hbm>>
      %dma_start3A_674 = arith.constant 0 : i32
      %dma_start3A_675 = arith.constant 0 : i32
      %dma_start3A_676 = tpu.memref_slice %arg4[%select_n3A_649, %dma_start3A_666, %select_n3A_665, %dma_start3A_674, %dma_start3A_675] : memref<50x4x32x8x128xf32, #tpu.memory_space<hbm>> -> memref<1x1x1x8x128xf32, #tpu.memory_space<hbm>>
      %dma_start3A_677 = tpu.memref_squeeze %dma_start3A_676 : memref<1x1x1x8x128xf32, #tpu.memory_space<hbm>> -> memref<8x128xf32, #tpu.memory_space<hbm>>
      %dma_start3A_678 = arith.constant 0 : i32
      %dma_start3A_679 = arith.constant 0 : i32
      %dma_start3A_680 = tpu.memref_slice %arg12[%dma_start3A_678, %dma_start3A_679] : memref<32x128xf32, #tpu.memory_space<vmem>> -> memref<8x128xf32, #tpu.memory_space<vmem>>
      tpu.enqueue_dma source(%dma_start3A_680 : memref<8x128xf32, #tpu.memory_space<vmem>>) target(%dma_start3A_677 : memref<8x128xf32, #tpu.memory_space<hbm>>) target_semaphore(%arg15 : memref<!tpu.dma_semaphore, #tpu.memory_space<semaphore_mem>>)
      %dma_start3A_681 = arith.constant 0 : i32
      %dma_start3A_682 = arith.constant 0 : i32
      %dma_start3A_683 = arith.constant 0 : i32
      %dma_start3A_684 = tpu.memref_slice %arg13[%dma_start3A_682, %dma_start3A_683] : memref<32x128xf32, #tpu.memory_space<vmem>> -> memref<8x128xf32, #tpu.memory_space<vmem>>
      %dma_start3A_685 = arith.constant 0 : i32
      %dma_start3A_686 = arith.constant 0 : i32
      %dma_start3A_687 = tpu.memref_slice %arg5[%select_n3A_649, %dma_start3A_681, %select_n3A_665, %dma_start3A_685, %dma_start3A_686] : memref<50x4x32x8x128xf32, #tpu.memory_space<hbm>> -> memref<1x1x1x8x128xf32, #tpu.memory_space<hbm>>
      %dma_start3A_688 = tpu.memref_squeeze %dma_start3A_687 : memref<1x1x1x8x128xf32, #tpu.memory_space<hbm>> -> memref<8x128xf32, #tpu.memory_space<hbm>>
      %dma_start3A_689 = arith.constant 0 : i32
      %dma_start3A_690 = arith.constant 0 : i32
      %dma_start3A_691 = tpu.memref_slice %arg5[%select_n3A_649, %dma_start3A_681, %select_n3A_665, %dma_start3A_689, %dma_start3A_690] : memref<50x4x32x8x128xf32, #tpu.memory_space<hbm>> -> memref<1x1x1x8x128xf32, #tpu.memory_space<hbm>>
      %dma_start3A_692 = tpu.memref_squeeze %dma_start3A_691 : memref<1x1x1x8x128xf32, #tpu.memory_space<hbm>> -> memref<8x128xf32, #tpu.memory_space<hbm>>
      %dma_start3A_693 = arith.constant 0 : i32
      %dma_start3A_694 = arith.constant 0 : i32
      %dma_start3A_695 = tpu.memref_slice %arg13[%dma_start3A_693, %dma_start3A_694] : memref<32x128xf32, #tpu.memory_space<vmem>> -> memref<8x128xf32, #tpu.memory_space<vmem>>
      tpu.enqueue_dma source(%dma_start3A_695 : memref<8x128xf32, #tpu.memory_space<vmem>>) target(%dma_start3A_692 : memref<8x128xf32, #tpu.memory_space<hbm>>) target_semaphore(%arg15 : memref<!tpu.dma_semaphore, #tpu.memory_space<semaphore_mem>>)
      %dma_start3A_696 = arith.constant 1 : i32
      %dma_start3A_697 = arith.constant 8 : i32
      %dma_start3A_698 = arith.constant 0 : i32
      %dma_start3A_699 = tpu.memref_slice %arg12[%dma_start3A_697, %dma_start3A_698] : memref<32x128xf32, #tpu.memory_space<vmem>> -> memref<8x128xf32, #tpu.memory_space<vmem>>
      %dma_start3A_700 = arith.constant 0 : i32
      %dma_start3A_701 = arith.constant 0 : i32
      %dma_start3A_702 = tpu.memref_slice %arg4[%select_n3A_649, %dma_start3A_696, %select_n3A_665, %dma_start3A_700, %dma_start3A_701] : memref<50x4x32x8x128xf32, #tpu.memory_space<hbm>> -> memref<1x1x1x8x128xf32, #tpu.memory_space<hbm>>
      %dma_start3A_703 = tpu.memref_squeeze %dma_start3A_702 : memref<1x1x1x8x128xf32, #tpu.memory_space<hbm>> -> memref<8x128xf32, #tpu.memory_space<hbm>>
      %dma_start3A_704 = arith.constant 0 : i32
      %dma_start3A_705 = arith.constant 0 : i32
      %dma_start3A_706 = tpu.memref_slice %arg4[%select_n3A_649, %dma_start3A_696, %select_n3A_665, %dma_start3A_704, %dma_start3A_705] : memref<50x4x32x8x128xf32, #tpu.memory_space<hbm>> -> memref<1x1x1x8x128xf32, #tpu.memory_space<hbm>>
      %dma_start3A_707 = tpu.memref_squeeze %dma_start3A_706 : memref<1x1x1x8x128xf32, #tpu.memory_space<hbm>> -> memref<8x128xf32, #tpu.memory_space<hbm>>
      %dma_start3A_708 = arith.constant 8 : i32
      %dma_start3A_709 = arith.constant 0 : i32
      %dma_start3A_710 = tpu.memref_slice %arg12[%dma_start3A_708, %dma_start3A_709] : memref<32x128xf32, #tpu.memory_space<vmem>> -> memref<8x128xf32, #tpu.memory_space<vmem>>
      tpu.enqueue_dma source(%dma_start3A_710 : memref<8x128xf32, #tpu.memory_space<vmem>>) target(%dma_start3A_707 : memref<8x128xf32, #tpu.memory_space<hbm>>) target_semaphore(%arg15 : memref<!tpu.dma_semaphore, #tpu.memory_space<semaphore_mem>>)
      %dma_start3A_711 = arith.constant 1 : i32
      %dma_start3A_712 = arith.constant 8 : i32
      %dma_start3A_713 = arith.constant 0 : i32
      %dma_start3A_714 = tpu.memref_slice %arg13[%dma_start3A_712, %dma_start3A_713] : memref<32x128xf32, #tpu.memory_space<vmem>> -> memref<8x128xf32, #tpu.memory_space<vmem>>
      %dma_start3A_715 = arith.constant 0 : i32
      %dma_start3A_716 = arith.constant 0 : i32
      %dma_start3A_717 = tpu.memref_slice %arg5[%select_n3A_649, %dma_start3A_711, %select_n3A_665, %dma_start3A_715, %dma_start3A_716] : memref<50x4x32x8x128xf32, #tpu.memory_space<hbm>> -> memref<1x1x1x8x128xf32, #tpu.memory_space<hbm>>
      %dma_start3A_718 = tpu.memref_squeeze %dma_start3A_717 : memref<1x1x1x8x128xf32, #tpu.memory_space<hbm>> -> memref<8x128xf32, #tpu.memory_space<hbm>>
      %dma_start3A_719 = arith.constant 0 : i32
      %dma_start3A_720 = arith.constant 0 : i32
      %dma_start3A_721 = tpu.memref_slice %arg5[%select_n3A_649, %dma_start3A_711, %select_n3A_665, %dma_start3A_719, %dma_start3A_720] : memref<50x4x32x8x128xf32, #tpu.memory_space<hbm>> -> memref<1x1x1x8x128xf32, #tpu.memory_space<hbm>>
      %dma_start3A_722 = tpu.memref_squeeze %dma_start3A_721 : memref<1x1x1x8x128xf32, #tpu.memory_space<hbm>> -> memref<8x128xf32, #tpu.memory_space<hbm>>
      %dma_start3A_723 = arith.constant 8 : i32
      %dma_start3A_724 = arith.constant 0 : i32
      %dma_start3A_725 = tpu.memref_slice %arg13[%dma_start3A_723, %dma_start3A_724] : memref<32x128xf32, #tpu.memory_space<vmem>> -> memref<8x128xf32, #tpu.memory_space<vmem>>
      tpu.enqueue_dma source(%dma_start3A_725 : memref<8x128xf32, #tpu.memory_space<vmem>>) target(%dma_start3A_722 : memref<8x128xf32, #tpu.memory_space<hbm>>) target_semaphore(%arg15 : memref<!tpu.dma_semaphore, #tpu.memory_space<semaphore_mem>>)
      %dma_start3A_726 = arith.constant 2 : i32
      %dma_start3A_727 = arith.constant 16 : i32
      %dma_start3A_728 = arith.constant 0 : i32
      %dma_start3A_729 = tpu.memref_slice %arg12[%dma_start3A_727, %dma_start3A_728] : memref<32x128xf32, #tpu.memory_space<vmem>> -> memref<8x128xf32, #tpu.memory_space<vmem>>
      %dma_start3A_730 = arith.constant 0 : i32
      %dma_start3A_731 = arith.constant 0 : i32
      %dma_start3A_732 = tpu.memref_slice %arg4[%select_n3A_649, %dma_start3A_726, %select_n3A_665, %dma_start3A_730, %dma_start3A_731] : memref<50x4x32x8x128xf32, #tpu.memory_space<hbm>> -> memref<1x1x1x8x128xf32, #tpu.memory_space<hbm>>
      %dma_start3A_733 = tpu.memref_squeeze %dma_start3A_732 : memref<1x1x1x8x128xf32, #tpu.memory_space<hbm>> -> memref<8x128xf32, #tpu.memory_space<hbm>>
      %dma_start3A_734 = arith.constant 0 : i32
      %dma_start3A_735 = arith.constant 0 : i32
      %dma_start3A_736 = tpu.memref_slice %arg4[%select_n3A_649, %dma_start3A_726, %select_n3A_665, %dma_start3A_734, %dma_start3A_735] : memref<50x4x32x8x128xf32, #tpu.memory_space<hbm>> -> memref<1x1x1x8x128xf32, #tpu.memory_space<hbm>>
      %dma_start3A_737 = tpu.memref_squeeze %dma_start3A_736 : memref<1x1x1x8x128xf32, #tpu.memory_space<hbm>> -> memref<8x128xf32, #tpu.memory_space<hbm>>
      %dma_start3A_738 = arith.constant 16 : i32
      %dma_start3A_739 = arith.constant 0 : i32
      %dma_start3A_740 = tpu.memref_slice %arg12[%dma_start3A_738, %dma_start3A_739] : memref<32x128xf32, #tpu.memory_space<vmem>> -> memref<8x128xf32, #tpu.memory_space<vmem>>
      tpu.enqueue_dma source(%dma_start3A_740 : memref<8x128xf32, #tpu.memory_space<vmem>>) target(%dma_start3A_737 : memref<8x128xf32, #tpu.memory_space<hbm>>) target_semaphore(%arg15 : memref<!tpu.dma_semaphore, #tpu.memory_space<semaphore_mem>>)
      %dma_start3A_741 = arith.constant 2 : i32
      %dma_start3A_742 = arith.constant 16 : i32
      %dma_start3A_743 = arith.constant 0 : i32
      %dma_start3A_744 = tpu.memref_slice %arg13[%dma_start3A_742, %dma_start3A_743] : memref<32x128xf32, #tpu.memory_space<vmem>> -> memref<8x128xf32, #tpu.memory_space<vmem>>
      %dma_start3A_745 = arith.constant 0 : i32
      %dma_start3A_746 = arith.constant 0 : i32
      %dma_start3A_747 = tpu.memref_slice %arg5[%select_n3A_649, %dma_start3A_741, %select_n3A_665, %dma_start3A_745, %dma_start3A_746] : memref<50x4x32x8x128xf32, #tpu.memory_space<hbm>> -> memref<1x1x1x8x128xf32, #tpu.memory_space<hbm>>
      %dma_start3A_748 = tpu.memref_squeeze %dma_start3A_747 : memref<1x1x1x8x128xf32, #tpu.memory_space<hbm>> -> memref<8x128xf32, #tpu.memory_space<hbm>>
      %dma_start3A_749 = arith.constant 0 : i32
      %dma_start3A_750 = arith.constant 0 : i32
      %dma_start3A_751 = tpu.memref_slice %arg5[%select_n3A_649, %dma_start3A_741, %select_n3A_665, %dma_start3A_749, %dma_start3A_750] : memref<50x4x32x8x128xf32, #tpu.memory_space<hbm>> -> memref<1x1x1x8x128xf32, #tpu.memory_space<hbm>>
      %dma_start3A_752 = tpu.memref_squeeze %dma_start3A_751 : memref<1x1x1x8x128xf32, #tpu.memory_space<hbm>> -> memref<8x128xf32, #tpu.memory_space<hbm>>
      %dma_start3A_753 = arith.constant 16 : i32
      %dma_start3A_754 = arith.constant 0 : i32
      %dma_start3A_755 = tpu.memref_slice %arg13[%dma_start3A_753, %dma_start3A_754] : memref<32x128xf32, #tpu.memory_space<vmem>> -> memref<8x128xf32, #tpu.memory_space<vmem>>
      tpu.enqueue_dma source(%dma_start3A_755 : memref<8x128xf32, #tpu.memory_space<vmem>>) target(%dma_start3A_752 : memref<8x128xf32, #tpu.memory_space<hbm>>) target_semaphore(%arg15 : memref<!tpu.dma_semaphore, #tpu.memory_space<semaphore_mem>>)
      %dma_start3A_756 = arith.constant 3 : i32
      %dma_start3A_757 = arith.constant 24 : i32
      %dma_start3A_758 = arith.constant 0 : i32
      %dma_start3A_759 = tpu.memref_slice %arg12[%dma_start3A_757, %dma_start3A_758] : memref<32x128xf32, #tpu.memory_space<vmem>> -> memref<8x128xf32, #tpu.memory_space<vmem>>
      %dma_start3A_760 = arith.constant 0 : i32
      %dma_start3A_761 = arith.constant 0 : i32
      %dma_start3A_762 = tpu.memref_slice %arg4[%select_n3A_649, %dma_start3A_756, %select_n3A_665, %dma_start3A_760, %dma_start3A_761] : memref<50x4x32x8x128xf32, #tpu.memory_space<hbm>> -> memref<1x1x1x8x128xf32, #tpu.memory_space<hbm>>
      %dma_start3A_763 = tpu.memref_squeeze %dma_start3A_762 : memref<1x1x1x8x128xf32, #tpu.memory_space<hbm>> -> memref<8x128xf32, #tpu.memory_space<hbm>>
      %dma_start3A_764 = arith.constant 0 : i32
      %dma_start3A_765 = arith.constant 0 : i32
      %dma_start3A_766 = tpu.memref_slice %arg4[%select_n3A_649, %dma_start3A_756, %select_n3A_665, %dma_start3A_764, %dma_start3A_765] : memref<50x4x32x8x128xf32, #tpu.memory_space<hbm>> -> memref<1x1x1x8x128xf32, #tpu.memory_space<hbm>>
      %dma_start3A_767 = tpu.memref_squeeze %dma_start3A_766 : memref<1x1x1x8x128xf32, #tpu.memory_space<hbm>> -> memref<8x128xf32, #tpu.memory_space<hbm>>
      %dma_start3A_768 = arith.constant 24 : i32
      %dma_start3A_769 = arith.constant 0 : i32
      %dma_start3A_770 = tpu.memref_slice %arg12[%dma_start3A_768, %dma_start3A_769] : memref<32x128xf32, #tpu.memory_space<vmem>> -> memref<8x128xf32, #tpu.memory_space<vmem>>
      tpu.enqueue_dma source(%dma_start3A_770 : memref<8x128xf32, #tpu.memory_space<vmem>>) target(%dma_start3A_767 : memref<8x128xf32, #tpu.memory_space<hbm>>) target_semaphore(%arg15 : memref<!tpu.dma_semaphore, #tpu.memory_space<semaphore_mem>>)
      %dma_start3A_771 = arith.constant 3 : i32
      %dma_start3A_772 = arith.constant 24 : i32
      %dma_start3A_773 = arith.constant 0 : i32
      %dma_start3A_774 = tpu.memref_slice %arg13[%dma_start3A_772, %dma_start3A_773] : memref<32x128xf32, #tpu.memory_space<vmem>> -> memref<8x128xf32, #tpu.memory_space<vmem>>
      %dma_start3A_775 = arith.constant 0 : i32
      %dma_start3A_776 = arith.constant 0 : i32
      %dma_start3A_777 = tpu.memref_slice %arg5[%select_n3A_649, %dma_start3A_771, %select_n3A_665, %dma_start3A_775, %dma_start3A_776] : memref<50x4x32x8x128xf32, #tpu.memory_space<hbm>> -> memref<1x1x1x8x128xf32, #tpu.memory_space<hbm>>
      %dma_start3A_778 = tpu.memref_squeeze %dma_start3A_777 : memref<1x1x1x8x128xf32, #tpu.memory_space<hbm>> -> memref<8x128xf32, #tpu.memory_space<hbm>>
      %dma_start3A_779 = arith.constant 0 : i32
      %dma_start3A_780 = arith.constant 0 : i32
      %dma_start3A_781 = tpu.memref_slice %arg5[%select_n3A_649, %dma_start3A_771, %select_n3A_665, %dma_start3A_779, %dma_start3A_780] : memref<50x4x32x8x128xf32, #tpu.memory_space<hbm>> -> memref<1x1x1x8x128xf32, #tpu.memory_space<hbm>>
      %dma_start3A_782 = tpu.memref_squeeze %dma_start3A_781 : memref<1x1x1x8x128xf32, #tpu.memory_space<hbm>> -> memref<8x128xf32, #tpu.memory_space<hbm>>
      %dma_start3A_783 = arith.constant 24 : i32
      %dma_start3A_784 = arith.constant 0 : i32
      %dma_start3A_785 = tpu.memref_slice %arg13[%dma_start3A_783, %dma_start3A_784] : memref<32x128xf32, #tpu.memory_space<vmem>> -> memref<8x128xf32, #tpu.memory_space<vmem>>
      tpu.enqueue_dma source(%dma_start3A_785 : memref<8x128xf32, #tpu.memory_space<vmem>>) target(%dma_start3A_782 : memref<8x128xf32, #tpu.memory_space<hbm>>) target_semaphore(%arg15 : memref<!tpu.dma_semaphore, #tpu.memory_space<semaphore_mem>>)
    }
    %scan3A_67 = arith.constant 25 : i32
    %dma_wait3A = arith.constant 0 : i32
    %dma_wait3A_68 = arith.constant 0 : i32
    %dma_wait3A_69 = arith.constant 0 : i32
    %dma_wait3A_70 = arith.constant 0 : i32
    %dma_wait3A_71 = arith.constant 0 : i32
    %dma_wait3A_72 = tpu.memref_slice %arg10[%dma_wait3A_70, %dma_wait3A_71] : memref<32x128xf32, #tpu.memory_space<vmem>> -> memref<8x128xf32, #tpu.memory_space<vmem>>
    %dma_wait3A_73 = arith.constant 0 : i32
    %dma_wait3A_74 = arith.constant 0 : i32
    %dma_wait3A_75 = tpu.memref_slice %arg4[%dma_wait3A, %dma_wait3A_68, %dma_wait3A_69, %dma_wait3A_73, %dma_wait3A_74] : memref<50x4x32x8x128xf32, #tpu.memory_space<hbm>> -> memref<1x1x1x8x128xf32, #tpu.memory_space<hbm>>
    %dma_wait3A_76 = tpu.memref_squeeze %dma_wait3A_75 : memref<1x1x1x8x128xf32, #tpu.memory_space<hbm>> -> memref<8x128xf32, #tpu.memory_space<hbm>>
    %dma_wait3A_77 = arith.constant 0 : i32
    %dma_wait3A_78 = arith.constant 0 : i32
    %dma_wait3A_79 = tpu.memref_slice %arg4[%dma_wait3A, %dma_wait3A_68, %dma_wait3A_69, %dma_wait3A_77, %dma_wait3A_78] : memref<50x4x32x8x128xf32, #tpu.memory_space<hbm>> -> memref<1x1x1x8x128xf32, #tpu.memory_space<hbm>>
    %dma_wait3A_80 = tpu.memref_squeeze %dma_wait3A_79 : memref<1x1x1x8x128xf32, #tpu.memory_space<hbm>> -> memref<8x128xf32, #tpu.memory_space<hbm>>
    %dma_wait3A_81 = arith.constant 0 : i32
    %dma_wait3A_82 = arith.constant 0 : i32
    %dma_wait3A_83 = tpu.memref_slice %arg10[%dma_wait3A_81, %dma_wait3A_82] : memref<32x128xf32, #tpu.memory_space<vmem>> -> memref<8x128xf32, #tpu.memory_space<vmem>>
    tpu.wait_dma2 semaphore(%arg15 : memref<!tpu.dma_semaphore, #tpu.memory_space<semaphore_mem>>) src(%dma_wait3A_83 : memref<8x128xf32, #tpu.memory_space<vmem>>) dst(%dma_wait3A_80 : memref<8x128xf32, #tpu.memory_space<hbm>>)
    %dma_wait3A_84 = arith.constant 0 : i32
    %dma_wait3A_85 = arith.constant 0 : i32
    %dma_wait3A_86 = arith.constant 0 : i32
    %dma_wait3A_87 = arith.constant 0 : i32
    %dma_wait3A_88 = arith.constant 0 : i32
    %dma_wait3A_89 = tpu.memref_slice %arg11[%dma_wait3A_87, %dma_wait3A_88] : memref<32x128xf32, #tpu.memory_space<vmem>> -> memref<8x128xf32, #tpu.memory_space<vmem>>
    %dma_wait3A_90 = arith.constant 0 : i32
    %dma_wait3A_91 = arith.constant 0 : i32
    %dma_wait3A_92 = tpu.memref_slice %arg5[%dma_wait3A_84, %dma_wait3A_85, %dma_wait3A_86, %dma_wait3A_90, %dma_wait3A_91] : memref<50x4x32x8x128xf32, #tpu.memory_space<hbm>> -> memref<1x1x1x8x128xf32, #tpu.memory_space<hbm>>
    %dma_wait3A_93 = tpu.memref_squeeze %dma_wait3A_92 : memref<1x1x1x8x128xf32, #tpu.memory_space<hbm>> -> memref<8x128xf32, #tpu.memory_space<hbm>>
    %dma_wait3A_94 = arith.constant 0 : i32
    %dma_wait3A_95 = arith.constant 0 : i32
    %dma_wait3A_96 = tpu.memref_slice %arg5[%dma_wait3A_84, %dma_wait3A_85, %dma_wait3A_86, %dma_wait3A_94, %dma_wait3A_95] : memref<50x4x32x8x128xf32, #tpu.memory_space<hbm>> -> memref<1x1x1x8x128xf32, #tpu.memory_space<hbm>>
    %dma_wait3A_97 = tpu.memref_squeeze %dma_wait3A_96 : memref<1x1x1x8x128xf32, #tpu.memory_space<hbm>> -> memref<8x128xf32, #tpu.memory_space<hbm>>
    %dma_wait3A_98 = arith.constant 0 : i32
    %dma_wait3A_99 = arith.constant 0 : i32
    %dma_wait3A_100 = tpu.memref_slice %arg11[%dma_wait3A_98, %dma_wait3A_99] : memref<32x128xf32, #tpu.memory_space<vmem>> -> memref<8x128xf32, #tpu.memory_space<vmem>>
    tpu.wait_dma2 semaphore(%arg15 : memref<!tpu.dma_semaphore, #tpu.memory_space<semaphore_mem>>) src(%dma_wait3A_100 : memref<8x128xf32, #tpu.memory_space<vmem>>) dst(%dma_wait3A_97 : memref<8x128xf32, #tpu.memory_space<hbm>>)
    %dma_wait3A_101 = arith.constant 0 : i32
    %dma_wait3A_102 = arith.constant 0 : i32
    %dma_wait3A_103 = arith.constant 0 : i32
    %dma_wait3A_104 = arith.constant 8 : i32
    %dma_wait3A_105 = arith.constant 0 : i32
    %dma_wait3A_106 = tpu.memref_slice %arg10[%dma_wait3A_104, %dma_wait3A_105] : memref<32x128xf32, #tpu.memory_space<vmem>> -> memref<8x128xf32, #tpu.memory_space<vmem>>
    %dma_wait3A_107 = arith.constant 0 : i32
    %dma_wait3A_108 = arith.constant 0 : i32
    %dma_wait3A_109 = tpu.memref_slice %arg4[%dma_wait3A_101, %dma_wait3A_102, %dma_wait3A_103, %dma_wait3A_107, %dma_wait3A_108] : memref<50x4x32x8x128xf32, #tpu.memory_space<hbm>> -> memref<1x1x1x8x128xf32, #tpu.memory_space<hbm>>
    %dma_wait3A_110 = tpu.memref_squeeze %dma_wait3A_109 : memref<1x1x1x8x128xf32, #tpu.memory_space<hbm>> -> memref<8x128xf32, #tpu.memory_space<hbm>>
    %dma_wait3A_111 = arith.constant 0 : i32
    %dma_wait3A_112 = arith.constant 0 : i32
    %dma_wait3A_113 = tpu.memref_slice %arg4[%dma_wait3A_101, %dma_wait3A_102, %dma_wait3A_103, %dma_wait3A_111, %dma_wait3A_112] : memref<50x4x32x8x128xf32, #tpu.memory_space<hbm>> -> memref<1x1x1x8x128xf32, #tpu.memory_space<hbm>>
    %dma_wait3A_114 = tpu.memref_squeeze %dma_wait3A_113 : memref<1x1x1x8x128xf32, #tpu.memory_space<hbm>> -> memref<8x128xf32, #tpu.memory_space<hbm>>
    %dma_wait3A_115 = arith.constant 8 : i32
    %dma_wait3A_116 = arith.constant 0 : i32
    %dma_wait3A_117 = tpu.memref_slice %arg10[%dma_wait3A_115, %dma_wait3A_116] : memref<32x128xf32, #tpu.memory_space<vmem>> -> memref<8x128xf32, #tpu.memory_space<vmem>>
    tpu.wait_dma2 semaphore(%arg15 : memref<!tpu.dma_semaphore, #tpu.memory_space<semaphore_mem>>) src(%dma_wait3A_117 : memref<8x128xf32, #tpu.memory_space<vmem>>) dst(%dma_wait3A_114 : memref<8x128xf32, #tpu.memory_space<hbm>>)
    %dma_wait3A_118 = arith.constant 0 : i32
    %dma_wait3A_119 = arith.constant 0 : i32
    %dma_wait3A_120 = arith.constant 0 : i32
    %dma_wait3A_121 = arith.constant 8 : i32
    %dma_wait3A_122 = arith.constant 0 : i32
    %dma_wait3A_123 = tpu.memref_slice %arg11[%dma_wait3A_121, %dma_wait3A_122] : memref<32x128xf32, #tpu.memory_space<vmem>> -> memref<8x128xf32, #tpu.memory_space<vmem>>
    %dma_wait3A_124 = arith.constant 0 : i32
    %dma_wait3A_125 = arith.constant 0 : i32
    %dma_wait3A_126 = tpu.memref_slice %arg5[%dma_wait3A_118, %dma_wait3A_119, %dma_wait3A_120, %dma_wait3A_124, %dma_wait3A_125] : memref<50x4x32x8x128xf32, #tpu.memory_space<hbm>> -> memref<1x1x1x8x128xf32, #tpu.memory_space<hbm>>
    %dma_wait3A_127 = tpu.memref_squeeze %dma_wait3A_126 : memref<1x1x1x8x128xf32, #tpu.memory_space<hbm>> -> memref<8x128xf32, #tpu.memory_space<hbm>>
    %dma_wait3A_128 = arith.constant 0 : i32
    %dma_wait3A_129 = arith.constant 0 : i32
    %dma_wait3A_130 = tpu.memref_slice %arg5[%dma_wait3A_118, %dma_wait3A_119, %dma_wait3A_120, %dma_wait3A_128, %dma_wait3A_129] : memref<50x4x32x8x128xf32, #tpu.memory_space<hbm>> -> memref<1x1x1x8x128xf32, #tpu.memory_space<hbm>>
    %dma_wait3A_131 = tpu.memref_squeeze %dma_wait3A_130 : memref<1x1x1x8x128xf32, #tpu.memory_space<hbm>> -> memref<8x128xf32, #tpu.memory_space<hbm>>
    %dma_wait3A_132 = arith.constant 8 : i32
    %dma_wait3A_133 = arith.constant 0 : i32
    %dma_wait3A_134 = tpu.memref_slice %arg11[%dma_wait3A_132, %dma_wait3A_133] : memref<32x128xf32, #tpu.memory_space<vmem>> -> memref<8x128xf32, #tpu.memory_space<vmem>>
    tpu.wait_dma2 semaphore(%arg15 : memref<!tpu.dma_semaphore, #tpu.memory_space<semaphore_mem>>) src(%dma_wait3A_134 : memref<8x128xf32, #tpu.memory_space<vmem>>) dst(%dma_wait3A_131 : memref<8x128xf32, #tpu.memory_space<hbm>>)
    %dma_wait3A_135 = arith.constant 0 : i32
    %dma_wait3A_136 = arith.constant 0 : i32
    %dma_wait3A_137 = arith.constant 0 : i32
    %dma_wait3A_138 = arith.constant 16 : i32
    %dma_wait3A_139 = arith.constant 0 : i32
    %dma_wait3A_140 = tpu.memref_slice %arg10[%dma_wait3A_138, %dma_wait3A_139] : memref<32x128xf32, #tpu.memory_space<vmem>> -> memref<8x128xf32, #tpu.memory_space<vmem>>
    %dma_wait3A_141 = arith.constant 0 : i32
    %dma_wait3A_142 = arith.constant 0 : i32
    %dma_wait3A_143 = tpu.memref_slice %arg4[%dma_wait3A_135, %dma_wait3A_136, %dma_wait3A_137, %dma_wait3A_141, %dma_wait3A_142] : memref<50x4x32x8x128xf32, #tpu.memory_space<hbm>> -> memref<1x1x1x8x128xf32, #tpu.memory_space<hbm>>
    %dma_wait3A_144 = tpu.memref_squeeze %dma_wait3A_143 : memref<1x1x1x8x128xf32, #tpu.memory_space<hbm>> -> memref<8x128xf32, #tpu.memory_space<hbm>>
    %dma_wait3A_145 = arith.constant 0 : i32
    %dma_wait3A_146 = arith.constant 0 : i32
    %dma_wait3A_147 = tpu.memref_slice %arg4[%dma_wait3A_135, %dma_wait3A_136, %dma_wait3A_137, %dma_wait3A_145, %dma_wait3A_146] : memref<50x4x32x8x128xf32, #tpu.memory_space<hbm>> -> memref<1x1x1x8x128xf32, #tpu.memory_space<hbm>>
    %dma_wait3A_148 = tpu.memref_squeeze %dma_wait3A_147 : memref<1x1x1x8x128xf32, #tpu.memory_space<hbm>> -> memref<8x128xf32, #tpu.memory_space<hbm>>
    %dma_wait3A_149 = arith.constant 16 : i32
    %dma_wait3A_150 = arith.constant 0 : i32
    %dma_wait3A_151 = tpu.memref_slice %arg10[%dma_wait3A_149, %dma_wait3A_150] : memref<32x128xf32, #tpu.memory_space<vmem>> -> memref<8x128xf32, #tpu.memory_space<vmem>>
    tpu.wait_dma2 semaphore(%arg15 : memref<!tpu.dma_semaphore, #tpu.memory_space<semaphore_mem>>) src(%dma_wait3A_151 : memref<8x128xf32, #tpu.memory_space<vmem>>) dst(%dma_wait3A_148 : memref<8x128xf32, #tpu.memory_space<hbm>>)
    %dma_wait3A_152 = arith.constant 0 : i32
    %dma_wait3A_153 = arith.constant 0 : i32
    %dma_wait3A_154 = arith.constant 0 : i32
    %dma_wait3A_155 = arith.constant 16 : i32
    %dma_wait3A_156 = arith.constant 0 : i32
    %dma_wait3A_157 = tpu.memref_slice %arg11[%dma_wait3A_155, %dma_wait3A_156] : memref<32x128xf32, #tpu.memory_space<vmem>> -> memref<8x128xf32, #tpu.memory_space<vmem>>
    %dma_wait3A_158 = arith.constant 0 : i32
    %dma_wait3A_159 = arith.constant 0 : i32
    %dma_wait3A_160 = tpu.memref_slice %arg5[%dma_wait3A_152, %dma_wait3A_153, %dma_wait3A_154, %dma_wait3A_158, %dma_wait3A_159] : memref<50x4x32x8x128xf32, #tpu.memory_space<hbm>> -> memref<1x1x1x8x128xf32, #tpu.memory_space<hbm>>
    %dma_wait3A_161 = tpu.memref_squeeze %dma_wait3A_160 : memref<1x1x1x8x128xf32, #tpu.memory_space<hbm>> -> memref<8x128xf32, #tpu.memory_space<hbm>>
    %dma_wait3A_162 = arith.constant 0 : i32
    %dma_wait3A_163 = arith.constant 0 : i32
    %dma_wait3A_164 = tpu.memref_slice %arg5[%dma_wait3A_152, %dma_wait3A_153, %dma_wait3A_154, %dma_wait3A_162, %dma_wait3A_163] : memref<50x4x32x8x128xf32, #tpu.memory_space<hbm>> -> memref<1x1x1x8x128xf32, #tpu.memory_space<hbm>>
    %dma_wait3A_165 = tpu.memref_squeeze %dma_wait3A_164 : memref<1x1x1x8x128xf32, #tpu.memory_space<hbm>> -> memref<8x128xf32, #tpu.memory_space<hbm>>
    %dma_wait3A_166 = arith.constant 16 : i32
    %dma_wait3A_167 = arith.constant 0 : i32
    %dma_wait3A_168 = tpu.memref_slice %arg11[%dma_wait3A_166, %dma_wait3A_167] : memref<32x128xf32, #tpu.memory_space<vmem>> -> memref<8x128xf32, #tpu.memory_space<vmem>>
    tpu.wait_dma2 semaphore(%arg15 : memref<!tpu.dma_semaphore, #tpu.memory_space<semaphore_mem>>) src(%dma_wait3A_168 : memref<8x128xf32, #tpu.memory_space<vmem>>) dst(%dma_wait3A_165 : memref<8x128xf32, #tpu.memory_space<hbm>>)
    %dma_wait3A_169 = arith.constant 0 : i32
    %dma_wait3A_170 = arith.constant 0 : i32
    %dma_wait3A_171 = arith.constant 0 : i32
    %dma_wait3A_172 = arith.constant 24 : i32
    %dma_wait3A_173 = arith.constant 0 : i32
    %dma_wait3A_174 = tpu.memref_slice %arg10[%dma_wait3A_172, %dma_wait3A_173] : memref<32x128xf32, #tpu.memory_space<vmem>> -> memref<8x128xf32, #tpu.memory_space<vmem>>
    %dma_wait3A_175 = arith.constant 0 : i32
    %dma_wait3A_176 = arith.constant 0 : i32
    %dma_wait3A_177 = tpu.memref_slice %arg4[%dma_wait3A_169, %dma_wait3A_170, %dma_wait3A_171, %dma_wait3A_175, %dma_wait3A_176] : memref<50x4x32x8x128xf32, #tpu.memory_space<hbm>> -> memref<1x1x1x8x128xf32, #tpu.memory_space<hbm>>
    %dma_wait3A_178 = tpu.memref_squeeze %dma_wait3A_177 : memref<1x1x1x8x128xf32, #tpu.memory_space<hbm>> -> memref<8x128xf32, #tpu.memory_space<hbm>>
    %dma_wait3A_179 = arith.constant 0 : i32
    %dma_wait3A_180 = arith.constant 0 : i32
    %dma_wait3A_181 = tpu.memref_slice %arg4[%dma_wait3A_169, %dma_wait3A_170, %dma_wait3A_171, %dma_wait3A_179, %dma_wait3A_180] : memref<50x4x32x8x128xf32, #tpu.memory_space<hbm>> -> memref<1x1x1x8x128xf32, #tpu.memory_space<hbm>>
    %dma_wait3A_182 = tpu.memref_squeeze %dma_wait3A_181 : memref<1x1x1x8x128xf32, #tpu.memory_space<hbm>> -> memref<8x128xf32, #tpu.memory_space<hbm>>
    %dma_wait3A_183 = arith.constant 24 : i32
    %dma_wait3A_184 = arith.constant 0 : i32
    %dma_wait3A_185 = tpu.memref_slice %arg10[%dma_wait3A_183, %dma_wait3A_184] : memref<32x128xf32, #tpu.memory_space<vmem>> -> memref<8x128xf32, #tpu.memory_space<vmem>>
    tpu.wait_dma2 semaphore(%arg15 : memref<!tpu.dma_semaphore, #tpu.memory_space<semaphore_mem>>) src(%dma_wait3A_185 : memref<8x128xf32, #tpu.memory_space<vmem>>) dst(%dma_wait3A_182 : memref<8x128xf32, #tpu.memory_space<hbm>>)
    %dma_wait3A_186 = arith.constant 0 : i32
    %dma_wait3A_187 = arith.constant 0 : i32
    %dma_wait3A_188 = arith.constant 0 : i32
    %dma_wait3A_189 = arith.constant 24 : i32
    %dma_wait3A_190 = arith.constant 0 : i32
    %dma_wait3A_191 = tpu.memref_slice %arg11[%dma_wait3A_189, %dma_wait3A_190] : memref<32x128xf32, #tpu.memory_space<vmem>> -> memref<8x128xf32, #tpu.memory_space<vmem>>
    %dma_wait3A_192 = arith.constant 0 : i32
    %dma_wait3A_193 = arith.constant 0 : i32
    %dma_wait3A_194 = tpu.memref_slice %arg5[%dma_wait3A_186, %dma_wait3A_187, %dma_wait3A_188, %dma_wait3A_192, %dma_wait3A_193] : memref<50x4x32x8x128xf32, #tpu.memory_space<hbm>> -> memref<1x1x1x8x128xf32, #tpu.memory_space<hbm>>
    %dma_wait3A_195 = tpu.memref_squeeze %dma_wait3A_194 : memref<1x1x1x8x128xf32, #tpu.memory_space<hbm>> -> memref<8x128xf32, #tpu.memory_space<hbm>>
    %dma_wait3A_196 = arith.constant 0 : i32
    %dma_wait3A_197 = arith.constant 0 : i32
    %dma_wait3A_198 = tpu.memref_slice %arg5[%dma_wait3A_186, %dma_wait3A_187, %dma_wait3A_188, %dma_wait3A_196, %dma_wait3A_197] : memref<50x4x32x8x128xf32, #tpu.memory_space<hbm>> -> memref<1x1x1x8x128xf32, #tpu.memory_space<hbm>>
    %dma_wait3A_199 = tpu.memref_squeeze %dma_wait3A_198 : memref<1x1x1x8x128xf32, #tpu.memory_space<hbm>> -> memref<8x128xf32, #tpu.memory_space<hbm>>
    %dma_wait3A_200 = arith.constant 24 : i32
    %dma_wait3A_201 = arith.constant 0 : i32
    %dma_wait3A_202 = tpu.memref_slice %arg11[%dma_wait3A_200, %dma_wait3A_201] : memref<32x128xf32, #tpu.memory_space<vmem>> -> memref<8x128xf32, #tpu.memory_space<vmem>>
    tpu.wait_dma2 semaphore(%arg15 : memref<!tpu.dma_semaphore, #tpu.memory_space<semaphore_mem>>) src(%dma_wait3A_202 : memref<8x128xf32, #tpu.memory_space<vmem>>) dst(%dma_wait3A_199 : memref<8x128xf32, #tpu.memory_space<hbm>>)
    %dma_wait3A_203 = arith.constant 0 : i32
    %dma_wait3A_204 = arith.constant 0 : i32
    %dma_wait3A_205 = arith.constant 0 : i32
    %dma_wait3A_206 = arith.constant 0 : i32
    %dma_wait3A_207 = arith.constant 0 : i32
    %dma_wait3A_208 = tpu.memref_slice %arg12[%dma_wait3A_206, %dma_wait3A_207] : memref<32x128xf32, #tpu.memory_space<vmem>> -> memref<8x128xf32, #tpu.memory_space<vmem>>
    %dma_wait3A_209 = arith.constant 0 : i32
    %dma_wait3A_210 = arith.constant 0 : i32
    %dma_wait3A_211 = tpu.memref_slice %arg4[%dma_wait3A_203, %dma_wait3A_204, %dma_wait3A_205, %dma_wait3A_209, %dma_wait3A_210] : memref<50x4x32x8x128xf32, #tpu.memory_space<hbm>> -> memref<1x1x1x8x128xf32, #tpu.memory_space<hbm>>
    %dma_wait3A_212 = tpu.memref_squeeze %dma_wait3A_211 : memref<1x1x1x8x128xf32, #tpu.memory_space<hbm>> -> memref<8x128xf32, #tpu.memory_space<hbm>>
    %dma_wait3A_213 = arith.constant 0 : i32
    %dma_wait3A_214 = arith.constant 0 : i32
    %dma_wait3A_215 = tpu.memref_slice %arg4[%dma_wait3A_203, %dma_wait3A_204, %dma_wait3A_205, %dma_wait3A_213, %dma_wait3A_214] : memref<50x4x32x8x128xf32, #tpu.memory_space<hbm>> -> memref<1x1x1x8x128xf32, #tpu.memory_space<hbm>>
    %dma_wait3A_216 = tpu.memref_squeeze %dma_wait3A_215 : memref<1x1x1x8x128xf32, #tpu.memory_space<hbm>> -> memref<8x128xf32, #tpu.memory_space<hbm>>
    %dma_wait3A_217 = arith.constant 0 : i32
    %dma_wait3A_218 = arith.constant 0 : i32
    %dma_wait3A_219 = tpu.memref_slice %arg12[%dma_wait3A_217, %dma_wait3A_218] : memref<32x128xf32, #tpu.memory_space<vmem>> -> memref<8x128xf32, #tpu.memory_space<vmem>>
    tpu.wait_dma2 semaphore(%arg15 : memref<!tpu.dma_semaphore, #tpu.memory_space<semaphore_mem>>) src(%dma_wait3A_219 : memref<8x128xf32, #tpu.memory_space<vmem>>) dst(%dma_wait3A_216 : memref<8x128xf32, #tpu.memory_space<hbm>>)
    %dma_wait3A_220 = arith.constant 0 : i32
    %dma_wait3A_221 = arith.constant 0 : i32
    %dma_wait3A_222 = arith.constant 0 : i32
    %dma_wait3A_223 = arith.constant 0 : i32
    %dma_wait3A_224 = arith.constant 0 : i32
    %dma_wait3A_225 = tpu.memref_slice %arg13[%dma_wait3A_223, %dma_wait3A_224] : memref<32x128xf32, #tpu.memory_space<vmem>> -> memref<8x128xf32, #tpu.memory_space<vmem>>
    %dma_wait3A_226 = arith.constant 0 : i32
    %dma_wait3A_227 = arith.constant 0 : i32
    %dma_wait3A_228 = tpu.memref_slice %arg5[%dma_wait3A_220, %dma_wait3A_221, %dma_wait3A_222, %dma_wait3A_226, %dma_wait3A_227] : memref<50x4x32x8x128xf32, #tpu.memory_space<hbm>> -> memref<1x1x1x8x128xf32, #tpu.memory_space<hbm>>
    %dma_wait3A_229 = tpu.memref_squeeze %dma_wait3A_228 : memref<1x1x1x8x128xf32, #tpu.memory_space<hbm>> -> memref<8x128xf32, #tpu.memory_space<hbm>>
    %dma_wait3A_230 = arith.constant 0 : i32
    %dma_wait3A_231 = arith.constant 0 : i32
    %dma_wait3A_232 = tpu.memref_slice %arg5[%dma_wait3A_220, %dma_wait3A_221, %dma_wait3A_222, %dma_wait3A_230, %dma_wait3A_231] : memref<50x4x32x8x128xf32, #tpu.memory_space<hbm>> -> memref<1x1x1x8x128xf32, #tpu.memory_space<hbm>>
    %dma_wait3A_233 = tpu.memref_squeeze %dma_wait3A_232 : memref<1x1x1x8x128xf32, #tpu.memory_space<hbm>> -> memref<8x128xf32, #tpu.memory_space<hbm>>
    %dma_wait3A_234 = arith.constant 0 : i32
    %dma_wait3A_235 = arith.constant 0 : i32
    %dma_wait3A_236 = tpu.memref_slice %arg13[%dma_wait3A_234, %dma_wait3A_235] : memref<32x128xf32, #tpu.memory_space<vmem>> -> memref<8x128xf32, #tpu.memory_space<vmem>>
    tpu.wait_dma2 semaphore(%arg15 : memref<!tpu.dma_semaphore, #tpu.memory_space<semaphore_mem>>) src(%dma_wait3A_236 : memref<8x128xf32, #tpu.memory_space<vmem>>) dst(%dma_wait3A_233 : memref<8x128xf32, #tpu.memory_space<hbm>>)
    %dma_wait3A_237 = arith.constant 0 : i32
    %dma_wait3A_238 = arith.constant 0 : i32
    %dma_wait3A_239 = arith.constant 0 : i32
    %dma_wait3A_240 = arith.constant 8 : i32
    %dma_wait3A_241 = arith.constant 0 : i32
    %dma_wait3A_242 = tpu.memref_slice %arg12[%dma_wait3A_240, %dma_wait3A_241] : memref<32x128xf32, #tpu.memory_space<vmem>> -> memref<8x128xf32, #tpu.memory_space<vmem>>
    %dma_wait3A_243 = arith.constant 0 : i32
    %dma_wait3A_244 = arith.constant 0 : i32
    %dma_wait3A_245 = tpu.memref_slice %arg4[%dma_wait3A_237, %dma_wait3A_238, %dma_wait3A_239, %dma_wait3A_243, %dma_wait3A_244] : memref<50x4x32x8x128xf32, #tpu.memory_space<hbm>> -> memref<1x1x1x8x128xf32, #tpu.memory_space<hbm>>
    %dma_wait3A_246 = tpu.memref_squeeze %dma_wait3A_245 : memref<1x1x1x8x128xf32, #tpu.memory_space<hbm>> -> memref<8x128xf32, #tpu.memory_space<hbm>>
    %dma_wait3A_247 = arith.constant 0 : i32
    %dma_wait3A_248 = arith.constant 0 : i32
    %dma_wait3A_249 = tpu.memref_slice %arg4[%dma_wait3A_237, %dma_wait3A_238, %dma_wait3A_239, %dma_wait3A_247, %dma_wait3A_248] : memref<50x4x32x8x128xf32, #tpu.memory_space<hbm>> -> memref<1x1x1x8x128xf32, #tpu.memory_space<hbm>>
    %dma_wait3A_250 = tpu.memref_squeeze %dma_wait3A_249 : memref<1x1x1x8x128xf32, #tpu.memory_space<hbm>> -> memref<8x128xf32, #tpu.memory_space<hbm>>
    %dma_wait3A_251 = arith.constant 8 : i32
    %dma_wait3A_252 = arith.constant 0 : i32
    %dma_wait3A_253 = tpu.memref_slice %arg12[%dma_wait3A_251, %dma_wait3A_252] : memref<32x128xf32, #tpu.memory_space<vmem>> -> memref<8x128xf32, #tpu.memory_space<vmem>>
    tpu.wait_dma2 semaphore(%arg15 : memref<!tpu.dma_semaphore, #tpu.memory_space<semaphore_mem>>) src(%dma_wait3A_253 : memref<8x128xf32, #tpu.memory_space<vmem>>) dst(%dma_wait3A_250 : memref<8x128xf32, #tpu.memory_space<hbm>>)
    %dma_wait3A_254 = arith.constant 0 : i32
    %dma_wait3A_255 = arith.constant 0 : i32
    %dma_wait3A_256 = arith.constant 0 : i32
    %dma_wait3A_257 = arith.constant 8 : i32
    %dma_wait3A_258 = arith.constant 0 : i32
    %dma_wait3A_259 = tpu.memref_slice %arg13[%dma_wait3A_257, %dma_wait3A_258] : memref<32x128xf32, #tpu.memory_space<vmem>> -> memref<8x128xf32, #tpu.memory_space<vmem>>
    %dma_wait3A_260 = arith.constant 0 : i32
    %dma_wait3A_261 = arith.constant 0 : i32
    %dma_wait3A_262 = tpu.memref_slice %arg5[%dma_wait3A_254, %dma_wait3A_255, %dma_wait3A_256, %dma_wait3A_260, %dma_wait3A_261] : memref<50x4x32x8x128xf32, #tpu.memory_space<hbm>> -> memref<1x1x1x8x128xf32, #tpu.memory_space<hbm>>
    %dma_wait3A_263 = tpu.memref_squeeze %dma_wait3A_262 : memref<1x1x1x8x128xf32, #tpu.memory_space<hbm>> -> memref<8x128xf32, #tpu.memory_space<hbm>>
    %dma_wait3A_264 = arith.constant 0 : i32
    %dma_wait3A_265 = arith.constant 0 : i32
    %dma_wait3A_266 = tpu.memref_slice %arg5[%dma_wait3A_254, %dma_wait3A_255, %dma_wait3A_256, %dma_wait3A_264, %dma_wait3A_265] : memref<50x4x32x8x128xf32, #tpu.memory_space<hbm>> -> memref<1x1x1x8x128xf32, #tpu.memory_space<hbm>>
    %dma_wait3A_267 = tpu.memref_squeeze %dma_wait3A_266 : memref<1x1x1x8x128xf32, #tpu.memory_space<hbm>> -> memref<8x128xf32, #tpu.memory_space<hbm>>
    %dma_wait3A_268 = arith.constant 8 : i32
    %dma_wait3A_269 = arith.constant 0 : i32
    %dma_wait3A_270 = tpu.memref_slice %arg13[%dma_wait3A_268, %dma_wait3A_269] : memref<32x128xf32, #tpu.memory_space<vmem>> -> memref<8x128xf32, #tpu.memory_space<vmem>>
    tpu.wait_dma2 semaphore(%arg15 : memref<!tpu.dma_semaphore, #tpu.memory_space<semaphore_mem>>) src(%dma_wait3A_270 : memref<8x128xf32, #tpu.memory_space<vmem>>) dst(%dma_wait3A_267 : memref<8x128xf32, #tpu.memory_space<hbm>>)
    %dma_wait3A_271 = arith.constant 0 : i32
    %dma_wait3A_272 = arith.constant 0 : i32
    %dma_wait3A_273 = arith.constant 0 : i32
    %dma_wait3A_274 = arith.constant 16 : i32
    %dma_wait3A_275 = arith.constant 0 : i32
    %dma_wait3A_276 = tpu.memref_slice %arg12[%dma_wait3A_274, %dma_wait3A_275] : memref<32x128xf32, #tpu.memory_space<vmem>> -> memref<8x128xf32, #tpu.memory_space<vmem>>
    %dma_wait3A_277 = arith.constant 0 : i32
    %dma_wait3A_278 = arith.constant 0 : i32
    %dma_wait3A_279 = tpu.memref_slice %arg4[%dma_wait3A_271, %dma_wait3A_272, %dma_wait3A_273, %dma_wait3A_277, %dma_wait3A_278] : memref<50x4x32x8x128xf32, #tpu.memory_space<hbm>> -> memref<1x1x1x8x128xf32, #tpu.memory_space<hbm>>
    %dma_wait3A_280 = tpu.memref_squeeze %dma_wait3A_279 : memref<1x1x1x8x128xf32, #tpu.memory_space<hbm>> -> memref<8x128xf32, #tpu.memory_space<hbm>>
    %dma_wait3A_281 = arith.constant 0 : i32
    %dma_wait3A_282 = arith.constant 0 : i32
    %dma_wait3A_283 = tpu.memref_slice %arg4[%dma_wait3A_271, %dma_wait3A_272, %dma_wait3A_273, %dma_wait3A_281, %dma_wait3A_282] : memref<50x4x32x8x128xf32, #tpu.memory_space<hbm>> -> memref<1x1x1x8x128xf32, #tpu.memory_space<hbm>>
    %dma_wait3A_284 = tpu.memref_squeeze %dma_wait3A_283 : memref<1x1x1x8x128xf32, #tpu.memory_space<hbm>> -> memref<8x128xf32, #tpu.memory_space<hbm>>
    %dma_wait3A_285 = arith.constant 16 : i32
    %dma_wait3A_286 = arith.constant 0 : i32
    %dma_wait3A_287 = tpu.memref_slice %arg12[%dma_wait3A_285, %dma_wait3A_286] : memref<32x128xf32, #tpu.memory_space<vmem>> -> memref<8x128xf32, #tpu.memory_space<vmem>>
    tpu.wait_dma2 semaphore(%arg15 : memref<!tpu.dma_semaphore, #tpu.memory_space<semaphore_mem>>) src(%dma_wait3A_287 : memref<8x128xf32, #tpu.memory_space<vmem>>) dst(%dma_wait3A_284 : memref<8x128xf32, #tpu.memory_space<hbm>>)
    %dma_wait3A_288 = arith.constant 0 : i32
    %dma_wait3A_289 = arith.constant 0 : i32
    %dma_wait3A_290 = arith.constant 0 : i32
    %dma_wait3A_291 = arith.constant 16 : i32
    %dma_wait3A_292 = arith.constant 0 : i32
    %dma_wait3A_293 = tpu.memref_slice %arg13[%dma_wait3A_291, %dma_wait3A_292] : memref<32x128xf32, #tpu.memory_space<vmem>> -> memref<8x128xf32, #tpu.memory_space<vmem>>
    %dma_wait3A_294 = arith.constant 0 : i32
    %dma_wait3A_295 = arith.constant 0 : i32
    %dma_wait3A_296 = tpu.memref_slice %arg5[%dma_wait3A_288, %dma_wait3A_289, %dma_wait3A_290, %dma_wait3A_294, %dma_wait3A_295] : memref<50x4x32x8x128xf32, #tpu.memory_space<hbm>> -> memref<1x1x1x8x128xf32, #tpu.memory_space<hbm>>
    %dma_wait3A_297 = tpu.memref_squeeze %dma_wait3A_296 : memref<1x1x1x8x128xf32, #tpu.memory_space<hbm>> -> memref<8x128xf32, #tpu.memory_space<hbm>>
    %dma_wait3A_298 = arith.constant 0 : i32
    %dma_wait3A_299 = arith.constant 0 : i32
    %dma_wait3A_300 = tpu.memref_slice %arg5[%dma_wait3A_288, %dma_wait3A_289, %dma_wait3A_290, %dma_wait3A_298, %dma_wait3A_299] : memref<50x4x32x8x128xf32, #tpu.memory_space<hbm>> -> memref<1x1x1x8x128xf32, #tpu.memory_space<hbm>>
    %dma_wait3A_301 = tpu.memref_squeeze %dma_wait3A_300 : memref<1x1x1x8x128xf32, #tpu.memory_space<hbm>> -> memref<8x128xf32, #tpu.memory_space<hbm>>
    %dma_wait3A_302 = arith.constant 16 : i32
    %dma_wait3A_303 = arith.constant 0 : i32
    %dma_wait3A_304 = tpu.memref_slice %arg13[%dma_wait3A_302, %dma_wait3A_303] : memref<32x128xf32, #tpu.memory_space<vmem>> -> memref<8x128xf32, #tpu.memory_space<vmem>>
    tpu.wait_dma2 semaphore(%arg15 : memref<!tpu.dma_semaphore, #tpu.memory_space<semaphore_mem>>) src(%dma_wait3A_304 : memref<8x128xf32, #tpu.memory_space<vmem>>) dst(%dma_wait3A_301 : memref<8x128xf32, #tpu.memory_space<hbm>>)
    %dma_wait3A_305 = arith.constant 0 : i32
    %dma_wait3A_306 = arith.constant 0 : i32
    %dma_wait3A_307 = arith.constant 0 : i32
    %dma_wait3A_308 = arith.constant 24 : i32
    %dma_wait3A_309 = arith.constant 0 : i32
    %dma_wait3A_310 = tpu.memref_slice %arg12[%dma_wait3A_308, %dma_wait3A_309] : memref<32x128xf32, #tpu.memory_space<vmem>> -> memref<8x128xf32, #tpu.memory_space<vmem>>
    %dma_wait3A_311 = arith.constant 0 : i32
    %dma_wait3A_312 = arith.constant 0 : i32
    %dma_wait3A_313 = tpu.memref_slice %arg4[%dma_wait3A_305, %dma_wait3A_306, %dma_wait3A_307, %dma_wait3A_311, %dma_wait3A_312] : memref<50x4x32x8x128xf32, #tpu.memory_space<hbm>> -> memref<1x1x1x8x128xf32, #tpu.memory_space<hbm>>
    %dma_wait3A_314 = tpu.memref_squeeze %dma_wait3A_313 : memref<1x1x1x8x128xf32, #tpu.memory_space<hbm>> -> memref<8x128xf32, #tpu.memory_space<hbm>>
    %dma_wait3A_315 = arith.constant 0 : i32
    %dma_wait3A_316 = arith.constant 0 : i32
    %dma_wait3A_317 = tpu.memref_slice %arg4[%dma_wait3A_305, %dma_wait3A_306, %dma_wait3A_307, %dma_wait3A_315, %dma_wait3A_316] : memref<50x4x32x8x128xf32, #tpu.memory_space<hbm>> -> memref<1x1x1x8x128xf32, #tpu.memory_space<hbm>>
    %dma_wait3A_318 = tpu.memref_squeeze %dma_wait3A_317 : memref<1x1x1x8x128xf32, #tpu.memory_space<hbm>> -> memref<8x128xf32, #tpu.memory_space<hbm>>
    %dma_wait3A_319 = arith.constant 24 : i32
    %dma_wait3A_320 = arith.constant 0 : i32
    %dma_wait3A_321 = tpu.memref_slice %arg12[%dma_wait3A_319, %dma_wait3A_320] : memref<32x128xf32, #tpu.memory_space<vmem>> -> memref<8x128xf32, #tpu.memory_space<vmem>>
    tpu.wait_dma2 semaphore(%arg15 : memref<!tpu.dma_semaphore, #tpu.memory_space<semaphore_mem>>) src(%dma_wait3A_321 : memref<8x128xf32, #tpu.memory_space<vmem>>) dst(%dma_wait3A_318 : memref<8x128xf32, #tpu.memory_space<hbm>>)
    %dma_wait3A_322 = arith.constant 0 : i32
    %dma_wait3A_323 = arith.constant 0 : i32
    %dma_wait3A_324 = arith.constant 0 : i32
    %dma_wait3A_325 = arith.constant 24 : i32
    %dma_wait3A_326 = arith.constant 0 : i32
    %dma_wait3A_327 = tpu.memref_slice %arg13[%dma_wait3A_325, %dma_wait3A_326] : memref<32x128xf32, #tpu.memory_space<vmem>> -> memref<8x128xf32, #tpu.memory_space<vmem>>
    %dma_wait3A_328 = arith.constant 0 : i32
    %dma_wait3A_329 = arith.constant 0 : i32
    %dma_wait3A_330 = tpu.memref_slice %arg5[%dma_wait3A_322, %dma_wait3A_323, %dma_wait3A_324, %dma_wait3A_328, %dma_wait3A_329] : memref<50x4x32x8x128xf32, #tpu.memory_space<hbm>> -> memref<1x1x1x8x128xf32, #tpu.memory_space<hbm>>
    %dma_wait3A_331 = tpu.memref_squeeze %dma_wait3A_330 : memref<1x1x1x8x128xf32, #tpu.memory_space<hbm>> -> memref<8x128xf32, #tpu.memory_space<hbm>>
    %dma_wait3A_332 = arith.constant 0 : i32
    %dma_wait3A_333 = arith.constant 0 : i32
    %dma_wait3A_334 = tpu.memref_slice %arg5[%dma_wait3A_322, %dma_wait3A_323, %dma_wait3A_324, %dma_wait3A_332, %dma_wait3A_333] : memref<50x4x32x8x128xf32, #tpu.memory_space<hbm>> -> memref<1x1x1x8x128xf32, #tpu.memory_space<hbm>>
    %dma_wait3A_335 = tpu.memref_squeeze %dma_wait3A_334 : memref<1x1x1x8x128xf32, #tpu.memory_space<hbm>> -> memref<8x128xf32, #tpu.memory_space<hbm>>
    %dma_wait3A_336 = arith.constant 24 : i32
    %dma_wait3A_337 = arith.constant 0 : i32
    %dma_wait3A_338 = tpu.memref_slice %arg13[%dma_wait3A_336, %dma_wait3A_337] : memref<32x128xf32, #tpu.memory_space<vmem>> -> memref<8x128xf32, #tpu.memory_space<vmem>>
    tpu.wait_dma2 semaphore(%arg15 : memref<!tpu.dma_semaphore, #tpu.memory_space<semaphore_mem>>) src(%dma_wait3A_338 : memref<8x128xf32, #tpu.memory_space<vmem>>) dst(%dma_wait3A_335 : memref<8x128xf32, #tpu.memory_space<hbm>>)
    return
  }
}

#map = affine_map<(d0, d1) -> (0, 0)>
#map1 = affine_map<(d0, d1) -> (0)>
module attributes {stable_mosaic.version = 14 : i64} {
  func.func @_format(%arg0: i32, %arg1: i32, %arg2: memref<32x1000000xf32, #tpu.memory_space<hbm>>, %arg3: memref<32x1000000xf32, #tpu.memory_space<hbm>>, %arg4: memref<64004096xf32, #tpu.memory_space<hbm>>, %arg5: memref<32x256xf32, #tpu.memory_space<vmem>>, %arg6: memref<32x256xf32, #tpu.memory_space<vmem>>, %arg7: memref<32x256xf32, #tpu.memory_space<vmem>>, %arg8: memref<32x256xf32, #tpu.memory_space<vmem>>, %arg9: memref<16384xf32, #tpu.memory_space<vmem>>, %arg10: memref<16384xf32, #tpu.memory_space<vmem>>, %arg11: memref<!tpu.dma_semaphore, #tpu.memory_space<semaphore_mem>>, %arg12: memref<!tpu.dma_semaphore, #tpu.memory_space<semaphore_mem>>) attributes {dimension_semantics = [#tpu.dimension_semantics<core_parallel>, #tpu.dimension_semantics<subcore_parallel>], iteration_bounds = array<i64: 2, 16>, scalar_prefetch = 0 : i64, scratch_operands = 8 : i64, tpu.core_type = #tpu.core_type<sc_vector_subcore>, window_params = [{transform_indices = #map}, {transform_indices = #map}, {transform_indices = #map1}]} {
    %mul3A = arith.constant 2 : i32
    %mul3A_0 = arith.muli %arg1, %mul3A : i32
    %add3A = arith.addi %mul3A_0, %arg0 : i32
    %iota3A = tpu.iota {dimensions = array<i32: 0>} : vector<16xi32>
    %add3A_1 = arith.constant 0 : i32
    %add3A_2 = vector.broadcast %add3A_1 : i32 to vector<16xi32>
    %add3A_3 = arith.addi %iota3A, %add3A_2 : vector<16xi32>
    %add3A_4 = arith.constant 16 : i32
    %add3A_5 = vector.broadcast %add3A_4 : i32 to vector<16xi32>
    %add3A_6 = arith.addi %iota3A, %add3A_5 : vector<16xi32>
    %add3A_7 = arith.constant 32 : i32
    %add3A_8 = vector.broadcast %add3A_7 : i32 to vector<16xi32>
    %add3A_9 = arith.addi %iota3A, %add3A_8 : vector<16xi32>
    %add3A_10 = arith.constant 48 : i32
    %add3A_11 = vector.broadcast %add3A_10 : i32 to vector<16xi32>
    %add3A_12 = arith.addi %iota3A, %add3A_11 : vector<16xi32>
    %add3A_13 = arith.constant 64 : i32
    %add3A_14 = vector.broadcast %add3A_13 : i32 to vector<16xi32>
    %add3A_15 = arith.addi %iota3A, %add3A_14 : vector<16xi32>
    %add3A_16 = arith.constant 80 : i32
    %add3A_17 = vector.broadcast %add3A_16 : i32 to vector<16xi32>
    %add3A_18 = arith.addi %iota3A, %add3A_17 : vector<16xi32>
    %add3A_19 = arith.constant 96 : i32
    %add3A_20 = vector.broadcast %add3A_19 : i32 to vector<16xi32>
    %add3A_21 = arith.addi %iota3A, %add3A_20 : vector<16xi32>
    %add3A_22 = arith.constant 112 : i32
    %add3A_23 = vector.broadcast %add3A_22 : i32 to vector<16xi32>
    %add3A_24 = arith.addi %iota3A, %add3A_23 : vector<16xi32>
    %add3A_25 = arith.constant 128 : i32
    %add3A_26 = vector.broadcast %add3A_25 : i32 to vector<16xi32>
    %add3A_27 = arith.addi %iota3A, %add3A_26 : vector<16xi32>
    %add3A_28 = arith.constant 144 : i32
    %add3A_29 = vector.broadcast %add3A_28 : i32 to vector<16xi32>
    %add3A_30 = arith.addi %iota3A, %add3A_29 : vector<16xi32>
    %add3A_31 = arith.constant 160 : i32
    %add3A_32 = vector.broadcast %add3A_31 : i32 to vector<16xi32>
    %add3A_33 = arith.addi %iota3A, %add3A_32 : vector<16xi32>
    %add3A_34 = arith.constant 176 : i32
    %add3A_35 = vector.broadcast %add3A_34 : i32 to vector<16xi32>
    %add3A_36 = arith.addi %iota3A, %add3A_35 : vector<16xi32>
    %add3A_37 = arith.constant 192 : i32
    %add3A_38 = vector.broadcast %add3A_37 : i32 to vector<16xi32>
    %add3A_39 = arith.addi %iota3A, %add3A_38 : vector<16xi32>
    %add3A_40 = arith.constant 208 : i32
    %add3A_41 = vector.broadcast %add3A_40 : i32 to vector<16xi32>
    %add3A_42 = arith.addi %iota3A, %add3A_41 : vector<16xi32>
    %add3A_43 = arith.constant 224 : i32
    %add3A_44 = vector.broadcast %add3A_43 : i32 to vector<16xi32>
    %add3A_45 = arith.addi %iota3A, %add3A_44 : vector<16xi32>
    %add3A_46 = arith.constant 240 : i32
    %add3A_47 = vector.broadcast %add3A_46 : i32 to vector<16xi32>
    %add3A_48 = arith.addi %iota3A, %add3A_47 : vector<16xi32>
    %add3A_49 = arith.constant 0 : i32
    %add3A_50 = vector.broadcast %add3A_49 : i32 to vector<16xi32>
    %add3A_51 = arith.addi %iota3A, %add3A_50 : vector<16xi32>
    %mul3A_52 = arith.constant 64 : i32
    %mul3A_53 = vector.broadcast %mul3A_52 : i32 to vector<16xi32>
    %mul3A_54 = arith.muli %add3A_51, %mul3A_53 : vector<16xi32>
    %add3A_55 = arith.constant 16 : i32
    %add3A_56 = vector.broadcast %add3A_55 : i32 to vector<16xi32>
    %add3A_57 = arith.addi %iota3A, %add3A_56 : vector<16xi32>
    %mul3A_58 = arith.constant 64 : i32
    %mul3A_59 = vector.broadcast %mul3A_58 : i32 to vector<16xi32>
    %mul3A_60 = arith.muli %add3A_57, %mul3A_59 : vector<16xi32>
    %add3A_61 = arith.constant 32 : i32
    %add3A_62 = vector.broadcast %add3A_61 : i32 to vector<16xi32>
    %add3A_63 = arith.addi %iota3A, %add3A_62 : vector<16xi32>
    %mul3A_64 = arith.constant 64 : i32
    %mul3A_65 = vector.broadcast %mul3A_64 : i32 to vector<16xi32>
    %mul3A_66 = arith.muli %add3A_63, %mul3A_65 : vector<16xi32>
    %add3A_67 = arith.constant 48 : i32
    %add3A_68 = vector.broadcast %add3A_67 : i32 to vector<16xi32>
    %add3A_69 = arith.addi %iota3A, %add3A_68 : vector<16xi32>
    %mul3A_70 = arith.constant 64 : i32
    %mul3A_71 = vector.broadcast %mul3A_70 : i32 to vector<16xi32>
    %mul3A_72 = arith.muli %add3A_69, %mul3A_71 : vector<16xi32>
    %add3A_73 = arith.constant 64 : i32
    %add3A_74 = vector.broadcast %add3A_73 : i32 to vector<16xi32>
    %add3A_75 = arith.addi %iota3A, %add3A_74 : vector<16xi32>
    %mul3A_76 = arith.constant 64 : i32
    %mul3A_77 = vector.broadcast %mul3A_76 : i32 to vector<16xi32>
    %mul3A_78 = arith.muli %add3A_75, %mul3A_77 : vector<16xi32>
    %add3A_79 = arith.constant 80 : i32
    %add3A_80 = vector.broadcast %add3A_79 : i32 to vector<16xi32>
    %add3A_81 = arith.addi %iota3A, %add3A_80 : vector<16xi32>
    %mul3A_82 = arith.constant 64 : i32
    %mul3A_83 = vector.broadcast %mul3A_82 : i32 to vector<16xi32>
    %mul3A_84 = arith.muli %add3A_81, %mul3A_83 : vector<16xi32>
    %add3A_85 = arith.constant 96 : i32
    %add3A_86 = vector.broadcast %add3A_85 : i32 to vector<16xi32>
    %add3A_87 = arith.addi %iota3A, %add3A_86 : vector<16xi32>
    %mul3A_88 = arith.constant 64 : i32
    %mul3A_89 = vector.broadcast %mul3A_88 : i32 to vector<16xi32>
    %mul3A_90 = arith.muli %add3A_87, %mul3A_89 : vector<16xi32>
    %add3A_91 = arith.constant 112 : i32
    %add3A_92 = vector.broadcast %add3A_91 : i32 to vector<16xi32>
    %add3A_93 = arith.addi %iota3A, %add3A_92 : vector<16xi32>
    %mul3A_94 = arith.constant 64 : i32
    %mul3A_95 = vector.broadcast %mul3A_94 : i32 to vector<16xi32>
    %mul3A_96 = arith.muli %add3A_93, %mul3A_95 : vector<16xi32>
    %add3A_97 = arith.constant 128 : i32
    %add3A_98 = vector.broadcast %add3A_97 : i32 to vector<16xi32>
    %add3A_99 = arith.addi %iota3A, %add3A_98 : vector<16xi32>
    %mul3A_100 = arith.constant 64 : i32
    %mul3A_101 = vector.broadcast %mul3A_100 : i32 to vector<16xi32>
    %mul3A_102 = arith.muli %add3A_99, %mul3A_101 : vector<16xi32>
    %add3A_103 = arith.constant 144 : i32
    %add3A_104 = vector.broadcast %add3A_103 : i32 to vector<16xi32>
    %add3A_105 = arith.addi %iota3A, %add3A_104 : vector<16xi32>
    %mul3A_106 = arith.constant 64 : i32
    %mul3A_107 = vector.broadcast %mul3A_106 : i32 to vector<16xi32>
    %mul3A_108 = arith.muli %add3A_105, %mul3A_107 : vector<16xi32>
    %add3A_109 = arith.constant 160 : i32
    %add3A_110 = vector.broadcast %add3A_109 : i32 to vector<16xi32>
    %add3A_111 = arith.addi %iota3A, %add3A_110 : vector<16xi32>
    %mul3A_112 = arith.constant 64 : i32
    %mul3A_113 = vector.broadcast %mul3A_112 : i32 to vector<16xi32>
    %mul3A_114 = arith.muli %add3A_111, %mul3A_113 : vector<16xi32>
    %add3A_115 = arith.constant 176 : i32
    %add3A_116 = vector.broadcast %add3A_115 : i32 to vector<16xi32>
    %add3A_117 = arith.addi %iota3A, %add3A_116 : vector<16xi32>
    %mul3A_118 = arith.constant 64 : i32
    %mul3A_119 = vector.broadcast %mul3A_118 : i32 to vector<16xi32>
    %mul3A_120 = arith.muli %add3A_117, %mul3A_119 : vector<16xi32>
    %add3A_121 = arith.constant 192 : i32
    %add3A_122 = vector.broadcast %add3A_121 : i32 to vector<16xi32>
    %add3A_123 = arith.addi %iota3A, %add3A_122 : vector<16xi32>
    %mul3A_124 = arith.constant 64 : i32
    %mul3A_125 = vector.broadcast %mul3A_124 : i32 to vector<16xi32>
    %mul3A_126 = arith.muli %add3A_123, %mul3A_125 : vector<16xi32>
    %add3A_127 = arith.constant 208 : i32
    %add3A_128 = vector.broadcast %add3A_127 : i32 to vector<16xi32>
    %add3A_129 = arith.addi %iota3A, %add3A_128 : vector<16xi32>
    %mul3A_130 = arith.constant 64 : i32
    %mul3A_131 = vector.broadcast %mul3A_130 : i32 to vector<16xi32>
    %mul3A_132 = arith.muli %add3A_129, %mul3A_131 : vector<16xi32>
    %add3A_133 = arith.constant 224 : i32
    %add3A_134 = vector.broadcast %add3A_133 : i32 to vector<16xi32>
    %add3A_135 = arith.addi %iota3A, %add3A_134 : vector<16xi32>
    %mul3A_136 = arith.constant 64 : i32
    %mul3A_137 = vector.broadcast %mul3A_136 : i32 to vector<16xi32>
    %mul3A_138 = arith.muli %add3A_135, %mul3A_137 : vector<16xi32>
    %add3A_139 = arith.constant 240 : i32
    %add3A_140 = vector.broadcast %add3A_139 : i32 to vector<16xi32>
    %add3A_141 = arith.addi %iota3A, %add3A_140 : vector<16xi32>
    %mul3A_142 = arith.constant 64 : i32
    %mul3A_143 = vector.broadcast %mul3A_142 : i32 to vector<16xi32>
    %mul3A_144 = arith.muli %add3A_141, %mul3A_143 : vector<16xi32>
    %mul3A_145 = arith.constant 244 : i32
    %mul3A_146 = arith.muli %add3A, %mul3A_145 : i32
    %add3A_147 = arith.constant 0 : i32
    %add3A_148 = arith.addi %mul3A_146, %add3A_147 : i32
    %mul3A_149 = arith.constant 128 : i32
    %mul3A_150 = arith.muli %add3A_148, %mul3A_149 : i32
    %multiple_of3A = tpu.assume_multiple %mul3A_150, 128 : i32
    %dma_start3A = arith.constant 0 : i32
    %dma_start3A_151 = tpu.memref_slice %arg2[%dma_start3A, %multiple_of3A] : memref<32x1000000xf32, #tpu.memory_space<hbm>> -> memref<32x256xf32, #tpu.memory_space<hbm>>
    %dma_start3A_152 = arith.constant 0 : i32
    %dma_start3A_153 = tpu.memref_slice %arg2[%dma_start3A_152, %multiple_of3A] : memref<32x1000000xf32, #tpu.memory_space<hbm>> -> memref<32x256xf32, #tpu.memory_space<hbm>>
    tpu.enqueue_dma source(%dma_start3A_153 : memref<32x256xf32, #tpu.memory_space<hbm>>) target(%arg5 : memref<32x256xf32, #tpu.memory_space<vmem>>) target_semaphore(%arg11 : memref<!tpu.dma_semaphore, #tpu.memory_space<semaphore_mem>>)
    %dma_start3A_154 = arith.constant 0 : i32
    %dma_start3A_155 = tpu.memref_slice %arg3[%dma_start3A_154, %multiple_of3A] : memref<32x1000000xf32, #tpu.memory_space<hbm>> -> memref<32x256xf32, #tpu.memory_space<hbm>>
    %dma_start3A_156 = arith.constant 0 : i32
    %dma_start3A_157 = tpu.memref_slice %arg3[%dma_start3A_156, %multiple_of3A] : memref<32x1000000xf32, #tpu.memory_space<hbm>> -> memref<32x256xf32, #tpu.memory_space<hbm>>
    tpu.enqueue_dma source(%dma_start3A_157 : memref<32x256xf32, #tpu.memory_space<hbm>>) target(%arg6 : memref<32x256xf32, #tpu.memory_space<vmem>>) target_semaphore(%arg11 : memref<!tpu.dma_semaphore, #tpu.memory_space<semaphore_mem>>)
    %scan3A = arith.constant 0 : i32
    %scan3A_158 = arith.constant 0 : i32
    %scan3A_159 = arith.constant 61 : i32
    %scan3A_160 = arith.addi %scan3A_158, %scan3A_159 : i32
    %scan3A_161 = arith.constant 1 : i32
    scf.for %scan3A_172 = %scan3A_158 to %scan3A_160 step %scan3A_161  : i32 {
      %mul3A_173 = arith.constant 2 : i32
      %mul3A_174 = arith.muli %mul3A_173, %scan3A_172 : i32
      %add3A_175 = arith.constant 1 : i32
      %add3A_176 = arith.addi %mul3A_174, %add3A_175 : i32
      %lt3A_177 = arith.constant 122 : i32
      %lt3A_178 = arith.cmpi slt, %add3A_176, %lt3A_177 : i32
      %convert_element_type3A_179 = arith.extui %lt3A_178 : i1 to i32
      %cond3A_180 = arith.constant 0 : i32
      %cond3A_181 = arith.cmpi ne, %convert_element_type3A_179, %cond3A_180 : i32
      scf.if %cond3A_181 {
        %add3A_266 = arith.constant 1 : i32
        %add3A_267 = arith.addi %mul3A_174, %add3A_266 : i32
        %mul3A_268 = arith.constant 244 : i32
        %mul3A_269 = arith.muli %add3A, %mul3A_268 : i32
        %mul3A_270 = arith.constant 2 : i32
        %mul3A_271 = arith.muli %add3A_267, %mul3A_270 : i32
        %add3A_272 = arith.addi %mul3A_269, %mul3A_271 : i32
        %mul3A_273 = arith.constant 128 : i32
        %mul3A_274 = arith.muli %add3A_272, %mul3A_273 : i32
        %multiple_of3A_275 = tpu.assume_multiple %mul3A_274, 128 : i32
        %dma_start3A_276 = arith.constant 0 : i32
        %dma_start3A_277 = tpu.memref_slice %arg2[%dma_start3A_276, %multiple_of3A_275] : memref<32x1000000xf32, #tpu.memory_space<hbm>> -> memref<32x256xf32, #tpu.memory_space<hbm>>
        %dma_start3A_278 = arith.constant 0 : i32
        %dma_start3A_279 = tpu.memref_slice %arg2[%dma_start3A_278, %multiple_of3A_275] : memref<32x1000000xf32, #tpu.memory_space<hbm>> -> memref<32x256xf32, #tpu.memory_space<hbm>>
        tpu.enqueue_dma source(%dma_start3A_279 : memref<32x256xf32, #tpu.memory_space<hbm>>) target(%arg7 : memref<32x256xf32, #tpu.memory_space<vmem>>) target_semaphore(%arg11 : memref<!tpu.dma_semaphore, #tpu.memory_space<semaphore_mem>>)
        %dma_start3A_280 = arith.constant 0 : i32
        %dma_start3A_281 = tpu.memref_slice %arg3[%dma_start3A_280, %multiple_of3A_275] : memref<32x1000000xf32, #tpu.memory_space<hbm>> -> memref<32x256xf32, #tpu.memory_space<hbm>>
        %dma_start3A_282 = arith.constant 0 : i32
        %dma_start3A_283 = tpu.memref_slice %arg3[%dma_start3A_282, %multiple_of3A_275] : memref<32x1000000xf32, #tpu.memory_space<hbm>> -> memref<32x256xf32, #tpu.memory_space<hbm>>
        tpu.enqueue_dma source(%dma_start3A_283 : memref<32x256xf32, #tpu.memory_space<hbm>>) target(%arg8 : memref<32x256xf32, #tpu.memory_space<vmem>>) target_semaphore(%arg11 : memref<!tpu.dma_semaphore, #tpu.memory_space<semaphore_mem>>)
      } else {
      }
      %dma_wait3A_182 = arith.constant 0 : i32
      %dma_wait3A_183 = arith.constant 0 : i32
      %dma_wait3A_184 = tpu.memref_slice %arg2[%dma_wait3A_182, %dma_wait3A_183] : memref<32x1000000xf32, #tpu.memory_space<hbm>> -> memref<32x256xf32, #tpu.memory_space<hbm>>
      %dma_wait3A_185 = arith.constant 0 : i32
      %dma_wait3A_186 = arith.constant 0 : i32
      %dma_wait3A_187 = tpu.memref_slice %arg2[%dma_wait3A_185, %dma_wait3A_186] : memref<32x1000000xf32, #tpu.memory_space<hbm>> -> memref<32x256xf32, #tpu.memory_space<hbm>>
      tpu.wait_dma2 semaphore(%arg11 : memref<!tpu.dma_semaphore, #tpu.memory_space<semaphore_mem>>) src(%dma_wait3A_187 : memref<32x256xf32, #tpu.memory_space<hbm>>) dst(%arg5 : memref<32x256xf32, #tpu.memory_space<vmem>>)
      %dma_wait3A_188 = arith.constant 0 : i32
      %dma_wait3A_189 = arith.constant 0 : i32
      %dma_wait3A_190 = tpu.memref_slice %arg2[%dma_wait3A_188, %dma_wait3A_189] : memref<32x1000000xf32, #tpu.memory_space<hbm>> -> memref<32x256xf32, #tpu.memory_space<hbm>>
      %dma_wait3A_191 = arith.constant 0 : i32
      %dma_wait3A_192 = arith.constant 0 : i32
      %dma_wait3A_193 = tpu.memref_slice %arg2[%dma_wait3A_191, %dma_wait3A_192] : memref<32x1000000xf32, #tpu.memory_space<hbm>> -> memref<32x256xf32, #tpu.memory_space<hbm>>
      tpu.wait_dma2 semaphore(%arg11 : memref<!tpu.dma_semaphore, #tpu.memory_space<semaphore_mem>>) src(%dma_wait3A_193 : memref<32x256xf32, #tpu.memory_space<hbm>>) dst(%arg6 : memref<32x256xf32, #tpu.memory_space<vmem>>)
      %ge3A = arith.constant 2 : i32
      %ge3A_194 = arith.cmpi sge, %mul3A_174, %ge3A : i32
      %convert_element_type3A_195 = arith.extui %ge3A_194 : i1 to i32
      %cond3A_196 = arith.constant 0 : i32
      %cond3A_197 = arith.cmpi ne, %convert_element_type3A_195, %cond3A_196 : i32
      scf.if %cond3A_197 {
        %dma_wait3A_266 = arith.constant 0 : i32
        %dma_wait3A_267 = tpu.memref_slice %arg4[%dma_wait3A_266] : memref<64004096xf32, #tpu.memory_space<hbm>> -> memref<16384xf32, #tpu.memory_space<hbm>>
        %dma_wait3A_268 = arith.constant 0 : i32
        %dma_wait3A_269 = tpu.memref_slice %arg4[%dma_wait3A_268] : memref<64004096xf32, #tpu.memory_space<hbm>> -> memref<16384xf32, #tpu.memory_space<hbm>>
        tpu.wait_dma2 semaphore(%arg12 : memref<!tpu.dma_semaphore, #tpu.memory_space<semaphore_mem>>) src(%arg9 : memref<16384xf32, #tpu.memory_space<vmem>>) dst(%dma_wait3A_269 : memref<16384xf32, #tpu.memory_space<hbm>>)
      } else {
      }
      %scan3A_198 = arith.constant 0 : i32
      %scan3A_199 = arith.constant 0 : i32
      %scan3A_200 = arith.constant 32 : i32
      %scan3A_201 = arith.addi %scan3A_199, %scan3A_200 : i32
      %scan3A_202 = arith.constant 1 : i32
      scf.for %scan3A_266 = %scan3A_199 to %scan3A_201 step %scan3A_202  : i32 {
        %add3A_267 = vector.broadcast %scan3A_266 : i32 to vector<16xi32>
        %add3A_268 = arith.addi %add3A_3, %add3A_267 : vector<16xi32>
        %and3A = arith.constant 63 : i32
        %and3A_269 = vector.broadcast %and3A : i32 to vector<16xi32>
        %and3A_270 = arith.andi %add3A_268, %and3A_269 : vector<16xi32>
        %add3A_271 = arith.addi %and3A_270, %mul3A_54 : vector<16xi32>
        %xor3A = arith.constant 32 : i32
        %xor3A_272 = vector.broadcast %xor3A : i32 to vector<16xi32>
        %xor3A_273 = arith.xori %add3A_271, %xor3A_272 : vector<16xi32>
        %get3A = arith.index_cast %scan3A_266 : i32 to index
        %get3A_274 = arith.constant 0 : index
        %get3A_275 = tpu.vector_load %arg5[%get3A, %get3A_274] {strides = array<i32>} : memref<32x256xf32, #tpu.memory_space<vmem>>, vector<16xf32>,
        %get3A_276 = arith.index_cast %scan3A_266 : i32 to index
        %get3A_277 = arith.constant 0 : index
        %get3A_278 = tpu.vector_load %arg6[%get3A_276, %get3A_277] {strides = array<i32>} : memref<32x256xf32, #tpu.memory_space<vmem>>, vector<16xf32>,
        tpu.vector_store_idx %arg9[%add3A_271], %get3A_275 : memref<16384xf32, #tpu.memory_space<vmem>>[vector<16xi32>], vector<16xf32>,
        tpu.vector_store_idx %arg9[%xor3A_273], %get3A_278 : memref<16384xf32, #tpu.memory_space<vmem>>[vector<16xi32>], vector<16xf32>,
        %add3A_279 = vector.broadcast %scan3A_266 : i32 to vector<16xi32>
        %add3A_280 = arith.addi %add3A_6, %add3A_279 : vector<16xi32>
        %and3A_281 = arith.constant 63 : i32
        %and3A_282 = vector.broadcast %and3A_281 : i32 to vector<16xi32>
        %and3A_283 = arith.andi %add3A_280, %and3A_282 : vector<16xi32>
        %add3A_284 = arith.addi %and3A_283, %mul3A_60 : vector<16xi32>
        %xor3A_285 = arith.constant 32 : i32
        %xor3A_286 = vector.broadcast %xor3A_285 : i32 to vector<16xi32>
        %xor3A_287 = arith.xori %add3A_284, %xor3A_286 : vector<16xi32>
        %get3A_288 = arith.index_cast %scan3A_266 : i32 to index
        %get3A_289 = arith.constant 16 : index
        %get3A_290 = tpu.vector_load %arg5[%get3A_288, %get3A_289] {strides = array<i32>} : memref<32x256xf32, #tpu.memory_space<vmem>>, vector<16xf32>,
        %get3A_291 = arith.index_cast %scan3A_266 : i32 to index
        %get3A_292 = arith.constant 16 : index
        %get3A_293 = tpu.vector_load %arg6[%get3A_291, %get3A_292] {strides = array<i32>} : memref<32x256xf32, #tpu.memory_space<vmem>>, vector<16xf32>,
        tpu.vector_store_idx %arg9[%add3A_284], %get3A_290 : memref<16384xf32, #tpu.memory_space<vmem>>[vector<16xi32>], vector<16xf32>,
        tpu.vector_store_idx %arg9[%xor3A_287], %get3A_293 : memref<16384xf32, #tpu.memory_space<vmem>>[vector<16xi32>], vector<16xf32>,
        %add3A_294 = vector.broadcast %scan3A_266 : i32 to vector<16xi32>
        %add3A_295 = arith.addi %add3A_9, %add3A_294 : vector<16xi32>
        %and3A_296 = arith.constant 63 : i32
        %and3A_297 = vector.broadcast %and3A_296 : i32 to vector<16xi32>
        %and3A_298 = arith.andi %add3A_295, %and3A_297 : vector<16xi32>
        %add3A_299 = arith.addi %and3A_298, %mul3A_66 : vector<16xi32>
        %xor3A_300 = arith.constant 32 : i32
        %xor3A_301 = vector.broadcast %xor3A_300 : i32 to vector<16xi32>
        %xor3A_302 = arith.xori %add3A_299, %xor3A_301 : vector<16xi32>
        %get3A_303 = arith.index_cast %scan3A_266 : i32 to index
        %get3A_304 = arith.constant 32 : index
        %get3A_305 = tpu.vector_load %arg5[%get3A_303, %get3A_304] {strides = array<i32>} : memref<32x256xf32, #tpu.memory_space<vmem>>, vector<16xf32>,
        %get3A_306 = arith.index_cast %scan3A_266 : i32 to index
        %get3A_307 = arith.constant 32 : index
        %get3A_308 = tpu.vector_load %arg6[%get3A_306, %get3A_307] {strides = array<i32>} : memref<32x256xf32, #tpu.memory_space<vmem>>, vector<16xf32>,
        tpu.vector_store_idx %arg9[%add3A_299], %get3A_305 : memref<16384xf32, #tpu.memory_space<vmem>>[vector<16xi32>], vector<16xf32>,
        tpu.vector_store_idx %arg9[%xor3A_302], %get3A_308 : memref<16384xf32, #tpu.memory_space<vmem>>[vector<16xi32>], vector<16xf32>,
        %add3A_309 = vector.broadcast %scan3A_266 : i32 to vector<16xi32>
        %add3A_310 = arith.addi %add3A_12, %add3A_309 : vector<16xi32>
        %and3A_311 = arith.constant 63 : i32
        %and3A_312 = vector.broadcast %and3A_311 : i32 to vector<16xi32>
        %and3A_313 = arith.andi %add3A_310, %and3A_312 : vector<16xi32>
        %add3A_314 = arith.addi %and3A_313, %mul3A_72 : vector<16xi32>
        %xor3A_315 = arith.constant 32 : i32
        %xor3A_316 = vector.broadcast %xor3A_315 : i32 to vector<16xi32>
        %xor3A_317 = arith.xori %add3A_314, %xor3A_316 : vector<16xi32>
        %get3A_318 = arith.index_cast %scan3A_266 : i32 to index
        %get3A_319 = arith.constant 48 : index
        %get3A_320 = tpu.vector_load %arg5[%get3A_318, %get3A_319] {strides = array<i32>} : memref<32x256xf32, #tpu.memory_space<vmem>>, vector<16xf32>,
        %get3A_321 = arith.index_cast %scan3A_266 : i32 to index
        %get3A_322 = arith.constant 48 : index
        %get3A_323 = tpu.vector_load %arg6[%get3A_321, %get3A_322] {strides = array<i32>} : memref<32x256xf32, #tpu.memory_space<vmem>>, vector<16xf32>,
        tpu.vector_store_idx %arg9[%add3A_314], %get3A_320 : memref<16384xf32, #tpu.memory_space<vmem>>[vector<16xi32>], vector<16xf32>,
        tpu.vector_store_idx %arg9[%xor3A_317], %get3A_323 : memref<16384xf32, #tpu.memory_space<vmem>>[vector<16xi32>], vector<16xf32>,
        %add3A_324 = vector.broadcast %scan3A_266 : i32 to vector<16xi32>
        %add3A_325 = arith.addi %add3A_15, %add3A_324 : vector<16xi32>
        %and3A_326 = arith.constant 63 : i32
        %and3A_327 = vector.broadcast %and3A_326 : i32 to vector<16xi32>
        %and3A_328 = arith.andi %add3A_325, %and3A_327 : vector<16xi32>
        %add3A_329 = arith.addi %and3A_328, %mul3A_78 : vector<16xi32>
        %xor3A_330 = arith.constant 32 : i32
        %xor3A_331 = vector.broadcast %xor3A_330 : i32 to vector<16xi32>
        %xor3A_332 = arith.xori %add3A_329, %xor3A_331 : vector<16xi32>
        %get3A_333 = arith.index_cast %scan3A_266 : i32 to index
        %get3A_334 = arith.constant 64 : index
        %get3A_335 = tpu.vector_load %arg5[%get3A_333, %get3A_334] {strides = array<i32>} : memref<32x256xf32, #tpu.memory_space<vmem>>, vector<16xf32>,
        %get3A_336 = arith.index_cast %scan3A_266 : i32 to index
        %get3A_337 = arith.constant 64 : index
        %get3A_338 = tpu.vector_load %arg6[%get3A_336, %get3A_337] {strides = array<i32>} : memref<32x256xf32, #tpu.memory_space<vmem>>, vector<16xf32>,
        tpu.vector_store_idx %arg9[%add3A_329], %get3A_335 : memref<16384xf32, #tpu.memory_space<vmem>>[vector<16xi32>], vector<16xf32>,
        tpu.vector_store_idx %arg9[%xor3A_332], %get3A_338 : memref<16384xf32, #tpu.memory_space<vmem>>[vector<16xi32>], vector<16xf32>,
        %add3A_339 = vector.broadcast %scan3A_266 : i32 to vector<16xi32>
        %add3A_340 = arith.addi %add3A_18, %add3A_339 : vector<16xi32>
        %and3A_341 = arith.constant 63 : i32
        %and3A_342 = vector.broadcast %and3A_341 : i32 to vector<16xi32>
        %and3A_343 = arith.andi %add3A_340, %and3A_342 : vector<16xi32>
        %add3A_344 = arith.addi %and3A_343, %mul3A_84 : vector<16xi32>
        %xor3A_345 = arith.constant 32 : i32
        %xor3A_346 = vector.broadcast %xor3A_345 : i32 to vector<16xi32>
        %xor3A_347 = arith.xori %add3A_344, %xor3A_346 : vector<16xi32>
        %get3A_348 = arith.index_cast %scan3A_266 : i32 to index
        %get3A_349 = arith.constant 80 : index
        %get3A_350 = tpu.vector_load %arg5[%get3A_348, %get3A_349] {strides = array<i32>} : memref<32x256xf32, #tpu.memory_space<vmem>>, vector<16xf32>,
        %get3A_351 = arith.index_cast %scan3A_266 : i32 to index
        %get3A_352 = arith.constant 80 : index
        %get3A_353 = tpu.vector_load %arg6[%get3A_351, %get3A_352] {strides = array<i32>} : memref<32x256xf32, #tpu.memory_space<vmem>>, vector<16xf32>,
        tpu.vector_store_idx %arg9[%add3A_344], %get3A_350 : memref<16384xf32, #tpu.memory_space<vmem>>[vector<16xi32>], vector<16xf32>,
        tpu.vector_store_idx %arg9[%xor3A_347], %get3A_353 : memref<16384xf32, #tpu.memory_space<vmem>>[vector<16xi32>], vector<16xf32>,
        %add3A_354 = vector.broadcast %scan3A_266 : i32 to vector<16xi32>
        %add3A_355 = arith.addi %add3A_21, %add3A_354 : vector<16xi32>
        %and3A_356 = arith.constant 63 : i32
        %and3A_357 = vector.broadcast %and3A_356 : i32 to vector<16xi32>
        %and3A_358 = arith.andi %add3A_355, %and3A_357 : vector<16xi32>
        %add3A_359 = arith.addi %and3A_358, %mul3A_90 : vector<16xi32>
        %xor3A_360 = arith.constant 32 : i32
        %xor3A_361 = vector.broadcast %xor3A_360 : i32 to vector<16xi32>
        %xor3A_362 = arith.xori %add3A_359, %xor3A_361 : vector<16xi32>
        %get3A_363 = arith.index_cast %scan3A_266 : i32 to index
        %get3A_364 = arith.constant 96 : index
        %get3A_365 = tpu.vector_load %arg5[%get3A_363, %get3A_364] {strides = array<i32>} : memref<32x256xf32, #tpu.memory_space<vmem>>, vector<16xf32>,
        %get3A_366 = arith.index_cast %scan3A_266 : i32 to index
        %get3A_367 = arith.constant 96 : index
        %get3A_368 = tpu.vector_load %arg6[%get3A_366, %get3A_367] {strides = array<i32>} : memref<32x256xf32, #tpu.memory_space<vmem>>, vector<16xf32>,
        tpu.vector_store_idx %arg9[%add3A_359], %get3A_365 : memref<16384xf32, #tpu.memory_space<vmem>>[vector<16xi32>], vector<16xf32>,
        tpu.vector_store_idx %arg9[%xor3A_362], %get3A_368 : memref<16384xf32, #tpu.memory_space<vmem>>[vector<16xi32>], vector<16xf32>,
        %add3A_369 = vector.broadcast %scan3A_266 : i32 to vector<16xi32>
        %add3A_370 = arith.addi %add3A_24, %add3A_369 : vector<16xi32>
        %and3A_371 = arith.constant 63 : i32
        %and3A_372 = vector.broadcast %and3A_371 : i32 to vector<16xi32>
        %and3A_373 = arith.andi %add3A_370, %and3A_372 : vector<16xi32>
        %add3A_374 = arith.addi %and3A_373, %mul3A_96 : vector<16xi32>
        %xor3A_375 = arith.constant 32 : i32
        %xor3A_376 = vector.broadcast %xor3A_375 : i32 to vector<16xi32>
        %xor3A_377 = arith.xori %add3A_374, %xor3A_376 : vector<16xi32>
        %get3A_378 = arith.index_cast %scan3A_266 : i32 to index
        %get3A_379 = arith.constant 112 : index
        %get3A_380 = tpu.vector_load %arg5[%get3A_378, %get3A_379] {strides = array<i32>} : memref<32x256xf32, #tpu.memory_space<vmem>>, vector<16xf32>,
        %get3A_381 = arith.index_cast %scan3A_266 : i32 to index
        %get3A_382 = arith.constant 112 : index
        %get3A_383 = tpu.vector_load %arg6[%get3A_381, %get3A_382] {strides = array<i32>} : memref<32x256xf32, #tpu.memory_space<vmem>>, vector<16xf32>,
        tpu.vector_store_idx %arg9[%add3A_374], %get3A_380 : memref<16384xf32, #tpu.memory_space<vmem>>[vector<16xi32>], vector<16xf32>,
        tpu.vector_store_idx %arg9[%xor3A_377], %get3A_383 : memref<16384xf32, #tpu.memory_space<vmem>>[vector<16xi32>], vector<16xf32>,
        %add3A_384 = vector.broadcast %scan3A_266 : i32 to vector<16xi32>
        %add3A_385 = arith.addi %add3A_27, %add3A_384 : vector<16xi32>
        %and3A_386 = arith.constant 63 : i32
        %and3A_387 = vector.broadcast %and3A_386 : i32 to vector<16xi32>
        %and3A_388 = arith.andi %add3A_385, %and3A_387 : vector<16xi32>
        %add3A_389 = arith.addi %and3A_388, %mul3A_102 : vector<16xi32>
        %xor3A_390 = arith.constant 32 : i32
        %xor3A_391 = vector.broadcast %xor3A_390 : i32 to vector<16xi32>
        %xor3A_392 = arith.xori %add3A_389, %xor3A_391 : vector<16xi32>
        %get3A_393 = arith.index_cast %scan3A_266 : i32 to index
        %get3A_394 = arith.constant 128 : index
        %get3A_395 = tpu.vector_load %arg5[%get3A_393, %get3A_394] {strides = array<i32>} : memref<32x256xf32, #tpu.memory_space<vmem>>, vector<16xf32>,
        %get3A_396 = arith.index_cast %scan3A_266 : i32 to index
        %get3A_397 = arith.constant 128 : index
        %get3A_398 = tpu.vector_load %arg6[%get3A_396, %get3A_397] {strides = array<i32>} : memref<32x256xf32, #tpu.memory_space<vmem>>, vector<16xf32>,
        tpu.vector_store_idx %arg9[%add3A_389], %get3A_395 : memref<16384xf32, #tpu.memory_space<vmem>>[vector<16xi32>], vector<16xf32>,
        tpu.vector_store_idx %arg9[%xor3A_392], %get3A_398 : memref<16384xf32, #tpu.memory_space<vmem>>[vector<16xi32>], vector<16xf32>,
        %add3A_399 = vector.broadcast %scan3A_266 : i32 to vector<16xi32>
        %add3A_400 = arith.addi %add3A_30, %add3A_399 : vector<16xi32>
        %and3A_401 = arith.constant 63 : i32
        %and3A_402 = vector.broadcast %and3A_401 : i32 to vector<16xi32>
        %and3A_403 = arith.andi %add3A_400, %and3A_402 : vector<16xi32>
        %add3A_404 = arith.addi %and3A_403, %mul3A_108 : vector<16xi32>
        %xor3A_405 = arith.constant 32 : i32
        %xor3A_406 = vector.broadcast %xor3A_405 : i32 to vector<16xi32>
        %xor3A_407 = arith.xori %add3A_404, %xor3A_406 : vector<16xi32>
        %get3A_408 = arith.index_cast %scan3A_266 : i32 to index
        %get3A_409 = arith.constant 144 : index
        %get3A_410 = tpu.vector_load %arg5[%get3A_408, %get3A_409] {strides = array<i32>} : memref<32x256xf32, #tpu.memory_space<vmem>>, vector<16xf32>,
        %get3A_411 = arith.index_cast %scan3A_266 : i32 to index
        %get3A_412 = arith.constant 144 : index
        %get3A_413 = tpu.vector_load %arg6[%get3A_411, %get3A_412] {strides = array<i32>} : memref<32x256xf32, #tpu.memory_space<vmem>>, vector<16xf32>,
        tpu.vector_store_idx %arg9[%add3A_404], %get3A_410 : memref<16384xf32, #tpu.memory_space<vmem>>[vector<16xi32>], vector<16xf32>,
        tpu.vector_store_idx %arg9[%xor3A_407], %get3A_413 : memref<16384xf32, #tpu.memory_space<vmem>>[vector<16xi32>], vector<16xf32>,
        %add3A_414 = vector.broadcast %scan3A_266 : i32 to vector<16xi32>
        %add3A_415 = arith.addi %add3A_33, %add3A_414 : vector<16xi32>
        %and3A_416 = arith.constant 63 : i32
        %and3A_417 = vector.broadcast %and3A_416 : i32 to vector<16xi32>
        %and3A_418 = arith.andi %add3A_415, %and3A_417 : vector<16xi32>
        %add3A_419 = arith.addi %and3A_418, %mul3A_114 : vector<16xi32>
        %xor3A_420 = arith.constant 32 : i32
        %xor3A_421 = vector.broadcast %xor3A_420 : i32 to vector<16xi32>
        %xor3A_422 = arith.xori %add3A_419, %xor3A_421 : vector<16xi32>
        %get3A_423 = arith.index_cast %scan3A_266 : i32 to index
        %get3A_424 = arith.constant 160 : index
        %get3A_425 = tpu.vector_load %arg5[%get3A_423, %get3A_424] {strides = array<i32>} : memref<32x256xf32, #tpu.memory_space<vmem>>, vector<16xf32>,
        %get3A_426 = arith.index_cast %scan3A_266 : i32 to index
        %get3A_427 = arith.constant 160 : index
        %get3A_428 = tpu.vector_load %arg6[%get3A_426, %get3A_427] {strides = array<i32>} : memref<32x256xf32, #tpu.memory_space<vmem>>, vector<16xf32>,
        tpu.vector_store_idx %arg9[%add3A_419], %get3A_425 : memref<16384xf32, #tpu.memory_space<vmem>>[vector<16xi32>], vector<16xf32>,
        tpu.vector_store_idx %arg9[%xor3A_422], %get3A_428 : memref<16384xf32, #tpu.memory_space<vmem>>[vector<16xi32>], vector<16xf32>,
        %add3A_429 = vector.broadcast %scan3A_266 : i32 to vector<16xi32>
        %add3A_430 = arith.addi %add3A_36, %add3A_429 : vector<16xi32>
        %and3A_431 = arith.constant 63 : i32
        %and3A_432 = vector.broadcast %and3A_431 : i32 to vector<16xi32>
        %and3A_433 = arith.andi %add3A_430, %and3A_432 : vector<16xi32>
        %add3A_434 = arith.addi %and3A_433, %mul3A_120 : vector<16xi32>
        %xor3A_435 = arith.constant 32 : i32
        %xor3A_436 = vector.broadcast %xor3A_435 : i32 to vector<16xi32>
        %xor3A_437 = arith.xori %add3A_434, %xor3A_436 : vector<16xi32>
        %get3A_438 = arith.index_cast %scan3A_266 : i32 to index
        %get3A_439 = arith.constant 176 : index
        %get3A_440 = tpu.vector_load %arg5[%get3A_438, %get3A_439] {strides = array<i32>} : memref<32x256xf32, #tpu.memory_space<vmem>>, vector<16xf32>,
        %get3A_441 = arith.index_cast %scan3A_266 : i32 to index
        %get3A_442 = arith.constant 176 : index
        %get3A_443 = tpu.vector_load %arg6[%get3A_441, %get3A_442] {strides = array<i32>} : memref<32x256xf32, #tpu.memory_space<vmem>>, vector<16xf32>,
        tpu.vector_store_idx %arg9[%add3A_434], %get3A_440 : memref<16384xf32, #tpu.memory_space<vmem>>[vector<16xi32>], vector<16xf32>,
        tpu.vector_store_idx %arg9[%xor3A_437], %get3A_443 : memref<16384xf32, #tpu.memory_space<vmem>>[vector<16xi32>], vector<16xf32>,
        %add3A_444 = vector.broadcast %scan3A_266 : i32 to vector<16xi32>
        %add3A_445 = arith.addi %add3A_39, %add3A_444 : vector<16xi32>
        %and3A_446 = arith.constant 63 : i32
        %and3A_447 = vector.broadcast %and3A_446 : i32 to vector<16xi32>
        %and3A_448 = arith.andi %add3A_445, %and3A_447 : vector<16xi32>
        %add3A_449 = arith.addi %and3A_448, %mul3A_126 : vector<16xi32>
        %xor3A_450 = arith.constant 32 : i32
        %xor3A_451 = vector.broadcast %xor3A_450 : i32 to vector<16xi32>
        %xor3A_452 = arith.xori %add3A_449, %xor3A_451 : vector<16xi32>
        %get3A_453 = arith.index_cast %scan3A_266 : i32 to index
        %get3A_454 = arith.constant 192 : index
        %get3A_455 = tpu.vector_load %arg5[%get3A_453, %get3A_454] {strides = array<i32>} : memref<32x256xf32, #tpu.memory_space<vmem>>, vector<16xf32>,
        %get3A_456 = arith.index_cast %scan3A_266 : i32 to index
        %get3A_457 = arith.constant 192 : index
        %get3A_458 = tpu.vector_load %arg6[%get3A_456, %get3A_457] {strides = array<i32>} : memref<32x256xf32, #tpu.memory_space<vmem>>, vector<16xf32>,
        tpu.vector_store_idx %arg9[%add3A_449], %get3A_455 : memref<16384xf32, #tpu.memory_space<vmem>>[vector<16xi32>], vector<16xf32>,
        tpu.vector_store_idx %arg9[%xor3A_452], %get3A_458 : memref<16384xf32, #tpu.memory_space<vmem>>[vector<16xi32>], vector<16xf32>,
        %add3A_459 = vector.broadcast %scan3A_266 : i32 to vector<16xi32>
        %add3A_460 = arith.addi %add3A_42, %add3A_459 : vector<16xi32>
        %and3A_461 = arith.constant 63 : i32
        %and3A_462 = vector.broadcast %and3A_461 : i32 to vector<16xi32>
        %and3A_463 = arith.andi %add3A_460, %and3A_462 : vector<16xi32>
        %add3A_464 = arith.addi %and3A_463, %mul3A_132 : vector<16xi32>
        %xor3A_465 = arith.constant 32 : i32
        %xor3A_466 = vector.broadcast %xor3A_465 : i32 to vector<16xi32>
        %xor3A_467 = arith.xori %add3A_464, %xor3A_466 : vector<16xi32>
        %get3A_468 = arith.index_cast %scan3A_266 : i32 to index
        %get3A_469 = arith.constant 208 : index
        %get3A_470 = tpu.vector_load %arg5[%get3A_468, %get3A_469] {strides = array<i32>} : memref<32x256xf32, #tpu.memory_space<vmem>>, vector<16xf32>,
        %get3A_471 = arith.index_cast %scan3A_266 : i32 to index
        %get3A_472 = arith.constant 208 : index
        %get3A_473 = tpu.vector_load %arg6[%get3A_471, %get3A_472] {strides = array<i32>} : memref<32x256xf32, #tpu.memory_space<vmem>>, vector<16xf32>,
        tpu.vector_store_idx %arg9[%add3A_464], %get3A_470 : memref<16384xf32, #tpu.memory_space<vmem>>[vector<16xi32>], vector<16xf32>,
        tpu.vector_store_idx %arg9[%xor3A_467], %get3A_473 : memref<16384xf32, #tpu.memory_space<vmem>>[vector<16xi32>], vector<16xf32>,
        %add3A_474 = vector.broadcast %scan3A_266 : i32 to vector<16xi32>
        %add3A_475 = arith.addi %add3A_45, %add3A_474 : vector<16xi32>
        %and3A_476 = arith.constant 63 : i32
        %and3A_477 = vector.broadcast %and3A_476 : i32 to vector<16xi32>
        %and3A_478 = arith.andi %add3A_475, %and3A_477 : vector<16xi32>
        %add3A_479 = arith.addi %and3A_478, %mul3A_138 : vector<16xi32>
        %xor3A_480 = arith.constant 32 : i32
        %xor3A_481 = vector.broadcast %xor3A_480 : i32 to vector<16xi32>
        %xor3A_482 = arith.xori %add3A_479, %xor3A_481 : vector<16xi32>
        %get3A_483 = arith.index_cast %scan3A_266 : i32 to index
        %get3A_484 = arith.constant 224 : index
        %get3A_485 = tpu.vector_load %arg5[%get3A_483, %get3A_484] {strides = array<i32>} : memref<32x256xf32, #tpu.memory_space<vmem>>, vector<16xf32>,
        %get3A_486 = arith.index_cast %scan3A_266 : i32 to index
        %get3A_487 = arith.constant 224 : index
        %get3A_488 = tpu.vector_load %arg6[%get3A_486, %get3A_487] {strides = array<i32>} : memref<32x256xf32, #tpu.memory_space<vmem>>, vector<16xf32>,
        tpu.vector_store_idx %arg9[%add3A_479], %get3A_485 : memref<16384xf32, #tpu.memory_space<vmem>>[vector<16xi32>], vector<16xf32>,
        tpu.vector_store_idx %arg9[%xor3A_482], %get3A_488 : memref<16384xf32, #tpu.memory_space<vmem>>[vector<16xi32>], vector<16xf32>,
        %add3A_489 = vector.broadcast %scan3A_266 : i32 to vector<16xi32>
        %add3A_490 = arith.addi %add3A_48, %add3A_489 : vector<16xi32>
        %and3A_491 = arith.constant 63 : i32
        %and3A_492 = vector.broadcast %and3A_491 : i32 to vector<16xi32>
        %and3A_493 = arith.andi %add3A_490, %and3A_492 : vector<16xi32>
        %add3A_494 = arith.addi %and3A_493, %mul3A_144 : vector<16xi32>
        %xor3A_495 = arith.constant 32 : i32
        %xor3A_496 = vector.broadcast %xor3A_495 : i32 to vector<16xi32>
        %xor3A_497 = arith.xori %add3A_494, %xor3A_496 : vector<16xi32>
        %get3A_498 = arith.index_cast %scan3A_266 : i32 to index
        %get3A_499 = arith.constant 240 : index
        %get3A_500 = tpu.vector_load %arg5[%get3A_498, %get3A_499] {strides = array<i32>} : memref<32x256xf32, #tpu.memory_space<vmem>>, vector<16xf32>,
        %get3A_501 = arith.index_cast %scan3A_266 : i32 to index
        %get3A_502 = arith.constant 240 : index
        %get3A_503 = tpu.vector_load %arg6[%get3A_501, %get3A_502] {strides = array<i32>} : memref<32x256xf32, #tpu.memory_space<vmem>>, vector<16xf32>,
        tpu.vector_store_idx %arg9[%add3A_494], %get3A_500 : memref<16384xf32, #tpu.memory_space<vmem>>[vector<16xi32>], vector<16xf32>,
        tpu.vector_store_idx %arg9[%xor3A_497], %get3A_503 : memref<16384xf32, #tpu.memory_space<vmem>>[vector<16xi32>], vector<16xf32>,
      }
      %scan3A_203 = arith.constant 32 : i32
      %mul3A_204 = arith.constant 244 : i32
      %mul3A_205 = arith.muli %add3A, %mul3A_204 : i32
      %mul3A_206 = arith.constant 2 : i32
      %mul3A_207 = arith.muli %mul3A_174, %mul3A_206 : i32
      %add3A_208 = arith.addi %mul3A_205, %mul3A_207 : i32
      %mul3A_209 = arith.constant 128 : i32
      %mul3A_210 = arith.muli %add3A_208, %mul3A_209 : i32
      %multiple_of3A_211 = tpu.assume_multiple %mul3A_210, 128 : i32
      %mul3A_212 = arith.constant 2 : i32
      %mul3A_213 = arith.muli %multiple_of3A_211, %mul3A_212 : i32
      %mul3A_214 = arith.constant 32 : i32
      %mul3A_215 = arith.muli %mul3A_213, %mul3A_214 : i32
      %dma_start3A_216 = tpu.memref_slice %arg4[%mul3A_215] : memref<64004096xf32, #tpu.memory_space<hbm>> -> memref<16384xf32, #tpu.memory_space<hbm>>
      %dma_start3A_217 = tpu.memref_slice %arg4[%mul3A_215] : memref<64004096xf32, #tpu.memory_space<hbm>> -> memref<16384xf32, #tpu.memory_space<hbm>>
      tpu.enqueue_dma source(%arg9 : memref<16384xf32, #tpu.memory_space<vmem>>) target(%dma_start3A_217 : memref<16384xf32, #tpu.memory_space<hbm>>) target_semaphore(%arg12 : memref<!tpu.dma_semaphore, #tpu.memory_space<semaphore_mem>>)
      %mul3A_218 = arith.constant 2 : i32
      %mul3A_219 = arith.muli %mul3A_218, %scan3A_172 : i32
      %add3A_220 = arith.constant 1 : i32
      %add3A_221 = arith.addi %mul3A_219, %add3A_220 : i32
      %add3A_222 = arith.constant 1 : i32
      %add3A_223 = arith.addi %add3A_221, %add3A_222 : i32
      %lt3A_224 = arith.constant 122 : i32
      %lt3A_225 = arith.cmpi slt, %add3A_223, %lt3A_224 : i32
      %convert_element_type3A_226 = arith.extui %lt3A_225 : i1 to i32
      %cond3A_227 = arith.constant 0 : i32
      %cond3A_228 = arith.cmpi ne, %convert_element_type3A_226, %cond3A_227 : i32
      scf.if %cond3A_228 {
        %add3A_266 = arith.constant 1 : i32
        %add3A_267 = arith.addi %add3A_221, %add3A_266 : i32
        %mul3A_268 = arith.constant 244 : i32
        %mul3A_269 = arith.muli %add3A, %mul3A_268 : i32
        %mul3A_270 = arith.constant 2 : i32
        %mul3A_271 = arith.muli %add3A_267, %mul3A_270 : i32
        %add3A_272 = arith.addi %mul3A_269, %mul3A_271 : i32
        %mul3A_273 = arith.constant 128 : i32
        %mul3A_274 = arith.muli %add3A_272, %mul3A_273 : i32
        %multiple_of3A_275 = tpu.assume_multiple %mul3A_274, 128 : i32
        %dma_start3A_276 = arith.constant 0 : i32
        %dma_start3A_277 = tpu.memref_slice %arg2[%dma_start3A_276, %multiple_of3A_275] : memref<32x1000000xf32, #tpu.memory_space<hbm>> -> memref<32x256xf32, #tpu.memory_space<hbm>>
        %dma_start3A_278 = arith.constant 0 : i32
        %dma_start3A_279 = tpu.memref_slice %arg2[%dma_start3A_278, %multiple_of3A_275] : memref<32x1000000xf32, #tpu.memory_space<hbm>> -> memref<32x256xf32, #tpu.memory_space<hbm>>
        tpu.enqueue_dma source(%dma_start3A_279 : memref<32x256xf32, #tpu.memory_space<hbm>>) target(%arg5 : memref<32x256xf32, #tpu.memory_space<vmem>>) target_semaphore(%arg11 : memref<!tpu.dma_semaphore, #tpu.memory_space<semaphore_mem>>)
        %dma_start3A_280 = arith.constant 0 : i32
        %dma_start3A_281 = tpu.memref_slice %arg3[%dma_start3A_280, %multiple_of3A_275] : memref<32x1000000xf32, #tpu.memory_space<hbm>> -> memref<32x256xf32, #tpu.memory_space<hbm>>
        %dma_start3A_282 = arith.constant 0 : i32
        %dma_start3A_283 = tpu.memref_slice %arg3[%dma_start3A_282, %multiple_of3A_275] : memref<32x1000000xf32, #tpu.memory_space<hbm>> -> memref<32x256xf32, #tpu.memory_space<hbm>>
        tpu.enqueue_dma source(%dma_start3A_283 : memref<32x256xf32, #tpu.memory_space<hbm>>) target(%arg6 : memref<32x256xf32, #tpu.memory_space<vmem>>) target_semaphore(%arg11 : memref<!tpu.dma_semaphore, #tpu.memory_space<semaphore_mem>>)
      } else {
      }
      %dma_wait3A_229 = arith.constant 0 : i32
      %dma_wait3A_230 = arith.constant 0 : i32
      %dma_wait3A_231 = tpu.memref_slice %arg2[%dma_wait3A_229, %dma_wait3A_230] : memref<32x1000000xf32, #tpu.memory_space<hbm>> -> memref<32x256xf32, #tpu.memory_space<hbm>>
      %dma_wait3A_232 = arith.constant 0 : i32
      %dma_wait3A_233 = arith.constant 0 : i32
      %dma_wait3A_234 = tpu.memref_slice %arg2[%dma_wait3A_232, %dma_wait3A_233] : memref<32x1000000xf32, #tpu.memory_space<hbm>> -> memref<32x256xf32, #tpu.memory_space<hbm>>
      tpu.wait_dma2 semaphore(%arg11 : memref<!tpu.dma_semaphore, #tpu.memory_space<semaphore_mem>>) src(%dma_wait3A_234 : memref<32x256xf32, #tpu.memory_space<hbm>>) dst(%arg7 : memref<32x256xf32, #tpu.memory_space<vmem>>)
      %dma_wait3A_235 = arith.constant 0 : i32
      %dma_wait3A_236 = arith.constant 0 : i32
      %dma_wait3A_237 = tpu.memref_slice %arg2[%dma_wait3A_235, %dma_wait3A_236] : memref<32x1000000xf32, #tpu.memory_space<hbm>> -> memref<32x256xf32, #tpu.memory_space<hbm>>
      %dma_wait3A_238 = arith.constant 0 : i32
      %dma_wait3A_239 = arith.constant 0 : i32
      %dma_wait3A_240 = tpu.memref_slice %arg2[%dma_wait3A_238, %dma_wait3A_239] : memref<32x1000000xf32, #tpu.memory_space<hbm>> -> memref<32x256xf32, #tpu.memory_space<hbm>>
      tpu.wait_dma2 semaphore(%arg11 : memref<!tpu.dma_semaphore, #tpu.memory_space<semaphore_mem>>) src(%dma_wait3A_240 : memref<32x256xf32, #tpu.memory_space<hbm>>) dst(%arg8 : memref<32x256xf32, #tpu.memory_space<vmem>>)
      %ge3A_241 = arith.constant 2 : i32
      %ge3A_242 = arith.cmpi sge, %add3A_221, %ge3A_241 : i32
      %convert_element_type3A_243 = arith.extui %ge3A_242 : i1 to i32
      %cond3A_244 = arith.constant 0 : i32
      %cond3A_245 = arith.cmpi ne, %convert_element_type3A_243, %cond3A_244 : i32
      scf.if %cond3A_245 {
        %dma_wait3A_266 = arith.constant 0 : i32
        %dma_wait3A_267 = tpu.memref_slice %arg4[%dma_wait3A_266] : memref<64004096xf32, #tpu.memory_space<hbm>> -> memref<16384xf32, #tpu.memory_space<hbm>>
        %dma_wait3A_268 = arith.constant 0 : i32
        %dma_wait3A_269 = tpu.memref_slice %arg4[%dma_wait3A_268] : memref<64004096xf32, #tpu.memory_space<hbm>> -> memref<16384xf32, #tpu.memory_space<hbm>>
        tpu.wait_dma2 semaphore(%arg12 : memref<!tpu.dma_semaphore, #tpu.memory_space<semaphore_mem>>) src(%arg10 : memref<16384xf32, #tpu.memory_space<vmem>>) dst(%dma_wait3A_269 : memref<16384xf32, #tpu.memory_space<hbm>>)
      } else {
      }
      %scan3A_246 = arith.constant 0 : i32
      %scan3A_247 = arith.constant 0 : i32
      %scan3A_248 = arith.constant 32 : i32
      %scan3A_249 = arith.addi %scan3A_247, %scan3A_248 : i32
      %scan3A_250 = arith.constant 1 : i32
      scf.for %scan3A_266 = %scan3A_247 to %scan3A_249 step %scan3A_250  : i32 {
        %add3A_267 = vector.broadcast %scan3A_266 : i32 to vector<16xi32>
        %add3A_268 = arith.addi %add3A_3, %add3A_267 : vector<16xi32>
        %and3A = arith.constant 63 : i32
        %and3A_269 = vector.broadcast %and3A : i32 to vector<16xi32>
        %and3A_270 = arith.andi %add3A_268, %and3A_269 : vector<16xi32>
        %add3A_271 = arith.addi %and3A_270, %mul3A_54 : vector<16xi32>
        %xor3A = arith.constant 32 : i32
        %xor3A_272 = vector.broadcast %xor3A : i32 to vector<16xi32>
        %xor3A_273 = arith.xori %add3A_271, %xor3A_272 : vector<16xi32>
        %get3A = arith.index_cast %scan3A_266 : i32 to index
        %get3A_274 = arith.constant 0 : index
        %get3A_275 = tpu.vector_load %arg7[%get3A, %get3A_274] {strides = array<i32>} : memref<32x256xf32, #tpu.memory_space<vmem>>, vector<16xf32>,
        %get3A_276 = arith.index_cast %scan3A_266 : i32 to index
        %get3A_277 = arith.constant 0 : index
        %get3A_278 = tpu.vector_load %arg8[%get3A_276, %get3A_277] {strides = array<i32>} : memref<32x256xf32, #tpu.memory_space<vmem>>, vector<16xf32>,
        tpu.vector_store_idx %arg10[%add3A_271], %get3A_275 : memref<16384xf32, #tpu.memory_space<vmem>>[vector<16xi32>], vector<16xf32>,
        tpu.vector_store_idx %arg10[%xor3A_273], %get3A_278 : memref<16384xf32, #tpu.memory_space<vmem>>[vector<16xi32>], vector<16xf32>,
        %add3A_279 = vector.broadcast %scan3A_266 : i32 to vector<16xi32>
        %add3A_280 = arith.addi %add3A_6, %add3A_279 : vector<16xi32>
        %and3A_281 = arith.constant 63 : i32
        %and3A_282 = vector.broadcast %and3A_281 : i32 to vector<16xi32>
        %and3A_283 = arith.andi %add3A_280, %and3A_282 : vector<16xi32>
        %add3A_284 = arith.addi %and3A_283, %mul3A_60 : vector<16xi32>
        %xor3A_285 = arith.constant 32 : i32
        %xor3A_286 = vector.broadcast %xor3A_285 : i32 to vector<16xi32>
        %xor3A_287 = arith.xori %add3A_284, %xor3A_286 : vector<16xi32>
        %get3A_288 = arith.index_cast %scan3A_266 : i32 to index
        %get3A_289 = arith.constant 16 : index
        %get3A_290 = tpu.vector_load %arg7[%get3A_288, %get3A_289] {strides = array<i32>} : memref<32x256xf32, #tpu.memory_space<vmem>>, vector<16xf32>,
        %get3A_291 = arith.index_cast %scan3A_266 : i32 to index
        %get3A_292 = arith.constant 16 : index
        %get3A_293 = tpu.vector_load %arg8[%get3A_291, %get3A_292] {strides = array<i32>} : memref<32x256xf32, #tpu.memory_space<vmem>>, vector<16xf32>,
        tpu.vector_store_idx %arg10[%add3A_284], %get3A_290 : memref<16384xf32, #tpu.memory_space<vmem>>[vector<16xi32>], vector<16xf32>,
        tpu.vector_store_idx %arg10[%xor3A_287], %get3A_293 : memref<16384xf32, #tpu.memory_space<vmem>>[vector<16xi32>], vector<16xf32>,
        %add3A_294 = vector.broadcast %scan3A_266 : i32 to vector<16xi32>
        %add3A_295 = arith.addi %add3A_9, %add3A_294 : vector<16xi32>
        %and3A_296 = arith.constant 63 : i32
        %and3A_297 = vector.broadcast %and3A_296 : i32 to vector<16xi32>
        %and3A_298 = arith.andi %add3A_295, %and3A_297 : vector<16xi32>
        %add3A_299 = arith.addi %and3A_298, %mul3A_66 : vector<16xi32>
        %xor3A_300 = arith.constant 32 : i32
        %xor3A_301 = vector.broadcast %xor3A_300 : i32 to vector<16xi32>
        %xor3A_302 = arith.xori %add3A_299, %xor3A_301 : vector<16xi32>
        %get3A_303 = arith.index_cast %scan3A_266 : i32 to index
        %get3A_304 = arith.constant 32 : index
        %get3A_305 = tpu.vector_load %arg7[%get3A_303, %get3A_304] {strides = array<i32>} : memref<32x256xf32, #tpu.memory_space<vmem>>, vector<16xf32>,
        %get3A_306 = arith.index_cast %scan3A_266 : i32 to index
        %get3A_307 = arith.constant 32 : index
        %get3A_308 = tpu.vector_load %arg8[%get3A_306, %get3A_307] {strides = array<i32>} : memref<32x256xf32, #tpu.memory_space<vmem>>, vector<16xf32>,
        tpu.vector_store_idx %arg10[%add3A_299], %get3A_305 : memref<16384xf32, #tpu.memory_space<vmem>>[vector<16xi32>], vector<16xf32>,
        tpu.vector_store_idx %arg10[%xor3A_302], %get3A_308 : memref<16384xf32, #tpu.memory_space<vmem>>[vector<16xi32>], vector<16xf32>,
        %add3A_309 = vector.broadcast %scan3A_266 : i32 to vector<16xi32>
        %add3A_310 = arith.addi %add3A_12, %add3A_309 : vector<16xi32>
        %and3A_311 = arith.constant 63 : i32
        %and3A_312 = vector.broadcast %and3A_311 : i32 to vector<16xi32>
        %and3A_313 = arith.andi %add3A_310, %and3A_312 : vector<16xi32>
        %add3A_314 = arith.addi %and3A_313, %mul3A_72 : vector<16xi32>
        %xor3A_315 = arith.constant 32 : i32
        %xor3A_316 = vector.broadcast %xor3A_315 : i32 to vector<16xi32>
        %xor3A_317 = arith.xori %add3A_314, %xor3A_316 : vector<16xi32>
        %get3A_318 = arith.index_cast %scan3A_266 : i32 to index
        %get3A_319 = arith.constant 48 : index
        %get3A_320 = tpu.vector_load %arg7[%get3A_318, %get3A_319] {strides = array<i32>} : memref<32x256xf32, #tpu.memory_space<vmem>>, vector<16xf32>,
        %get3A_321 = arith.index_cast %scan3A_266 : i32 to index
        %get3A_322 = arith.constant 48 : index
        %get3A_323 = tpu.vector_load %arg8[%get3A_321, %get3A_322] {strides = array<i32>} : memref<32x256xf32, #tpu.memory_space<vmem>>, vector<16xf32>,
        tpu.vector_store_idx %arg10[%add3A_314], %get3A_320 : memref<16384xf32, #tpu.memory_space<vmem>>[vector<16xi32>], vector<16xf32>,
        tpu.vector_store_idx %arg10[%xor3A_317], %get3A_323 : memref<16384xf32, #tpu.memory_space<vmem>>[vector<16xi32>], vector<16xf32>,
        %add3A_324 = vector.broadcast %scan3A_266 : i32 to vector<16xi32>
        %add3A_325 = arith.addi %add3A_15, %add3A_324 : vector<16xi32>
        %and3A_326 = arith.constant 63 : i32
        %and3A_327 = vector.broadcast %and3A_326 : i32 to vector<16xi32>
        %and3A_328 = arith.andi %add3A_325, %and3A_327 : vector<16xi32>
        %add3A_329 = arith.addi %and3A_328, %mul3A_78 : vector<16xi32>
        %xor3A_330 = arith.constant 32 : i32
        %xor3A_331 = vector.broadcast %xor3A_330 : i32 to vector<16xi32>
        %xor3A_332 = arith.xori %add3A_329, %xor3A_331 : vector<16xi32>
        %get3A_333 = arith.index_cast %scan3A_266 : i32 to index
        %get3A_334 = arith.constant 64 : index
        %get3A_335 = tpu.vector_load %arg7[%get3A_333, %get3A_334] {strides = array<i32>} : memref<32x256xf32, #tpu.memory_space<vmem>>, vector<16xf32>,
        %get3A_336 = arith.index_cast %scan3A_266 : i32 to index
        %get3A_337 = arith.constant 64 : index
        %get3A_338 = tpu.vector_load %arg8[%get3A_336, %get3A_337] {strides = array<i32>} : memref<32x256xf32, #tpu.memory_space<vmem>>, vector<16xf32>,
        tpu.vector_store_idx %arg10[%add3A_329], %get3A_335 : memref<16384xf32, #tpu.memory_space<vmem>>[vector<16xi32>], vector<16xf32>,
        tpu.vector_store_idx %arg10[%xor3A_332], %get3A_338 : memref<16384xf32, #tpu.memory_space<vmem>>[vector<16xi32>], vector<16xf32>,
        %add3A_339 = vector.broadcast %scan3A_266 : i32 to vector<16xi32>
        %add3A_340 = arith.addi %add3A_18, %add3A_339 : vector<16xi32>
        %and3A_341 = arith.constant 63 : i32
        %and3A_342 = vector.broadcast %and3A_341 : i32 to vector<16xi32>
        %and3A_343 = arith.andi %add3A_340, %and3A_342 : vector<16xi32>
        %add3A_344 = arith.addi %and3A_343, %mul3A_84 : vector<16xi32>
        %xor3A_345 = arith.constant 32 : i32
        %xor3A_346 = vector.broadcast %xor3A_345 : i32 to vector<16xi32>
        %xor3A_347 = arith.xori %add3A_344, %xor3A_346 : vector<16xi32>
        %get3A_348 = arith.index_cast %scan3A_266 : i32 to index
        %get3A_349 = arith.constant 80 : index
        %get3A_350 = tpu.vector_load %arg7[%get3A_348, %get3A_349] {strides = array<i32>} : memref<32x256xf32, #tpu.memory_space<vmem>>, vector<16xf32>,
        %get3A_351 = arith.index_cast %scan3A_266 : i32 to index
        %get3A_352 = arith.constant 80 : index
        %get3A_353 = tpu.vector_load %arg8[%get3A_351, %get3A_352] {strides = array<i32>} : memref<32x256xf32, #tpu.memory_space<vmem>>, vector<16xf32>,
        tpu.vector_store_idx %arg10[%add3A_344], %get3A_350 : memref<16384xf32, #tpu.memory_space<vmem>>[vector<16xi32>], vector<16xf32>,
        tpu.vector_store_idx %arg10[%xor3A_347], %get3A_353 : memref<16384xf32, #tpu.memory_space<vmem>>[vector<16xi32>], vector<16xf32>,
        %add3A_354 = vector.broadcast %scan3A_266 : i32 to vector<16xi32>
        %add3A_355 = arith.addi %add3A_21, %add3A_354 : vector<16xi32>
        %and3A_356 = arith.constant 63 : i32
        %and3A_357 = vector.broadcast %and3A_356 : i32 to vector<16xi32>
        %and3A_358 = arith.andi %add3A_355, %and3A_357 : vector<16xi32>
        %add3A_359 = arith.addi %and3A_358, %mul3A_90 : vector<16xi32>
        %xor3A_360 = arith.constant 32 : i32
        %xor3A_361 = vector.broadcast %xor3A_360 : i32 to vector<16xi32>
        %xor3A_362 = arith.xori %add3A_359, %xor3A_361 : vector<16xi32>
        %get3A_363 = arith.index_cast %scan3A_266 : i32 to index
        %get3A_364 = arith.constant 96 : index
        %get3A_365 = tpu.vector_load %arg7[%get3A_363, %get3A_364] {strides = array<i32>} : memref<32x256xf32, #tpu.memory_space<vmem>>, vector<16xf32>,
        %get3A_366 = arith.index_cast %scan3A_266 : i32 to index
        %get3A_367 = arith.constant 96 : index
        %get3A_368 = tpu.vector_load %arg8[%get3A_366, %get3A_367] {strides = array<i32>} : memref<32x256xf32, #tpu.memory_space<vmem>>, vector<16xf32>,
        tpu.vector_store_idx %arg10[%add3A_359], %get3A_365 : memref<16384xf32, #tpu.memory_space<vmem>>[vector<16xi32>], vector<16xf32>,
        tpu.vector_store_idx %arg10[%xor3A_362], %get3A_368 : memref<16384xf32, #tpu.memory_space<vmem>>[vector<16xi32>], vector<16xf32>,
        %add3A_369 = vector.broadcast %scan3A_266 : i32 to vector<16xi32>
        %add3A_370 = arith.addi %add3A_24, %add3A_369 : vector<16xi32>
        %and3A_371 = arith.constant 63 : i32
        %and3A_372 = vector.broadcast %and3A_371 : i32 to vector<16xi32>
        %and3A_373 = arith.andi %add3A_370, %and3A_372 : vector<16xi32>
        %add3A_374 = arith.addi %and3A_373, %mul3A_96 : vector<16xi32>
        %xor3A_375 = arith.constant 32 : i32
        %xor3A_376 = vector.broadcast %xor3A_375 : i32 to vector<16xi32>
        %xor3A_377 = arith.xori %add3A_374, %xor3A_376 : vector<16xi32>
        %get3A_378 = arith.index_cast %scan3A_266 : i32 to index
        %get3A_379 = arith.constant 112 : index
        %get3A_380 = tpu.vector_load %arg7[%get3A_378, %get3A_379] {strides = array<i32>} : memref<32x256xf32, #tpu.memory_space<vmem>>, vector<16xf32>,
        %get3A_381 = arith.index_cast %scan3A_266 : i32 to index
        %get3A_382 = arith.constant 112 : index
        %get3A_383 = tpu.vector_load %arg8[%get3A_381, %get3A_382] {strides = array<i32>} : memref<32x256xf32, #tpu.memory_space<vmem>>, vector<16xf32>,
        tpu.vector_store_idx %arg10[%add3A_374], %get3A_380 : memref<16384xf32, #tpu.memory_space<vmem>>[vector<16xi32>], vector<16xf32>,
        tpu.vector_store_idx %arg10[%xor3A_377], %get3A_383 : memref<16384xf32, #tpu.memory_space<vmem>>[vector<16xi32>], vector<16xf32>,
        %add3A_384 = vector.broadcast %scan3A_266 : i32 to vector<16xi32>
        %add3A_385 = arith.addi %add3A_27, %add3A_384 : vector<16xi32>
        %and3A_386 = arith.constant 63 : i32
        %and3A_387 = vector.broadcast %and3A_386 : i32 to vector<16xi32>
        %and3A_388 = arith.andi %add3A_385, %and3A_387 : vector<16xi32>
        %add3A_389 = arith.addi %and3A_388, %mul3A_102 : vector<16xi32>
        %xor3A_390 = arith.constant 32 : i32
        %xor3A_391 = vector.broadcast %xor3A_390 : i32 to vector<16xi32>
        %xor3A_392 = arith.xori %add3A_389, %xor3A_391 : vector<16xi32>
        %get3A_393 = arith.index_cast %scan3A_266 : i32 to index
        %get3A_394 = arith.constant 128 : index
        %get3A_395 = tpu.vector_load %arg7[%get3A_393, %get3A_394] {strides = array<i32>} : memref<32x256xf32, #tpu.memory_space<vmem>>, vector<16xf32>,
        %get3A_396 = arith.index_cast %scan3A_266 : i32 to index
        %get3A_397 = arith.constant 128 : index
        %get3A_398 = tpu.vector_load %arg8[%get3A_396, %get3A_397] {strides = array<i32>} : memref<32x256xf32, #tpu.memory_space<vmem>>, vector<16xf32>,
        tpu.vector_store_idx %arg10[%add3A_389], %get3A_395 : memref<16384xf32, #tpu.memory_space<vmem>>[vector<16xi32>], vector<16xf32>,
        tpu.vector_store_idx %arg10[%xor3A_392], %get3A_398 : memref<16384xf32, #tpu.memory_space<vmem>>[vector<16xi32>], vector<16xf32>,
        %add3A_399 = vector.broadcast %scan3A_266 : i32 to vector<16xi32>
        %add3A_400 = arith.addi %add3A_30, %add3A_399 : vector<16xi32>
        %and3A_401 = arith.constant 63 : i32
        %and3A_402 = vector.broadcast %and3A_401 : i32 to vector<16xi32>
        %and3A_403 = arith.andi %add3A_400, %and3A_402 : vector<16xi32>
        %add3A_404 = arith.addi %and3A_403, %mul3A_108 : vector<16xi32>
        %xor3A_405 = arith.constant 32 : i32
        %xor3A_406 = vector.broadcast %xor3A_405 : i32 to vector<16xi32>
        %xor3A_407 = arith.xori %add3A_404, %xor3A_406 : vector<16xi32>
        %get3A_408 = arith.index_cast %scan3A_266 : i32 to index
        %get3A_409 = arith.constant 144 : index
        %get3A_410 = tpu.vector_load %arg7[%get3A_408, %get3A_409] {strides = array<i32>} : memref<32x256xf32, #tpu.memory_space<vmem>>, vector<16xf32>,
        %get3A_411 = arith.index_cast %scan3A_266 : i32 to index
        %get3A_412 = arith.constant 144 : index
        %get3A_413 = tpu.vector_load %arg8[%get3A_411, %get3A_412] {strides = array<i32>} : memref<32x256xf32, #tpu.memory_space<vmem>>, vector<16xf32>,
        tpu.vector_store_idx %arg10[%add3A_404], %get3A_410 : memref<16384xf32, #tpu.memory_space<vmem>>[vector<16xi32>], vector<16xf32>,
        tpu.vector_store_idx %arg10[%xor3A_407], %get3A_413 : memref<16384xf32, #tpu.memory_space<vmem>>[vector<16xi32>], vector<16xf32>,
        %add3A_414 = vector.broadcast %scan3A_266 : i32 to vector<16xi32>
        %add3A_415 = arith.addi %add3A_33, %add3A_414 : vector<16xi32>
        %and3A_416 = arith.constant 63 : i32
        %and3A_417 = vector.broadcast %and3A_416 : i32 to vector<16xi32>
        %and3A_418 = arith.andi %add3A_415, %and3A_417 : vector<16xi32>
        %add3A_419 = arith.addi %and3A_418, %mul3A_114 : vector<16xi32>
        %xor3A_420 = arith.constant 32 : i32
        %xor3A_421 = vector.broadcast %xor3A_420 : i32 to vector<16xi32>
        %xor3A_422 = arith.xori %add3A_419, %xor3A_421 : vector<16xi32>
        %get3A_423 = arith.index_cast %scan3A_266 : i32 to index
        %get3A_424 = arith.constant 160 : index
        %get3A_425 = tpu.vector_load %arg7[%get3A_423, %get3A_424] {strides = array<i32>} : memref<32x256xf32, #tpu.memory_space<vmem>>, vector<16xf32>,
        %get3A_426 = arith.index_cast %scan3A_266 : i32 to index
        %get3A_427 = arith.constant 160 : index
        %get3A_428 = tpu.vector_load %arg8[%get3A_426, %get3A_427] {strides = array<i32>} : memref<32x256xf32, #tpu.memory_space<vmem>>, vector<16xf32>,
        tpu.vector_store_idx %arg10[%add3A_419], %get3A_425 : memref<16384xf32, #tpu.memory_space<vmem>>[vector<16xi32>], vector<16xf32>,
        tpu.vector_store_idx %arg10[%xor3A_422], %get3A_428 : memref<16384xf32, #tpu.memory_space<vmem>>[vector<16xi32>], vector<16xf32>,
        %add3A_429 = vector.broadcast %scan3A_266 : i32 to vector<16xi32>
        %add3A_430 = arith.addi %add3A_36, %add3A_429 : vector<16xi32>
        %and3A_431 = arith.constant 63 : i32
        %and3A_432 = vector.broadcast %and3A_431 : i32 to vector<16xi32>
        %and3A_433 = arith.andi %add3A_430, %and3A_432 : vector<16xi32>
        %add3A_434 = arith.addi %and3A_433, %mul3A_120 : vector<16xi32>
        %xor3A_435 = arith.constant 32 : i32
        %xor3A_436 = vector.broadcast %xor3A_435 : i32 to vector<16xi32>
        %xor3A_437 = arith.xori %add3A_434, %xor3A_436 : vector<16xi32>
        %get3A_438 = arith.index_cast %scan3A_266 : i32 to index
        %get3A_439 = arith.constant 176 : index
        %get3A_440 = tpu.vector_load %arg7[%get3A_438, %get3A_439] {strides = array<i32>} : memref<32x256xf32, #tpu.memory_space<vmem>>, vector<16xf32>,
        %get3A_441 = arith.index_cast %scan3A_266 : i32 to index
        %get3A_442 = arith.constant 176 : index
        %get3A_443 = tpu.vector_load %arg8[%get3A_441, %get3A_442] {strides = array<i32>} : memref<32x256xf32, #tpu.memory_space<vmem>>, vector<16xf32>,
        tpu.vector_store_idx %arg10[%add3A_434], %get3A_440 : memref<16384xf32, #tpu.memory_space<vmem>>[vector<16xi32>], vector<16xf32>,
        tpu.vector_store_idx %arg10[%xor3A_437], %get3A_443 : memref<16384xf32, #tpu.memory_space<vmem>>[vector<16xi32>], vector<16xf32>,
        %add3A_444 = vector.broadcast %scan3A_266 : i32 to vector<16xi32>
        %add3A_445 = arith.addi %add3A_39, %add3A_444 : vector<16xi32>
        %and3A_446 = arith.constant 63 : i32
        %and3A_447 = vector.broadcast %and3A_446 : i32 to vector<16xi32>
        %and3A_448 = arith.andi %add3A_445, %and3A_447 : vector<16xi32>
        %add3A_449 = arith.addi %and3A_448, %mul3A_126 : vector<16xi32>
        %xor3A_450 = arith.constant 32 : i32
        %xor3A_451 = vector.broadcast %xor3A_450 : i32 to vector<16xi32>
        %xor3A_452 = arith.xori %add3A_449, %xor3A_451 : vector<16xi32>
        %get3A_453 = arith.index_cast %scan3A_266 : i32 to index
        %get3A_454 = arith.constant 192 : index
        %get3A_455 = tpu.vector_load %arg7[%get3A_453, %get3A_454] {strides = array<i32>} : memref<32x256xf32, #tpu.memory_space<vmem>>, vector<16xf32>,
        %get3A_456 = arith.index_cast %scan3A_266 : i32 to index
        %get3A_457 = arith.constant 192 : index
        %get3A_458 = tpu.vector_load %arg8[%get3A_456, %get3A_457] {strides = array<i32>} : memref<32x256xf32, #tpu.memory_space<vmem>>, vector<16xf32>,
        tpu.vector_store_idx %arg10[%add3A_449], %get3A_455 : memref<16384xf32, #tpu.memory_space<vmem>>[vector<16xi32>], vector<16xf32>,
        tpu.vector_store_idx %arg10[%xor3A_452], %get3A_458 : memref<16384xf32, #tpu.memory_space<vmem>>[vector<16xi32>], vector<16xf32>,
        %add3A_459 = vector.broadcast %scan3A_266 : i32 to vector<16xi32>
        %add3A_460 = arith.addi %add3A_42, %add3A_459 : vector<16xi32>
        %and3A_461 = arith.constant 63 : i32
        %and3A_462 = vector.broadcast %and3A_461 : i32 to vector<16xi32>
        %and3A_463 = arith.andi %add3A_460, %and3A_462 : vector<16xi32>
        %add3A_464 = arith.addi %and3A_463, %mul3A_132 : vector<16xi32>
        %xor3A_465 = arith.constant 32 : i32
        %xor3A_466 = vector.broadcast %xor3A_465 : i32 to vector<16xi32>
        %xor3A_467 = arith.xori %add3A_464, %xor3A_466 : vector<16xi32>
        %get3A_468 = arith.index_cast %scan3A_266 : i32 to index
        %get3A_469 = arith.constant 208 : index
        %get3A_470 = tpu.vector_load %arg7[%get3A_468, %get3A_469] {strides = array<i32>} : memref<32x256xf32, #tpu.memory_space<vmem>>, vector<16xf32>,
        %get3A_471 = arith.index_cast %scan3A_266 : i32 to index
        %get3A_472 = arith.constant 208 : index
        %get3A_473 = tpu.vector_load %arg8[%get3A_471, %get3A_472] {strides = array<i32>} : memref<32x256xf32, #tpu.memory_space<vmem>>, vector<16xf32>,
        tpu.vector_store_idx %arg10[%add3A_464], %get3A_470 : memref<16384xf32, #tpu.memory_space<vmem>>[vector<16xi32>], vector<16xf32>,
        tpu.vector_store_idx %arg10[%xor3A_467], %get3A_473 : memref<16384xf32, #tpu.memory_space<vmem>>[vector<16xi32>], vector<16xf32>,
        %add3A_474 = vector.broadcast %scan3A_266 : i32 to vector<16xi32>
        %add3A_475 = arith.addi %add3A_45, %add3A_474 : vector<16xi32>
        %and3A_476 = arith.constant 63 : i32
        %and3A_477 = vector.broadcast %and3A_476 : i32 to vector<16xi32>
        %and3A_478 = arith.andi %add3A_475, %and3A_477 : vector<16xi32>
        %add3A_479 = arith.addi %and3A_478, %mul3A_138 : vector<16xi32>
        %xor3A_480 = arith.constant 32 : i32
        %xor3A_481 = vector.broadcast %xor3A_480 : i32 to vector<16xi32>
        %xor3A_482 = arith.xori %add3A_479, %xor3A_481 : vector<16xi32>
        %get3A_483 = arith.index_cast %scan3A_266 : i32 to index
        %get3A_484 = arith.constant 224 : index
        %get3A_485 = tpu.vector_load %arg7[%get3A_483, %get3A_484] {strides = array<i32>} : memref<32x256xf32, #tpu.memory_space<vmem>>, vector<16xf32>,
        %get3A_486 = arith.index_cast %scan3A_266 : i32 to index
        %get3A_487 = arith.constant 224 : index
        %get3A_488 = tpu.vector_load %arg8[%get3A_486, %get3A_487] {strides = array<i32>} : memref<32x256xf32, #tpu.memory_space<vmem>>, vector<16xf32>,
        tpu.vector_store_idx %arg10[%add3A_479], %get3A_485 : memref<16384xf32, #tpu.memory_space<vmem>>[vector<16xi32>], vector<16xf32>,
        tpu.vector_store_idx %arg10[%xor3A_482], %get3A_488 : memref<16384xf32, #tpu.memory_space<vmem>>[vector<16xi32>], vector<16xf32>,
        %add3A_489 = vector.broadcast %scan3A_266 : i32 to vector<16xi32>
        %add3A_490 = arith.addi %add3A_48, %add3A_489 : vector<16xi32>
        %and3A_491 = arith.constant 63 : i32
        %and3A_492 = vector.broadcast %and3A_491 : i32 to vector<16xi32>
        %and3A_493 = arith.andi %add3A_490, %and3A_492 : vector<16xi32>
        %add3A_494 = arith.addi %and3A_493, %mul3A_144 : vector<16xi32>
        %xor3A_495 = arith.constant 32 : i32
        %xor3A_496 = vector.broadcast %xor3A_495 : i32 to vector<16xi32>
        %xor3A_497 = arith.xori %add3A_494, %xor3A_496 : vector<16xi32>
        %get3A_498 = arith.index_cast %scan3A_266 : i32 to index
        %get3A_499 = arith.constant 240 : index
        %get3A_500 = tpu.vector_load %arg7[%get3A_498, %get3A_499] {strides = array<i32>} : memref<32x256xf32, #tpu.memory_space<vmem>>, vector<16xf32>,
        %get3A_501 = arith.index_cast %scan3A_266 : i32 to index
        %get3A_502 = arith.constant 240 : index
        %get3A_503 = tpu.vector_load %arg8[%get3A_501, %get3A_502] {strides = array<i32>} : memref<32x256xf32, #tpu.memory_space<vmem>>, vector<16xf32>,
        tpu.vector_store_idx %arg10[%add3A_494], %get3A_500 : memref<16384xf32, #tpu.memory_space<vmem>>[vector<16xi32>], vector<16xf32>,
        tpu.vector_store_idx %arg10[%xor3A_497], %get3A_503 : memref<16384xf32, #tpu.memory_space<vmem>>[vector<16xi32>], vector<16xf32>,
      }
      %scan3A_251 = arith.constant 32 : i32
      %mul3A_252 = arith.constant 244 : i32
      %mul3A_253 = arith.muli %add3A, %mul3A_252 : i32
      %mul3A_254 = arith.constant 2 : i32
      %mul3A_255 = arith.muli %add3A_221, %mul3A_254 : i32
      %add3A_256 = arith.addi %mul3A_253, %mul3A_255 : i32
      %mul3A_257 = arith.constant 128 : i32
      %mul3A_258 = arith.muli %add3A_256, %mul3A_257 : i32
      %multiple_of3A_259 = tpu.assume_multiple %mul3A_258, 128 : i32
      %mul3A_260 = arith.constant 2 : i32
      %mul3A_261 = arith.muli %multiple_of3A_259, %mul3A_260 : i32
      %mul3A_262 = arith.constant 32 : i32
      %mul3A_263 = arith.muli %mul3A_261, %mul3A_262 : i32
      %dma_start3A_264 = tpu.memref_slice %arg4[%mul3A_263] : memref<64004096xf32, #tpu.memory_space<hbm>> -> memref<16384xf32, #tpu.memory_space<hbm>>
      %dma_start3A_265 = tpu.memref_slice %arg4[%mul3A_263] : memref<64004096xf32, #tpu.memory_space<hbm>> -> memref<16384xf32, #tpu.memory_space<hbm>>
      tpu.enqueue_dma source(%arg10 : memref<16384xf32, #tpu.memory_space<vmem>>) target(%dma_start3A_265 : memref<16384xf32, #tpu.memory_space<hbm>>) target_semaphore(%arg12 : memref<!tpu.dma_semaphore, #tpu.memory_space<semaphore_mem>>)
    }
    %scan3A_162 = arith.constant 61 : i32
    %dma_wait3A = arith.constant 0 : i32
    %dma_wait3A_163 = tpu.memref_slice %arg4[%dma_wait3A] : memref<64004096xf32, #tpu.memory_space<hbm>> -> memref<16384xf32, #tpu.memory_space<hbm>>
    %dma_wait3A_164 = arith.constant 0 : i32
    %dma_wait3A_165 = tpu.memref_slice %arg4[%dma_wait3A_164] : memref<64004096xf32, #tpu.memory_space<hbm>> -> memref<16384xf32, #tpu.memory_space<hbm>>
    tpu.wait_dma2 semaphore(%arg12 : memref<!tpu.dma_semaphore, #tpu.memory_space<semaphore_mem>>) src(%arg9 : memref<16384xf32, #tpu.memory_space<vmem>>) dst(%dma_wait3A_165 : memref<16384xf32, #tpu.memory_space<hbm>>)
    %dma_wait3A_166 = arith.constant 0 : i32
    %dma_wait3A_167 = tpu.memref_slice %arg4[%dma_wait3A_166] : memref<64004096xf32, #tpu.memory_space<hbm>> -> memref<16384xf32, #tpu.memory_space<hbm>>
    %dma_wait3A_168 = arith.constant 0 : i32
    %dma_wait3A_169 = tpu.memref_slice %arg4[%dma_wait3A_168] : memref<64004096xf32, #tpu.memory_space<hbm>> -> memref<16384xf32, #tpu.memory_space<hbm>>
    tpu.wait_dma2 semaphore(%arg12 : memref<!tpu.dma_semaphore, #tpu.memory_space<semaphore_mem>>) src(%arg10 : memref<16384xf32, #tpu.memory_space<vmem>>) dst(%dma_wait3A_169 : memref<16384xf32, #tpu.memory_space<hbm>>)
    %lt3A = arith.constant 5 : i32
    %lt3A_170 = arith.cmpi slt, %add3A, %lt3A : i32
    %convert_element_type3A = arith.extui %lt3A_170 : i1 to i32
    %cond3A = arith.constant 0 : i32
    %cond3A_171 = arith.cmpi ne, %convert_element_type3A, %cond3A : i32
    scf.if %cond3A_171 {
      %add3A_172 = arith.constant 7808 : i32
      %add3A_173 = arith.addi %add3A_172, %add3A : i32
      %ge3A = arith.constant 7812 : i32
      %ge3A_174 = arith.cmpi sge, %add3A_173, %ge3A : i32
      %min3A = arith.constant 7812 : i32
      %min3A_175 = arith.minsi %add3A_173, %min3A : i32
      %mul3A_176 = arith.constant 128 : i32
      %mul3A_177 = arith.muli %min3A_175, %mul3A_176 : i32
      %multiple_of3A_178 = tpu.assume_multiple %mul3A_177, 128 : i32
      "tpu.region"() ({
        %run_scoped3A = tpu.sem_alloc : memref<!tpu.dma_semaphore, #tpu.memory_space<semaphore_mem>>
        %dma_start3A_192 = arith.constant 0 : i32
        %dma_start3A_193 = arith.constant 0 : i32
        %dma_start3A_194 = tpu.memref_slice %arg5[%dma_start3A_192, %dma_start3A_193] : memref<32x256xf32, #tpu.memory_space<vmem>> -> memref<32x128xf32, #tpu.memory_space<vmem>>
        %dma_start3A_195 = arith.constant 0 : i32
        %dma_start3A_196 = tpu.memref_slice %arg2[%dma_start3A_195, %multiple_of3A_178] : memref<32x1000000xf32, #tpu.memory_space<hbm>> -> memref<32x128xf32, #tpu.memory_space<hbm>>
        %dma_start3A_197 = arith.constant 0 : i32
        %dma_start3A_198 = arith.constant 0 : i32
        %dma_start3A_199 = tpu.memref_slice %arg5[%dma_start3A_197, %dma_start3A_198] : memref<32x256xf32, #tpu.memory_space<vmem>> -> memref<32x128xf32, #tpu.memory_space<vmem>>
        %dma_start3A_200 = arith.constant 0 : i32
        %dma_start3A_201 = tpu.memref_slice %arg2[%dma_start3A_200, %multiple_of3A_178] : memref<32x1000000xf32, #tpu.memory_space<hbm>> -> memref<32x128xf32, #tpu.memory_space<hbm>>
        tpu.enqueue_dma source(%dma_start3A_201 : memref<32x128xf32, #tpu.memory_space<hbm>>) target(%dma_start3A_199 : memref<32x128xf32, #tpu.memory_space<vmem>>) target_semaphore(%run_scoped3A : memref<!tpu.dma_semaphore, #tpu.memory_space<semaphore_mem>>)
        %dma_wait3A_202 = arith.constant 0 : i32
        %dma_wait3A_203 = arith.constant 0 : i32
        %dma_wait3A_204 = tpu.memref_slice %arg5[%dma_wait3A_202, %dma_wait3A_203] : memref<32x256xf32, #tpu.memory_space<vmem>> -> memref<32x128xf32, #tpu.memory_space<vmem>>
        %dma_wait3A_205 = arith.constant 0 : i32
        %dma_wait3A_206 = tpu.memref_slice %arg2[%dma_wait3A_205, %multiple_of3A_178] : memref<32x1000000xf32, #tpu.memory_space<hbm>> -> memref<32x128xf32, #tpu.memory_space<hbm>>
        %dma_wait3A_207 = arith.constant 0 : i32
        %dma_wait3A_208 = arith.constant 0 : i32
        %dma_wait3A_209 = tpu.memref_slice %arg5[%dma_wait3A_207, %dma_wait3A_208] : memref<32x256xf32, #tpu.memory_space<vmem>> -> memref<32x128xf32, #tpu.memory_space<vmem>>
        %dma_wait3A_210 = arith.constant 0 : i32
        %dma_wait3A_211 = tpu.memref_slice %arg2[%dma_wait3A_210, %multiple_of3A_178] : memref<32x1000000xf32, #tpu.memory_space<hbm>> -> memref<32x128xf32, #tpu.memory_space<hbm>>
        tpu.wait_dma2 semaphore(%run_scoped3A : memref<!tpu.dma_semaphore, #tpu.memory_space<semaphore_mem>>) src(%dma_wait3A_211 : memref<32x128xf32, #tpu.memory_space<hbm>>) dst(%dma_wait3A_209 : memref<32x128xf32, #tpu.memory_space<vmem>>)
        tpu.yield
      }) : () -> ()
      "tpu.region"() ({
        %run_scoped3A = tpu.sem_alloc : memref<!tpu.dma_semaphore, #tpu.memory_space<semaphore_mem>>
        %dma_start3A_192 = arith.constant 0 : i32
        %dma_start3A_193 = arith.constant 0 : i32
        %dma_start3A_194 = tpu.memref_slice %arg6[%dma_start3A_192, %dma_start3A_193] : memref<32x256xf32, #tpu.memory_space<vmem>> -> memref<32x128xf32, #tpu.memory_space<vmem>>
        %dma_start3A_195 = arith.constant 0 : i32
        %dma_start3A_196 = tpu.memref_slice %arg3[%dma_start3A_195, %multiple_of3A_178] : memref<32x1000000xf32, #tpu.memory_space<hbm>> -> memref<32x128xf32, #tpu.memory_space<hbm>>
        %dma_start3A_197 = arith.constant 0 : i32
        %dma_start3A_198 = arith.constant 0 : i32
        %dma_start3A_199 = tpu.memref_slice %arg6[%dma_start3A_197, %dma_start3A_198] : memref<32x256xf32, #tpu.memory_space<vmem>> -> memref<32x128xf32, #tpu.memory_space<vmem>>
        %dma_start3A_200 = arith.constant 0 : i32
        %dma_start3A_201 = tpu.memref_slice %arg3[%dma_start3A_200, %multiple_of3A_178] : memref<32x1000000xf32, #tpu.memory_space<hbm>> -> memref<32x128xf32, #tpu.memory_space<hbm>>
        tpu.enqueue_dma source(%dma_start3A_201 : memref<32x128xf32, #tpu.memory_space<hbm>>) target(%dma_start3A_199 : memref<32x128xf32, #tpu.memory_space<vmem>>) target_semaphore(%run_scoped3A : memref<!tpu.dma_semaphore, #tpu.memory_space<semaphore_mem>>)
        %dma_wait3A_202 = arith.constant 0 : i32
        %dma_wait3A_203 = arith.constant 0 : i32
        %dma_wait3A_204 = tpu.memref_slice %arg6[%dma_wait3A_202, %dma_wait3A_203] : memref<32x256xf32, #tpu.memory_space<vmem>> -> memref<32x128xf32, #tpu.memory_space<vmem>>
        %dma_wait3A_205 = arith.constant 0 : i32
        %dma_wait3A_206 = tpu.memref_slice %arg3[%dma_wait3A_205, %multiple_of3A_178] : memref<32x1000000xf32, #tpu.memory_space<hbm>> -> memref<32x128xf32, #tpu.memory_space<hbm>>
        %dma_wait3A_207 = arith.constant 0 : i32
        %dma_wait3A_208 = arith.constant 0 : i32
        %dma_wait3A_209 = tpu.memref_slice %arg6[%dma_wait3A_207, %dma_wait3A_208] : memref<32x256xf32, #tpu.memory_space<vmem>> -> memref<32x128xf32, #tpu.memory_space<vmem>>
        %dma_wait3A_210 = arith.constant 0 : i32
        %dma_wait3A_211 = tpu.memref_slice %arg3[%dma_wait3A_210, %multiple_of3A_178] : memref<32x1000000xf32, #tpu.memory_space<hbm>> -> memref<32x128xf32, #tpu.memory_space<hbm>>
        tpu.wait_dma2 semaphore(%run_scoped3A : memref<!tpu.dma_semaphore, #tpu.memory_space<semaphore_mem>>) src(%dma_wait3A_211 : memref<32x128xf32, #tpu.memory_space<hbm>>) dst(%dma_wait3A_209 : memref<32x128xf32, #tpu.memory_space<vmem>>)
        tpu.yield
      }) : () -> ()
      %scan3A_179 = arith.constant 0 : i32
      %scan3A_180 = arith.constant 0 : i32
      %scan3A_181 = arith.constant 32 : i32
      %scan3A_182 = arith.addi %scan3A_180, %scan3A_181 : i32
      %scan3A_183 = arith.constant 1 : i32
      scf.for %scan3A_192 = %scan3A_180 to %scan3A_182 step %scan3A_183  : i32 {
        %add3A_193 = vector.broadcast %scan3A_192 : i32 to vector<16xi32>
        %add3A_194 = arith.addi %add3A_3, %add3A_193 : vector<16xi32>
        %and3A = arith.constant 63 : i32
        %and3A_195 = vector.broadcast %and3A : i32 to vector<16xi32>
        %and3A_196 = arith.andi %add3A_194, %and3A_195 : vector<16xi32>
        %add3A_197 = arith.addi %and3A_196, %mul3A_54 : vector<16xi32>
        %xor3A = arith.constant 32 : i32
        %xor3A_198 = vector.broadcast %xor3A : i32 to vector<16xi32>
        %xor3A_199 = arith.xori %add3A_197, %xor3A_198 : vector<16xi32>
        %get3A = arith.index_cast %scan3A_192 : i32 to index
        %get3A_200 = arith.constant 0 : index
        %get3A_201 = tpu.vector_load %arg5[%get3A, %get3A_200] {strides = array<i32>} : memref<32x256xf32, #tpu.memory_space<vmem>>, vector<16xf32>,
        %get3A_202 = arith.index_cast %scan3A_192 : i32 to index
        %get3A_203 = arith.constant 0 : index
        %get3A_204 = tpu.vector_load %arg6[%get3A_202, %get3A_203] {strides = array<i32>} : memref<32x256xf32, #tpu.memory_space<vmem>>, vector<16xf32>,
        tpu.vector_store_idx %arg9[%add3A_197], %get3A_201 : memref<16384xf32, #tpu.memory_space<vmem>>[vector<16xi32>], vector<16xf32>,
        tpu.vector_store_idx %arg9[%xor3A_199], %get3A_204 : memref<16384xf32, #tpu.memory_space<vmem>>[vector<16xi32>], vector<16xf32>,
        %add3A_205 = vector.broadcast %scan3A_192 : i32 to vector<16xi32>
        %add3A_206 = arith.addi %add3A_6, %add3A_205 : vector<16xi32>
        %and3A_207 = arith.constant 63 : i32
        %and3A_208 = vector.broadcast %and3A_207 : i32 to vector<16xi32>
        %and3A_209 = arith.andi %add3A_206, %and3A_208 : vector<16xi32>
        %add3A_210 = arith.addi %and3A_209, %mul3A_60 : vector<16xi32>
        %xor3A_211 = arith.constant 32 : i32
        %xor3A_212 = vector.broadcast %xor3A_211 : i32 to vector<16xi32>
        %xor3A_213 = arith.xori %add3A_210, %xor3A_212 : vector<16xi32>
        %get3A_214 = arith.index_cast %scan3A_192 : i32 to index
        %get3A_215 = arith.constant 16 : index
        %get3A_216 = tpu.vector_load %arg5[%get3A_214, %get3A_215] {strides = array<i32>} : memref<32x256xf32, #tpu.memory_space<vmem>>, vector<16xf32>,
        %get3A_217 = arith.index_cast %scan3A_192 : i32 to index
        %get3A_218 = arith.constant 16 : index
        %get3A_219 = tpu.vector_load %arg6[%get3A_217, %get3A_218] {strides = array<i32>} : memref<32x256xf32, #tpu.memory_space<vmem>>, vector<16xf32>,
        tpu.vector_store_idx %arg9[%add3A_210], %get3A_216 : memref<16384xf32, #tpu.memory_space<vmem>>[vector<16xi32>], vector<16xf32>,
        tpu.vector_store_idx %arg9[%xor3A_213], %get3A_219 : memref<16384xf32, #tpu.memory_space<vmem>>[vector<16xi32>], vector<16xf32>,
        %add3A_220 = vector.broadcast %scan3A_192 : i32 to vector<16xi32>
        %add3A_221 = arith.addi %add3A_9, %add3A_220 : vector<16xi32>
        %and3A_222 = arith.constant 63 : i32
        %and3A_223 = vector.broadcast %and3A_222 : i32 to vector<16xi32>
        %and3A_224 = arith.andi %add3A_221, %and3A_223 : vector<16xi32>
        %add3A_225 = arith.addi %and3A_224, %mul3A_66 : vector<16xi32>
        %xor3A_226 = arith.constant 32 : i32
        %xor3A_227 = vector.broadcast %xor3A_226 : i32 to vector<16xi32>
        %xor3A_228 = arith.xori %add3A_225, %xor3A_227 : vector<16xi32>
        %get3A_229 = arith.index_cast %scan3A_192 : i32 to index
        %get3A_230 = arith.constant 32 : index
        %get3A_231 = tpu.vector_load %arg5[%get3A_229, %get3A_230] {strides = array<i32>} : memref<32x256xf32, #tpu.memory_space<vmem>>, vector<16xf32>,
        %get3A_232 = arith.index_cast %scan3A_192 : i32 to index
        %get3A_233 = arith.constant 32 : index
        %get3A_234 = tpu.vector_load %arg6[%get3A_232, %get3A_233] {strides = array<i32>} : memref<32x256xf32, #tpu.memory_space<vmem>>, vector<16xf32>,
        tpu.vector_store_idx %arg9[%add3A_225], %get3A_231 : memref<16384xf32, #tpu.memory_space<vmem>>[vector<16xi32>], vector<16xf32>,
        tpu.vector_store_idx %arg9[%xor3A_228], %get3A_234 : memref<16384xf32, #tpu.memory_space<vmem>>[vector<16xi32>], vector<16xf32>,
        %add3A_235 = vector.broadcast %scan3A_192 : i32 to vector<16xi32>
        %add3A_236 = arith.addi %add3A_12, %add3A_235 : vector<16xi32>
        %and3A_237 = arith.constant 63 : i32
        %and3A_238 = vector.broadcast %and3A_237 : i32 to vector<16xi32>
        %and3A_239 = arith.andi %add3A_236, %and3A_238 : vector<16xi32>
        %add3A_240 = arith.addi %and3A_239, %mul3A_72 : vector<16xi32>
        %xor3A_241 = arith.constant 32 : i32
        %xor3A_242 = vector.broadcast %xor3A_241 : i32 to vector<16xi32>
        %xor3A_243 = arith.xori %add3A_240, %xor3A_242 : vector<16xi32>
        %get3A_244 = arith.index_cast %scan3A_192 : i32 to index
        %get3A_245 = arith.constant 48 : index
        %get3A_246 = tpu.vector_load %arg5[%get3A_244, %get3A_245] {strides = array<i32>} : memref<32x256xf32, #tpu.memory_space<vmem>>, vector<16xf32>,
        %get3A_247 = arith.index_cast %scan3A_192 : i32 to index
        %get3A_248 = arith.constant 48 : index
        %get3A_249 = tpu.vector_load %arg6[%get3A_247, %get3A_248] {strides = array<i32>} : memref<32x256xf32, #tpu.memory_space<vmem>>, vector<16xf32>,
        tpu.vector_store_idx %arg9[%add3A_240], %get3A_246 : memref<16384xf32, #tpu.memory_space<vmem>>[vector<16xi32>], vector<16xf32>,
        tpu.vector_store_idx %arg9[%xor3A_243], %get3A_249 : memref<16384xf32, #tpu.memory_space<vmem>>[vector<16xi32>], vector<16xf32>,
        %add3A_250 = vector.broadcast %scan3A_192 : i32 to vector<16xi32>
        %add3A_251 = arith.addi %add3A_15, %add3A_250 : vector<16xi32>
        %and3A_252 = arith.constant 63 : i32
        %and3A_253 = vector.broadcast %and3A_252 : i32 to vector<16xi32>
        %and3A_254 = arith.andi %add3A_251, %and3A_253 : vector<16xi32>
        %add3A_255 = arith.addi %and3A_254, %mul3A_78 : vector<16xi32>
        %xor3A_256 = arith.constant 32 : i32
        %xor3A_257 = vector.broadcast %xor3A_256 : i32 to vector<16xi32>
        %xor3A_258 = arith.xori %add3A_255, %xor3A_257 : vector<16xi32>
        %get3A_259 = arith.index_cast %scan3A_192 : i32 to index
        %get3A_260 = arith.constant 64 : index
        %get3A_261 = tpu.vector_load %arg5[%get3A_259, %get3A_260] {strides = array<i32>} : memref<32x256xf32, #tpu.memory_space<vmem>>, vector<16xf32>,
        %get3A_262 = arith.index_cast %scan3A_192 : i32 to index
        %get3A_263 = arith.constant 64 : index
        %get3A_264 = tpu.vector_load %arg6[%get3A_262, %get3A_263] {strides = array<i32>} : memref<32x256xf32, #tpu.memory_space<vmem>>, vector<16xf32>,
        tpu.vector_store_idx %arg9[%add3A_255], %get3A_261 : memref<16384xf32, #tpu.memory_space<vmem>>[vector<16xi32>], vector<16xf32>,
        tpu.vector_store_idx %arg9[%xor3A_258], %get3A_264 : memref<16384xf32, #tpu.memory_space<vmem>>[vector<16xi32>], vector<16xf32>,
        %add3A_265 = vector.broadcast %scan3A_192 : i32 to vector<16xi32>
        %add3A_266 = arith.addi %add3A_18, %add3A_265 : vector<16xi32>
        %and3A_267 = arith.constant 63 : i32
        %and3A_268 = vector.broadcast %and3A_267 : i32 to vector<16xi32>
        %and3A_269 = arith.andi %add3A_266, %and3A_268 : vector<16xi32>
        %add3A_270 = arith.addi %and3A_269, %mul3A_84 : vector<16xi32>
        %xor3A_271 = arith.constant 32 : i32
        %xor3A_272 = vector.broadcast %xor3A_271 : i32 to vector<16xi32>
        %xor3A_273 = arith.xori %add3A_270, %xor3A_272 : vector<16xi32>
        %get3A_274 = arith.index_cast %scan3A_192 : i32 to index
        %get3A_275 = arith.constant 80 : index
        %get3A_276 = tpu.vector_load %arg5[%get3A_274, %get3A_275] {strides = array<i32>} : memref<32x256xf32, #tpu.memory_space<vmem>>, vector<16xf32>,
        %get3A_277 = arith.index_cast %scan3A_192 : i32 to index
        %get3A_278 = arith.constant 80 : index
        %get3A_279 = tpu.vector_load %arg6[%get3A_277, %get3A_278] {strides = array<i32>} : memref<32x256xf32, #tpu.memory_space<vmem>>, vector<16xf32>,
        tpu.vector_store_idx %arg9[%add3A_270], %get3A_276 : memref<16384xf32, #tpu.memory_space<vmem>>[vector<16xi32>], vector<16xf32>,
        tpu.vector_store_idx %arg9[%xor3A_273], %get3A_279 : memref<16384xf32, #tpu.memory_space<vmem>>[vector<16xi32>], vector<16xf32>,
        %add3A_280 = vector.broadcast %scan3A_192 : i32 to vector<16xi32>
        %add3A_281 = arith.addi %add3A_21, %add3A_280 : vector<16xi32>
        %and3A_282 = arith.constant 63 : i32
        %and3A_283 = vector.broadcast %and3A_282 : i32 to vector<16xi32>
        %and3A_284 = arith.andi %add3A_281, %and3A_283 : vector<16xi32>
        %add3A_285 = arith.addi %and3A_284, %mul3A_90 : vector<16xi32>
        %xor3A_286 = arith.constant 32 : i32
        %xor3A_287 = vector.broadcast %xor3A_286 : i32 to vector<16xi32>
        %xor3A_288 = arith.xori %add3A_285, %xor3A_287 : vector<16xi32>
        %get3A_289 = arith.index_cast %scan3A_192 : i32 to index
        %get3A_290 = arith.constant 96 : index
        %get3A_291 = tpu.vector_load %arg5[%get3A_289, %get3A_290] {strides = array<i32>} : memref<32x256xf32, #tpu.memory_space<vmem>>, vector<16xf32>,
        %get3A_292 = arith.index_cast %scan3A_192 : i32 to index
        %get3A_293 = arith.constant 96 : index
        %get3A_294 = tpu.vector_load %arg6[%get3A_292, %get3A_293] {strides = array<i32>} : memref<32x256xf32, #tpu.memory_space<vmem>>, vector<16xf32>,
        tpu.vector_store_idx %arg9[%add3A_285], %get3A_291 : memref<16384xf32, #tpu.memory_space<vmem>>[vector<16xi32>], vector<16xf32>,
        tpu.vector_store_idx %arg9[%xor3A_288], %get3A_294 : memref<16384xf32, #tpu.memory_space<vmem>>[vector<16xi32>], vector<16xf32>,
        %add3A_295 = vector.broadcast %scan3A_192 : i32 to vector<16xi32>
        %add3A_296 = arith.addi %add3A_24, %add3A_295 : vector<16xi32>
        %and3A_297 = arith.constant 63 : i32
        %and3A_298 = vector.broadcast %and3A_297 : i32 to vector<16xi32>
        %and3A_299 = arith.andi %add3A_296, %and3A_298 : vector<16xi32>
        %add3A_300 = arith.addi %and3A_299, %mul3A_96 : vector<16xi32>
        %xor3A_301 = arith.constant 32 : i32
        %xor3A_302 = vector.broadcast %xor3A_301 : i32 to vector<16xi32>
        %xor3A_303 = arith.xori %add3A_300, %xor3A_302 : vector<16xi32>
        %get3A_304 = arith.index_cast %scan3A_192 : i32 to index
        %get3A_305 = arith.constant 112 : index
        %get3A_306 = tpu.vector_load %arg5[%get3A_304, %get3A_305] {strides = array<i32>} : memref<32x256xf32, #tpu.memory_space<vmem>>, vector<16xf32>,
        %get3A_307 = arith.index_cast %scan3A_192 : i32 to index
        %get3A_308 = arith.constant 112 : index
        %get3A_309 = tpu.vector_load %arg6[%get3A_307, %get3A_308] {strides = array<i32>} : memref<32x256xf32, #tpu.memory_space<vmem>>, vector<16xf32>,
        tpu.vector_store_idx %arg9[%add3A_300], %get3A_306 : memref<16384xf32, #tpu.memory_space<vmem>>[vector<16xi32>], vector<16xf32>,
        tpu.vector_store_idx %arg9[%xor3A_303], %get3A_309 : memref<16384xf32, #tpu.memory_space<vmem>>[vector<16xi32>], vector<16xf32>,
      }
      %scan3A_184 = arith.constant 32 : i32
      %convert_element_type3A_185 = arith.extui %ge3A_174 : i1 to i32
      %cond3A_186 = arith.constant 0 : i32
      %cond3A_187 = arith.cmpi ne, %convert_element_type3A_185, %cond3A_186 : i32
      scf.if %cond3A_187 {
        %mul3A_192 = arith.constant 2 : i32
        %mul3A_193 = arith.muli %multiple_of3A_178, %mul3A_192 : i32
        %mul3A_194 = arith.constant 32 : i32
        %mul3A_195 = arith.muli %mul3A_193, %mul3A_194 : i32
        "tpu.region"() ({
          %run_scoped3A = tpu.sem_alloc : memref<!tpu.dma_semaphore, #tpu.memory_space<semaphore_mem>>
          %dma_start3A_196 = arith.constant 0 : i32
          %dma_start3A_197 = tpu.memref_slice %arg9[%dma_start3A_196] : memref<16384xf32, #tpu.memory_space<vmem>> -> memref<4096xf32, #tpu.memory_space<vmem>>
          %dma_start3A_198 = tpu.memref_slice %arg4[%mul3A_195] : memref<64004096xf32, #tpu.memory_space<hbm>> -> memref<4096xf32, #tpu.memory_space<hbm>>
          %dma_start3A_199 = tpu.memref_slice %arg4[%mul3A_195] : memref<64004096xf32, #tpu.memory_space<hbm>> -> memref<4096xf32, #tpu.memory_space<hbm>>
          %dma_start3A_200 = arith.constant 0 : i32
          %dma_start3A_201 = tpu.memref_slice %arg9[%dma_start3A_200] : memref<16384xf32, #tpu.memory_space<vmem>> -> memref<4096xf32, #tpu.memory_space<vmem>>
          tpu.enqueue_dma source(%dma_start3A_201 : memref<4096xf32, #tpu.memory_space<vmem>>) target(%dma_start3A_199 : memref<4096xf32, #tpu.memory_space<hbm>>) target_semaphore(%run_scoped3A : memref<!tpu.dma_semaphore, #tpu.memory_space<semaphore_mem>>)
          %dma_wait3A_202 = arith.constant 0 : i32
          %dma_wait3A_203 = tpu.memref_slice %arg9[%dma_wait3A_202] : memref<16384xf32, #tpu.memory_space<vmem>> -> memref<4096xf32, #tpu.memory_space<vmem>>
          %dma_wait3A_204 = tpu.memref_slice %arg4[%mul3A_195] : memref<64004096xf32, #tpu.memory_space<hbm>> -> memref<4096xf32, #tpu.memory_space<hbm>>
          %dma_wait3A_205 = tpu.memref_slice %arg4[%mul3A_195] : memref<64004096xf32, #tpu.memory_space<hbm>> -> memref<4096xf32, #tpu.memory_space<hbm>>
          %dma_wait3A_206 = arith.constant 0 : i32
          %dma_wait3A_207 = tpu.memref_slice %arg9[%dma_wait3A_206] : memref<16384xf32, #tpu.memory_space<vmem>> -> memref<4096xf32, #tpu.memory_space<vmem>>
          tpu.wait_dma2 semaphore(%run_scoped3A : memref<!tpu.dma_semaphore, #tpu.memory_space<semaphore_mem>>) src(%dma_wait3A_207 : memref<4096xf32, #tpu.memory_space<vmem>>) dst(%dma_wait3A_205 : memref<4096xf32, #tpu.memory_space<hbm>>)
          tpu.yield
        }) : () -> ()
      } else {
      }
      %not3A = arith.constant true
      %not3A_188 = arith.xori %ge3A_174, %not3A : i1
      %convert_element_type3A_189 = arith.extui %not3A_188 : i1 to i32
      %cond3A_190 = arith.constant 0 : i32
      %cond3A_191 = arith.cmpi ne, %convert_element_type3A_189, %cond3A_190 : i32
      scf.if %cond3A_191 {
        %mul3A_192 = arith.constant 2 : i32
        %mul3A_193 = arith.muli %multiple_of3A_178, %mul3A_192 : i32
        %mul3A_194 = arith.constant 32 : i32
        %mul3A_195 = arith.muli %mul3A_193, %mul3A_194 : i32
        "tpu.region"() ({
          %run_scoped3A = tpu.sem_alloc : memref<!tpu.dma_semaphore, #tpu.memory_space<semaphore_mem>>
          %dma_start3A_196 = arith.constant 0 : i32
          %dma_start3A_197 = tpu.memref_slice %arg9[%dma_start3A_196] : memref<16384xf32, #tpu.memory_space<vmem>> -> memref<8192xf32, #tpu.memory_space<vmem>>
          %dma_start3A_198 = tpu.memref_slice %arg4[%mul3A_195] : memref<64004096xf32, #tpu.memory_space<hbm>> -> memref<8192xf32, #tpu.memory_space<hbm>>
          %dma_start3A_199 = tpu.memref_slice %arg4[%mul3A_195] : memref<64004096xf32, #tpu.memory_space<hbm>> -> memref<8192xf32, #tpu.memory_space<hbm>>
          %dma_start3A_200 = arith.constant 0 : i32
          %dma_start3A_201 = tpu.memref_slice %arg9[%dma_start3A_200] : memref<16384xf32, #tpu.memory_space<vmem>> -> memref<8192xf32, #tpu.memory_space<vmem>>
          tpu.enqueue_dma source(%dma_start3A_201 : memref<8192xf32, #tpu.memory_space<vmem>>) target(%dma_start3A_199 : memref<8192xf32, #tpu.memory_space<hbm>>) target_semaphore(%run_scoped3A : memref<!tpu.dma_semaphore, #tpu.memory_space<semaphore_mem>>)
          %dma_wait3A_202 = arith.constant 0 : i32
          %dma_wait3A_203 = tpu.memref_slice %arg9[%dma_wait3A_202] : memref<16384xf32, #tpu.memory_space<vmem>> -> memref<8192xf32, #tpu.memory_space<vmem>>
          %dma_wait3A_204 = tpu.memref_slice %arg4[%mul3A_195] : memref<64004096xf32, #tpu.memory_space<hbm>> -> memref<8192xf32, #tpu.memory_space<hbm>>
          %dma_wait3A_205 = tpu.memref_slice %arg4[%mul3A_195] : memref<64004096xf32, #tpu.memory_space<hbm>> -> memref<8192xf32, #tpu.memory_space<hbm>>
          %dma_wait3A_206 = arith.constant 0 : i32
          %dma_wait3A_207 = tpu.memref_slice %arg9[%dma_wait3A_206] : memref<16384xf32, #tpu.memory_space<vmem>> -> memref<8192xf32, #tpu.memory_space<vmem>>
          tpu.wait_dma2 semaphore(%run_scoped3A : memref<!tpu.dma_semaphore, #tpu.memory_space<semaphore_mem>>) src(%dma_wait3A_207 : memref<8192xf32, #tpu.memory_space<vmem>>) dst(%dma_wait3A_205 : memref<8192xf32, #tpu.memory_space<hbm>>)
          tpu.yield
        }) : () -> ()
      } else {
      }
    } else {
    }
    return
  }
}

</mosaic_0001>

<sc_bundles>
// kernel: kernel.4.cloned.1.call-start
scs
__scs_entry_jumppad:
0x0: {  	(pc) =	sbr.rel $0x88, $3  }
0x1: {  	(tag) =	ssettag $0x0;
	lr =	simm.s32 $0x1  }
0x2: {  	[smem:$0x3F9E] =	sst lr;
	_ =	strace $0xD0000000  }
0x3: {  	_ = 	snop  }
0x4: {  	_ = 	snop  }
0x5: {  	_ = 	snop  }
0x6: {  	_ = 	snop  }
0x7: {  	_ = 	snop  }
__scs_overlays_trampoline_lowered:
0x8: {  	[smem:$0x3FAD] =	sst s0  }
0x9: {  	[smem:$0x3FAE] =	sst s1  }
0xa: {  	[smem:$0x3FAF] =	sst s2  }
0xb: {  	[smem:$0x3FB0] =	sst s3  }
0xc: {  	[smem:$0x3FB1] =	sst s4  }
0xd: {  	[smem:$0x3FB2] =	sst s5  }
0xe: {  	[smem:$0x3FB3] =	sst s6  }
0xf: {  	[smem:$0x3FB4] =	sst s7  }
0x10: {  	[smem:$0x3FB5] =	sst s8  }
0x11: {  	[smem:$0x3FB6] =	sst s9;
	s0 =	simm.s32 @!p0 $0x0  }
0x12: {  	s1 =	sld [smem:$0x3F9C];
	s0 =	simm.s32 @p0 $0x1  }
0x13: {  	[smem:$0x3FB7] =	sst s0;
	s0 =	simm.s32 @!p1 $0x0  }
0x14: {  	s2 =	sld [smem:$0x3F9B];
	s0 =	simm.s32 @p1 $0x1  }
0x15: {  	[smem:$0x3FB8] =	sst s0;
	s0 =	simm.s32 @!p2 $0x0  }
0x16: {  	s3 =	sld [smem:$0x3FDB];
	s0 =	simm.s32 @p2 $0x1  }
0x17: {  	s4 =	simm.s32 $0x1BF5;
	[smem:$0x3FBA] =	sst s0  }
0x18: {  	s0 =	sld [smem:$0x3F9D];
	_ =	swait.ge [sflag:s4], $0x0  }
0x19: {  	s7 =	sld [smem:$0x3F9E]  }
0x1a: {  	s8 =	sadd.s32 $0xFFFFE003, lr  }
0x1b: {  	s9 =	sadd.s32 $0xFFFFFEF7, lr;
	s5 =	simm.s32 $0xFFFFFFFF;
	p2 =	slt.u32 s8, $0xFFFFF086  }
0x1c: {  	p1 =	slt.u32 s9, $0xF7A;
	s5 =	simm.s32 @!p2 $0x0  }
0x1d: {  	s5 =	simm.s32 @p1 $0x1;
	p0 =	seq.s32 s7, s2  }
0x1e: {  	s7 =	smul.u32 @!p0 $0xF7A, s2;
	p2 =	seq.s32 @!p0 s5, $0x0  }
0x1f: {  	s9 =	smul.u32 $0xF7A, s1;
	s8 =	simm.s32 @!p0 $0x1BF5;
	p2 =	por !p2, p0  }
0x20: {  	[sflag:s8] =	ssyncset.s32 @!p0 $0xFFFFF086;
	s6 =	sadd.s32 @!p0 s3, s7;
	s7 =	simm.s32 @!p0 $0x108  }
0x21: {  	s3 =	sadd.s32 s3, s9;
	s6 =	sadd.s32 @!p0 $0x88, s6;
	s7 =	simm.s32 @p2 $0x1082  }
0x22: {  	[simem:s7], [sflag:s8] =	dma.local @!p0 [hbm:s6], $0xF7A  }
0x23: {  	s9 =	sor.u32 $0xD0000000, s2;
	s6 =	simm.s32 $0x108;
	_ =	swait.ge @!p0 [sflag:s8], $0x0  }
0x24: {  	s3 =	sadd.s32 $0x88, s3;
	s6 =	simm.s32 @!p1 $0x1082;
	[sflag:s4] =	ssyncset.s32 $0xFFFFF086  }
0x25: {  	[simem:s6], [sflag:s4] =	dma.local [hbm:s3], $0xF7A  }
0x26: {  	[smem:$0x3F9E] =	sst s1;
	(tag) =	ssettag s2;
	_ =	strace s9  }
0x27: {  	s1 =	sld [smem:$0x3FAE]  }
0x28: {  	s2 =	sld [smem:$0x3FAF]  }
0x29: {  	s4 =	sld [smem:$0x3FB1]  }
0x2a: {  	p0 =	seq.s32 s5, $0x0;
	s5 =	sld [smem:$0x3FB2]  }
0x2b: {  	s6 =	sld [smem:$0x3FB3]  }
0x2c: {  	s7 =	sld [smem:$0x3FB4]  }
0x2d: {  	s3 =	simm.s32 $0x108;
	s8 =	sld [smem:$0x3FB5]  }
0x2e: {  	s3 =	simm.s32 @!p0 $0x1082;
	s9 =	sld [smem:$0x3FB6]  }
0x2f: {  	lr =	sadd.s32 s0, s3;
	s0 =	sld [smem:$0x3FAD]  }
0x30: {  	s3 =	sld [smem:$0x3FB0]  }
0x31: {  	[smem:$0x3FB9] =	sst s10  }
0x32: {  	s10 =	sld [smem:$0x3FB7];
	_ =	sdelay $0x3  }
0x33: {  	p0 =	seq.s32 s10, $0x1;
	s10 =	sld [smem:$0x3FB9];
	_ =	sdelay $0x3  }
0x34: {  	[smem:$0x3FB9] =	sst s10  }
0x35: {  	s10 =	sld [smem:$0x3FB8];
	_ =	sdelay $0x3  }
0x36: {  	p1 =	seq.s32 s10, $0x1;
	s10 =	sld [smem:$0x3FB9];
	_ =	sdelay $0x3  }
0x37: {  	[smem:$0x3FB9] =	sst s10  }
0x38: {  	s10 =	sld [smem:$0x3FBA]  }
0x39: {  	_ = 	snop;
	(pc) =	sbr.ind lr, $3  }
0x3a: {  	_ = 	snop  }
0x3b: {  	_ = 	snop  }
0x3c: {  	p2 =	seq.s32 s10, $0x1;
	s10 =	sld [smem:$0x3FB9]  }
0x3d: {  	_ =	shalt  }
0x3e: {  	_ =	shalt  }
0x3f: {  	_ =	shalt  }
0x40: {  	_ =	shalt  }
0x41: {  	_ =	shalt  }
0x42: {  	_ =	shalt  }
0x43: {  	_ =	shalt  }
0x44: {  	_ =	shalt  }
0x45: {  	_ =	shalt  }
0x46: {  	_ =	shalt  }
0x47: {  	_ =	shalt  }
0x48: {  	_ =	shalt  }
0x49: {  	_ =	shalt  }
0x4a: {  	_ =	shalt  }
0x4b: {  	_ =	shalt  }
0x4c: {  	_ =	shalt  }
0x4d: {  	_ =	shalt  }
0x4e: {  	_ =	shalt  }
0x4f: {  	_ =	shalt  }
0x50: {  	_ =	shalt  }
0x51: {  	_ =	shalt  }
0x52: {  	_ =	shalt  }
0x53: {  	_ =	shalt  }
0x54: {  	_ =	shalt  }
0x55: {  	_ =	shalt  }
0x56: {  	_ =	shalt  }
0x57: {  	_ =	shalt  }
0x58: {  	_ =	shalt  }
0x59: {  	_ =	shalt  }
0x5a: {  	_ =	shalt  }
0x5b: {  	_ =	shalt  }
0x5c: {  	_ =	shalt  }
0x5d: {  	_ =	shalt  }
0x5e: {  	_ =	shalt  }
0x5f: {  	_ =	shalt  }
0x60: {  	_ =	shalt  }
0x61: {  	_ =	shalt  }
0x62: {  	_ =	shalt  }
0x63: {  	_ =	shalt  }
0x64: {  	_ =	shalt  }
0x65: {  	_ =	shalt  }
0x66: {  	_ =	shalt  }
0x67: {  	_ =	shalt  }
0x68: {  	_ =	shalt  }
0x69: {  	_ =	shalt  }
0x6a: {  	_ =	shalt  }
0x6b: {  	_ =	shalt  }
0x6c: {  	_ =	shalt  }
0x6d: {  	_ =	shalt  }
0x6e: {  	_ =	shalt  }
0x6f: {  	_ =	shalt  }
0x70: {  	_ =	shalt  }
0x71: {  	_ =	shalt  }
0x72: {  	_ =	shalt  }
0x73: {  	_ =	shalt  }
0x74: {  	_ =	shalt  }
0x75: {  	_ =	shalt  }
0x76: {  	_ =	shalt  }
0x77: {  	_ =	shalt  }
0x78: {  	_ =	shalt  }
0x79: {  	_ =	shalt  }
0x7a: {  	_ =	shalt  }
0x7b: {  	_ =	shalt  }
0x7c: {  	_ =	shalt  }
0x7d: {  	_ =	shalt  }
0x7e: {  	_ =	shalt  }
0x7f: {  	_ =	shalt  }
0x80: {  	_ =	shalt  }
0x81: {  	_ =	shalt  }
0x82: {  	_ =	shalt  }
0x83: {  	_ =	shalt  }
0x84: {  	_ =	shalt  }
0x85: {  	_ =	shalt  }
0x86: {  	_ =	shalt  }
0x87: {  	_ =	shalt  }
.Lfunc_end0:
.L_simem_size_0:
called_computation_lowered:
.L_overlay_start_0:
0x88: {  	s2 =	sld [smem:$0x3FD9]  }
0x89: {  	s3 =	sld [smem:$0x3FFE];
	_ =	sdelay $0x1  }
0x8a: {  	s1 =	srdreg.scid  }
0x8b: {  	s0 =	sand.u32 $0x1, s1  }
0x8c: {  	s17 =	sshll.u32 s0, $0xA;
	s2 =	sadd.s32 s3, s2  }
0x8d: {  	s2 =	sadd.s32 s2, s17  }
0x8e: {  	[smem:$0x3FC5] =	sst s2  }
0x8f: {  	_ = 	snop  }
0x90: {  	s2 =	sld [smem:$0x3FC8]  }
0x91: {  	s18 =	sld [smem:$0x3FC7];
	(tm) =	ssettm $0x1  }
0x92: {  	s4 =	sld [smem:$0x3FFB];
	_ =	sdelay $0x3  }
0x93: {  	_ =	strace s4  }
0x94: {  	s4 =	sld [smem:$0x3FFC];
	_ =	sdelay $0x3  }
0x95: {  	_ =	strace s4  }
0x96: {  	s4 =	sld [smem:$0x3FFD];
	_ =	sdelay $0x3  }
0x97: {  	_ =	strace s4  }
0x98: {  	_ =	strace $0x8FFFFFFF  }
0x99: {  	s19 =	sld [smem:$0x3FDB];
	_ =	sdelay $0x1  }
0x9a: {  	s5 =	simm.s32 $_scs_section_size  }
0x9b: {  	s6 =	simm.s32 $_size__tile_overlayer_lowered;
	s7 =	simm.s32 $_tile_overlayer_lowered  }
0x9c: {  	s22 =	simm.s32 $0x1BFF;
	s21 =	sshll.u32 s7, $0x1;
	s4 =	sadd.s32 s5, s19  }
0x9d: {  	s8 =	simm.s32 $0x0;
	s20 =	sshll.u32 s6, $0x1;
	s6 =	sadd.s32 s21, s4  }
0x9e: {  	[timem:s8], [sflag:s22] =	dma.local [hbm:s6], s20  }
0x9f: {  	_ =	swait.ge [sflag:s22], s20  }
0xa0: {  	s5 =	ssub.s32 $0x0, s20;
	[sflag:s22] =	ssyncset.done $0x0  }
0xa1: {  	[sflag:s22] =	ssyncadd.s32 s5;
	_ =	sdelay $0x1  }
0xa2: {  	s23 =	simm.s32 $0x1B8B  }
0xa3: {  	_ =	swait.ge [sflag:s23], $0x1  }
0xa4: {  	[sflag:s23] =	ssyncset.done $0x0  }
0xa5: {  	s25 =	simm.s32 $0x1B8E;
	s24 =	sld [smem:$0x3FFE];
	[sflag:s23] =	ssyncadd.s32 $0xFFFFFFFF  }
0xa6: {  	s26 =	simm.s32 $execute0_lowered;
	[smem:$0x3FD2] =	sst s25  }
0xa7: {  	s6 =	sshll.u32 s26, $0x1;
	_ =	strace $0x80000046;
	[dreg:$0x1] =	wrdreg $0xFFFFFFFF  }
0xa8: {  	s28 =	simm.s32 $_size_execute0_lowered;
	s4 =	sadd.s32 s4, s6;
	[dreg:$0x0] =	wrdreg $0x0  }
0xa9: {  	s6 =	sshll.u32 s28, $0x1;
	[dreg:$0x2] =	wrdreg s4  }
0xaa: {  	[dreg:$0x3] =	wrdreg s6  }
0xab: {  	[dreg:$0x4] =	wrdreg $0xC0  }
0xac: {  	_ =	task [dreg:s8], $0x5FFFF  }
0xad: {  	[dreg:$0x1] =	wrdreg $0xFFFFFFFF  }
0xae: {  	[dreg:$0x0] =	wrdreg $0x60  }
0xaf: {  	[dreg:$0x2] =	wrdreg s2  }
0xb0: {  	[dreg:$0x3] =	wrdreg s18  }
0xb1: {  	[dreg:$0x4] =	wrdreg s24  }
0xb2: {  	[dreg:$0x5] =	wrdreg $0x9  }
0xb3: {  	_ =	task.clear_ibuf [dreg:s8], $0x6FFFF;
	_ =	strace $0x90000046  }
0xb4: {  	s29 =	simm.s32 $0x9;
	_ =	strace $0x80000048  }
0xb5: {  	_ =	swait.ge [sflag:s29], $0x1  }
0xb6: {  	[sflag:s29] =	ssyncadd.s32 $0xFFFFFFFF  }
0xb7: {  	_ =	strace $0x90000048  }
0xb8: {  	_ =	sfence  }
0xb9: {  	s30 =	sld [smem:$0x0];
	_ =	sdelay $0x2  }
0xba: {  	s31 =	sshll.u32 s1, $0xD;
	s1 =	sshrl.u32 s1, $0x2  }
0xbb: {  	s3 =	sand.u32 $0x4000, s31;
	s1 =	sadd.s32 s1, s30  }
0xbc: {  	s0 =	sor.u32 s3, s0;
	s1 =	sshll.u32 s1, $0x11  }
0xbd: {  	s0 =	sor.u32 s1, s0  }
0xbe: {  	s0 =	sadd.s32 $0x8F2B, s0  }
0xbf: {  	[sflag:s0] =	ssyncadd.remote.s32 $0x1  }
0xc0: {  	_ =	sfence.sel $0xFFFF  }
0xc1: {  	[dreg:$0x0] =	wrdreg $0xFFFFFFFF;
	(pc) =	sbr.abs _section_cstart, $3  }
0xc2: {  	[dreg:$0x1] =	wrdreg $0xFFFFFFFF  }
0xc3: {  	_ =	task.clear_ibuf [dreg:s8], $0x2FFFF;
	_ =	strace $0x9FFFFFFF  }
0xc4: {  	(tm) =	ssettm $0x7FFFFFFF  }
0xc5: {  	_ =	shalt  }
tec
execute0_lowered:
.L_overlay_start_1:
0x0: {  	(tag) =	ssettag $0x1  }
0x1: {  	v0 =	vlaneseq.u32  }
0x2: {  	s0 =	rddreg [dreg:$0x0];
	v1 =	vand.u32 $0x1, v0  }
0x3: {  	s2 =	rddreg [dreg:$0x1];
	v2 =	vshrl.u32 v0, $0x1;
	v44 =	vmul.u32 $0x40, v0;
	v4 =	vor.u32 $0x10, v0  }
0x4: {  	s1 =	rddreg [dreg:$0x2];
	v7 =	vor.u32 $0x20, v0;
	v10 =	vor.u32 $0x30, v0;
	v15 =	vor.u32 $0x50, v0  }
0x5: {  	s3 =	srdreg.scid;
	s5 =	stileid.u32;
	s15 =	simm.s32 $0x800;
	v18 =	vor.u32 $0x60, v0;
	v21 =	vor.u32 $0x70, v0;
	v26 =	vor.u32 $0x90, v0  }
0x6: {  	s4 =	simm.s32 $0x0;
	s17 =	simm.s32 $0x7A1400;
	s18 =	simm.s32 $0x2000;
	v29 =	vor.u32 $0xA0, v0;
	v32 =	vor.u32 $0xB0, v0;
	v37 =	vor.u32 $0xD0, v0  }
0x7: {  	s19 =	simm.s32 $0x4000;
	s20 =	simm.s32 $0x6000;
	s21 =	simm.s32 $0x1;
	v40 =	vor.u32 $0xE0, v0;
	v43 =	vor.u32 $0xF0, v0;
	v3 =	vmul.u32 $0x40, v1  }
0x8: {  	s22 =	simm.s32 $0x8000;
	s23 =	simm.s32 $0xC000;
	s24 =	simm.s32 $0x2;
	v1 =	vmul.u32 $0x41, v0;
	v2 =	vmul.u32 $0x80, v2;
	v8 =	vor.u32 $0x800, v44  }
0x9: {  	s28 =	simm.s32 $0x3;
	s3 =	sand.u32 $0x1, s3;
	[smem:$0x7FF] =	sst s4;
	v11 =	vor.u32 $0xC00, v44;
	v13 =	vor.u32 $0x1000, v44;
	v16 =	vor.u32 $0x1400, v44  }
0xa: {  	s5 =	sshll.u32 s5, $0x1;
	s6 =	ssub.s32 $0x2, s3;
	_ =	strace $0x80000047;
	v19 =	vor.u32 $0x1800, v44;
	v22 =	vor.u32 $0x1C00, v44;
	v24 =	vor.u32 $0x2000, v44  }
0xb: {  	s3 =	sor.u32 s3, s5;
	s5 =	sadd.s32 $0xE00, s1;
	s1 =	sadd.s32 $0x7A1E00, s1;
	v27 =	vor.u32 $0x2400, v44;
	v30 =	vor.u32 $0x2800, v44;
	v33 =	vor.u32 $0x2C00, v44  }
0xc: {  	s7 =	sshrl.u32 s6, $0x1;
	s8 =	smul.u32 $0x7A00, s3;
	s14 =	sor.u32 $0x1E80, s3;
	v35 =	vor.u32 $0x3000, v44;
	v38 =	vor.u32 $0x3400, v44;
	v41 =	vor.u32 $0x3800, v44  }
0xd: {  	s9 =	smul.u32 $0x1E8000, s3;
	[dreg:$0x5] =	wrdreg s1;
	p0 =	sgt.u32 s3, $0x4;
	v44 =	vor.u32 $0x3C00, v44;
	v3 =	vor.u32 $0x20, v3;
	v5 =	vadd.s32 $0x410, v1  }
.Ltmp0:
0xe: {  	p1 =	sne.s32 s3, $0x4;
	s1 =	simm.s32 $0x0;
	v6 =	vor.u32 $0x400, v2;
	v9 =	vor.u32 $0x800, v2;
	v12 =	vor.u32 $0xC00, v2;
	(pc) =	sbr.rel .LBB2_1-.Ltmp0, $4  }
0xf: {  	s13 =	ssub.s32 s6, s7;
	s6 =	smul.u32 $0x3D000, s3;
	v14 =	vor.u32 $0x1000, v2;
	v17 =	vor.u32 $0x1400, v2;
	s12 =	sshll.u32 s14, $0x7;
	v20 =	vor.u32 $0x1800, v2  }
0x10: {  	s14 =	sshll.u32 s14, $0xA;
	v23 =	vor.u32 $0x1C00, v2;
	v25 =	vor.u32 $0x2000, v2;
	v28 =	vor.u32 $0x2400, v2;
	s7 =	sadd.s32 s0, s8;
	s8 =	sadd.s32 s2, s8  }
0x11: {  	v31 =	vor.u32 $0x2800, v2;
	v34 =	vor.u32 $0x2C00, v2;
	v36 =	vor.u32 $0x3000, v2;
	s11 =	sadd.s32 s0, s12;
	s12 =	sadd.s32 s2, s12;
	s14 =	sadd.s32 s5, s14  }
0x12: {  	v39 =	vor.u32 $0x3400, v2;
	v42 =	vor.u32 $0x3800, v2;
	v45 =	vor.u32 $0x3C00, v2;
	s16 =	smax.u32 s13, $0x1;
	s10 =	sadd.s32 $0x1000, s6;
	[dreg:$0x4] =	wrdreg s14  }
.LBB2_11:
0x13: {  	s1 =	sadd.s32 $0x1, s1  }
0x14: {  	p2 =	sne.s32 s1, s16  }
.Ltmp1:
0x15: {  	_ = 	snop;
	(pc) =	sbr.rel @!p2 .LBB2_12-.Ltmp1, $1  }
0x16: {  	_ =	sdelay $0x3  }
.LBB2_1:
0x17: {  	[tilespmem:s4], [sflag:$0x1] =	stream.strided.gather [hbm4b:s7+s15], $0x2000, s17, s15, $0x38;
	[tilespmem:$0x10000] =	vst v63  }
0x18: {  	s3 =	simm.s32 $0x0  }
0x19: {  	[tilespmem:s18], [sflag:$0x1] =	stream.strided.gather [hbm4b:s8+s15], $0x2000, s17, s15, $0x38;
	[tilespmem:$0x10000] =	vst v63  }
.LBB2_2:
0x1a: {  	s25 =	sshllo.u32 s3, $0x1  }
0x1b: {  	s13 =	sshll.u32 s25, $0xB  }
0x1c: {  	s13 =	sadd.s32 s6, s13  }
0x1d: {  	s13 =	sshrl.u32 s13, $0x3  }
0x1e: {  	s14 =	sadd.s32 s0, s13  }
0x1f: {  	[tilespmem:s19], [sflag:$0x1] =	stream.strided.gather [hbm4b:s14+s15], $0x2000, s17, s15, $0x38;
	[tilespmem:$0x10000] =	vst v63  }
0x20: {  	s13 =	sadd.s32 s2, s13  }
0x21: {  	[tilespmem:s20], [sflag:$0x1] =	stream.strided.gather [hbm4b:s13+s15], $0x2000, s17, s15, $0x38;
	[tilespmem:$0x10000] =	vst v63  }
0x22: {  	_ =	swait.ge [sflag:s21], $0x2000  }
0x23: {  	[sflag:s21] =	ssyncset.done $0x0  }
0x24: {  	[sflag:s21] =	ssyncadd.s32 $0xFFFFE000  }
0x25: {  	_ =	swait.ge [sflag:s21], $0x2000  }
0x26: {  	p2 =	seq.s32 s3, $0x0;
	[sflag:s21] =	ssyncset.done $0x0  }
0x27: {  	s13 =	simm.s32 @!p2 $0x2;
	[sflag:s21] =	ssyncadd.s32 $0xFFFFE000  }
0x28: {  	s14 =	simm.s32 $0x0;
	_ =	swait.ge @!p2 [sflag:s13], $0x4000  }
0x29: {  	s26 =	sand.u32 $0x1800, s14;
	s29 =	sand.u32 $0x380, s14;
	[sflag:s13] =	ssyncset.done @!p2 $0x0  }
0x2a: {  	v46 =	vadd.s32 s14, v0;
	[sflag:s13] =	ssyncadd.s32 @!p2 $0xFFFFC000;
	s13 =	sor.u32 s29, s26  }
0x2b: {  	v48 =	vadd.s32 s14, v1;
	v49 =	vxor.u32 v3, v46;
	v47 =	vld [tilespmem:s13+$0x0]  }
0x2c: {  	v49 =	vor.u32 v2, v49;
	v50 =	vld [tilespmem:s13+$0x2000];
	_ =	sdelay $0x3  }
0x2d: {  	[tilespmem:v48+s22+$0x0] =	vst.idx.msk $0xffff, v47  }
0x2e: {  	v53 =	vadd.s32 s14, v4;
	[tilespmem:v49+s22+$0x0] =	vst.idx.msk $0xffff, v50  }
0x2f: {  	v54 =	vadd.s32 s14, v5;
	v47 =	vxor.u32 v3, v53;
	v48 =	vld [tilespmem:s13+$0x10]  }
0x30: {  	v47 =	vor.u32 v6, v47;
	v50 =	vld [tilespmem:s13+$0x2010];
	_ =	sdelay $0x3  }
0x31: {  	v55 =	vadd.s32 s14, v7;
	[tilespmem:v54+s22+$0x0] =	vst.idx.msk $0xffff, v48  }
0x32: {  	v56 =	vand.u32 $0x3F, v55;
	[tilespmem:v47+s22+$0x0] =	vst.idx.msk $0xffff, v50  }
0x33: {  	v58 =	vor.u32 v8, v56;
	v47 =	vxor.u32 v3, v56;
	v57 =	vld [tilespmem:s13+$0x20]  }
0x34: {  	v50 =	vld [tilespmem:s13+$0x2020];
	v47 =	vor.u32 v9, v47;
	_ =	sdelay $0x3  }
0x35: {  	v59 =	vadd.s32 s14, v10;
	[tilespmem:v58+s22+$0x0] =	vst.idx.msk $0xffff, v57  }
0x36: {  	v60 =	vand.u32 $0x3F, v59;
	[tilespmem:v47+s22+$0x0] =	vst.idx.msk $0xffff, v50  }
0x37: {  	v62 =	vor.u32 v11, v60;
	v47 =	vxor.u32 v3, v60;
	v61 =	vld [tilespmem:s13+$0x30]  }
0x38: {  	v50 =	vld [tilespmem:s13+$0x2030];
	v47 =	vor.u32 v12, v47;
	_ =	sdelay $0x3  }
0x39: {  	[tilespmem:v62+s22+$0x0] =	vst.idx.msk $0xffff, v61  }
0x3a: {  	v46 =	vand.u32 $0x3F, v46;
	[tilespmem:v47+s22+$0x0] =	vst.idx.msk $0xffff, v50  }
0x3b: {  	v63 =	vor.u32 v13, v46;
	v47 =	vxor.u32 v3, v46;
	v48 =	vld [tilespmem:s13+$0x40]  }
0x3c: {  	v50 =	vld [tilespmem:s13+$0x2040];
	v51 =	vor.u32 v14, v47;
	_ =	sdelay $0x3  }
0x3d: {  	v53 =	vadd.s32 s14, v15;
	[tilespmem:v63+s22+$0x0] =	vst.idx.msk $0xffff, v48  }
0x3e: {  	v48 =	vand.u32 $0x3F, v53;
	[tilespmem:v51+s22+$0x0] =	vst.idx.msk $0xffff, v50  }
0x3f: {  	v54 =	vor.u32 v16, v48;
	v48 =	vxor.u32 v3, v48;
	v49 =	vld [tilespmem:s13+$0x50]  }
0x40: {  	v51 =	vld [tilespmem:s13+$0x2050];
	v48 =	vor.u32 v17, v48;
	_ =	sdelay $0x3  }
0x41: {  	v55 =	vadd.s32 s14, v18;
	[tilespmem:v54+s22+$0x0] =	vst.idx.msk $0xffff, v49  }
0x42: {  	v56 =	vand.u32 $0x3F, v55;
	[tilespmem:v48+s22+$0x0] =	vst.idx.msk $0xffff, v51  }
0x43: {  	v58 =	vor.u32 v19, v56;
	v48 =	vxor.u32 v3, v56;
	v57 =	vld [tilespmem:s13+$0x60]  }
0x44: {  	v51 =	vld [tilespmem:s13+$0x2060];
	v48 =	vor.u32 v20, v48;
	_ =	sdelay $0x3  }
0x45: {  	v59 =	vadd.s32 s14, v21;
	[tilespmem:v58+s22+$0x0] =	vst.idx.msk $0xffff, v57  }
0x46: {  	v60 =	vand.u32 $0x3F, v59;
	[tilespmem:v48+s22+$0x0] =	vst.idx.msk $0xffff, v51  }
0x47: {  	v62 =	vor.u32 v22, v60;
	v48 =	vxor.u32 v3, v60;
	v61 =	vld [tilespmem:s13+$0x70]  }
0x48: {  	v51 =	vld [tilespmem:s13+$0x2070];
	v48 =	vor.u32 v23, v48;
	_ =	sdelay $0x3  }
0x49: {  	[tilespmem:v62+s22+$0x0] =	vst.idx.msk $0xffff, v61  }
0x4a: {  	[tilespmem:v48+s22+$0x0] =	vst.idx.msk $0xffff, v51  }
0x4b: {  	v63 =	vor.u32 v24, v46;
	v48 =	vld [tilespmem:s13+$0x400]  }
0x4c: {  	v54 =	vor.u32 v25, v47;
	v50 =	vld [tilespmem:s13+$0x2400];
	_ =	sdelay $0x3  }
0x4d: {  	v55 =	vadd.s32 s14, v26;
	[tilespmem:v63+s22+$0x0] =	vst.idx.msk $0xffff, v48  }
0x4e: {  	v48 =	vand.u32 $0x3F, v55;
	[tilespmem:v54+s22+$0x0] =	vst.idx.msk $0xffff, v50  }
0x4f: {  	v56 =	vor.u32 v27, v48;
	v48 =	vxor.u32 v3, v48;
	v49 =	vld [tilespmem:s13+$0x410]  }
0x50: {  	v51 =	vld [tilespmem:s13+$0x2410];
	v48 =	vor.u32 v28, v48;
	_ =	sdelay $0x3  }
0x51: {  	v57 =	vadd.s32 s14, v29;
	[tilespmem:v56+s22+$0x0] =	vst.idx.msk $0xffff, v49  }
0x52: {  	v58 =	vand.u32 $0x3F, v57;
	[tilespmem:v48+s22+$0x0] =	vst.idx.msk $0xffff, v51  }
0x53: {  	v60 =	vor.u32 v30, v58;
	v48 =	vxor.u32 v3, v58;
	v59 =	vld [tilespmem:s13+$0x420]  }
0x54: {  	v51 =	vld [tilespmem:s13+$0x2420];
	v48 =	vor.u32 v31, v48;
	_ =	sdelay $0x3  }
0x55: {  	v61 =	vadd.s32 s14, v32;
	[tilespmem:v60+s22+$0x0] =	vst.idx.msk $0xffff, v59  }
0x56: {  	v62 =	vand.u32 $0x3F, v61;
	[tilespmem:v48+s22+$0x0] =	vst.idx.msk $0xffff, v51  }
0x57: {  	v54 =	vor.u32 v33, v62;
	v48 =	vxor.u32 v3, v62;
	v63 =	vld [tilespmem:s13+$0x430]  }
0x58: {  	v51 =	vld [tilespmem:s13+$0x2430];
	v48 =	vor.u32 v34, v48;
	_ =	sdelay $0x3  }
0x59: {  	[tilespmem:v54+s22+$0x0] =	vst.idx.msk $0xffff, v63  }
0x5a: {  	[tilespmem:v48+s22+$0x0] =	vst.idx.msk $0xffff, v51  }
0x5b: {  	v46 =	vor.u32 v35, v46;
	v48 =	vld [tilespmem:s13+$0x440]  }
0x5c: {  	v47 =	vor.u32 v36, v47;
	v49 =	vld [tilespmem:s13+$0x2440];
	_ =	sdelay $0x3  }
0x5d: {  	v55 =	vadd.s32 s14, v37;
	[tilespmem:v46+s22+$0x0] =	vst.idx.msk $0xffff, v48  }
0x5e: {  	v46 =	vand.u32 $0x3F, v55;
	[tilespmem:v47+s22+$0x0] =	vst.idx.msk $0xffff, v49  }
0x5f: {  	v56 =	vor.u32 v38, v46;
	v46 =	vxor.u32 v3, v46;
	v47 =	vld [tilespmem:s13+$0x450]  }
0x60: {  	v49 =	vld [tilespmem:s13+$0x2450];
	v46 =	vor.u32 v39, v46;
	_ =	sdelay $0x3  }
0x61: {  	v57 =	vadd.s32 s14, v40;
	[tilespmem:v56+s22+$0x0] =	vst.idx.msk $0xffff, v47  }
0x62: {  	v58 =	vand.u32 $0x3F, v57;
	[tilespmem:v46+s22+$0x0] =	vst.idx.msk $0xffff, v49  }
0x63: {  	v60 =	vor.u32 v41, v58;
	v46 =	vxor.u32 v3, v58;
	v59 =	vld [tilespmem:s13+$0x460]  }
0x64: {  	v49 =	vld [tilespmem:s13+$0x2460];
	v46 =	vor.u32 v42, v46;
	_ =	sdelay $0x3  }
0x65: {  	v61 =	vadd.s32 s14, v43;
	[tilespmem:v60+s22+$0x0] =	vst.idx.msk $0xffff, v59  }
0x66: {  	v62 =	vand.u32 $0x3F, v61;
	[tilespmem:v46+s22+$0x0] =	vst.idx.msk $0xffff, v49  }
0x67: {  	v63 =	vor.u32 v44, v62;
	v48 =	vld [tilespmem:s13+$0x470]  }
0x68: {  	v47 =	vxor.u32 v3, v62  }
0x69: {  	v47 =	vor.u32 v45, v47;
	v46 =	vld [tilespmem:s13+$0x2470];
	_ =	sdelay $0x1  }
0x6a: {  	s30 =	simm.s32 $0x100;
	s31 =	simm.s32 $0x2;
	s29 =	simm.s32 $0x80  }
0x6b: {  	s26 =	simm.s32 $0x1;
	s14 =	sand.u32 $0x380, s29;
	s13 =	sand.u32 $0x1800, s30;
	[tilespmem:v63+s22+$0x0] =	vst.idx.msk $0xffff, v48  }
.LBB2_3:
0x6c: {  	p3 =	sne.s32 s31, $0x1F  }
0x6d: {  	s13 =	sor.u32 s14, s13;
	v48 =	vadd.s32 s26, v0;
	[tilespmem:v47+s22+$0x0] =	vst.idx.msk $0xffff, v46;
	s14 =	smov.u32 s31;
	s31 =	sadd.s32 $0x1, s31  }
0x6e: {  	v50 =	vadd.s32 s26, v1;
	v49 =	vld [tilespmem:s13+$0x0];
	v47 =	vxor.u32 v3, v48;
	v46 =	vand.u32 $0x3F, v48  }
0x6f: {  	v48 =	vld [tilespmem:s13+$0x2000];
	v51 =	vor.u32 v2, v47;
	v47 =	vxor.u32 v3, v46;
	_ =	sdelay $0x3  }
0x70: {  	[tilespmem:v50+s22+$0x0] =	vst.idx.msk $0xffff, v49  }
0x71: {  	[tilespmem:v51+s22+$0x0] =	vst.idx.msk $0xffff, v48;
	v48 =	vadd.s32 s26, v4  }
0x72: {  	v50 =	vadd.s32 s26, v5;
	v49 =	vld [tilespmem:s13+$0x10];
	v48 =	vxor.u32 v3, v48  }
0x73: {  	v51 =	vld [tilespmem:s13+$0x2010];
	v48 =	vor.u32 v6, v48;
	_ =	sdelay $0x3  }
0x74: {  	[tilespmem:v50+s22+$0x0] =	vst.idx.msk $0xffff, v49;
	v49 =	vadd.s32 s26, v7  }
0x75: {  	[tilespmem:v48+s22+$0x0] =	vst.idx.msk $0xffff, v51;
	v48 =	vand.u32 $0x3F, v49  }
0x76: {  	v49 =	vld [tilespmem:s13+$0x20];
	v50 =	vor.u32 v8, v48;
	v48 =	vxor.u32 v3, v48  }
0x77: {  	v51 =	vld [tilespmem:s13+$0x2020];
	v48 =	vor.u32 v9, v48;
	_ =	sdelay $0x3  }
0x78: {  	[tilespmem:v50+s22+$0x0] =	vst.idx.msk $0xffff, v49;
	v49 =	vadd.s32 s26, v10  }
0x79: {  	[tilespmem:v48+s22+$0x0] =	vst.idx.msk $0xffff, v51;
	v48 =	vand.u32 $0x3F, v49  }
0x7a: {  	v49 =	vld [tilespmem:s13+$0x30];
	v50 =	vor.u32 v11, v48;
	v48 =	vxor.u32 v3, v48  }
0x7b: {  	v51 =	vld [tilespmem:s13+$0x2030];
	v48 =	vor.u32 v12, v48;
	_ =	sdelay $0x3  }
0x7c: {  	[tilespmem:v50+s22+$0x0] =	vst.idx.msk $0xffff, v49  }
0x7d: {  	[tilespmem:v48+s22+$0x0] =	vst.idx.msk $0xffff, v51  }
0x7e: {  	v49 =	vor.u32 v13, v46;
	v48 =	vld [tilespmem:s13+$0x40]  }
0x7f: {  	v51 =	vor.u32 v14, v47;
	v50 =	vld [tilespmem:s13+$0x2040];
	_ =	sdelay $0x3  }
0x80: {  	[tilespmem:v49+s22+$0x0] =	vst.idx.msk $0xffff, v48;
	v48 =	vadd.s32 s26, v15  }
0x81: {  	[tilespmem:v51+s22+$0x0] =	vst.idx.msk $0xffff, v50;
	v48 =	vand.u32 $0x3F, v48  }
0x82: {  	v49 =	vld [tilespmem:s13+$0x50];
	v50 =	vor.u32 v16, v48;
	v48 =	vxor.u32 v3, v48  }
0x83: {  	v51 =	vld [tilespmem:s13+$0x2050];
	v48 =	vor.u32 v17, v48;
	_ =	sdelay $0x3  }
0x84: {  	[tilespmem:v50+s22+$0x0] =	vst.idx.msk $0xffff, v49;
	v49 =	vadd.s32 s26, v18  }
0x85: {  	[tilespmem:v48+s22+$0x0] =	vst.idx.msk $0xffff, v51;
	v48 =	vand.u32 $0x3F, v49  }
0x86: {  	v49 =	vld [tilespmem:s13+$0x60];
	v50 =	vor.u32 v19, v48;
	v48 =	vxor.u32 v3, v48  }
0x87: {  	v51 =	vld [tilespmem:s13+$0x2060];
	v48 =	vor.u32 v20, v48;
	_ =	sdelay $0x3  }
0x88: {  	[tilespmem:v50+s22+$0x0] =	vst.idx.msk $0xffff, v49;
	v49 =	vadd.s32 s26, v21  }
0x89: {  	[tilespmem:v48+s22+$0x0] =	vst.idx.msk $0xffff, v51;
	v48 =	vand.u32 $0x3F, v49  }
0x8a: {  	v49 =	vld [tilespmem:s13+$0x70];
	v50 =	vor.u32 v22, v48;
	v48 =	vxor.u32 v3, v48  }
0x8b: {  	v51 =	vld [tilespmem:s13+$0x2070];
	v48 =	vor.u32 v23, v48;
	_ =	sdelay $0x3  }
0x8c: {  	[tilespmem:v50+s22+$0x0] =	vst.idx.msk $0xffff, v49  }
0x8d: {  	[tilespmem:v48+s22+$0x0] =	vst.idx.msk $0xffff, v51  }
0x8e: {  	v49 =	vor.u32 v24, v46;
	v48 =	vld [tilespmem:s13+$0x400]  }
0x8f: {  	v51 =	vor.u32 v25, v47;
	v50 =	vld [tilespmem:s13+$0x2400];
	_ =	sdelay $0x3  }
0x90: {  	[tilespmem:v49+s22+$0x0] =	vst.idx.msk $0xffff, v48;
	v48 =	vadd.s32 s26, v26  }
0x91: {  	[tilespmem:v51+s22+$0x0] =	vst.idx.msk $0xffff, v50;
	v48 =	vand.u32 $0x3F, v48  }
0x92: {  	v49 =	vld [tilespmem:s13+$0x410];
	v50 =	vor.u32 v27, v48;
	v48 =	vxor.u32 v3, v48  }
0x93: {  	v51 =	vld [tilespmem:s13+$0x2410];
	v48 =	vor.u32 v28, v48;
	_ =	sdelay $0x3  }
0x94: {  	[tilespmem:v50+s22+$0x0] =	vst.idx.msk $0xffff, v49;
	v49 =	vadd.s32 s26, v29  }
0x95: {  	[tilespmem:v48+s22+$0x0] =	vst.idx.msk $0xffff, v51;
	v48 =	vand.u32 $0x3F, v49  }
0x96: {  	v49 =	vld [tilespmem:s13+$0x420];
	v50 =	vor.u32 v30, v48;
	v48 =	vxor.u32 v3, v48  }
0x97: {  	v51 =	vld [tilespmem:s13+$0x2420];
	v48 =	vor.u32 v31, v48;
	_ =	sdelay $0x3  }
0x98: {  	[tilespmem:v50+s22+$0x0] =	vst.idx.msk $0xffff, v49;
	v49 =	vadd.s32 s26, v32  }
0x99: {  	[tilespmem:v48+s22+$0x0] =	vst.idx.msk $0xffff, v51;
	v48 =	vand.u32 $0x3F, v49  }
0x9a: {  	v49 =	vld [tilespmem:s13+$0x430];
	v50 =	vor.u32 v33, v48;
	v48 =	vxor.u32 v3, v48  }
0x9b: {  	v51 =	vld [tilespmem:s13+$0x2430];
	v48 =	vor.u32 v34, v48;
	_ =	sdelay $0x3  }
0x9c: {  	[tilespmem:v50+s22+$0x0] =	vst.idx.msk $0xffff, v49  }
0x9d: {  	[tilespmem:v48+s22+$0x0] =	vst.idx.msk $0xffff, v51  }
0x9e: {  	v46 =	vor.u32 v35, v46;
	v48 =	vld [tilespmem:s13+$0x440]  }
0x9f: {  	v47 =	vor.u32 v36, v47;
	v49 =	vld [tilespmem:s13+$0x2440];
	_ =	sdelay $0x3  }
0xa0: {  	[tilespmem:v46+s22+$0x0] =	vst.idx.msk $0xffff, v48;
	v46 =	vadd.s32 s26, v37  }
0xa1: {  	[tilespmem:v47+s22+$0x0] =	vst.idx.msk $0xffff, v49;
	v46 =	vand.u32 $0x3F, v46  }
0xa2: {  	v47 =	vld [tilespmem:s13+$0x450];
	v48 =	vor.u32 v38, v46;
	v46 =	vxor.u32 v3, v46  }
0xa3: {  	v49 =	vld [tilespmem:s13+$0x2450];
	v46 =	vor.u32 v39, v46;
	_ =	sdelay $0x3  }
0xa4: {  	[tilespmem:v48+s22+$0x0] =	vst.idx.msk $0xffff, v47;
	v47 =	vadd.s32 s26, v40  }
0xa5: {  	[tilespmem:v46+s22+$0x0] =	vst.idx.msk $0xffff, v49;
	v46 =	vand.u32 $0x3F, v47  }
0xa6: {  	v47 =	vld [tilespmem:s13+$0x460];
	v48 =	vor.u32 v41, v46;
	v46 =	vxor.u32 v3, v46  }
0xa7: {  	v49 =	vld [tilespmem:s13+$0x2460];
	v46 =	vor.u32 v42, v46;
	_ =	sdelay $0x3  }
0xa8: {  	[tilespmem:v48+s22+$0x0] =	vst.idx.msk $0xffff, v47;
	v47 =	vadd.s32 s26, v43;
	s26 =	smov.u32 s14  }
0xa9: {  	[tilespmem:v46+s22+$0x0] =	vst.idx.msk $0xffff, v49;
	v46 =	vand.u32 $0x3F, v47  }
0xaa: {  	v48 =	vld [tilespmem:s13+$0x470];
	v49 =	vor.u32 v44, v46;
	v47 =	vxor.u32 v3, v46  }
.Ltmp2:
0xab: {  	v46 =	vld [tilespmem:s13+$0x2470];
	v47 =	vor.u32 v45, v47;
	(pc) =	sbr.rel @p3 .LBB2_3-.Ltmp2, $3  }
0xac: {  	_ =	sdelay $0x1  }
0xad: {  	s29 =	sadd.s32 $0x80, s29;
	s30 =	sadd.s32 $0x100, s30  }
0xae: {  	s14 =	sand.u32 $0x380, s29;
	s13 =	sand.u32 $0x1800, s30;
	[tilespmem:v49+s22+$0x0] =	vst.idx.msk $0xffff, v48  }
0xaf: {  	_ =	sdelay $0x3  }
0xb0: {  	s13 =	sor.u32 s14, s13;
	v48 =	vadd.s32 s26, v0;
	[tilespmem:v47+s22+$0x0] =	vst.idx.msk $0xffff, v46  }
0xb1: {  	v61 =	vadd.s32 s26, v1;
	v46 =	vld [tilespmem:s13+$0x0];
	v49 =	vxor.u32 v3, v48  }
0xb2: {  	v50 =	vld [tilespmem:s13+$0x2000];
	v49 =	vor.u32 v2, v49;
	_ =	sdelay $0x3  }
0xb3: {  	[tilespmem:v61+s22+$0x0] =	vst.idx.msk $0xffff, v46  }
0xb4: {  	v62 =	vadd.s32 s26, v4;
	[tilespmem:v49+s22+$0x0] =	vst.idx.msk $0xffff, v50  }
0xb5: {  	v63 =	vadd.s32 s26, v5;
	v46 =	vxor.u32 v3, v62;
	v47 =	vld [tilespmem:s13+$0x10]  }
0xb6: {  	v46 =	vor.u32 v6, v46;
	v50 =	vld [tilespmem:s13+$0x2010];
	_ =	sdelay $0x3  }
0xb7: {  	v52 =	vadd.s32 s26, v7;
	[tilespmem:v63+s22+$0x0] =	vst.idx.msk $0xffff, v47  }
0xb8: {  	v53 =	vand.u32 $0x3F, v52;
	[tilespmem:v46+s22+$0x0] =	vst.idx.msk $0xffff, v50  }
0xb9: {  	v55 =	vor.u32 v8, v53;
	v46 =	vxor.u32 v3, v53;
	v54 =	vld [tilespmem:s13+$0x20]  }
0xba: {  	v50 =	vld [tilespmem:s13+$0x2020];
	v46 =	vor.u32 v9, v46;
	_ =	sdelay $0x3  }
0xbb: {  	v56 =	vadd.s32 s26, v10;
	[tilespmem:v55+s22+$0x0] =	vst.idx.msk $0xffff, v54  }
0xbc: {  	v57 =	vand.u32 $0x3F, v56;
	[tilespmem:v46+s22+$0x0] =	vst.idx.msk $0xffff, v50  }
0xbd: {  	v59 =	vor.u32 v11, v57;
	v46 =	vxor.u32 v3, v57;
	v58 =	vld [tilespmem:s13+$0x30]  }
0xbe: {  	v50 =	vld [tilespmem:s13+$0x2030];
	v46 =	vor.u32 v12, v46;
	_ =	sdelay $0x3  }
0xbf: {  	[tilespmem:v59+s22+$0x0] =	vst.idx.msk $0xffff, v58  }
0xc0: {  	v47 =	vand.u32 $0x3F, v48;
	[tilespmem:v46+s22+$0x0] =	vst.idx.msk $0xffff, v50  }
0xc1: {  	v61 =	vor.u32 v13, v47;
	v46 =	vxor.u32 v3, v47;
	v60 =	vld [tilespmem:s13+$0x40]  }
0xc2: {  	v50 =	vld [tilespmem:s13+$0x2040];
	v51 =	vor.u32 v14, v46;
	_ =	sdelay $0x3  }
0xc3: {  	v62 =	vadd.s32 s26, v15;
	[tilespmem:v61+s22+$0x0] =	vst.idx.msk $0xffff, v60  }
0xc4: {  	v48 =	vand.u32 $0x3F, v62;
	[tilespmem:v51+s22+$0x0] =	vst.idx.msk $0xffff, v50  }
0xc5: {  	v63 =	vor.u32 v16, v48;
	v48 =	vxor.u32 v3, v48;
	v49 =	vld [tilespmem:s13+$0x50]  }
0xc6: {  	v48 =	vor.u32 v17, v48;
	v51 =	vld [tilespmem:s13+$0x2050];
	_ =	sdelay $0x3  }
0xc7: {  	v52 =	vadd.s32 s26, v18;
	[tilespmem:v63+s22+$0x0] =	vst.idx.msk $0xffff, v49  }
0xc8: {  	v53 =	vand.u32 $0x3F, v52;
	[tilespmem:v48+s22+$0x0] =	vst.idx.msk $0xffff, v51  }
0xc9: {  	v55 =	vor.u32 v19, v53;
	v48 =	vxor.u32 v3, v53;
	v54 =	vld [tilespmem:s13+$0x60]  }
0xca: {  	v51 =	vld [tilespmem:s13+$0x2060];
	v48 =	vor.u32 v20, v48;
	_ =	sdelay $0x3  }
0xcb: {  	v56 =	vadd.s32 s26, v21;
	[tilespmem:v55+s22+$0x0] =	vst.idx.msk $0xffff, v54  }
0xcc: {  	v57 =	vand.u32 $0x3F, v56;
	[tilespmem:v48+s22+$0x0] =	vst.idx.msk $0xffff, v51  }
0xcd: {  	v59 =	vor.u32 v22, v57;
	v48 =	vxor.u32 v3, v57;
	v58 =	vld [tilespmem:s13+$0x70]  }
0xce: {  	v51 =	vld [tilespmem:s13+$0x2070];
	v48 =	vor.u32 v23, v48;
	_ =	sdelay $0x3  }
0xcf: {  	[tilespmem:v59+s22+$0x0] =	vst.idx.msk $0xffff, v58  }
0xd0: {  	[tilespmem:v48+s22+$0x0] =	vst.idx.msk $0xffff, v51  }
0xd1: {  	v60 =	vor.u32 v24, v47;
	v48 =	vld [tilespmem:s13+$0x400]  }
0xd2: {  	v61 =	vor.u32 v25, v46;
	v50 =	vld [tilespmem:s13+$0x2400];
	_ =	sdelay $0x3  }
0xd3: {  	v62 =	vadd.s32 s26, v26;
	[tilespmem:v60+s22+$0x0] =	vst.idx.msk $0xffff, v48  }
0xd4: {  	v48 =	vand.u32 $0x3F, v62;
	[tilespmem:v61+s22+$0x0] =	vst.idx.msk $0xffff, v50  }
0xd5: {  	v63 =	vor.u32 v27, v48;
	v48 =	vxor.u32 v3, v48;
	v49 =	vld [tilespmem:s13+$0x410]  }
0xd6: {  	v51 =	vld [tilespmem:s13+$0x2410];
	v48 =	vor.u32 v28, v48;
	_ =	sdelay $0x3  }
0xd7: {  	v52 =	vadd.s32 s26, v29;
	[tilespmem:v63+s22+$0x0] =	vst.idx.msk $0xffff, v49  }
0xd8: {  	v53 =	vand.u32 $0x3F, v52;
	[tilespmem:v48+s22+$0x0] =	vst.idx.msk $0xffff, v51  }
0xd9: {  	v55 =	vor.u32 v30, v53;
	v48 =	vxor.u32 v3, v53;
	v54 =	vld [tilespmem:s13+$0x420]  }
0xda: {  	v51 =	vld [tilespmem:s13+$0x2420];
	v48 =	vor.u32 v31, v48;
	_ =	sdelay $0x3  }
0xdb: {  	v56 =	vadd.s32 s26, v32;
	[tilespmem:v55+s22+$0x0] =	vst.idx.msk $0xffff, v54  }
0xdc: {  	v57 =	vand.u32 $0x3F, v56;
	[tilespmem:v48+s22+$0x0] =	vst.idx.msk $0xffff, v51  }
0xdd: {  	v59 =	vor.u32 v33, v57;
	v48 =	vxor.u32 v3, v57;
	v58 =	vld [tilespmem:s13+$0x430]  }
0xde: {  	v51 =	vld [tilespmem:s13+$0x2430];
	v48 =	vor.u32 v34, v48;
	_ =	sdelay $0x3  }
0xdf: {  	[tilespmem:v59+s22+$0x0] =	vst.idx.msk $0xffff, v58  }
0xe0: {  	[tilespmem:v48+s22+$0x0] =	vst.idx.msk $0xffff, v51  }
0xe1: {  	v47 =	vor.u32 v35, v47;
	v48 =	vld [tilespmem:s13+$0x440]  }
0xe2: {  	v46 =	vor.u32 v36, v46;
	v49 =	vld [tilespmem:s13+$0x2440];
	_ =	sdelay $0x3  }
0xe3: {  	v60 =	vadd.s32 s26, v37;
	[tilespmem:v47+s22+$0x0] =	vst.idx.msk $0xffff, v48  }
0xe4: {  	v61 =	vand.u32 $0x3F, v60;
	[tilespmem:v46+s22+$0x0] =	vst.idx.msk $0xffff, v49  }
0xe5: {  	v63 =	vor.u32 v38, v61;
	v46 =	vxor.u32 v3, v61;
	v62 =	vld [tilespmem:s13+$0x450]  }
0xe6: {  	v49 =	vld [tilespmem:s13+$0x2450];
	v46 =	vor.u32 v39, v46;
	_ =	sdelay $0x3  }
0xe7: {  	v52 =	vadd.s32 s26, v40;
	[tilespmem:v63+s22+$0x0] =	vst.idx.msk $0xffff, v62  }
0xe8: {  	v53 =	vand.u32 $0x3F, v52;
	[tilespmem:v46+s22+$0x0] =	vst.idx.msk $0xffff, v49  }
0xe9: {  	v55 =	vor.u32 v41, v53;
	v46 =	vxor.u32 v3, v53;
	v54 =	vld [tilespmem:s13+$0x460]  }
0xea: {  	v49 =	vld [tilespmem:s13+$0x2460];
	v46 =	vor.u32 v42, v46;
	_ =	sdelay $0x3  }
0xeb: {  	v56 =	vadd.s32 s26, v43;
	[tilespmem:v55+s22+$0x0] =	vst.idx.msk $0xffff, v54  }
0xec: {  	v57 =	vand.u32 $0x3F, v56;
	[tilespmem:v46+s22+$0x0] =	vst.idx.msk $0xffff, v49  }
0xed: {  	v59 =	vor.u32 v44, v57;
	v46 =	vxor.u32 v3, v57;
	v58 =	vld [tilespmem:s13+$0x470]  }
0xee: {  	v49 =	vld [tilespmem:s13+$0x2470];
	v46 =	vor.u32 v45, v46;
	_ =	sdelay $0x1  }
0xef: {  	s26 =	sshll.u32 s3, $0xF  }
0xf0: {  	s13 =	sadd.s32 s9, s26  }
0xf1: {  	s13 =	sshrl.u32 s13, $0x3;
	[tilespmem:v59+s22+$0x0] =	vst.idx.msk $0xffff, v58  }
0xf2: {  	p3 =	seq.s32 s3, $0x3C;
	s13 =	sadd.s32 s5, s13;
	[tilespmem:v46+s22+$0x0] =	vst.idx.msk $0xffff, v49  }
0xf3: {  	[hbm4b:s13+s4] =	stream.linear.scatter [tilespmem:s22], [sflag:$0x2], $0x4000, $0x38;
	[tilespmem:$0x10000] =	vst v63  }
0xf4: {  	s13 =	sshll.u32 @!p3 s3, $0xC  }
0xf5: {  	s13 =	sadd.s32 @!p3 s13, s10  }
0xf6: {  	s29 =	simm.s32 @!p3 $0x7A1400;
	s13 =	sshrl.u32 @!p3 s13, $0x3  }
0xf7: {  	s30 =	simm.s32 @!p3 $0x0;
	s26 =	simm.s32 @!p3 $0x800;
	s14 =	sadd.s32 @!p3 s0, s13  }
0xf8: {  	[tilespmem:s30], [sflag:$0x1] =	stream.strided.gather @!p3 [hbm4b:s14+s26], $0x2000, s29, s26, $0x38;
	[tilespmem:$0x10000] =	vst v63  }
0xf9: {  	s13 =	sadd.s32 @!p3 s2, s13;
	s14 =	simm.s32 @!p3 $0x2000  }
0xfa: {  	[tilespmem:s14], [sflag:$0x1] =	stream.strided.gather @!p3 [hbm4b:s13+s26], $0x2000, s29, s26, $0x38;
	[tilespmem:$0x10000] =	vst v63  }
0xfb: {  	_ =	swait.ge [sflag:s21], $0x2000  }
0xfc: {  	[sflag:s21] =	ssyncset.done $0x0  }
0xfd: {  	[sflag:s21] =	ssyncadd.s32 $0xFFFFE000  }
0xfe: {  	_ =	swait.ge [sflag:s21], $0x2000  }
0xff: {  	[sflag:s21] =	ssyncset.done $0x0  }
0x100: {  	s13 =	simm.s32 @!p2 $0x2;
	[sflag:s21] =	ssyncadd.s32 $0xFFFFE000  }
0x101: {  	s14 =	simm.s32 $0x0;
	_ =	swait.ge @!p2 [sflag:s13], $0x4000  }
0x102: {  	s26 =	sand.u32 $0x1800, s14;
	s29 =	sand.u32 $0x380, s14;
	[sflag:s13] =	ssyncset.done @!p2 $0x0  }
0x103: {  	v46 =	vadd.s32 s14, v0;
	[sflag:s13] =	ssyncadd.s32 @!p2 $0xFFFFC000;
	s13 =	sor.u32 s29, s26  }
0x104: {  	v61 =	vadd.s32 s14, v1;
	v62 =	vxor.u32 v3, v46;
	v60 =	vld [tilespmem:s13+$0x4000]  }
0x105: {  	v49 =	vor.u32 v2, v62;
	v63 =	vld [tilespmem:s13+$0x6000];
	_ =	sdelay $0x3  }
0x106: {  	[tilespmem:v61+s23+$0x0] =	vst.idx.msk $0xffff, v60  }
0x107: {  	v52 =	vadd.s32 s14, v4;
	[tilespmem:v49+s23+$0x0] =	vst.idx.msk $0xffff, v63  }
0x108: {  	v53 =	vadd.s32 s14, v5;
	v47 =	vxor.u32 v3, v52;
	v48 =	vld [tilespmem:s13+$0x4010]  }
0x109: {  	v47 =	vor.u32 v6, v47;
	v50 =	vld [tilespmem:s13+$0x6010];
	_ =	sdelay $0x3  }
0x10a: {  	v54 =	vadd.s32 s14, v7;
	[tilespmem:v53+s23+$0x0] =	vst.idx.msk $0xffff, v48  }
0x10b: {  	v55 =	vand.u32 $0x3F, v54;
	[tilespmem:v47+s23+$0x0] =	vst.idx.msk $0xffff, v50  }
0x10c: {  	v57 =	vor.u32 v8, v55;
	v47 =	vxor.u32 v3, v55;
	v56 =	vld [tilespmem:s13+$0x4020]  }
0x10d: {  	v50 =	vld [tilespmem:s13+$0x6020];
	v47 =	vor.u32 v9, v47;
	_ =	sdelay $0x3  }
0x10e: {  	v58 =	vadd.s32 s14, v10;
	[tilespmem:v57+s23+$0x0] =	vst.idx.msk $0xffff, v56  }
0x10f: {  	v59 =	vand.u32 $0x3F, v58;
	[tilespmem:v47+s23+$0x0] =	vst.idx.msk $0xffff, v50  }
0x110: {  	v61 =	vor.u32 v11, v59;
	v47 =	vxor.u32 v3, v59;
	v60 =	vld [tilespmem:s13+$0x4030]  }
0x111: {  	v50 =	vld [tilespmem:s13+$0x6030];
	v47 =	vor.u32 v12, v47;
	_ =	sdelay $0x3  }
0x112: {  	[tilespmem:v61+s23+$0x0] =	vst.idx.msk $0xffff, v60  }
0x113: {  	v46 =	vand.u32 $0x3F, v46;
	[tilespmem:v47+s23+$0x0] =	vst.idx.msk $0xffff, v50  }
0x114: {  	v62 =	vor.u32 v13, v46;
	v47 =	vxor.u32 v3, v46;
	v48 =	vld [tilespmem:s13+$0x4040]  }
0x115: {  	v50 =	vld [tilespmem:s13+$0x6040];
	v63 =	vor.u32 v14, v47;
	_ =	sdelay $0x3  }
0x116: {  	v53 =	vadd.s32 s14, v15;
	[tilespmem:v62+s23+$0x0] =	vst.idx.msk $0xffff, v48  }
0x117: {  	v48 =	vand.u32 $0x3F, v53;
	[tilespmem:v63+s23+$0x0] =	vst.idx.msk $0xffff, v50  }
0x118: {  	v54 =	vor.u32 v16, v48;
	v48 =	vxor.u32 v3, v48;
	v49 =	vld [tilespmem:s13+$0x4050]  }
0x119: {  	v51 =	vld [tilespmem:s13+$0x6050];
	v48 =	vor.u32 v17, v48;
	_ =	sdelay $0x3  }
0x11a: {  	v55 =	vadd.s32 s14, v18;
	[tilespmem:v54+s23+$0x0] =	vst.idx.msk $0xffff, v49  }
0x11b: {  	v56 =	vand.u32 $0x3F, v55;
	[tilespmem:v48+s23+$0x0] =	vst.idx.msk $0xffff, v51  }
0x11c: {  	v58 =	vor.u32 v19, v56;
	v48 =	vxor.u32 v3, v56;
	v57 =	vld [tilespmem:s13+$0x4060]  }
0x11d: {  	v51 =	vld [tilespmem:s13+$0x6060];
	v48 =	vor.u32 v20, v48;
	_ =	sdelay $0x3  }
0x11e: {  	v59 =	vadd.s32 s14, v21;
	[tilespmem:v58+s23+$0x0] =	vst.idx.msk $0xffff, v57  }
0x11f: {  	v60 =	vand.u32 $0x3F, v59;
	[tilespmem:v48+s23+$0x0] =	vst.idx.msk $0xffff, v51  }
0x120: {  	v62 =	vor.u32 v22, v60;
	v48 =	vxor.u32 v3, v60;
	v61 =	vld [tilespmem:s13+$0x4070]  }
0x121: {  	v51 =	vld [tilespmem:s13+$0x6070];
	v48 =	vor.u32 v23, v48;
	_ =	sdelay $0x3  }
0x122: {  	[tilespmem:v62+s23+$0x0] =	vst.idx.msk $0xffff, v61  }
0x123: {  	[tilespmem:v48+s23+$0x0] =	vst.idx.msk $0xffff, v51  }
0x124: {  	v63 =	vor.u32 v24, v46;
	v48 =	vld [tilespmem:s13+$0x4400]  }
0x125: {  	v54 =	vor.u32 v25, v47;
	v50 =	vld [tilespmem:s13+$0x6400];
	_ =	sdelay $0x3  }
0x126: {  	v55 =	vadd.s32 s14, v26;
	[tilespmem:v63+s23+$0x0] =	vst.idx.msk $0xffff, v48  }
0x127: {  	v48 =	vand.u32 $0x3F, v55;
	[tilespmem:v54+s23+$0x0] =	vst.idx.msk $0xffff, v50  }
0x128: {  	v56 =	vor.u32 v27, v48;
	v48 =	vxor.u32 v3, v48;
	v49 =	vld [tilespmem:s13+$0x4410]  }
0x129: {  	v51 =	vld [tilespmem:s13+$0x6410];
	v48 =	vor.u32 v28, v48;
	_ =	sdelay $0x3  }
0x12a: {  	v57 =	vadd.s32 s14, v29;
	[tilespmem:v56+s23+$0x0] =	vst.idx.msk $0xffff, v49  }
0x12b: {  	v58 =	vand.u32 $0x3F, v57;
	[tilespmem:v48+s23+$0x0] =	vst.idx.msk $0xffff, v51  }
0x12c: {  	v60 =	vor.u32 v30, v58;
	v48 =	vxor.u32 v3, v58;
	v59 =	vld [tilespmem:s13+$0x4420]  }
0x12d: {  	v51 =	vld [tilespmem:s13+$0x6420];
	v48 =	vor.u32 v31, v48;
	_ =	sdelay $0x3  }
0x12e: {  	v61 =	vadd.s32 s14, v32;
	[tilespmem:v60+s23+$0x0] =	vst.idx.msk $0xffff, v59  }
0x12f: {  	v62 =	vand.u32 $0x3F, v61;
	[tilespmem:v48+s23+$0x0] =	vst.idx.msk $0xffff, v51  }
0x130: {  	v54 =	vor.u32 v33, v62;
	v48 =	vxor.u32 v3, v62;
	v63 =	vld [tilespmem:s13+$0x4430]  }
0x131: {  	v51 =	vld [tilespmem:s13+$0x6430];
	v48 =	vor.u32 v34, v48;
	_ =	sdelay $0x3  }
0x132: {  	[tilespmem:v54+s23+$0x0] =	vst.idx.msk $0xffff, v63  }
0x133: {  	[tilespmem:v48+s23+$0x0] =	vst.idx.msk $0xffff, v51  }
0x134: {  	v46 =	vor.u32 v35, v46;
	v48 =	vld [tilespmem:s13+$0x4440]  }
0x135: {  	v47 =	vor.u32 v36, v47;
	v49 =	vld [tilespmem:s13+$0x6440];
	_ =	sdelay $0x3  }
0x136: {  	v55 =	vadd.s32 s14, v37;
	[tilespmem:v46+s23+$0x0] =	vst.idx.msk $0xffff, v48  }
0x137: {  	v46 =	vand.u32 $0x3F, v55;
	[tilespmem:v47+s23+$0x0] =	vst.idx.msk $0xffff, v49  }
0x138: {  	v56 =	vor.u32 v38, v46;
	v46 =	vxor.u32 v3, v46;
	v47 =	vld [tilespmem:s13+$0x4450]  }
0x139: {  	v49 =	vld [tilespmem:s13+$0x6450];
	v46 =	vor.u32 v39, v46;
	_ =	sdelay $0x3  }
0x13a: {  	v57 =	vadd.s32 s14, v40;
	[tilespmem:v56+s23+$0x0] =	vst.idx.msk $0xffff, v47  }
0x13b: {  	v58 =	vand.u32 $0x3F, v57;
	[tilespmem:v46+s23+$0x0] =	vst.idx.msk $0xffff, v49  }
0x13c: {  	v60 =	vor.u32 v41, v58;
	v46 =	vxor.u32 v3, v58;
	v59 =	vld [tilespmem:s13+$0x4460]  }
0x13d: {  	v49 =	vld [tilespmem:s13+$0x6460];
	v46 =	vor.u32 v42, v46;
	_ =	sdelay $0x3  }
0x13e: {  	v61 =	vadd.s32 s14, v43;
	[tilespmem:v60+s23+$0x0] =	vst.idx.msk $0xffff, v59  }
0x13f: {  	v62 =	vand.u32 $0x3F, v61;
	[tilespmem:v46+s23+$0x0] =	vst.idx.msk $0xffff, v49  }
0x140: {  	v63 =	vor.u32 v44, v62;
	v48 =	vld [tilespmem:s13+$0x4470]  }
0x141: {  	v47 =	vxor.u32 v3, v62  }
0x142: {  	v47 =	vor.u32 v45, v47;
	v46 =	vld [tilespmem:s13+$0x6470];
	_ =	sdelay $0x1  }
0x143: {  	s31 =	simm.s32 $0x2;
	s30 =	simm.s32 $0x100;
	s29 =	simm.s32 $0x80  }
0x144: {  	s26 =	simm.s32 $0x1;
	s14 =	sand.u32 $0x380, s29;
	s13 =	sand.u32 $0x1800, s30;
	[tilespmem:v63+s23+$0x0] =	vst.idx.msk $0xffff, v48  }
.LBB2_5:
0x145: {  	p2 =	sne.s32 s31, $0x1F  }
0x146: {  	s13 =	sor.u32 s14, s13;
	v48 =	vadd.s32 s26, v0;
	[tilespmem:v47+s23+$0x0] =	vst.idx.msk $0xffff, v46;
	s14 =	smov.u32 s31;
	s31 =	sadd.s32 $0x1, s31  }
0x147: {  	v50 =	vadd.s32 s26, v1;
	v49 =	vld [tilespmem:s13+$0x4000];
	v47 =	vxor.u32 v3, v48;
	v46 =	vand.u32 $0x3F, v48  }
0x148: {  	v48 =	vld [tilespmem:s13+$0x6000];
	v51 =	vor.u32 v2, v47;
	v47 =	vxor.u32 v3, v46;
	_ =	sdelay $0x3  }
0x149: {  	[tilespmem:v50+s23+$0x0] =	vst.idx.msk $0xffff, v49  }
0x14a: {  	[tilespmem:v51+s23+$0x0] =	vst.idx.msk $0xffff, v48;
	v48 =	vadd.s32 s26, v4  }
0x14b: {  	v50 =	vadd.s32 s26, v5;
	v49 =	vld [tilespmem:s13+$0x4010];
	v48 =	vxor.u32 v3, v48  }
0x14c: {  	v51 =	vld [tilespmem:s13+$0x6010];
	v48 =	vor.u32 v6, v48;
	_ =	sdelay $0x3  }
0x14d: {  	[tilespmem:v50+s23+$0x0] =	vst.idx.msk $0xffff, v49;
	v49 =	vadd.s32 s26, v7  }
0x14e: {  	[tilespmem:v48+s23+$0x0] =	vst.idx.msk $0xffff, v51;
	v48 =	vand.u32 $0x3F, v49  }
0x14f: {  	v49 =	vld [tilespmem:s13+$0x4020];
	v50 =	vor.u32 v8, v48;
	v48 =	vxor.u32 v3, v48  }
0x150: {  	v51 =	vld [tilespmem:s13+$0x6020];
	v48 =	vor.u32 v9, v48;
	_ =	sdelay $0x3  }
0x151: {  	[tilespmem:v50+s23+$0x0] =	vst.idx.msk $0xffff, v49;
	v49 =	vadd.s32 s26, v10  }
0x152: {  	[tilespmem:v48+s23+$0x0] =	vst.idx.msk $0xffff, v51;
	v48 =	vand.u32 $0x3F, v49  }
0x153: {  	v49 =	vld [tilespmem:s13+$0x4030];
	v50 =	vor.u32 v11, v48;
	v48 =	vxor.u32 v3, v48  }
0x154: {  	v51 =	vld [tilespmem:s13+$0x6030];
	v48 =	vor.u32 v12, v48;
	_ =	sdelay $0x3  }
0x155: {  	[tilespmem:v50+s23+$0x0] =	vst.idx.msk $0xffff, v49  }
0x156: {  	[tilespmem:v48+s23+$0x0] =	vst.idx.msk $0xffff, v51  }
0x157: {  	v49 =	vor.u32 v13, v46;
	v48 =	vld [tilespmem:s13+$0x4040]  }
0x158: {  	v51 =	vor.u32 v14, v47;
	v50 =	vld [tilespmem:s13+$0x6040];
	_ =	sdelay $0x3  }
0x159: {  	[tilespmem:v49+s23+$0x0] =	vst.idx.msk $0xffff, v48;
	v48 =	vadd.s32 s26, v15  }
0x15a: {  	[tilespmem:v51+s23+$0x0] =	vst.idx.msk $0xffff, v50;
	v48 =	vand.u32 $0x3F, v48  }
0x15b: {  	v49 =	vld [tilespmem:s13+$0x4050];
	v50 =	vor.u32 v16, v48;
	v48 =	vxor.u32 v3, v48  }
0x15c: {  	v51 =	vld [tilespmem:s13+$0x6050];
	v48 =	vor.u32 v17, v48;
	_ =	sdelay $0x3  }
0x15d: {  	[tilespmem:v50+s23+$0x0] =	vst.idx.msk $0xffff, v49;
	v49 =	vadd.s32 s26, v18  }
0x15e: {  	[tilespmem:v48+s23+$0x0] =	vst.idx.msk $0xffff, v51;
	v48 =	vand.u32 $0x3F, v49  }
0x15f: {  	v49 =	vld [tilespmem:s13+$0x4060];
	v50 =	vor.u32 v19, v48;
	v48 =	vxor.u32 v3, v48  }
0x160: {  	v51 =	vld [tilespmem:s13+$0x6060];
	v48 =	vor.u32 v20, v48;
	_ =	sdelay $0x3  }
0x161: {  	[tilespmem:v50+s23+$0x0] =	vst.idx.msk $0xffff, v49;
	v49 =	vadd.s32 s26, v21  }
0x162: {  	[tilespmem:v48+s23+$0x0] =	vst.idx.msk $0xffff, v51;
	v48 =	vand.u32 $0x3F, v49  }
0x163: {  	v49 =	vld [tilespmem:s13+$0x4070];
	v50 =	vor.u32 v22, v48;
	v48 =	vxor.u32 v3, v48  }
0x164: {  	v51 =	vld [tilespmem:s13+$0x6070];
	v48 =	vor.u32 v23, v48;
	_ =	sdelay $0x3  }
0x165: {  	[tilespmem:v50+s23+$0x0] =	vst.idx.msk $0xffff, v49  }
0x166: {  	[tilespmem:v48+s23+$0x0] =	vst.idx.msk $0xffff, v51  }
0x167: {  	v49 =	vor.u32 v24, v46;
	v48 =	vld [tilespmem:s13+$0x4400]  }
0x168: {  	v51 =	vor.u32 v25, v47;
	v50 =	vld [tilespmem:s13+$0x6400];
	_ =	sdelay $0x3  }
0x169: {  	[tilespmem:v49+s23+$0x0] =	vst.idx.msk $0xffff, v48;
	v48 =	vadd.s32 s26, v26  }
0x16a: {  	[tilespmem:v51+s23+$0x0] =	vst.idx.msk $0xffff, v50;
	v48 =	vand.u32 $0x3F, v48  }
0x16b: {  	v49 =	vld [tilespmem:s13+$0x4410];
	v50 =	vor.u32 v27, v48;
	v48 =	vxor.u32 v3, v48  }
0x16c: {  	v51 =	vld [tilespmem:s13+$0x6410];
	v48 =	vor.u32 v28, v48;
	_ =	sdelay $0x3  }
0x16d: {  	[tilespmem:v50+s23+$0x0] =	vst.idx.msk $0xffff, v49;
	v49 =	vadd.s32 s26, v29  }
0x16e: {  	[tilespmem:v48+s23+$0x0] =	vst.idx.msk $0xffff, v51;
	v48 =	vand.u32 $0x3F, v49  }
0x16f: {  	v49 =	vld [tilespmem:s13+$0x4420];
	v50 =	vor.u32 v30, v48;
	v48 =	vxor.u32 v3, v48  }
0x170: {  	v51 =	vld [tilespmem:s13+$0x6420];
	v48 =	vor.u32 v31, v48;
	_ =	sdelay $0x3  }
0x171: {  	[tilespmem:v50+s23+$0x0] =	vst.idx.msk $0xffff, v49;
	v49 =	vadd.s32 s26, v32  }
0x172: {  	[tilespmem:v48+s23+$0x0] =	vst.idx.msk $0xffff, v51;
	v48 =	vand.u32 $0x3F, v49  }
0x173: {  	v49 =	vld [tilespmem:s13+$0x4430];
	v50 =	vor.u32 v33, v48;
	v48 =	vxor.u32 v3, v48  }
0x174: {  	v51 =	vld [tilespmem:s13+$0x6430];
	v48 =	vor.u32 v34, v48;
	_ =	sdelay $0x3  }
0x175: {  	[tilespmem:v50+s23+$0x0] =	vst.idx.msk $0xffff, v49  }
0x176: {  	[tilespmem:v48+s23+$0x0] =	vst.idx.msk $0xffff, v51  }
0x177: {  	v46 =	vor.u32 v35, v46;
	v48 =	vld [tilespmem:s13+$0x4440]  }
0x178: {  	v47 =	vor.u32 v36, v47;
	v49 =	vld [tilespmem:s13+$0x6440];
	_ =	sdelay $0x3  }
0x179: {  	[tilespmem:v46+s23+$0x0] =	vst.idx.msk $0xffff, v48;
	v46 =	vadd.s32 s26, v37  }
0x17a: {  	[tilespmem:v47+s23+$0x0] =	vst.idx.msk $0xffff, v49;
	v46 =	vand.u32 $0x3F, v46  }
0x17b: {  	v47 =	vld [tilespmem:s13+$0x4450];
	v48 =	vor.u32 v38, v46;
	v46 =	vxor.u32 v3, v46  }
0x17c: {  	v49 =	vld [tilespmem:s13+$0x6450];
	v46 =	vor.u32 v39, v46;
	_ =	sdelay $0x3  }
0x17d: {  	[tilespmem:v48+s23+$0x0] =	vst.idx.msk $0xffff, v47;
	v47 =	vadd.s32 s26, v40  }
0x17e: {  	[tilespmem:v46+s23+$0x0] =	vst.idx.msk $0xffff, v49;
	v46 =	vand.u32 $0x3F, v47  }
0x17f: {  	v47 =	vld [tilespmem:s13+$0x4460];
	v48 =	vor.u32 v41, v46;
	v46 =	vxor.u32 v3, v46  }
0x180: {  	v49 =	vld [tilespmem:s13+$0x6460];
	v46 =	vor.u32 v42, v46;
	_ =	sdelay $0x3  }
0x181: {  	[tilespmem:v48+s23+$0x0] =	vst.idx.msk $0xffff, v47;
	v47 =	vadd.s32 s26, v43;
	s26 =	smov.u32 s14  }
0x182: {  	[tilespmem:v46+s23+$0x0] =	vst.idx.msk $0xffff, v49;
	v46 =	vand.u32 $0x3F, v47  }
0x183: {  	v48 =	vld [tilespmem:s13+$0x4470];
	v49 =	vor.u32 v44, v46;
	v47 =	vxor.u32 v3, v46  }
.Ltmp3:
0x184: {  	v46 =	vld [tilespmem:s13+$0x6470];
	v47 =	vor.u32 v45, v47;
	(pc) =	sbr.rel @p2 .LBB2_5-.Ltmp3, $3  }
0x185: {  	_ =	sdelay $0x1  }
0x186: {  	s29 =	sadd.s32 $0x80, s29;
	s30 =	sadd.s32 $0x100, s30  }
0x187: {  	s14 =	sand.u32 $0x380, s29;
	s13 =	sand.u32 $0x1800, s30;
	[tilespmem:v49+s23+$0x0] =	vst.idx.msk $0xffff, v48  }
0x188: {  	_ =	sdelay $0x3  }
0x189: {  	s13 =	sor.u32 s14, s13;
	v48 =	vadd.s32 s26, v0;
	[tilespmem:v47+s23+$0x0] =	vst.idx.msk $0xffff, v46  }
0x18a: {  	v61 =	vadd.s32 s26, v1;
	v46 =	vld [tilespmem:s13+$0x4000];
	v49 =	vxor.u32 v3, v48  }
0x18b: {  	v50 =	vld [tilespmem:s13+$0x6000];
	v49 =	vor.u32 v2, v49;
	_ =	sdelay $0x3  }
0x18c: {  	[tilespmem:v61+s23+$0x0] =	vst.idx.msk $0xffff, v46  }
0x18d: {  	v62 =	vadd.s32 s26, v4;
	[tilespmem:v49+s23+$0x0] =	vst.idx.msk $0xffff, v50  }
0x18e: {  	v63 =	vadd.s32 s26, v5;
	v46 =	vxor.u32 v3, v62;
	v47 =	vld [tilespmem:s13+$0x4010]  }
0x18f: {  	v46 =	vor.u32 v6, v46;
	v50 =	vld [tilespmem:s13+$0x6010];
	_ =	sdelay $0x3  }
0x190: {  	v52 =	vadd.s32 s26, v7;
	[tilespmem:v63+s23+$0x0] =	vst.idx.msk $0xffff, v47  }
0x191: {  	v53 =	vand.u32 $0x3F, v52;
	[tilespmem:v46+s23+$0x0] =	vst.idx.msk $0xffff, v50  }
0x192: {  	v55 =	vor.u32 v8, v53;
	v46 =	vxor.u32 v3, v53;
	v54 =	vld [tilespmem:s13+$0x4020]  }
0x193: {  	v50 =	vld [tilespmem:s13+$0x6020];
	v46 =	vor.u32 v9, v46;
	_ =	sdelay $0x3  }
0x194: {  	v56 =	vadd.s32 s26, v10;
	[tilespmem:v55+s23+$0x0] =	vst.idx.msk $0xffff, v54  }
0x195: {  	v57 =	vand.u32 $0x3F, v56;
	[tilespmem:v46+s23+$0x0] =	vst.idx.msk $0xffff, v50  }
0x196: {  	v59 =	vor.u32 v11, v57;
	v46 =	vxor.u32 v3, v57;
	v58 =	vld [tilespmem:s13+$0x4030]  }
0x197: {  	v50 =	vld [tilespmem:s13+$0x6030];
	v46 =	vor.u32 v12, v46;
	_ =	sdelay $0x3  }
0x198: {  	[tilespmem:v59+s23+$0x0] =	vst.idx.msk $0xffff, v58  }
0x199: {  	v47 =	vand.u32 $0x3F, v48;
	[tilespmem:v46+s23+$0x0] =	vst.idx.msk $0xffff, v50  }
0x19a: {  	v61 =	vor.u32 v13, v47;
	v46 =	vxor.u32 v3, v47;
	v60 =	vld [tilespmem:s13+$0x4040]  }
0x19b: {  	v50 =	vld [tilespmem:s13+$0x6040];
	v51 =	vor.u32 v14, v46;
	_ =	sdelay $0x3  }
0x19c: {  	v62 =	vadd.s32 s26, v15;
	[tilespmem:v61+s23+$0x0] =	vst.idx.msk $0xffff, v60  }
0x19d: {  	v48 =	vand.u32 $0x3F, v62;
	[tilespmem:v51+s23+$0x0] =	vst.idx.msk $0xffff, v50  }
0x19e: {  	v63 =	vor.u32 v16, v48;
	v48 =	vxor.u32 v3, v48;
	v49 =	vld [tilespmem:s13+$0x4050]  }
0x19f: {  	v48 =	vor.u32 v17, v48;
	v51 =	vld [tilespmem:s13+$0x6050];
	_ =	sdelay $0x3  }
0x1a0: {  	v54 =	vadd.s32 s26, v18;
	[tilespmem:v63+s23+$0x0] =	vst.idx.msk $0xffff, v49  }
0x1a1: {  	v55 =	vand.u32 $0x3F, v54;
	[tilespmem:v48+s23+$0x0] =	vst.idx.msk $0xffff, v51  }
0x1a2: {  	v57 =	vor.u32 v19, v55;
	v48 =	vxor.u32 v3, v55;
	v56 =	vld [tilespmem:s13+$0x4060]  }
0x1a3: {  	v51 =	vld [tilespmem:s13+$0x6060];
	v48 =	vor.u32 v20, v48;
	_ =	sdelay $0x3  }
0x1a4: {  	v58 =	vadd.s32 s26, v21;
	[tilespmem:v57+s23+$0x0] =	vst.idx.msk $0xffff, v56  }
0x1a5: {  	v59 =	vand.u32 $0x3F, v58;
	[tilespmem:v48+s23+$0x0] =	vst.idx.msk $0xffff, v51  }
0x1a6: {  	v61 =	vor.u32 v22, v59;
	v48 =	vxor.u32 v3, v59;
	v60 =	vld [tilespmem:s13+$0x4070]  }
0x1a7: {  	v51 =	vld [tilespmem:s13+$0x6070];
	v48 =	vor.u32 v23, v48;
	_ =	sdelay $0x3  }
0x1a8: {  	[tilespmem:v61+s23+$0x0] =	vst.idx.msk $0xffff, v60  }
0x1a9: {  	[tilespmem:v48+s23+$0x0] =	vst.idx.msk $0xffff, v51  }
0x1aa: {  	v62 =	vor.u32 v24, v47;
	v48 =	vld [tilespmem:s13+$0x4400]  }
0x1ab: {  	v63 =	vor.u32 v25, v46;
	v50 =	vld [tilespmem:s13+$0x6400];
	_ =	sdelay $0x3  }
0x1ac: {  	v54 =	vadd.s32 s26, v26;
	[tilespmem:v62+s23+$0x0] =	vst.idx.msk $0xffff, v48  }
0x1ad: {  	v48 =	vand.u32 $0x3F, v54;
	[tilespmem:v63+s23+$0x0] =	vst.idx.msk $0xffff, v50  }
0x1ae: {  	v55 =	vor.u32 v27, v48;
	v48 =	vxor.u32 v3, v48;
	v49 =	vld [tilespmem:s13+$0x4410]  }
0x1af: {  	v51 =	vld [tilespmem:s13+$0x6410];
	v48 =	vor.u32 v28, v48;
	_ =	sdelay $0x3  }
0x1b0: {  	v56 =	vadd.s32 s26, v29;
	[tilespmem:v55+s23+$0x0] =	vst.idx.msk $0xffff, v49  }
0x1b1: {  	v57 =	vand.u32 $0x3F, v56;
	[tilespmem:v48+s23+$0x0] =	vst.idx.msk $0xffff, v51  }
0x1b2: {  	v59 =	vor.u32 v30, v57;
	v48 =	vxor.u32 v3, v57;
	v58 =	vld [tilespmem:s13+$0x4420]  }
0x1b3: {  	v51 =	vld [tilespmem:s13+$0x6420];
	v48 =	vor.u32 v31, v48;
	_ =	sdelay $0x3  }
0x1b4: {  	v60 =	vadd.s32 s26, v32;
	[tilespmem:v59+s23+$0x0] =	vst.idx.msk $0xffff, v58  }
0x1b5: {  	v61 =	vand.u32 $0x3F, v60;
	[tilespmem:v48+s23+$0x0] =	vst.idx.msk $0xffff, v51  }
0x1b6: {  	v63 =	vor.u32 v33, v61;
	v48 =	vxor.u32 v3, v61;
	v62 =	vld [tilespmem:s13+$0x4430]  }
0x1b7: {  	v51 =	vld [tilespmem:s13+$0x6430];
	v48 =	vor.u32 v34, v48;
	_ =	sdelay $0x3  }
0x1b8: {  	[tilespmem:v63+s23+$0x0] =	vst.idx.msk $0xffff, v62  }
0x1b9: {  	[tilespmem:v48+s23+$0x0] =	vst.idx.msk $0xffff, v51  }
0x1ba: {  	v47 =	vor.u32 v35, v47;
	v48 =	vld [tilespmem:s13+$0x4440]  }
0x1bb: {  	v46 =	vor.u32 v36, v46;
	v49 =	vld [tilespmem:s13+$0x6440];
	_ =	sdelay $0x3  }
0x1bc: {  	v52 =	vadd.s32 s26, v37;
	[tilespmem:v47+s23+$0x0] =	vst.idx.msk $0xffff, v48  }
0x1bd: {  	v53 =	vand.u32 $0x3F, v52;
	[tilespmem:v46+s23+$0x0] =	vst.idx.msk $0xffff, v49  }
0x1be: {  	v55 =	vor.u32 v38, v53;
	v46 =	vxor.u32 v3, v53;
	v54 =	vld [tilespmem:s13+$0x4450]  }
0x1bf: {  	v49 =	vld [tilespmem:s13+$0x6450];
	v46 =	vor.u32 v39, v46;
	_ =	sdelay $0x3  }
0x1c0: {  	v56 =	vadd.s32 s26, v40;
	[tilespmem:v55+s23+$0x0] =	vst.idx.msk $0xffff, v54  }
0x1c1: {  	v57 =	vand.u32 $0x3F, v56;
	[tilespmem:v46+s23+$0x0] =	vst.idx.msk $0xffff, v49  }
0x1c2: {  	v59 =	vor.u32 v41, v57;
	v46 =	vxor.u32 v3, v57;
	v58 =	vld [tilespmem:s13+$0x4460]  }
0x1c3: {  	v49 =	vld [tilespmem:s13+$0x6460];
	v46 =	vor.u32 v42, v46;
	_ =	sdelay $0x3  }
0x1c4: {  	v60 =	vadd.s32 s26, v43;
	[tilespmem:v59+s23+$0x0] =	vst.idx.msk $0xffff, v58  }
0x1c5: {  	v61 =	vand.u32 $0x3F, v60;
	[tilespmem:v46+s23+$0x0] =	vst.idx.msk $0xffff, v49  }
0x1c6: {  	v63 =	vor.u32 v44, v61;
	v46 =	vxor.u32 v3, v61;
	v62 =	vld [tilespmem:s13+$0x4470]  }
0x1c7: {  	s3 =	sadd.s32 $0x1, s3;
	v49 =	vld [tilespmem:s13+$0x6470];
	v46 =	vor.u32 v45, v46  }
0x1c8: {  	p2 =	sne.s32 s3, $0x3D  }
.Ltmp4:
0x1c9: {  	s31 =	sshll.u32 s25, $0xE;
	(pc) =	sbr.rel @p2 .LBB2_2-.Ltmp4, $4  }
0x1ca: {  	s13 =	sadd.s32 s9, s31  }
0x1cb: {  	s13 =	sshrl.u32 s13, $0x3;
	[tilespmem:v63+s23+$0x0] =	vst.idx.msk $0xffff, v62  }
0x1cc: {  	s13 =	sadd.s32 s5, s13;
	[tilespmem:v46+s23+$0x0] =	vst.idx.msk $0xffff, v49  }
0x1cd: {  	[hbm4b:s13+s4] =	stream.linear.scatter [tilespmem:s23], [sflag:$0x2], $0x4000, $0x38;
	[tilespmem:$0x10000] =	vst v63  }
0x1ce: {  	_ =	swait.ge [sflag:s24], $0x4000  }
.Ltmp5:
0x1cf: {  	[sflag:s24] =	ssyncset.done $0x0;
	(pc) =	sbr.rel @p0 .LBB2_11-.Ltmp5, $4  }
0x1d0: {  	[sflag:s24] =	ssyncadd.s32 $0xFFFFC000  }
0x1d1: {  	_ =	swait.ge [sflag:s24], $0x4000  }
0x1d2: {  	[sflag:s24] =	ssyncset.done $0x0  }
0x1d3: {  	[sflag:s24] =	ssyncadd.s32 $0xFFFFC000  }
0x1d4: {  	s3 =	simm.s32 $0x0  }
0x1d5: {  	[tilespmem:s3], [sflag:$0x3] =	stream.linear.gather [hbm4b:s11+s3], $0x400, $0x38;
	[tilespmem:$0x10000] =	vst v63  }
0x1d6: {  	s13 =	sadd.s32 $0xF4280, s11  }
0x1d7: {  	[tilespmem:s15], [sflag:$0x3] =	stream.linear.gather [hbm4b:s13+s3], $0x400, $0x38;
	[tilespmem:$0x10000] =	vst v63  }
0x1d8: {  	s26 =	sadd.s32 $0x1E8500, s11;
	s14 =	simm.s32 $0x1000  }
0x1d9: {  	[tilespmem:s14], [sflag:$0x3] =	stream.linear.gather [hbm4b:s26+s3], $0x400, $0x38;
	[tilespmem:$0x10000] =	vst v63  }
0x1da: {  	s30 =	sadd.s32 $0x2DC780, s11;
	s31 =	simm.s32 $0x1800  }
0x1db: {  	[tilespmem:s31], [sflag:$0x3] =	stream.linear.gather [hbm4b:s30+s3], $0x400, $0x38;
	[tilespmem:$0x10000] =	vst v63  }
0x1dc: {  	_ =	swait.ge [sflag:s28], $0x1000  }
0x1dd: {  	[sflag:s28] =	ssyncset.done $0x0  }
0x1de: {  	[sflag:s28] =	ssyncadd.s32 $0xFFFFF000  }
0x1df: {  	[tilespmem:s18], [sflag:$0x3] =	stream.linear.gather [hbm4b:s12+s3], $0x400, $0x38;
	[tilespmem:$0x10000] =	vst v63  }
0x1e0: {  	s25 =	sadd.s32 $0xF4280, s12;
	s26 =	simm.s32 $0x2800  }
0x1e1: {  	[tilespmem:s26], [sflag:$0x3] =	stream.linear.gather [hbm4b:s25+s3], $0x400, $0x38;
	[tilespmem:$0x10000] =	vst v63  }
0x1e2: {  	s30 =	sadd.s32 $0x1E8500, s12;
	s31 =	simm.s32 $0x3000  }
0x1e3: {  	[tilespmem:s31], [sflag:$0x3] =	stream.linear.gather [hbm4b:s30+s3], $0x400, $0x38;
	[tilespmem:$0x10000] =	vst v63  }
0x1e4: {  	s25 =	sadd.s32 $0x2DC780, s12;
	s26 =	simm.s32 $0x3800  }
0x1e5: {  	[tilespmem:s26], [sflag:$0x3] =	stream.linear.gather [hbm4b:s25+s3], $0x400, $0x38;
	[tilespmem:$0x10000] =	vst v63  }
0x1e6: {  	_ =	swait.ge [sflag:s28], $0x1000  }
0x1e7: {  	s30 =	sand.u32 $0x1800, s3;
	s31 =	sand.u32 $0x380, s3;
	[sflag:s28] =	ssyncset.done $0x0  }
0x1e8: {  	v46 =	vadd.s32 s3, v0;
	s13 =	sor.u32 s31, s30;
	[sflag:s28] =	ssyncadd.s32 $0xFFFFF000  }
0x1e9: {  	v48 =	vadd.s32 s3, v1;
	v49 =	vxor.u32 v3, v46;
	v47 =	vld [tilespmem:s13+$0x0]  }
0x1ea: {  	v49 =	vor.u32 v2, v49;
	v50 =	vld [tilespmem:s13+$0x2000];
	_ =	sdelay $0x3  }
0x1eb: {  	[tilespmem:v48+s22+$0x0] =	vst.idx.msk $0xffff, v47  }
0x1ec: {  	v56 =	vadd.s32 s3, v4;
	[tilespmem:v49+s22+$0x0] =	vst.idx.msk $0xffff, v50  }
0x1ed: {  	v57 =	vadd.s32 s3, v5;
	v47 =	vxor.u32 v3, v56;
	v48 =	vld [tilespmem:s13+$0x10]  }
0x1ee: {  	v47 =	vor.u32 v6, v47;
	v50 =	vld [tilespmem:s13+$0x2010];
	_ =	sdelay $0x3  }
0x1ef: {  	v58 =	vadd.s32 s3, v7;
	[tilespmem:v57+s22+$0x0] =	vst.idx.msk $0xffff, v48  }
0x1f0: {  	v59 =	vand.u32 $0x3F, v58;
	[tilespmem:v47+s22+$0x0] =	vst.idx.msk $0xffff, v50  }
0x1f1: {  	v61 =	vor.u32 v8, v59;
	v47 =	vxor.u32 v3, v59;
	v60 =	vld [tilespmem:s13+$0x20]  }
0x1f2: {  	v50 =	vld [tilespmem:s13+$0x2020];
	v47 =	vor.u32 v9, v47;
	_ =	sdelay $0x3  }
0x1f3: {  	v62 =	vadd.s32 s3, v10;
	[tilespmem:v61+s22+$0x0] =	vst.idx.msk $0xffff, v60  }
0x1f4: {  	v63 =	vand.u32 $0x3F, v62;
	[tilespmem:v47+s22+$0x0] =	vst.idx.msk $0xffff, v50  }
0x1f5: {  	v53 =	vor.u32 v11, v63;
	v47 =	vxor.u32 v3, v63;
	v52 =	vld [tilespmem:s13+$0x30]  }
0x1f6: {  	v50 =	vld [tilespmem:s13+$0x2030];
	v47 =	vor.u32 v12, v47;
	_ =	sdelay $0x3  }
0x1f7: {  	[tilespmem:v53+s22+$0x0] =	vst.idx.msk $0xffff, v52  }
0x1f8: {  	v46 =	vand.u32 $0x3F, v46;
	[tilespmem:v47+s22+$0x0] =	vst.idx.msk $0xffff, v50  }
0x1f9: {  	v54 =	vxor.u32 v3, v46;
	v46 =	vor.u32 v13, v46;
	v48 =	vld [tilespmem:s13+$0x40]  }
0x1fa: {  	v47 =	vor.u32 v14, v54;
	v49 =	vld [tilespmem:s13+$0x2040];
	_ =	sdelay $0x3  }
0x1fb: {  	v55 =	vadd.s32 s3, v15;
	[tilespmem:v46+s22+$0x0] =	vst.idx.msk $0xffff, v48  }
0x1fc: {  	v46 =	vand.u32 $0x3F, v55;
	[tilespmem:v47+s22+$0x0] =	vst.idx.msk $0xffff, v49  }
0x1fd: {  	v56 =	vor.u32 v16, v46;
	v46 =	vxor.u32 v3, v46;
	v47 =	vld [tilespmem:s13+$0x50]  }
0x1fe: {  	v49 =	vld [tilespmem:s13+$0x2050];
	v46 =	vor.u32 v17, v46;
	_ =	sdelay $0x3  }
0x1ff: {  	v57 =	vadd.s32 s3, v18;
	[tilespmem:v56+s22+$0x0] =	vst.idx.msk $0xffff, v47  }
0x200: {  	v58 =	vand.u32 $0x3F, v57;
	[tilespmem:v46+s22+$0x0] =	vst.idx.msk $0xffff, v49  }
0x201: {  	v60 =	vor.u32 v19, v58;
	v46 =	vxor.u32 v3, v58;
	v59 =	vld [tilespmem:s13+$0x60]  }
0x202: {  	v49 =	vld [tilespmem:s13+$0x2060];
	v46 =	vor.u32 v20, v46;
	_ =	sdelay $0x3  }
0x203: {  	v61 =	vadd.s32 s3, v21;
	[tilespmem:v60+s22+$0x0] =	vst.idx.msk $0xffff, v59  }
0x204: {  	v62 =	vand.u32 $0x3F, v61;
	[tilespmem:v46+s22+$0x0] =	vst.idx.msk $0xffff, v49  }
0x205: {  	v63 =	vor.u32 v22, v62;
	v48 =	vld [tilespmem:s13+$0x70]  }
0x206: {  	v47 =	vxor.u32 v3, v62  }
0x207: {  	v47 =	vor.u32 v23, v47;
	v46 =	vld [tilespmem:s13+$0x2070];
	_ =	sdelay $0x1  }
0x208: {  	s14 =	simm.s32 $0x100;
	s25 =	simm.s32 $0x2;
	s13 =	simm.s32 $0x80  }
0x209: {  	s26 =	sand.u32 $0x1800, s14;
	s3 =	simm.s32 $0x1;
	s29 =	sand.u32 $0x380, s13;
	[tilespmem:v63+s22+$0x0] =	vst.idx.msk $0xffff, v48  }
.LBB2_9:
0x20a: {  	p2 =	sne.s32 s25, $0x1F  }
0x20b: {  	s26 =	sor.u32 s29, s26;
	v48 =	vadd.s32 s3, v0;
	[tilespmem:v47+s22+$0x0] =	vst.idx.msk $0xffff, v46;
	s29 =	smov.u32 s25;
	s25 =	sadd.s32 $0x1, s25  }
0x20c: {  	v47 =	vadd.s32 s3, v1;
	v46 =	vld [tilespmem:s26+$0x0];
	v49 =	vxor.u32 v3, v48;
	v48 =	vand.u32 $0x3F, v48  }
0x20d: {  	v50 =	vld [tilespmem:s26+$0x2000];
	v49 =	vor.u32 v2, v49;
	v51 =	vxor.u32 v3, v48;
	_ =	sdelay $0x3  }
0x20e: {  	[tilespmem:v47+s22+$0x0] =	vst.idx.msk $0xffff, v46  }
0x20f: {  	v46 =	vadd.s32 s3, v4;
	[tilespmem:v49+s22+$0x0] =	vst.idx.msk $0xffff, v50  }
0x210: {  	v49 =	vadd.s32 s3, v5;
	v46 =	vxor.u32 v3, v46;
	v47 =	vld [tilespmem:s26+$0x10]  }
0x211: {  	v46 =	vor.u32 v6, v46;
	v50 =	vld [tilespmem:s26+$0x2010];
	_ =	sdelay $0x3  }
0x212: {  	[tilespmem:v49+s22+$0x0] =	vst.idx.msk $0xffff, v47;
	v47 =	vadd.s32 s3, v7  }
0x213: {  	[tilespmem:v46+s22+$0x0] =	vst.idx.msk $0xffff, v50;
	v46 =	vand.u32 $0x3F, v47  }
0x214: {  	v47 =	vld [tilespmem:s26+$0x20];
	v49 =	vor.u32 v8, v46;
	v46 =	vxor.u32 v3, v46  }
0x215: {  	v50 =	vld [tilespmem:s26+$0x2020];
	v46 =	vor.u32 v9, v46;
	_ =	sdelay $0x3  }
0x216: {  	[tilespmem:v49+s22+$0x0] =	vst.idx.msk $0xffff, v47;
	v47 =	vadd.s32 s3, v10  }
0x217: {  	[tilespmem:v46+s22+$0x0] =	vst.idx.msk $0xffff, v50;
	v46 =	vand.u32 $0x3F, v47  }
0x218: {  	v47 =	vld [tilespmem:s26+$0x30];
	v49 =	vor.u32 v11, v46;
	v46 =	vxor.u32 v3, v46  }
0x219: {  	v50 =	vld [tilespmem:s26+$0x2030];
	v46 =	vor.u32 v12, v46;
	_ =	sdelay $0x3  }
0x21a: {  	[tilespmem:v49+s22+$0x0] =	vst.idx.msk $0xffff, v47  }
0x21b: {  	[tilespmem:v46+s22+$0x0] =	vst.idx.msk $0xffff, v50  }
0x21c: {  	v47 =	vor.u32 v13, v48;
	v46 =	vld [tilespmem:s26+$0x40]  }
0x21d: {  	v49 =	vor.u32 v14, v51;
	v48 =	vld [tilespmem:s26+$0x2040];
	_ =	sdelay $0x3  }
0x21e: {  	[tilespmem:v47+s22+$0x0] =	vst.idx.msk $0xffff, v46;
	v46 =	vadd.s32 s3, v15  }
0x21f: {  	[tilespmem:v49+s22+$0x0] =	vst.idx.msk $0xffff, v48;
	v46 =	vand.u32 $0x3F, v46  }
0x220: {  	v47 =	vld [tilespmem:s26+$0x50];
	v48 =	vor.u32 v16, v46;
	v46 =	vxor.u32 v3, v46  }
0x221: {  	v49 =	vld [tilespmem:s26+$0x2050];
	v46 =	vor.u32 v17, v46;
	_ =	sdelay $0x3  }
0x222: {  	[tilespmem:v48+s22+$0x0] =	vst.idx.msk $0xffff, v47;
	v47 =	vadd.s32 s3, v18  }
0x223: {  	[tilespmem:v46+s22+$0x0] =	vst.idx.msk $0xffff, v49;
	v46 =	vand.u32 $0x3F, v47  }
0x224: {  	v47 =	vld [tilespmem:s26+$0x60];
	v48 =	vor.u32 v19, v46;
	v46 =	vxor.u32 v3, v46  }
0x225: {  	v49 =	vld [tilespmem:s26+$0x2060];
	v46 =	vor.u32 v20, v46;
	_ =	sdelay $0x3  }
0x226: {  	[tilespmem:v48+s22+$0x0] =	vst.idx.msk $0xffff, v47;
	v47 =	vadd.s32 s3, v21;
	s3 =	smov.u32 s29  }
0x227: {  	[tilespmem:v46+s22+$0x0] =	vst.idx.msk $0xffff, v49;
	v46 =	vand.u32 $0x3F, v47  }
0x228: {  	v48 =	vld [tilespmem:s26+$0x70];
	v49 =	vor.u32 v22, v46;
	v47 =	vxor.u32 v3, v46  }
.Ltmp6:
0x229: {  	v46 =	vld [tilespmem:s26+$0x2070];
	v47 =	vor.u32 v23, v47;
	(pc) =	sbr.rel @p2 .LBB2_9-.Ltmp6, $3  }
0x22a: {  	_ =	sdelay $0x1  }
0x22b: {  	s13 =	sadd.s32 $0x80, s13;
	s14 =	sadd.s32 $0x100, s14  }
0x22c: {  	s29 =	sand.u32 $0x380, s13;
	s26 =	sand.u32 $0x1800, s14;
	[tilespmem:v49+s22+$0x0] =	vst.idx.msk $0xffff, v48  }
0x22d: {  	_ =	sdelay $0x3  }
0x22e: {  	s13 =	sor.u32 s29, s26;
	v48 =	vadd.s32 s3, v0;
	[tilespmem:v47+s22+$0x0] =	vst.idx.msk $0xffff, v46  }
0x22f: {  	v62 =	vadd.s32 s3, v1;
	v46 =	vld [tilespmem:s13+$0x0];
	v49 =	vxor.u32 v3, v48  }
0x230: {  	v50 =	vld [tilespmem:s13+$0x2000];
	v49 =	vor.u32 v2, v49;
	_ =	sdelay $0x3  }
0x231: {  	[tilespmem:v62+s22+$0x0] =	vst.idx.msk $0xffff, v46  }
0x232: {  	v63 =	vadd.s32 s3, v4;
	[tilespmem:v49+s22+$0x0] =	vst.idx.msk $0xffff, v50  }
0x233: {  	v52 =	vadd.s32 s3, v5;
	v46 =	vxor.u32 v3, v63;
	v47 =	vld [tilespmem:s13+$0x10]  }
0x234: {  	v46 =	vor.u32 v6, v46;
	v50 =	vld [tilespmem:s13+$0x2010];
	_ =	sdelay $0x3  }
0x235: {  	v53 =	vadd.s32 s3, v7;
	[tilespmem:v52+s22+$0x0] =	vst.idx.msk $0xffff, v47  }
0x236: {  	v54 =	vand.u32 $0x3F, v53;
	[tilespmem:v46+s22+$0x0] =	vst.idx.msk $0xffff, v50  }
0x237: {  	v56 =	vor.u32 v8, v54;
	v46 =	vxor.u32 v3, v54;
	v55 =	vld [tilespmem:s13+$0x20]  }
0x238: {  	v50 =	vld [tilespmem:s13+$0x2020];
	v46 =	vor.u32 v9, v46;
	_ =	sdelay $0x3  }
0x239: {  	v57 =	vadd.s32 s3, v10;
	[tilespmem:v56+s22+$0x0] =	vst.idx.msk $0xffff, v55  }
0x23a: {  	v58 =	vand.u32 $0x3F, v57;
	[tilespmem:v46+s22+$0x0] =	vst.idx.msk $0xffff, v50  }
0x23b: {  	v60 =	vor.u32 v11, v58;
	v46 =	vxor.u32 v3, v58;
	v59 =	vld [tilespmem:s13+$0x30]  }
0x23c: {  	v50 =	vld [tilespmem:s13+$0x2030];
	v46 =	vor.u32 v12, v46;
	_ =	sdelay $0x3  }
0x23d: {  	[tilespmem:v60+s22+$0x0] =	vst.idx.msk $0xffff, v59  }
0x23e: {  	v61 =	vand.u32 $0x3F, v48;
	[tilespmem:v46+s22+$0x0] =	vst.idx.msk $0xffff, v50  }
0x23f: {  	v62 =	vxor.u32 v3, v61;
	v47 =	vor.u32 v13, v61;
	v63 =	vld [tilespmem:s13+$0x40]  }
0x240: {  	v46 =	vor.u32 v14, v62;
	v49 =	vld [tilespmem:s13+$0x2040];
	_ =	sdelay $0x3  }
0x241: {  	v52 =	vadd.s32 s3, v15;
	[tilespmem:v47+s22+$0x0] =	vst.idx.msk $0xffff, v63  }
0x242: {  	v53 =	vand.u32 $0x3F, v52;
	[tilespmem:v46+s22+$0x0] =	vst.idx.msk $0xffff, v49  }
0x243: {  	v55 =	vor.u32 v16, v53;
	v46 =	vxor.u32 v3, v53;
	v54 =	vld [tilespmem:s13+$0x50]  }
0x244: {  	v49 =	vld [tilespmem:s13+$0x2050];
	v46 =	vor.u32 v17, v46;
	_ =	sdelay $0x3  }
0x245: {  	v56 =	vadd.s32 s3, v18;
	[tilespmem:v55+s22+$0x0] =	vst.idx.msk $0xffff, v54  }
0x246: {  	v57 =	vand.u32 $0x3F, v56;
	[tilespmem:v46+s22+$0x0] =	vst.idx.msk $0xffff, v49  }
0x247: {  	v59 =	vor.u32 v19, v57;
	v46 =	vxor.u32 v3, v57;
	v58 =	vld [tilespmem:s13+$0x60]  }
0x248: {  	v49 =	vld [tilespmem:s13+$0x2060];
	v46 =	vor.u32 v20, v46;
	_ =	sdelay $0x3  }
0x249: {  	v60 =	vadd.s32 s3, v21;
	[tilespmem:v59+s22+$0x0] =	vst.idx.msk $0xffff, v58  }
0x24a: {  	v61 =	vand.u32 $0x3F, v60;
	[tilespmem:v46+s22+$0x0] =	vst.idx.msk $0xffff, v49  }
0x24b: {  	v63 =	vor.u32 v22, v61;
	v46 =	vxor.u32 v3, v61;
	v62 =	vld [tilespmem:s13+$0x70]  }
0x24c: {  	v49 =	vld [tilespmem:s13+$0x2070];
	v46 =	vor.u32 v23, v46;
	_ =	sdelay $0x3  }
0x24d: {  	[tilespmem:v63+s22+$0x0] =	vst.idx.msk $0xffff, v62  }
0x24e: {  	s14 =	rddreg [dreg:$0x4];
	s3 =	simm.s32 @p1 $0x0;
	s13 =	simm.s32 @p1 $0x8000;
	[tilespmem:v46+s22+$0x0] =	vst.idx.msk $0xffff, v49  }
0x24f: {  	[hbm4b:s14+s3] =	stream.linear.scatter @p1 [tilespmem:s13], [sflag:$0x3], $0x2000, $0x38;
	[tilespmem:$0x10000] =	vst v63  }
0x250: {  	s3 =	simm.s32 @p1 $0x3  }
0x251: {  	_ =	swait.ge @p1 [sflag:s3], $0x2000  }
0x252: {  	s13 =	simm.s32 @!p1 $0x8000;
	[sflag:s3] =	ssyncset.done @p1 $0x0  }
0x253: {  	s14 =	rddreg [dreg:$0x5];
	[sflag:s3] =	ssyncadd.s32 @p1 $0xFFFFE000;
	s3 =	simm.s32 @!p1 $0x0  }
0x254: {  	[hbm4b:s14+s3] =	stream.linear.scatter @!p1 [tilespmem:s13], [sflag:$0x3], $0x1000, $0x38;
	[tilespmem:$0x10000] =	vst v63  }
.Ltmp7:
0x255: {  	_ = 	snop;
	(pc) =	sbr.rel .LBB2_11-.Ltmp7, $4  }
0x256: {  	s3 =	simm.s32 @!p1 $0x3  }
0x257: {  	_ =	swait.ge @!p1 [sflag:s3], $0x1000  }
0x258: {  	[sflag:s3] =	ssyncset.done @!p1 $0x0  }
0x259: {  	[sflag:s3] =	ssyncadd.s32 @!p1 $0xFFFFF000  }
.LBB2_12:
0x25a: {  	_ =	sfence.sel $0x180000  }
0x25b: {  	[bflag:$0x0] =	sbarrier.arrive $0xFFFF  }
0x25c: {  	_ =	strace $0x90000047  }
0x25d: {  	s0 =	stileid.u32;
	[bflag:$0x2] =	sbarrier.arrive $0xFFFF  }
0x25e: {  	p0 =	sne.s32 s0, $0x0;
	s0 =	rddreg [dreg:$0x3]  }
0x25f: {  	s0 =	sadd.s32 @!p0 $0x100000, s0  }
0x260: {  	[sflag:s0] =	ssyncadd.tile.s32 @!p0 $0x1;
	_ =	shalt  }
.Lfunc_end2:
_tile_overlayer_lowered:
.L_overlay_start_2:
0x261: {  	(tag) =	ssettag $0x2  }
0x262: {  	s0 =	rddreg [dreg:$0x0];
	s2 =	stileid.u32  }
0x263: {  	s1 =	rddreg [dreg:$0x1];
	p0 =	sne.s32 s2, $0x0  }
0x264: {  	s3 =	rddreg [dreg:$0x2];
	[bflag:$0x3] =	sbarrier.arrive $0xFFFF;
	s2 =	simm.s32 @!p0 $0x1C03  }
0x265: {  	[timem:s3], [sflag:s2] =	dma.local @!p0 [hbm:s0], s1  }
0x266: {  	s0 =	simm.s32 @!p0 $0x3  }
0x267: {  	_ =	swait.ge @!p0 [sflag:s0], s1  }
0x268: {  	s1 =	ssub.s32 @!p0 $0x0, s1;
	[sflag:s0] =	ssyncset.done @!p0 $0x0  }
0x269: {  	[sflag:s0] =	ssyncadd.s32 @!p0 s1  }
0x26a: {  	[bflag:$0x3] =	sbarrier.arrive $0xFFFF  }
0x26b: {  	_ =	shalt  }

// kernel: kernel.7.cloned.1.call-start
scs
__scs_entry_jumppad:
0x0: {  	(pc) =	sbr.rel $0x88, $3  }
0x1: {  	(tag) =	ssettag $0x0;
	lr =	simm.s32 $0x1  }
0x2: {  	[smem:$0x3F9E] =	sst lr;
	_ =	strace $0xD0000000  }
0x3: {  	_ = 	snop  }
0x4: {  	_ = 	snop  }
0x5: {  	_ = 	snop  }
0x6: {  	_ = 	snop  }
0x7: {  	_ = 	snop  }
__scs_overlays_trampoline_lowered:
0x8: {  	[smem:$0x3FAD] =	sst s0  }
0x9: {  	[smem:$0x3FAE] =	sst s1  }
0xa: {  	[smem:$0x3FAF] =	sst s2  }
0xb: {  	[smem:$0x3FB0] =	sst s3  }
0xc: {  	[smem:$0x3FB1] =	sst s4  }
0xd: {  	[smem:$0x3FB2] =	sst s5  }
0xe: {  	[smem:$0x3FB3] =	sst s6  }
0xf: {  	[smem:$0x3FB4] =	sst s7  }
0x10: {  	[smem:$0x3FB5] =	sst s8  }
0x11: {  	[smem:$0x3FB6] =	sst s9;
	s0 =	simm.s32 @!p0 $0x0  }
0x12: {  	s1 =	sld [smem:$0x3F9C];
	s0 =	simm.s32 @p0 $0x1  }
0x13: {  	[smem:$0x3FB7] =	sst s0;
	s0 =	simm.s32 @!p1 $0x0  }
0x14: {  	s2 =	sld [smem:$0x3F9B];
	s0 =	simm.s32 @p1 $0x1  }
0x15: {  	[smem:$0x3FB8] =	sst s0;
	s0 =	simm.s32 @!p2 $0x0  }
0x16: {  	s3 =	sld [smem:$0x3FDB];
	s0 =	simm.s32 @p2 $0x1  }
0x17: {  	s4 =	simm.s32 $0x1BF5;
	[smem:$0x3FBA] =	sst s0  }
0x18: {  	s0 =	sld [smem:$0x3F9D];
	_ =	swait.ge [sflag:s4], $0x0  }
0x19: {  	s7 =	sld [smem:$0x3F9E]  }
0x1a: {  	s8 =	sadd.s32 $0xFFFFE003, lr  }
0x1b: {  	s9 =	sadd.s32 $0xFFFFFEF7, lr;
	s5 =	simm.s32 $0xFFFFFFFF;
	p2 =	slt.u32 s8, $0xFFFFF086  }
0x1c: {  	p1 =	slt.u32 s9, $0xF7A;
	s5 =	simm.s32 @!p2 $0x0  }
0x1d: {  	s5 =	simm.s32 @p1 $0x1;
	p0 =	seq.s32 s7, s2  }
0x1e: {  	s7 =	smul.u32 @!p0 $0xF7A, s2;
	p2 =	seq.s32 @!p0 s5, $0x0  }
0x1f: {  	s9 =	smul.u32 $0xF7A, s1;
	s8 =	simm.s32 @!p0 $0x1BF5;
	p2 =	por !p2, p0  }
0x20: {  	[sflag:s8] =	ssyncset.s32 @!p0 $0xFFFFF086;
	s6 =	sadd.s32 @!p0 s3, s7;
	s7 =	simm.s32 @!p0 $0x108  }
0x21: {  	s3 =	sadd.s32 s3, s9;
	s6 =	sadd.s32 @!p0 $0x88, s6;
	s7 =	simm.s32 @p2 $0x1082  }
0x22: {  	[simem:s7], [sflag:s8] =	dma.local @!p0 [hbm:s6], $0xF7A  }
0x23: {  	s9 =	sor.u32 $0xD0000000, s2;
	s6 =	simm.s32 $0x108;
	_ =	swait.ge @!p0 [sflag:s8], $0x0  }
0x24: {  	s3 =	sadd.s32 $0x88, s3;
	s6 =	simm.s32 @!p1 $0x1082;
	[sflag:s4] =	ssyncset.s32 $0xFFFFF086  }
0x25: {  	[simem:s6], [sflag:s4] =	dma.local [hbm:s3], $0xF7A  }
0x26: {  	[smem:$0x3F9E] =	sst s1;
	(tag) =	ssettag s2;
	_ =	strace s9  }
0x27: {  	s1 =	sld [smem:$0x3FAE]  }
0x28: {  	s2 =	sld [smem:$0x3FAF]  }
0x29: {  	s4 =	sld [smem:$0x3FB1]  }
0x2a: {  	p0 =	seq.s32 s5, $0x0;
	s5 =	sld [smem:$0x3FB2]  }
0x2b: {  	s6 =	sld [smem:$0x3FB3]  }
0x2c: {  	s7 =	sld [smem:$0x3FB4]  }
0x2d: {  	s3 =	simm.s32 $0x108;
	s8 =	sld [smem:$0x3FB5]  }
0x2e: {  	s3 =	simm.s32 @!p0 $0x1082;
	s9 =	sld [smem:$0x3FB6]  }
0x2f: {  	lr =	sadd.s32 s0, s3;
	s0 =	sld [smem:$0x3FAD]  }
0x30: {  	s3 =	sld [smem:$0x3FB0]  }
0x31: {  	[smem:$0x3FB9] =	sst s10  }
0x32: {  	s10 =	sld [smem:$0x3FB7];
	_ =	sdelay $0x3  }
0x33: {  	p0 =	seq.s32 s10, $0x1;
	s10 =	sld [smem:$0x3FB9];
	_ =	sdelay $0x3  }
0x34: {  	[smem:$0x3FB9] =	sst s10  }
0x35: {  	s10 =	sld [smem:$0x3FB8];
	_ =	sdelay $0x3  }
0x36: {  	p1 =	seq.s32 s10, $0x1;
	s10 =	sld [smem:$0x3FB9];
	_ =	sdelay $0x3  }
0x37: {  	[smem:$0x3FB9] =	sst s10  }
0x38: {  	s10 =	sld [smem:$0x3FBA]  }
0x39: {  	_ = 	snop;
	(pc) =	sbr.ind lr, $3  }
0x3a: {  	_ = 	snop  }
0x3b: {  	_ = 	snop  }
0x3c: {  	p2 =	seq.s32 s10, $0x1;
	s10 =	sld [smem:$0x3FB9]  }
0x3d: {  	_ =	shalt  }
0x3e: {  	_ =	shalt  }
0x3f: {  	_ =	shalt  }
0x40: {  	_ =	shalt  }
0x41: {  	_ =	shalt  }
0x42: {  	_ =	shalt  }
0x43: {  	_ =	shalt  }
0x44: {  	_ =	shalt  }
0x45: {  	_ =	shalt  }
0x46: {  	_ =	shalt  }
0x47: {  	_ =	shalt  }
0x48: {  	_ =	shalt  }
0x49: {  	_ =	shalt  }
0x4a: {  	_ =	shalt  }
0x4b: {  	_ =	shalt  }
0x4c: {  	_ =	shalt  }
0x4d: {  	_ =	shalt  }
0x4e: {  	_ =	shalt  }
0x4f: {  	_ =	shalt  }
0x50: {  	_ =	shalt  }
0x51: {  	_ =	shalt  }
0x52: {  	_ =	shalt  }
0x53: {  	_ =	shalt  }
0x54: {  	_ =	shalt  }
0x55: {  	_ =	shalt  }
0x56: {  	_ =	shalt  }
0x57: {  	_ =	shalt  }
0x58: {  	_ =	shalt  }
0x59: {  	_ =	shalt  }
0x5a: {  	_ =	shalt  }
0x5b: {  	_ =	shalt  }
0x5c: {  	_ =	shalt  }
0x5d: {  	_ =	shalt  }
0x5e: {  	_ =	shalt  }
0x5f: {  	_ =	shalt  }
0x60: {  	_ =	shalt  }
0x61: {  	_ =	shalt  }
0x62: {  	_ =	shalt  }
0x63: {  	_ =	shalt  }
0x64: {  	_ =	shalt  }
0x65: {  	_ =	shalt  }
0x66: {  	_ =	shalt  }
0x67: {  	_ =	shalt  }
0x68: {  	_ =	shalt  }
0x69: {  	_ =	shalt  }
0x6a: {  	_ =	shalt  }
0x6b: {  	_ =	shalt  }
0x6c: {  	_ =	shalt  }
0x6d: {  	_ =	shalt  }
0x6e: {  	_ =	shalt  }
0x6f: {  	_ =	shalt  }
0x70: {  	_ =	shalt  }
0x71: {  	_ =	shalt  }
0x72: {  	_ =	shalt  }
0x73: {  	_ =	shalt  }
0x74: {  	_ =	shalt  }
0x75: {  	_ =	shalt  }
0x76: {  	_ =	shalt  }
0x77: {  	_ =	shalt  }
0x78: {  	_ =	shalt  }
0x79: {  	_ =	shalt  }
0x7a: {  	_ =	shalt  }
0x7b: {  	_ =	shalt  }
0x7c: {  	_ =	shalt  }
0x7d: {  	_ =	shalt  }
0x7e: {  	_ =	shalt  }
0x7f: {  	_ =	shalt  }
0x80: {  	_ =	shalt  }
0x81: {  	_ =	shalt  }
0x82: {  	_ =	shalt  }
0x83: {  	_ =	shalt  }
0x84: {  	_ =	shalt  }
0x85: {  	_ =	shalt  }
0x86: {  	_ =	shalt  }
0x87: {  	_ =	shalt  }
.Lfunc_end0:
.L_simem_size_0:
called_computation.1_lowered:
.L_overlay_start_0:
0x88: {  	s2 =	sld [smem:$0x3FD9]  }
0x89: {  	s3 =	sld [smem:$0x3FFE];
	_ =	sdelay $0x1  }
0x8a: {  	s1 =	srdreg.scid  }
0x8b: {  	s0 =	sand.u32 $0x1, s1  }
0x8c: {  	s17 =	sshll.u32 s0, $0xA;
	s2 =	sadd.s32 s3, s2  }
0x8d: {  	s2 =	sadd.s32 s2, s17  }
0x8e: {  	[smem:$0x3FC5] =	sst s2  }
0x8f: {  	_ = 	snop  }
0x90: {  	s2 =	sld [smem:$0x3FD0];
	(tm) =	ssettm $0x1  }
0x91: {  	s18 =	sld [smem:$0x3FFB];
	_ =	sdelay $0x3  }
0x92: {  	_ =	strace s18  }
0x93: {  	s3 =	sld [smem:$0x3FFC];
	_ =	sdelay $0x3  }
0x94: {  	_ =	strace s3  }
0x95: {  	s3 =	sld [smem:$0x3FFD];
	_ =	sdelay $0x3  }
0x96: {  	_ =	strace s3  }
0x97: {  	_ =	strace $0x8FFFFFFF  }
0x98: {  	s19 =	sld [smem:$0x3FDB];
	_ =	sdelay $0x1  }
0x99: {  	s4 =	simm.s32 $_scs_section_size  }
0x9a: {  	s5 =	simm.s32 $_size__tile_overlayer_lowered;
	s6 =	simm.s32 $_tile_overlayer_lowered  }
0x9b: {  	s22 =	simm.s32 $0x1BFF;
	s21 =	sshll.u32 s6, $0x1;
	s3 =	sadd.s32 s4, s19  }
0x9c: {  	s7 =	simm.s32 $0x0;
	s20 =	sshll.u32 s5, $0x1;
	s5 =	sadd.s32 s21, s3  }
0x9d: {  	[timem:s7], [sflag:s22] =	dma.local [hbm:s5], s20  }
0x9e: {  	_ =	swait.ge [sflag:s22], s20  }
0x9f: {  	s4 =	ssub.s32 $0x0, s20;
	[sflag:s22] =	ssyncset.done $0x0  }
0xa0: {  	[sflag:s22] =	ssyncadd.s32 s4;
	_ =	sdelay $0x1  }
0xa1: {  	s23 =	simm.s32 $0x1B8B  }
0xa2: {  	_ =	swait.ge [sflag:s23], $0x1  }
0xa3: {  	[sflag:s23] =	ssyncset.done $0x0  }
0xa4: {  	s25 =	simm.s32 $0x1B8E;
	s24 =	sld [smem:$0x3FFE];
	[sflag:s23] =	ssyncadd.s32 $0xFFFFFFFF  }
0xa5: {  	s26 =	simm.s32 $execute0_lowered;
	[smem:$0x3FD2] =	sst s25  }
0xa6: {  	s5 =	sshll.u32 s26, $0x1;
	_ =	strace $0x80000049;
	[dreg:$0x1] =	wrdreg $0xFFFFFFFF  }
0xa7: {  	s28 =	simm.s32 $_size_execute0_lowered;
	s3 =	sadd.s32 s3, s5;
	[dreg:$0x0] =	wrdreg $0x0  }
0xa8: {  	s5 =	sshll.u32 s28, $0x1;
	[dreg:$0x2] =	wrdreg s3  }
0xa9: {  	[dreg:$0x3] =	wrdreg s5  }
0xaa: {  	[dreg:$0x4] =	wrdreg $0xC0  }
0xab: {  	_ =	task [dreg:s7], $0x5FFFF  }
0xac: {  	[dreg:$0x1] =	wrdreg $0xFFFFFFFF  }
0xad: {  	[dreg:$0x0] =	wrdreg $0x60  }
0xae: {  	[dreg:$0x2] =	wrdreg s2  }
0xaf: {  	[dreg:$0x3] =	wrdreg s24  }
0xb0: {  	[dreg:$0x4] =	wrdreg $0x9  }
0xb1: {  	_ =	task.clear_ibuf [dreg:s7], $0x5FFFF;
	_ =	strace $0x90000049  }
0xb2: {  	s29 =	simm.s32 $0x9;
	_ =	strace $0x8000004B  }
0xb3: {  	_ =	swait.ge [sflag:s29], $0x1  }
0xb4: {  	[sflag:s29] =	ssyncadd.s32 $0xFFFFFFFF  }
0xb5: {  	_ =	strace $0x9000004B  }
0xb6: {  	_ =	sfence  }
0xb7: {  	s30 =	sld [smem:$0x0];
	_ =	sdelay $0x2  }
0xb8: {  	s31 =	sshll.u32 s1, $0xD;
	s1 =	sshrl.u32 s1, $0x2  }
0xb9: {  	s3 =	sand.u32 $0x4000, s31;
	s1 =	sadd.s32 s1, s30  }
0xba: {  	s0 =	sor.u32 s3, s0;
	s1 =	sshll.u32 s1, $0x11  }
0xbb: {  	s0 =	sor.u32 s1, s0  }
0xbc: {  	s0 =	sadd.s32 $0x8F2B, s0  }
0xbd: {  	[sflag:s0] =	ssyncadd.remote.s32 $0x1  }
0xbe: {  	_ =	sfence.sel $0xFFFF  }
0xbf: {  	[dreg:$0x0] =	wrdreg $0xFFFFFFFF;
	(pc) =	sbr.abs _section_cstart, $3  }
0xc0: {  	[dreg:$0x1] =	wrdreg $0xFFFFFFFF  }
0xc1: {  	_ =	task.clear_ibuf [dreg:s7], $0x2FFFF;
	_ =	strace $0x9FFFFFFF  }
0xc2: {  	(tm) =	ssettm $0x7FFFFFFF  }
0xc3: {  	_ =	shalt  }
tec
execute0_lowered:
.L_overlay_start_1:
0x0: {  	(tag) =	ssettag $0x1  }
0x1: {  	s0 =	srdreg.scid  }
0x2: {  	s1 =	stileid.u32;
	s2 =	rddreg [dreg:$0x0]  }
0x3: {  	s7 =	rddreg [dreg:$0x1];
	s3 =	simm.s32 $0x0;
	s11 =	simm.s32 $0x3  }
0x4: {  	s12 =	simm.s32 $0x80;
	s13 =	simm.s32 $0x100;
	s14 =	simm.s32 $0x2100  }
0x5: {  	s15 =	simm.s32 $0x1;
	s20 =	simm.s32 $0x4900;
	s21 =	simm.s32 $0x5900  }
0x6: {  	s22 =	simm.s32 $0x4D00;
	s23 =	simm.s32 $0x5D00;
	s28 =	simm.s32 $0x6500  }
0x7: {  	s29 =	simm.s32 $0x7500;
	s30 =	simm.s32 $0x6900;
	s31 =	simm.s32 $0x7900  }
0x8: {  	s0 =	sand.u32 $0x1, s0;
	s1 =	sshll.u32 s1, $0x1;
	[smem:$0x7FF] =	sst s3  }
0x9: {  	s4 =	sadd.s32 $0xE00, s7;
	s5 =	sadd.s32 $0x7A2200, s7;
	s1 =	sor.u32 s0, s1  }
0xa: {  	v0 =	vlaneseq.u32;
	s7 =	sadd.s32 $0x86A200, s7;
	s0 =	ssub.s32 $0x2, s0;
	s6 =	smul.u32 $0x1900, s1  }
0xb: {  	v0 =	vmul.u32 $0x40, v0;
	_ =	strace $0x8000004A;
	s8 =	smul.u32 $0x900, s1;
	s25 =	sshrl.u32 s0, $0x1  }
0xc: {  	s0 =	ssub.s32 s0, s25;
	s25 =	simm.s32 $0x6100;
	s9 =	sand.u32 $0x3F000, s6  }
0xd: {  	v1 =	vor.u32 $0x20, v0;
	v2 =	vor.u32 $0x400, v0;
	v3 =	vor.u32 $0x420, v0;
	s8 =	sand.u32 $0xF00, s8;
	s6 =	smul.u32 $0x32, s1;
	s0 =	smax.u32 s0, $0x1  }
0xe: {  	v4 =	vor.u32 $0x800, v0;
	v5 =	vor.u32 $0x820, v0;
	v6 =	vor.u32 $0xC00, v0;
	s24 =	sor.u32 s8, s9;
	[dreg:$0x5] =	wrdreg s0;
	s0 =	simm.s32 $0x7D00  }
0xf: {  	v7 =	vor.u32 $0xC20, v0;
	v8 =	vor.u32 $0x1000, v0;
	v9 =	vor.u32 $0x1020, v0;
	s9 =	simm.s32 $0x0;
	s1 =	sshrl.u32 s24, $0x3;
	s26 =	sadd.s32 $0x2, s6  }
0x10: {  	v10 =	vor.u32 $0x1400, v0;
	v11 =	vor.u32 $0x1420, v0;
	v12 =	vor.u32 $0x1800, v0;
	s24 =	simm.s32 $0x2;
	s1 =	sadd.s32 s2, s1;
	[dreg:$0x4] =	wrdreg s26  }
0x11: {  	v13 =	vor.u32 $0x1820, v0;
	v14 =	vor.u32 $0x1C00, v0;
	v15 =	vor.u32 $0x1C20, v0;
	s26 =	simm.s32 $0x7100;
	[dreg:$0x3] =	wrdreg s1;
	s1 =	simm.s32 $0x6D00  }
.LBB2_1:
0x12: {  	[dreg:$0x6] =	wrdreg s9  }
0x13: {  	s8 =	rddreg [dreg:$0x3]  }
0x14: {  	[tilespmem:s3], [sflag:$0x3] =	stream.linear.gather [hbm4b:s8+s3], $0x80, $0x38;
	[tilespmem:$0x8100] =	vst v63  }
0x15: {  	_ =	swait.ge [sflag:s11], $0x80  }
0x16: {  	[sflag:s11] =	ssyncset.done $0x0  }
0x17: {  	s10 =	simm.s32 $0x0;
	[sflag:s11] =	ssyncadd.s32 $0xFFFFFF80  }
0x18: {  	[tilespmem:s13], [sflag:$0x1] =	stream.indirect.gather [hbm4b:s4+s12], $0x40, s3, s12, $0xb8;
	[tilespmem:$0x8100] =	vst v63  }
.LBB2_2:
0x19: {  	s9 =	sshll.u32 s10, $0x1  }
0x1a: {  	s8 =	sadd.s32 s9, s6  }
0x1b: {  	s8 =	sadd.s32 $0x1, s8  }
0x1c: {  	s16 =	sshll.u32 s8, $0x4  }
0x1d: {  	s16 =	sand.u32 $0xFFFFFF0, s16  }
0x1e: {  	s16 =	sadd.s32 s2, s16  }
0x1f: {  	[tilespmem:s12], [sflag:$0x3] =	stream.linear.gather [hbm4b:s16+s3], $0x80, $0x38;
	[tilespmem:$0x8100] =	vst v63  }
0x20: {  	_ =	swait.ge [sflag:s11], $0x80  }
0x21: {  	[sflag:s11] =	ssyncset.done $0x0  }
0x22: {  	[sflag:s11] =	ssyncadd.s32 $0xFFFFFF80  }
0x23: {  	[tilespmem:s14], [sflag:$0x1] =	stream.indirect.gather [hbm4b:s4+s12], $0x40, s12, s12, $0xb8;
	[tilespmem:$0x8100] =	vst v63  }
0x24: {  	_ =	swait.ge [sflag:s15], $0x2000  }
0x25: {  	p0 =	seq.s32 s10, $0x0;
	[sflag:s15] =	ssyncset.done $0x0  }
0x26: {  	s16 =	simm.s32 @!p0 $0x2;
	[sflag:s15] =	ssyncadd.s32 $0xFFFFE000  }
0x27: {  	_ =	swait.ge @!p0 [sflag:s16], $0x400  }
0x28: {  	[sflag:s16] =	ssyncset.done @!p0 $0x0  }
0x29: {  	[sflag:s16] =	ssyncadd.s32 @!p0 $0xFFFFFC00  }
0x2a: {  	_ =	swait.ge @!p0 [sflag:s16], $0x400  }
0x2b: {  	[sflag:s16] =	ssyncset.done @!p0 $0x0  }
0x2c: {  	[sflag:s16] =	ssyncadd.s32 @!p0 $0xFFFFFC00  }
0x2d: {  	_ =	swait.ge @!p0 [sflag:s16], $0x400  }
0x2e: {  	[sflag:s16] =	ssyncset.done @!p0 $0x0  }
0x2f: {  	[sflag:s16] =	ssyncadd.s32 @!p0 $0xFFFFFC00  }
0x30: {  	_ =	swait.ge @!p0 [sflag:s16], $0x400  }
0x31: {  	[sflag:s16] =	ssyncset.done @!p0 $0x0  }
0x32: {  	[sflag:s16] =	ssyncadd.s32 @!p0 $0xFFFFFC00  }
0x33: {  	_ =	swait.ge @!p0 [sflag:s16], $0x400  }
0x34: {  	[sflag:s16] =	ssyncset.done @!p0 $0x0  }
0x35: {  	[sflag:s16] =	ssyncadd.s32 @!p0 $0xFFFFFC00  }
0x36: {  	_ =	swait.ge @!p0 [sflag:s16], $0x400  }
0x37: {  	[sflag:s16] =	ssyncset.done @!p0 $0x0  }
0x38: {  	[sflag:s16] =	ssyncadd.s32 @!p0 $0xFFFFFC00  }
0x39: {  	_ =	swait.ge @!p0 [sflag:s16], $0x400  }
0x3a: {  	[sflag:s16] =	ssyncset.done @!p0 $0x0  }
0x3b: {  	[sflag:s16] =	ssyncadd.s32 @!p0 $0xFFFFFC00  }
0x3c: {  	_ =	swait.ge @!p0 [sflag:s16], $0x400  }
0x3d: {  	[sflag:s16] =	ssyncset.done @!p0 $0x0  }
0x3e: {  	[sflag:s16] =	ssyncadd.s32 @!p0 $0xFFFFFC00  }
0x3f: {  	v22 =	vld [tilespmem:$0x0];
	_ =	sdelay $0x3  }
0x40: {  	s18 =	simm.s32 $0x0  }
0x41: {  	v16 =	vadd.s32 s18, v22  }
0x42: {  	v17 =	vand.u32 $0x3F, v16;
	v18 =	vand.u32 $0x38, v16  }
0x43: {  	v23 =	vld [tilespmem:$0x10];
	v16 =	vand.u32 $0x7, v16;
	v17 =	vor.u32 v0, v17;
	v18 =	vxor.u32 v1, v18  }
0x44: {  	v16 =	vor.u32 v16, v18;
	_ =	sdelay $0x1  }
0x45: {  	v21 =	vld [tilespmem:$0x20]  }
0x46: {  	v20 =	vld [tilespmem:$0x30]  }
0x47: {  	v24 =	vld.idx.msk [tilespmem:v17+s13+$0x0], $0xffff;
	v17 =	vadd.s32 s18, v23  }
0x48: {  	v25 =	vld.idx.msk [tilespmem:v16+s13+$0x0], $0xffff;
	v16 =	vand.u32 $0x3F, v17;
	v26 =	vand.u32 $0x38, v17  }
0x49: {  	v19 =	vld [tilespmem:$0x40];
	v27 =	vor.u32 v2, v16;
	v16 =	vand.u32 $0x7, v17;
	v26 =	vxor.u32 v3, v26  }
0x4a: {  	v18 =	vld [tilespmem:$0x50];
	v26 =	vor.u32 v16, v26  }
0x4b: {  	s16 =	simm.s32 $0x4140;
	v17 =	vld [tilespmem:$0x60]  }
0x4c: {  	s17 =	simm.s32 $0x5140;
	v16 =	vld [tilespmem:$0x70];
	[tilespmem:s16+$0xFFFFFFC0] =	vst v24  }
0x4d: {  	[tilespmem:s17+$0xFFFFFFC0] =	vst v25  }
0x4e: {  	v25 =	vadd.s32 s18, v21;
	v24 =	vld.idx.msk [tilespmem:v27+s13+$0x0], $0xffff  }
0x4f: {  	v27 =	vand.u32 $0x3F, v25;
	v28 =	vand.u32 $0x38, v25;
	v26 =	vld.idx.msk [tilespmem:v26+s13+$0x0], $0xffff  }
0x50: {  	v25 =	vand.u32 $0x7, v25;
	v27 =	vor.u32 v4, v27;
	v28 =	vxor.u32 v5, v28  }
0x51: {  	v25 =	vor.u32 v25, v28;
	_ =	sdelay $0x1  }
0x52: {  	[tilespmem:s16+$0xFFFFFFD0] =	vst v24  }
0x53: {  	[tilespmem:s17+$0xFFFFFFD0] =	vst v26  }
0x54: {  	v26 =	vadd.s32 s18, v20;
	v24 =	vld.idx.msk [tilespmem:v27+s13+$0x0], $0xffff  }
0x55: {  	v25 =	vld.idx.msk [tilespmem:v25+s13+$0x0], $0xffff;
	v27 =	vand.u32 $0x3F, v26;
	v58 =	vand.u32 $0x38, v26  }
0x56: {  	v26 =	vand.u32 $0x7, v26;
	v27 =	vor.u32 v6, v27;
	v28 =	vxor.u32 v7, v58  }
0x57: {  	v26 =	vor.u32 v26, v28;
	_ =	sdelay $0x1  }
0x58: {  	[tilespmem:s16+$0xFFFFFFE0] =	vst v24  }
0x59: {  	[tilespmem:s17+$0xFFFFFFE0] =	vst v25  }
0x5a: {  	v25 =	vadd.s32 s18, v19;
	v24 =	vld.idx.msk [tilespmem:v27+s13+$0x0], $0xffff  }
0x5b: {  	v26 =	vld.idx.msk [tilespmem:v26+s13+$0x0], $0xffff;
	v27 =	vand.u32 $0x3F, v25;
	v59 =	vand.u32 $0x38, v25  }
0x5c: {  	v25 =	vand.u32 $0x7, v25;
	v27 =	vor.u32 v8, v27;
	v28 =	vxor.u32 v9, v59  }
0x5d: {  	v25 =	vor.u32 v25, v28;
	_ =	sdelay $0x1  }
0x5e: {  	[tilespmem:s16+$0xFFFFFFF0] =	vst v24  }
0x5f: {  	[tilespmem:s17+$0xFFFFFFF0] =	vst v26  }
0x60: {  	v26 =	vadd.s32 s18, v18;
	v24 =	vld.idx.msk [tilespmem:v27+s13+$0x0], $0xffff  }
0x61: {  	v25 =	vld.idx.msk [tilespmem:v25+s13+$0x0], $0xffff;
	v27 =	vand.u32 $0x3F, v26;
	v60 =	vand.u32 $0x38, v26  }
0x62: {  	v26 =	vand.u32 $0x7, v26;
	v27 =	vor.u32 v10, v27;
	v28 =	vxor.u32 v11, v60  }
0x63: {  	v26 =	vor.u32 v26, v28;
	_ =	sdelay $0x1  }
0x64: {  	[tilespmem:s16+$0x0] =	vst v24  }
0x65: {  	[tilespmem:s17+$0x0] =	vst v25  }
0x66: {  	v25 =	vadd.s32 s18, v17;
	v24 =	vld.idx.msk [tilespmem:v27+s13+$0x0], $0xffff  }
0x67: {  	v26 =	vld.idx.msk [tilespmem:v26+s13+$0x0], $0xffff;
	v27 =	vand.u32 $0x3F, v25;
	v61 =	vand.u32 $0x38, v25  }
0x68: {  	v25 =	vand.u32 $0x7, v25;
	v27 =	vor.u32 v12, v27;
	v28 =	vxor.u32 v13, v61  }
0x69: {  	v25 =	vor.u32 v25, v28;
	_ =	sdelay $0x1  }
0x6a: {  	[tilespmem:s16+$0x10] =	vst v24  }
0x6b: {  	[tilespmem:s17+$0x10] =	vst v26  }
0x6c: {  	v26 =	vadd.s32 s18, v16;
	v24 =	vld.idx.msk [tilespmem:v27+s13+$0x0], $0xffff  }
0x6d: {  	v25 =	vld.idx.msk [tilespmem:v25+s13+$0x0], $0xffff;
	v27 =	vand.u32 $0x3F, v26  }
0x6e: {  	v27 =	vor.u32 v14, v27;
	_ =	sdelay $0x1  }
0x6f: {  	v62 =	vand.u32 $0x38, v26  }
0x70: {  	v26 =	vand.u32 $0x7, v26;
	v28 =	vxor.u32 v15, v62;
	[tilespmem:s16+$0x20] =	vst v24  }
0x71: {  	v26 =	vor.u32 v26, v28;
	[tilespmem:s17+$0x20] =	vst v25  }
0x72: {  	v24 =	vld.idx.msk [tilespmem:v27+s13+$0x0], $0xffff;
	_ =	sdelay $0x1  }
0x73: {  	s18 =	simm.s32 $0x1  }
0x74: {  	v25 =	vadd.s32 s18, v22  }
0x75: {  	v26 =	vld.idx.msk [tilespmem:v26+s13+$0x0], $0xffff;
	v27 =	vand.u32 $0x3F, v25;
	v63 =	vand.u32 $0x38, v25  }
0x76: {  	v27 =	vor.u32 v0, v27;
	[tilespmem:s16+$0x30] =	vst v24;
	v24 =	vand.u32 $0x7, v25;
	v25 =	vxor.u32 v1, v63  }
0x77: {  	v25 =	vor.u32 v24, v25;
	_ =	sdelay $0x2  }
0x78: {  	[tilespmem:s17+$0x30] =	vst v26  }
0x79: {  	s19 =	simm.s32 $0x2;
	v24 =	vld.idx.msk [tilespmem:v27+s13+$0x0], $0xffff  }
.LBB2_3:
0x7a: {  	p1 =	sne.s32 s19, $0x1F;
	v25 =	vld.idx.msk [tilespmem:v25+s13+$0x0], $0xffff;
	v26 =	vadd.s32 s18, v23  }
0x7b: {  	v27 =	vand.u32 $0x3F, v26;
	v28 =	vand.u32 $0x38, v26  }
0x7c: {  	v26 =	vand.u32 $0x7, v26;
	v27 =	vor.u32 v2, v27;
	v28 =	vxor.u32 v3, v28  }
0x7d: {  	v26 =	vor.u32 v26, v28  }
0x7e: {  	s16 =	sadd.s32 $0x80, s16  }
0x7f: {  	s17 =	sadd.s32 $0x80, s17;
	[tilespmem:s16+$0xFFFFFFC0] =	vst v24  }
0x80: {  	[tilespmem:s17+$0xFFFFFFC0] =	vst v25  }
0x81: {  	v24 =	vld.idx.msk [tilespmem:v27+s13+$0x0], $0xffff  }
0x82: {  	v25 =	vld.idx.msk [tilespmem:v26+s13+$0x0], $0xffff;
	v26 =	vadd.s32 s18, v21  }
0x83: {  	v27 =	vand.u32 $0x3F, v26;
	v28 =	vand.u32 $0x38, v26  }
0x84: {  	v26 =	vand.u32 $0x7, v26;
	v27 =	vor.u32 v4, v27;
	v28 =	vxor.u32 v5, v28  }
0x85: {  	v26 =	vor.u32 v26, v28;
	_ =	sdelay $0x1  }
0x86: {  	[tilespmem:s16+$0xFFFFFFD0] =	vst v24  }
0x87: {  	[tilespmem:s17+$0xFFFFFFD0] =	vst v25  }
0x88: {  	v24 =	vld.idx.msk [tilespmem:v27+s13+$0x0], $0xffff  }
0x89: {  	v25 =	vld.idx.msk [tilespmem:v26+s13+$0x0], $0xffff;
	v26 =	vadd.s32 s18, v20  }
0x8a: {  	v27 =	vand.u32 $0x3F, v26;
	v28 =	vand.u32 $0x38, v26  }
0x8b: {  	v26 =	vand.u32 $0x7, v26;
	v27 =	vor.u32 v6, v27;
	v28 =	vxor.u32 v7, v28  }
0x8c: {  	v26 =	vor.u32 v26, v28;
	_ =	sdelay $0x1  }
0x8d: {  	[tilespmem:s16+$0xFFFFFFE0] =	vst v24  }
0x8e: {  	[tilespmem:s17+$0xFFFFFFE0] =	vst v25  }
0x8f: {  	v24 =	vld.idx.msk [tilespmem:v27+s13+$0x0], $0xffff  }
0x90: {  	v25 =	vld.idx.msk [tilespmem:v26+s13+$0x0], $0xffff;
	v26 =	vadd.s32 s18, v19  }
0x91: {  	v27 =	vand.u32 $0x3F, v26;
	v28 =	vand.u32 $0x38, v26  }
0x92: {  	v26 =	vand.u32 $0x7, v26;
	v27 =	vor.u32 v8, v27;
	v28 =	vxor.u32 v9, v28  }
0x93: {  	v26 =	vor.u32 v26, v28;
	_ =	sdelay $0x1  }
0x94: {  	[tilespmem:s16+$0xFFFFFFF0] =	vst v24  }
0x95: {  	[tilespmem:s17+$0xFFFFFFF0] =	vst v25  }
0x96: {  	v24 =	vld.idx.msk [tilespmem:v27+s13+$0x0], $0xffff  }
0x97: {  	v25 =	vld.idx.msk [tilespmem:v26+s13+$0x0], $0xffff;
	v26 =	vadd.s32 s18, v18  }
0x98: {  	v27 =	vand.u32 $0x3F, v26;
	v28 =	vand.u32 $0x38, v26  }
0x99: {  	v26 =	vand.u32 $0x7, v26;
	v27 =	vor.u32 v10, v27;
	v28 =	vxor.u32 v11, v28  }
0x9a: {  	v26 =	vor.u32 v26, v28;
	_ =	sdelay $0x1  }
0x9b: {  	[tilespmem:s16+$0x0] =	vst v24  }
0x9c: {  	[tilespmem:s17+$0x0] =	vst v25  }
0x9d: {  	v24 =	vld.idx.msk [tilespmem:v27+s13+$0x0], $0xffff  }
0x9e: {  	v25 =	vld.idx.msk [tilespmem:v26+s13+$0x0], $0xffff;
	v26 =	vadd.s32 s18, v17  }
0x9f: {  	v27 =	vand.u32 $0x3F, v26;
	v28 =	vand.u32 $0x38, v26  }
0xa0: {  	v26 =	vand.u32 $0x7, v26;
	v27 =	vor.u32 v12, v27;
	v28 =	vxor.u32 v13, v28  }
0xa1: {  	v26 =	vor.u32 v26, v28;
	_ =	sdelay $0x1  }
0xa2: {  	[tilespmem:s16+$0x10] =	vst v24  }
0xa3: {  	[tilespmem:s17+$0x10] =	vst v25  }
0xa4: {  	v24 =	vld.idx.msk [tilespmem:v27+s13+$0x0], $0xffff  }
0xa5: {  	v25 =	vld.idx.msk [tilespmem:v26+s13+$0x0], $0xffff;
	v26 =	vadd.s32 s18, v16;
	s18 =	smov.u32 s19  }
0xa6: {  	v27 =	vand.u32 $0x3F, v26;
	v28 =	vand.u32 $0x38, v26  }
0xa7: {  	v26 =	vand.u32 $0x7, v26;
	v27 =	vor.u32 v14, v27;
	v28 =	vxor.u32 v15, v28  }
0xa8: {  	v26 =	vor.u32 v26, v28;
	_ =	sdelay $0x1  }
0xa9: {  	[tilespmem:s16+$0x20] =	vst v24  }
0xaa: {  	[tilespmem:s17+$0x20] =	vst v25  }
0xab: {  	v24 =	vld.idx.msk [tilespmem:v27+s13+$0x0], $0xffff  }
0xac: {  	v25 =	vadd.s32 s19, v22;
	v26 =	vld.idx.msk [tilespmem:v26+s13+$0x0], $0xffff  }
0xad: {  	v27 =	vand.u32 $0x3F, v25;
	v28 =	vand.u32 $0x38, v25  }
0xae: {  	v25 =	vand.u32 $0x7, v25;
	v27 =	vor.u32 v0, v27;
	v28 =	vxor.u32 v1, v28  }
.Ltmp0:
0xaf: {  	v25 =	vor.u32 v25, v28;
	(pc) =	sbr.rel @p1 .LBB2_3-.Ltmp0, $4  }
0xb0: {  	_ = 	snop  }
0xb1: {  	[tilespmem:s16+$0x30] =	vst v24  }
0xb2: {  	[tilespmem:s17+$0x30] =	vst v26  }
0xb3: {  	s19 =	sadd.s32 $0x1, s19;
	v24 =	vld.idx.msk [tilespmem:v27+s13+$0x0], $0xffff  }
0xb4: {  	_ =	sdelay $0x2  }
0xb5: {  	v22 =	vadd.s32 s18, v23  }
0xb6: {  	v50 =	vld.idx.msk [tilespmem:v25+s13+$0x0], $0xffff;
	v51 =	vand.u32 $0x3F, v22;
	v26 =	vand.u32 $0x38, v22  }
0xb7: {  	v22 =	vand.u32 $0x7, v22;
	v25 =	vor.u32 v2, v51;
	v26 =	vxor.u32 v3, v26  }
0xb8: {  	v22 =	vor.u32 v22, v26  }
0xb9: {  	s16 =	sadd.s32 $0x80, s16  }
0xba: {  	s17 =	sadd.s32 $0x80, s17;
	[tilespmem:s16+$0xFFFFFFC0] =	vst v24  }
0xbb: {  	[tilespmem:s17+$0xFFFFFFC0] =	vst v50  }
0xbc: {  	v21 =	vadd.s32 s18, v21;
	v23 =	vld.idx.msk [tilespmem:v25+s13+$0x0], $0xffff  }
0xbd: {  	v52 =	vand.u32 $0x3F, v21;
	v53 =	vand.u32 $0x38, v21;
	v22 =	vld.idx.msk [tilespmem:v22+s13+$0x0], $0xffff  }
0xbe: {  	v21 =	vand.u32 $0x7, v21;
	v24 =	vor.u32 v4, v52;
	v25 =	vxor.u32 v5, v53  }
0xbf: {  	v21 =	vor.u32 v21, v25;
	_ =	sdelay $0x1  }
0xc0: {  	[tilespmem:s16+$0xFFFFFFD0] =	vst v23  }
0xc1: {  	[tilespmem:s17+$0xFFFFFFD0] =	vst v22  }
0xc2: {  	v20 =	vadd.s32 s18, v20;
	v22 =	vld.idx.msk [tilespmem:v24+s13+$0x0], $0xffff  }
0xc3: {  	v54 =	vand.u32 $0x3F, v20;
	v55 =	vand.u32 $0x38, v20;
	v21 =	vld.idx.msk [tilespmem:v21+s13+$0x0], $0xffff  }
0xc4: {  	v20 =	vand.u32 $0x7, v20;
	v23 =	vor.u32 v6, v54;
	v24 =	vxor.u32 v7, v55  }
0xc5: {  	v20 =	vor.u32 v20, v24;
	_ =	sdelay $0x1  }
0xc6: {  	[tilespmem:s16+$0xFFFFFFE0] =	vst v22  }
0xc7: {  	[tilespmem:s17+$0xFFFFFFE0] =	vst v21  }
0xc8: {  	v19 =	vadd.s32 s18, v19;
	v21 =	vld.idx.msk [tilespmem:v23+s13+$0x0], $0xffff  }
0xc9: {  	v56 =	vand.u32 $0x3F, v19;
	v57 =	vand.u32 $0x38, v19;
	v20 =	vld.idx.msk [tilespmem:v20+s13+$0x0], $0xffff  }
0xca: {  	v19 =	vand.u32 $0x7, v19;
	v22 =	vor.u32 v8, v56;
	v23 =	vxor.u32 v9, v57  }
0xcb: {  	v19 =	vor.u32 v19, v23;
	_ =	sdelay $0x1  }
0xcc: {  	[tilespmem:s16+$0xFFFFFFF0] =	vst v21  }
0xcd: {  	[tilespmem:s17+$0xFFFFFFF0] =	vst v20  }
0xce: {  	v18 =	vadd.s32 s18, v18;
	v20 =	vld.idx.msk [tilespmem:v22+s13+$0x0], $0xffff  }
0xcf: {  	v58 =	vand.u32 $0x3F, v18;
	v59 =	vand.u32 $0x38, v18;
	v19 =	vld.idx.msk [tilespmem:v19+s13+$0x0], $0xffff  }
0xd0: {  	v18 =	vand.u32 $0x7, v18;
	v21 =	vor.u32 v10, v58;
	v22 =	vxor.u32 v11, v59  }
0xd1: {  	v18 =	vor.u32 v18, v22;
	_ =	sdelay $0x1  }
0xd2: {  	[tilespmem:s16+$0x0] =	vst v20  }
0xd3: {  	[tilespmem:s17+$0x0] =	vst v19  }
0xd4: {  	v17 =	vadd.s32 s18, v17;
	v19 =	vld.idx.msk [tilespmem:v21+s13+$0x0], $0xffff  }
0xd5: {  	v60 =	vand.u32 $0x3F, v17;
	v61 =	vand.u32 $0x38, v17;
	v18 =	vld.idx.msk [tilespmem:v18+s13+$0x0], $0xffff  }
0xd6: {  	v17 =	vand.u32 $0x7, v17;
	v20 =	vor.u32 v12, v60;
	v21 =	vxor.u32 v13, v61  }
0xd7: {  	v17 =	vor.u32 v17, v21;
	_ =	sdelay $0x1  }
0xd8: {  	[tilespmem:s16+$0x10] =	vst v19  }
0xd9: {  	[tilespmem:s17+$0x10] =	vst v18  }
0xda: {  	v16 =	vadd.s32 s18, v16;
	v18 =	vld.idx.msk [tilespmem:v20+s13+$0x0], $0xffff  }
0xdb: {  	v62 =	vand.u32 $0x3F, v16;
	v63 =	vand.u32 $0x38, v16;
	v17 =	vld.idx.msk [tilespmem:v17+s13+$0x0], $0xffff  }
0xdc: {  	v16 =	vand.u32 $0x7, v16;
	v19 =	vor.u32 v14, v62;
	v20 =	vxor.u32 v15, v63  }
0xdd: {  	v16 =	vor.u32 v16, v20;
	_ =	sdelay $0x1  }
0xde: {  	[tilespmem:s16+$0x20] =	vst v18  }
0xdf: {  	[tilespmem:s17+$0x20] =	vst v17  }
0xe0: {  	v17 =	vld.idx.msk [tilespmem:v19+s13+$0x0], $0xffff  }
0xe1: {  	v16 =	vld.idx.msk [tilespmem:v16+s13+$0x0], $0xffff  }
0xe2: {  	s18 =	sadd.s32 s6, s9  }
0xe3: {  	s19 =	sshll.u32 s18, $0x9;
	s18 =	sshll.u32 s18, $0x7  }
0xe4: {  	s19 =	sand.u32 $0xFFFC000, s19;
	s18 =	sand.u32 $0xF00, s18  }
0xe5: {  	[tilespmem:s16+$0x30] =	vst v17;
	s16 =	sor.u32 s18, s19  }
0xe6: {  	s19 =	simm.s32 $0x4100;
	[tilespmem:s17+$0x30] =	vst v16;
	s18 =	sadd.s32 s5, s16  }
0xe7: {  	[hbm4b:s18+s3] =	stream.linear.scatter [tilespmem:s19], [sflag:$0x2], $0x400, $0x38;
	[tilespmem:$0x8100] =	vst v63  }
0xe8: {  	s17 =	sor.u32 $0x1000, s16;
	s18 =	sadd.s32 s7, s16;
	s19 =	simm.s32 $0x5100  }
0xe9: {  	[hbm4b:s18+s3] =	stream.linear.scatter [tilespmem:s19], [sflag:$0x2], $0x400, $0x38;
	[tilespmem:$0x8100] =	vst v63  }
0xea: {  	s18 =	sadd.s32 s5, s17;
	s19 =	simm.s32 $0x4500  }
0xeb: {  	[hbm4b:s18+s3] =	stream.linear.scatter [tilespmem:s19], [sflag:$0x2], $0x400, $0x38;
	[tilespmem:$0x8100] =	vst v63  }
0xec: {  	s17 =	sadd.s32 s7, s17;
	s19 =	simm.s32 $0x5500  }
0xed: {  	[hbm4b:s17+s3] =	stream.linear.scatter [tilespmem:s19], [sflag:$0x2], $0x400, $0x38;
	[tilespmem:$0x8100] =	vst v63  }
0xee: {  	s17 =	sor.u32 $0x2000, s16  }
0xef: {  	s19 =	sadd.s32 s5, s17  }
0xf0: {  	[hbm4b:s19+s3] =	stream.linear.scatter [tilespmem:s20], [sflag:$0x2], $0x400, $0x38;
	[tilespmem:$0x8100] =	vst v63  }
0xf1: {  	p1 =	sne.s32 s10, $0x18;
	s17 =	sadd.s32 s7, s17  }
0xf2: {  	[hbm4b:s17+s3] =	stream.linear.scatter [tilespmem:s21], [sflag:$0x2], $0x400, $0x38;
	[tilespmem:$0x8100] =	vst v63  }
.Ltmp1:
0xf3: {  	s16 =	sor.u32 $0x3000, s16;
	(pc) =	sbr.rel @p1 .LBB2_6-.Ltmp1, $4  }
0xf4: {  	s19 =	sadd.s32 s5, s16  }
0xf5: {  	[hbm4b:s19+s3] =	stream.linear.scatter [tilespmem:s22], [sflag:$0x2], $0x400, $0x38;
	[tilespmem:$0x8100] =	vst v63  }
0xf6: {  	s16 =	sadd.s32 s7, s16  }
0xf7: {  	[hbm4b:s16+s3] =	stream.linear.scatter [tilespmem:s23], [sflag:$0x2], $0x400, $0x38;
	[tilespmem:$0x8100] =	vst v63  }
.Ltmp2:
0xf8: {  	(pc) =	sbr.rel .LBB2_7-.Ltmp2, $4  }
0xf9: {  	_ = 	snop  }
0xfa: {  	_ =	swait.ge [sflag:s15], $0x2000  }
0xfb: {  	[sflag:s15] =	ssyncset.done $0x0  }
0xfc: {  	[sflag:s15] =	ssyncadd.s32 $0xFFFFE000  }
.LBB2_6:
0xfd: {  	s16 =	rddreg [dreg:$0x4]  }
0xfe: {  	s9 =	sadd.s32 s9, s16  }
0xff: {  	s9 =	sshll.u32 s9, $0x4  }
0x100: {  	s9 =	sand.u32 $0xFFFFFE0, s9  }
0x101: {  	s9 =	sadd.s32 s2, s9  }
0x102: {  	[tilespmem:s3], [sflag:$0x3] =	stream.linear.gather [hbm4b:s9+s3], $0x80, $0x38;
	[tilespmem:$0x8100] =	vst v63  }
0x103: {  	_ =	swait.ge [sflag:s11], $0x80  }
0x104: {  	[sflag:s11] =	ssyncset.done $0x0  }
.Ltmp3:
0x105: {  	[sflag:s11] =	ssyncadd.s32 $0xFFFFFF80;
	(pc) =	sbr.rel @p0 .LBB2_8-.Ltmp3, $4  }
0x106: {  	[tilespmem:s13], [sflag:$0x1] =	stream.indirect.gather [hbm4b:s4+s12], $0x40, s3, s12, $0xb8;
	[tilespmem:$0x8100] =	vst v63  }
0x107: {  	_ =	swait.ge [sflag:s15], $0x2000  }
0x108: {  	[sflag:s15] =	ssyncset.done $0x0  }
0x109: {  	[sflag:s15] =	ssyncadd.s32 $0xFFFFE000  }
.LBB2_7:
0x10a: {  	_ =	swait.ge [sflag:s24], $0x400  }
0x10b: {  	[sflag:s24] =	ssyncset.done $0x0  }
0x10c: {  	[sflag:s24] =	ssyncadd.s32 $0xFFFFFC00  }
0x10d: {  	_ =	swait.ge [sflag:s24], $0x400  }
0x10e: {  	[sflag:s24] =	ssyncset.done $0x0  }
0x10f: {  	[sflag:s24] =	ssyncadd.s32 $0xFFFFFC00  }
0x110: {  	_ =	swait.ge [sflag:s24], $0x400  }
0x111: {  	[sflag:s24] =	ssyncset.done $0x0  }
0x112: {  	[sflag:s24] =	ssyncadd.s32 $0xFFFFFC00  }
0x113: {  	_ =	swait.ge [sflag:s24], $0x400  }
0x114: {  	[sflag:s24] =	ssyncset.done $0x0  }
0x115: {  	[sflag:s24] =	ssyncadd.s32 $0xFFFFFC00  }
0x116: {  	_ =	swait.ge [sflag:s24], $0x400  }
0x117: {  	[sflag:s24] =	ssyncset.done $0x0  }
0x118: {  	[sflag:s24] =	ssyncadd.s32 $0xFFFFFC00  }
0x119: {  	_ =	swait.ge [sflag:s24], $0x400  }
0x11a: {  	[sflag:s24] =	ssyncset.done $0x0  }
0x11b: {  	[sflag:s24] =	ssyncadd.s32 $0xFFFFFC00  }
0x11c: {  	_ =	swait.ge [sflag:s24], $0x400  }
0x11d: {  	[sflag:s24] =	ssyncset.done $0x0  }
0x11e: {  	[sflag:s24] =	ssyncadd.s32 $0xFFFFFC00  }
0x11f: {  	_ =	swait.ge [sflag:s24], $0x400  }
0x120: {  	[sflag:s24] =	ssyncset.done $0x0  }
0x121: {  	[sflag:s24] =	ssyncadd.s32 $0xFFFFFC00  }
.LBB2_8:
0x122: {  	v22 =	vld [tilespmem:$0x80];
	_ =	sdelay $0x3  }
0x123: {  	s17 =	simm.s32 $0x0  }
0x124: {  	v16 =	vadd.s32 s17, v22  }
0x125: {  	v17 =	vand.u32 $0x3F, v16;
	v18 =	vand.u32 $0x38, v16  }
0x126: {  	v23 =	vld [tilespmem:$0x90];
	v16 =	vand.u32 $0x7, v16;
	v17 =	vor.u32 v0, v17;
	v18 =	vxor.u32 v1, v18  }
0x127: {  	v16 =	vor.u32 v16, v18;
	_ =	sdelay $0x1  }
0x128: {  	v21 =	vld [tilespmem:$0xA0]  }
0x129: {  	v20 =	vld [tilespmem:$0xB0]  }
0x12a: {  	v24 =	vld.idx.msk [tilespmem:v17+s14+$0x0], $0xffff;
	v17 =	vadd.s32 s17, v23  }
0x12b: {  	v25 =	vld.idx.msk [tilespmem:v16+s14+$0x0], $0xffff;
	v16 =	vand.u32 $0x3F, v17;
	v26 =	vand.u32 $0x38, v17  }
0x12c: {  	v19 =	vld [tilespmem:$0xC0];
	v27 =	vor.u32 v2, v16;
	v16 =	vand.u32 $0x7, v17;
	v26 =	vxor.u32 v3, v26  }
0x12d: {  	v18 =	vld [tilespmem:$0xD0];
	v26 =	vor.u32 v16, v26  }
0x12e: {  	s9 =	simm.s32 $0x6140;
	v17 =	vld [tilespmem:$0xE0]  }
0x12f: {  	s16 =	simm.s32 $0x7140;
	v16 =	vld [tilespmem:$0xF0];
	[tilespmem:s9+$0xFFFFFFC0] =	vst v24  }
0x130: {  	[tilespmem:s16+$0xFFFFFFC0] =	vst v25  }
0x131: {  	v25 =	vadd.s32 s17, v21;
	v24 =	vld.idx.msk [tilespmem:v27+s14+$0x0], $0xffff  }
0x132: {  	v27 =	vand.u32 $0x3F, v25;
	v28 =	vand.u32 $0x38, v25;
	v26 =	vld.idx.msk [tilespmem:v26+s14+$0x0], $0xffff  }
0x133: {  	v25 =	vand.u32 $0x7, v25;
	v27 =	vor.u32 v4, v27;
	v28 =	vxor.u32 v5, v28  }
0x134: {  	v25 =	vor.u32 v25, v28;
	_ =	sdelay $0x1  }
0x135: {  	[tilespmem:s9+$0xFFFFFFD0] =	vst v24  }
0x136: {  	[tilespmem:s16+$0xFFFFFFD0] =	vst v26  }
0x137: {  	v26 =	vadd.s32 s17, v20;
	v24 =	vld.idx.msk [tilespmem:v27+s14+$0x0], $0xffff  }
0x138: {  	v25 =	vld.idx.msk [tilespmem:v25+s14+$0x0], $0xffff;
	v27 =	vand.u32 $0x3F, v26;
	v58 =	vand.u32 $0x38, v26  }
0x139: {  	v26 =	vand.u32 $0x7, v26;
	v27 =	vor.u32 v6, v27;
	v28 =	vxor.u32 v7, v58  }
0x13a: {  	v26 =	vor.u32 v26, v28;
	_ =	sdelay $0x1  }
0x13b: {  	[tilespmem:s9+$0xFFFFFFE0] =	vst v24  }
0x13c: {  	[tilespmem:s16+$0xFFFFFFE0] =	vst v25  }
0x13d: {  	v25 =	vadd.s32 s17, v19;
	v24 =	vld.idx.msk [tilespmem:v27+s14+$0x0], $0xffff  }
0x13e: {  	v26 =	vld.idx.msk [tilespmem:v26+s14+$0x0], $0xffff;
	v27 =	vand.u32 $0x3F, v25;
	v59 =	vand.u32 $0x38, v25  }
0x13f: {  	v25 =	vand.u32 $0x7, v25;
	v27 =	vor.u32 v8, v27;
	v28 =	vxor.u32 v9, v59  }
0x140: {  	v25 =	vor.u32 v25, v28;
	_ =	sdelay $0x1  }
0x141: {  	[tilespmem:s9+$0xFFFFFFF0] =	vst v24  }
0x142: {  	[tilespmem:s16+$0xFFFFFFF0] =	vst v26  }
0x143: {  	v26 =	vadd.s32 s17, v18;
	v24 =	vld.idx.msk [tilespmem:v27+s14+$0x0], $0xffff  }
0x144: {  	v25 =	vld.idx.msk [tilespmem:v25+s14+$0x0], $0xffff;
	v27 =	vand.u32 $0x3F, v26;
	v60 =	vand.u32 $0x38, v26  }
0x145: {  	v26 =	vand.u32 $0x7, v26;
	v27 =	vor.u32 v10, v27;
	v28 =	vxor.u32 v11, v60  }
0x146: {  	v26 =	vor.u32 v26, v28;
	_ =	sdelay $0x1  }
0x147: {  	[tilespmem:s9+$0x0] =	vst v24  }
0x148: {  	[tilespmem:s16+$0x0] =	vst v25  }
0x149: {  	v25 =	vadd.s32 s17, v17;
	v24 =	vld.idx.msk [tilespmem:v27+s14+$0x0], $0xffff  }
0x14a: {  	v26 =	vld.idx.msk [tilespmem:v26+s14+$0x0], $0xffff;
	v27 =	vand.u32 $0x3F, v25;
	v61 =	vand.u32 $0x38, v25  }
0x14b: {  	v25 =	vand.u32 $0x7, v25;
	v27 =	vor.u32 v12, v27;
	v28 =	vxor.u32 v13, v61  }
0x14c: {  	v25 =	vor.u32 v25, v28;
	_ =	sdelay $0x1  }
0x14d: {  	[tilespmem:s9+$0x10] =	vst v24  }
0x14e: {  	[tilespmem:s16+$0x10] =	vst v26  }
0x14f: {  	v26 =	vadd.s32 s17, v16;
	v24 =	vld.idx.msk [tilespmem:v27+s14+$0x0], $0xffff  }
0x150: {  	v25 =	vld.idx.msk [tilespmem:v25+s14+$0x0], $0xffff;
	v27 =	vand.u32 $0x3F, v26  }
0x151: {  	v27 =	vor.u32 v14, v27;
	_ =	sdelay $0x1  }
0x152: {  	v62 =	vand.u32 $0x38, v26  }
0x153: {  	v26 =	vand.u32 $0x7, v26;
	v28 =	vxor.u32 v15, v62;
	[tilespmem:s9+$0x20] =	vst v24  }
0x154: {  	v26 =	vor.u32 v26, v28;
	[tilespmem:s16+$0x20] =	vst v25  }
0x155: {  	v24 =	vld.idx.msk [tilespmem:v27+s14+$0x0], $0xffff;
	_ =	sdelay $0x1  }
0x156: {  	s17 =	simm.s32 $0x1  }
0x157: {  	v25 =	vadd.s32 s17, v22  }
0x158: {  	v26 =	vld.idx.msk [tilespmem:v26+s14+$0x0], $0xffff;
	v27 =	vand.u32 $0x3F, v25;
	v63 =	vand.u32 $0x38, v25  }
0x159: {  	v27 =	vor.u32 v0, v27;
	[tilespmem:s9+$0x30] =	vst v24;
	v24 =	vand.u32 $0x7, v25;
	v25 =	vxor.u32 v1, v63  }
0x15a: {  	v25 =	vor.u32 v24, v25;
	_ =	sdelay $0x2  }
0x15b: {  	[tilespmem:s16+$0x30] =	vst v26  }
0x15c: {  	s18 =	simm.s32 $0x2;
	v24 =	vld.idx.msk [tilespmem:v27+s14+$0x0], $0xffff  }
.LBB2_9:
0x15d: {  	p0 =	sne.s32 s18, $0x1F;
	v25 =	vld.idx.msk [tilespmem:v25+s14+$0x0], $0xffff;
	v26 =	vadd.s32 s17, v23  }
0x15e: {  	v27 =	vand.u32 $0x3F, v26;
	v28 =	vand.u32 $0x38, v26  }
0x15f: {  	v26 =	vand.u32 $0x7, v26;
	v27 =	vor.u32 v2, v27;
	v28 =	vxor.u32 v3, v28  }
0x160: {  	v26 =	vor.u32 v26, v28  }
0x161: {  	s9 =	sadd.s32 $0x80, s9  }
0x162: {  	s16 =	sadd.s32 $0x80, s16;
	[tilespmem:s9+$0xFFFFFFC0] =	vst v24  }
0x163: {  	[tilespmem:s16+$0xFFFFFFC0] =	vst v25  }
0x164: {  	v24 =	vld.idx.msk [tilespmem:v27+s14+$0x0], $0xffff  }
0x165: {  	v25 =	vld.idx.msk [tilespmem:v26+s14+$0x0], $0xffff;
	v26 =	vadd.s32 s17, v21  }
0x166: {  	v27 =	vand.u32 $0x3F, v26;
	v28 =	vand.u32 $0x38, v26  }
0x167: {  	v26 =	vand.u32 $0x7, v26;
	v27 =	vor.u32 v4, v27;
	v28 =	vxor.u32 v5, v28  }
0x168: {  	v26 =	vor.u32 v26, v28;
	_ =	sdelay $0x1  }
0x169: {  	[tilespmem:s9+$0xFFFFFFD0] =	vst v24  }
0x16a: {  	[tilespmem:s16+$0xFFFFFFD0] =	vst v25  }
0x16b: {  	v24 =	vld.idx.msk [tilespmem:v27+s14+$0x0], $0xffff  }
0x16c: {  	v25 =	vld.idx.msk [tilespmem:v26+s14+$0x0], $0xffff;
	v26 =	vadd.s32 s17, v20  }
0x16d: {  	v27 =	vand.u32 $0x3F, v26;
	v28 =	vand.u32 $0x38, v26  }
0x16e: {  	v26 =	vand.u32 $0x7, v26;
	v27 =	vor.u32 v6, v27;
	v28 =	vxor.u32 v7, v28  }
0x16f: {  	v26 =	vor.u32 v26, v28;
	_ =	sdelay $0x1  }
0x170: {  	[tilespmem:s9+$0xFFFFFFE0] =	vst v24  }
0x171: {  	[tilespmem:s16+$0xFFFFFFE0] =	vst v25  }
0x172: {  	v24 =	vld.idx.msk [tilespmem:v27+s14+$0x0], $0xffff  }
0x173: {  	v25 =	vld.idx.msk [tilespmem:v26+s14+$0x0], $0xffff;
	v26 =	vadd.s32 s17, v19  }
0x174: {  	v27 =	vand.u32 $0x3F, v26;
	v28 =	vand.u32 $0x38, v26  }
0x175: {  	v26 =	vand.u32 $0x7, v26;
	v27 =	vor.u32 v8, v27;
	v28 =	vxor.u32 v9, v28  }
0x176: {  	v26 =	vor.u32 v26, v28;
	_ =	sdelay $0x1  }
0x177: {  	[tilespmem:s9+$0xFFFFFFF0] =	vst v24  }
0x178: {  	[tilespmem:s16+$0xFFFFFFF0] =	vst v25  }
0x179: {  	v24 =	vld.idx.msk [tilespmem:v27+s14+$0x0], $0xffff  }
0x17a: {  	v25 =	vld.idx.msk [tilespmem:v26+s14+$0x0], $0xffff;
	v26 =	vadd.s32 s17, v18  }
0x17b: {  	v27 =	vand.u32 $0x3F, v26;
	v28 =	vand.u32 $0x38, v26  }
0x17c: {  	v26 =	vand.u32 $0x7, v26;
	v27 =	vor.u32 v10, v27;
	v28 =	vxor.u32 v11, v28  }
0x17d: {  	v26 =	vor.u32 v26, v28;
	_ =	sdelay $0x1  }
0x17e: {  	[tilespmem:s9+$0x0] =	vst v24  }
0x17f: {  	[tilespmem:s16+$0x0] =	vst v25  }
0x180: {  	v24 =	vld.idx.msk [tilespmem:v27+s14+$0x0], $0xffff  }
0x181: {  	v25 =	vld.idx.msk [tilespmem:v26+s14+$0x0], $0xffff;
	v26 =	vadd.s32 s17, v17  }
0x182: {  	v27 =	vand.u32 $0x3F, v26;
	v28 =	vand.u32 $0x38, v26  }
0x183: {  	v26 =	vand.u32 $0x7, v26;
	v27 =	vor.u32 v12, v27;
	v28 =	vxor.u32 v13, v28  }
0x184: {  	v26 =	vor.u32 v26, v28;
	_ =	sdelay $0x1  }
0x185: {  	[tilespmem:s9+$0x10] =	vst v24  }
0x186: {  	[tilespmem:s16+$0x10] =	vst v25  }
0x187: {  	v24 =	vld.idx.msk [tilespmem:v27+s14+$0x0], $0xffff  }
0x188: {  	v25 =	vld.idx.msk [tilespmem:v26+s14+$0x0], $0xffff;
	v26 =	vadd.s32 s17, v16;
	s17 =	smov.u32 s18  }
0x189: {  	v27 =	vand.u32 $0x3F, v26;
	v28 =	vand.u32 $0x38, v26  }
0x18a: {  	v26 =	vand.u32 $0x7, v26;
	v27 =	vor.u32 v14, v27;
	v28 =	vxor.u32 v15, v28  }
0x18b: {  	v26 =	vor.u32 v26, v28;
	_ =	sdelay $0x1  }
0x18c: {  	[tilespmem:s9+$0x20] =	vst v24  }
0x18d: {  	[tilespmem:s16+$0x20] =	vst v25  }
0x18e: {  	v24 =	vld.idx.msk [tilespmem:v27+s14+$0x0], $0xffff  }
0x18f: {  	v25 =	vadd.s32 s18, v22;
	v26 =	vld.idx.msk [tilespmem:v26+s14+$0x0], $0xffff  }
0x190: {  	v27 =	vand.u32 $0x3F, v25;
	v28 =	vand.u32 $0x38, v25  }
0x191: {  	v25 =	vand.u32 $0x7, v25;
	v27 =	vor.u32 v0, v27;
	v28 =	vxor.u32 v1, v28  }
.Ltmp4:
0x192: {  	v25 =	vor.u32 v25, v28;
	(pc) =	sbr.rel @p0 .LBB2_9-.Ltmp4, $4  }
0x193: {  	_ = 	snop  }
0x194: {  	[tilespmem:s9+$0x30] =	vst v24  }
0x195: {  	[tilespmem:s16+$0x30] =	vst v26  }
0x196: {  	s18 =	sadd.s32 $0x1, s18;
	v24 =	vld.idx.msk [tilespmem:v27+s14+$0x0], $0xffff  }
0x197: {  	_ =	sdelay $0x2  }
0x198: {  	v22 =	vadd.s32 s17, v23  }
0x199: {  	v50 =	vld.idx.msk [tilespmem:v25+s14+$0x0], $0xffff;
	v51 =	vand.u32 $0x3F, v22;
	v26 =	vand.u32 $0x38, v22  }
0x19a: {  	v22 =	vand.u32 $0x7, v22;
	v25 =	vor.u32 v2, v51;
	v26 =	vxor.u32 v3, v26  }
0x19b: {  	v22 =	vor.u32 v22, v26  }
0x19c: {  	s9 =	sadd.s32 $0x80, s9  }
0x19d: {  	s16 =	sadd.s32 $0x80, s16;
	[tilespmem:s9+$0xFFFFFFC0] =	vst v24  }
0x19e: {  	[tilespmem:s16+$0xFFFFFFC0] =	vst v50  }
0x19f: {  	v21 =	vadd.s32 s17, v21;
	v23 =	vld.idx.msk [tilespmem:v25+s14+$0x0], $0xffff  }
0x1a0: {  	v52 =	vand.u32 $0x3F, v21;
	v53 =	vand.u32 $0x38, v21;
	v22 =	vld.idx.msk [tilespmem:v22+s14+$0x0], $0xffff  }
0x1a1: {  	v21 =	vand.u32 $0x7, v21;
	v24 =	vor.u32 v4, v52;
	v25 =	vxor.u32 v5, v53  }
0x1a2: {  	v21 =	vor.u32 v21, v25;
	_ =	sdelay $0x1  }
0x1a3: {  	[tilespmem:s9+$0xFFFFFFD0] =	vst v23  }
0x1a4: {  	[tilespmem:s16+$0xFFFFFFD0] =	vst v22  }
0x1a5: {  	v20 =	vadd.s32 s17, v20;
	v22 =	vld.idx.msk [tilespmem:v24+s14+$0x0], $0xffff  }
0x1a6: {  	v54 =	vand.u32 $0x3F, v20;
	v55 =	vand.u32 $0x38, v20;
	v21 =	vld.idx.msk [tilespmem:v21+s14+$0x0], $0xffff  }
0x1a7: {  	v20 =	vand.u32 $0x7, v20;
	v23 =	vor.u32 v6, v54;
	v24 =	vxor.u32 v7, v55  }
0x1a8: {  	v20 =	vor.u32 v20, v24;
	_ =	sdelay $0x1  }
0x1a9: {  	[tilespmem:s9+$0xFFFFFFE0] =	vst v22  }
0x1aa: {  	[tilespmem:s16+$0xFFFFFFE0] =	vst v21  }
0x1ab: {  	v19 =	vadd.s32 s17, v19;
	v21 =	vld.idx.msk [tilespmem:v23+s14+$0x0], $0xffff  }
0x1ac: {  	v56 =	vand.u32 $0x3F, v19;
	v57 =	vand.u32 $0x38, v19;
	v20 =	vld.idx.msk [tilespmem:v20+s14+$0x0], $0xffff  }
0x1ad: {  	v19 =	vand.u32 $0x7, v19;
	v22 =	vor.u32 v8, v56;
	v23 =	vxor.u32 v9, v57  }
0x1ae: {  	v19 =	vor.u32 v19, v23;
	_ =	sdelay $0x1  }
0x1af: {  	[tilespmem:s9+$0xFFFFFFF0] =	vst v21  }
0x1b0: {  	[tilespmem:s16+$0xFFFFFFF0] =	vst v20  }
0x1b1: {  	v18 =	vadd.s32 s17, v18;
	v20 =	vld.idx.msk [tilespmem:v22+s14+$0x0], $0xffff  }
0x1b2: {  	v58 =	vand.u32 $0x3F, v18;
	v59 =	vand.u32 $0x38, v18;
	v19 =	vld.idx.msk [tilespmem:v19+s14+$0x0], $0xffff  }
0x1b3: {  	v18 =	vand.u32 $0x7, v18;
	v21 =	vor.u32 v10, v58;
	v22 =	vxor.u32 v11, v59  }
0x1b4: {  	v18 =	vor.u32 v18, v22;
	_ =	sdelay $0x1  }
0x1b5: {  	[tilespmem:s9+$0x0] =	vst v20  }
0x1b6: {  	[tilespmem:s16+$0x0] =	vst v19  }
0x1b7: {  	v17 =	vadd.s32 s17, v17;
	v19 =	vld.idx.msk [tilespmem:v21+s14+$0x0], $0xffff  }
0x1b8: {  	v60 =	vand.u32 $0x3F, v17;
	v61 =	vand.u32 $0x38, v17;
	v18 =	vld.idx.msk [tilespmem:v18+s14+$0x0], $0xffff  }
0x1b9: {  	v17 =	vand.u32 $0x7, v17;
	v20 =	vor.u32 v12, v60;
	v21 =	vxor.u32 v13, v61  }
0x1ba: {  	v17 =	vor.u32 v17, v21;
	_ =	sdelay $0x1  }
0x1bb: {  	[tilespmem:s9+$0x10] =	vst v19  }
0x1bc: {  	[tilespmem:s16+$0x10] =	vst v18  }
0x1bd: {  	v16 =	vadd.s32 s17, v16;
	v18 =	vld.idx.msk [tilespmem:v20+s14+$0x0], $0xffff  }
0x1be: {  	v62 =	vand.u32 $0x3F, v16;
	v63 =	vand.u32 $0x38, v16;
	v17 =	vld.idx.msk [tilespmem:v17+s14+$0x0], $0xffff  }
0x1bf: {  	v16 =	vand.u32 $0x7, v16;
	v19 =	vor.u32 v14, v62;
	v20 =	vxor.u32 v15, v63  }
0x1c0: {  	v16 =	vor.u32 v16, v20;
	_ =	sdelay $0x1  }
0x1c1: {  	[tilespmem:s9+$0x20] =	vst v18  }
0x1c2: {  	[tilespmem:s16+$0x20] =	vst v17  }
0x1c3: {  	v17 =	vld.idx.msk [tilespmem:v19+s14+$0x0], $0xffff  }
0x1c4: {  	v16 =	vld.idx.msk [tilespmem:v16+s14+$0x0], $0xffff;
	_ =	sdelay $0x1  }
0x1c5: {  	s18 =	sshll.u32 s8, $0x9;
	s19 =	sshll.u32 s8, $0x7  }
0x1c6: {  	s17 =	sand.u32 $0xFFFC000, s18;
	s8 =	sand.u32 $0xF80, s19  }
0x1c7: {  	s8 =	sor.u32 s8, s17;
	[tilespmem:s9+$0x30] =	vst v17  }
0x1c8: {  	[tilespmem:s16+$0x30] =	vst v16;
	s16 =	sadd.s32 s5, s8  }
0x1c9: {  	[hbm4b:s16+s3] =	stream.linear.scatter [tilespmem:s25], [sflag:$0x2], $0x400, $0x38;
	[tilespmem:$0x8100] =	vst v63  }
0x1ca: {  	s17 =	sadd.s32 s7, s8;
	s18 =	sor.u32 $0x1000, s8  }
0x1cb: {  	[hbm4b:s17+s3] =	stream.linear.scatter [tilespmem:s26], [sflag:$0x2], $0x400, $0x38;
	[tilespmem:$0x8100] =	vst v63  }
0x1cc: {  	s19 =	sadd.s32 s5, s18  }
0x1cd: {  	[hbm4b:s19+s3] =	stream.linear.scatter [tilespmem:s28], [sflag:$0x2], $0x400, $0x38;
	[tilespmem:$0x8100] =	vst v63  }
0x1ce: {  	s9 =	sadd.s32 s7, s18;
	s17 =	sor.u32 $0x2000, s8  }
0x1cf: {  	[hbm4b:s9+s3] =	stream.linear.scatter [tilespmem:s29], [sflag:$0x2], $0x400, $0x38;
	[tilespmem:$0x8100] =	vst v63  }
0x1d0: {  	s10 =	sadd.s32 $0x1, s10;
	s18 =	sadd.s32 s5, s17  }
0x1d1: {  	[hbm4b:s18+s3] =	stream.linear.scatter [tilespmem:s30], [sflag:$0x2], $0x400, $0x38;
	[tilespmem:$0x8100] =	vst v63  }
0x1d2: {  	p0 =	sne.s32 s10, $0x19;
	s9 =	sadd.s32 s7, s17  }
0x1d3: {  	[hbm4b:s9+s3] =	stream.linear.scatter [tilespmem:s31], [sflag:$0x2], $0x400, $0x38;
	[tilespmem:$0x8100] =	vst v63  }
.Ltmp5:
0x1d4: {  	s8 =	sor.u32 $0x3000, s8;
	(pc) =	sbr.rel @p0 .LBB2_2-.Ltmp5, $4  }
0x1d5: {  	s19 =	sadd.s32 s5, s8  }
0x1d6: {  	[hbm4b:s19+s3] =	stream.linear.scatter [tilespmem:s1], [sflag:$0x2], $0x400, $0x38;
	[tilespmem:$0x8100] =	vst v63  }
0x1d7: {  	s8 =	sadd.s32 s7, s8  }
0x1d8: {  	[hbm4b:s8+s3] =	stream.linear.scatter [tilespmem:s0], [sflag:$0x2], $0x400, $0x38;
	[tilespmem:$0x8100] =	vst v63  }
0x1d9: {  	_ =	swait.ge [sflag:s24], $0x400  }
0x1da: {  	[sflag:s24] =	ssyncset.done $0x0  }
0x1db: {  	[sflag:s24] =	ssyncadd.s32 $0xFFFFFC00  }
0x1dc: {  	_ =	swait.ge [sflag:s24], $0x400  }
0x1dd: {  	[sflag:s24] =	ssyncset.done $0x0  }
0x1de: {  	[sflag:s24] =	ssyncadd.s32 $0xFFFFFC00  }
0x1df: {  	_ =	swait.ge [sflag:s24], $0x400  }
0x1e0: {  	[sflag:s24] =	ssyncset.done $0x0  }
0x1e1: {  	[sflag:s24] =	ssyncadd.s32 $0xFFFFFC00  }
0x1e2: {  	_ =	swait.ge [sflag:s24], $0x400  }
0x1e3: {  	[sflag:s24] =	ssyncset.done $0x0  }
0x1e4: {  	[sflag:s24] =	ssyncadd.s32 $0xFFFFFC00  }
0x1e5: {  	_ =	swait.ge [sflag:s24], $0x400  }
0x1e6: {  	[sflag:s24] =	ssyncset.done $0x0  }
0x1e7: {  	[sflag:s24] =	ssyncadd.s32 $0xFFFFFC00  }
0x1e8: {  	_ =	swait.ge [sflag:s24], $0x400  }
0x1e9: {  	[sflag:s24] =	ssyncset.done $0x0  }
0x1ea: {  	[sflag:s24] =	ssyncadd.s32 $0xFFFFFC00  }
0x1eb: {  	_ =	swait.ge [sflag:s24], $0x400  }
0x1ec: {  	[sflag:s24] =	ssyncset.done $0x0  }
0x1ed: {  	[sflag:s24] =	ssyncadd.s32 $0xFFFFFC00  }
0x1ee: {  	_ =	swait.ge [sflag:s24], $0x400  }
0x1ef: {  	[sflag:s24] =	ssyncset.done $0x0  }
0x1f0: {  	[sflag:s24] =	ssyncadd.s32 $0xFFFFFC00  }
0x1f1: {  	_ =	swait.ge [sflag:s24], $0x400  }
0x1f2: {  	[sflag:s24] =	ssyncset.done $0x0  }
0x1f3: {  	[sflag:s24] =	ssyncadd.s32 $0xFFFFFC00  }
0x1f4: {  	_ =	swait.ge [sflag:s24], $0x400  }
0x1f5: {  	[sflag:s24] =	ssyncset.done $0x0  }
0x1f6: {  	[sflag:s24] =	ssyncadd.s32 $0xFFFFFC00  }
0x1f7: {  	_ =	swait.ge [sflag:s24], $0x400  }
0x1f8: {  	[sflag:s24] =	ssyncset.done $0x0  }
0x1f9: {  	[sflag:s24] =	ssyncadd.s32 $0xFFFFFC00  }
0x1fa: {  	_ =	swait.ge [sflag:s24], $0x400  }
0x1fb: {  	[sflag:s24] =	ssyncset.done $0x0  }
0x1fc: {  	[sflag:s24] =	ssyncadd.s32 $0xFFFFFC00  }
0x1fd: {  	_ =	swait.ge [sflag:s24], $0x400  }
0x1fe: {  	[sflag:s24] =	ssyncset.done $0x0  }
0x1ff: {  	[sflag:s24] =	ssyncadd.s32 $0xFFFFFC00  }
0x200: {  	_ =	swait.ge [sflag:s24], $0x400  }
0x201: {  	[sflag:s24] =	ssyncset.done $0x0  }
0x202: {  	[sflag:s24] =	ssyncadd.s32 $0xFFFFFC00  }
0x203: {  	_ =	swait.ge [sflag:s24], $0x400  }
0x204: {  	[sflag:s24] =	ssyncset.done $0x0  }
0x205: {  	[sflag:s24] =	ssyncadd.s32 $0xFFFFFC00  }
0x206: {  	_ =	swait.ge [sflag:s24], $0x400  }
0x207: {  	s9 =	rddreg [dreg:$0x6]  }
0x208: {  	s8 =	rddreg [dreg:$0x5];
	s9 =	sadd.s32 $0x1, s9  }
0x209: {  	p0 =	sne.s32 s9, s8  }
.Ltmp6:
0x20a: {  	_ = 	snop;
	(pc) =	sbr.rel @p0 .LBB2_1-.Ltmp6, $3  }
0x20b: {  	_ =	sdelay $0x1  }
0x20c: {  	[sflag:s24] =	ssyncset.done $0x0  }
0x20d: {  	[sflag:s24] =	ssyncadd.s32 $0xFFFFFC00  }
0x20e: {  	_ =	sfence.sel $0x180000  }
0x20f: {  	[bflag:$0x0] =	sbarrier.arrive $0xFFFF  }
0x210: {  	_ =	strace $0x9000004A  }
0x211: {  	s0 =	stileid.u32;
	[bflag:$0x2] =	sbarrier.arrive $0xFFFF  }
0x212: {  	p0 =	sne.s32 s0, $0x0;
	s0 =	rddreg [dreg:$0x2]  }
0x213: {  	s0 =	sadd.s32 @!p0 $0x100000, s0  }
0x214: {  	[sflag:s0] =	ssyncadd.tile.s32 @!p0 $0x1;
	_ =	shalt  }
.Lfunc_end2:
_tile_overlayer_lowered:
.L_overlay_start_2:
0x215: {  	(tag) =	ssettag $0x2  }
0x216: {  	s0 =	rddreg [dreg:$0x0];
	s2 =	stileid.u32  }
0x217: {  	s1 =	rddreg [dreg:$0x1];
	p0 =	sne.s32 s2, $0x0  }
0x218: {  	s3 =	rddreg [dreg:$0x2];
	[bflag:$0x3] =	sbarrier.arrive $0xFFFF;
	s2 =	simm.s32 @!p0 $0x1C03  }
0x219: {  	[timem:s3], [sflag:s2] =	dma.local @!p0 [hbm:s0], s1  }
0x21a: {  	s0 =	simm.s32 @!p0 $0x3  }
0x21b: {  	_ =	swait.ge @!p0 [sflag:s0], s1  }
0x21c: {  	s1 =	ssub.s32 @!p0 $0x0, s1;
	[sflag:s0] =	ssyncset.done @!p0 $0x0  }
0x21d: {  	[sflag:s0] =	ssyncadd.s32 @!p0 s1  }
0x21e: {  	[bflag:$0x3] =	sbarrier.arrive $0xFFFF  }
0x21f: {  	_ =	shalt  }

</sc_bundles>
